<compile_context>
chip_gen: v7x
topology: tpu7x:2x2x1
jax: 0.10.2.dev20260603
libtpu: 0.0.44.dev20260713+nightly
codegen_flags: <defaults>
</compile_context>

<pallas_src>
import functools

import jax
import jax.numpy as jnp
from jax import lax
from jax.experimental import pallas as pl
from jax.experimental.pallas import tpu as pltpu
from jax.experimental.pallas import tpu_sc as plsc

N = 10000
NPAD = 10240
E = 320000
CHUNK = 128
NTILES = 32
NCH = 80
EPT = NCH * CHUNK
EPAD = EPT * NTILES
NROWS = EPAD // CHUNK
D_IN = 128
D_HID = 128
D_OUT = 16
BLK = 2048
DEG_GRP = 8


def _sc_mesh():
    return plsc.VectorSubcoreMesh(core_axis_name="c", subcore_axis_name="s")


_SC_PARAMS = pltpu.CompilerParams(use_tc_tiling_on_sc=False)



@functools.partial(
    pl.kernel,
    out_type=jax.ShapeDtypeStruct((2, NPAD, 1), jnp.float32),
    mesh=_sc_mesh(),
    scratch_types=[
        pltpu.VMEM((NCH, CHUNK), jnp.int32),
        pltpu.VMEM((CHUNK, 1), jnp.float32),
        pltpu.VMEM_SHARED((NPAD, 1), jnp.float32),
        pltpu.SemaphoreType.DMA,
    ],
    compiler_params=_SC_PARAMS,
)
def _deg_pass(dst_hbm, ones_hbm, degp_hbm, didx, ones_v, acc, ssem):
    c = lax.axis_index("c")
    s = lax.axis_index("s")
    wid = c * 16 + s
    rpt = NPAD // 16
    pltpu.sync_copy(ones_hbm.at[pl.ds(s * rpt, rpt)], acc.at[pl.ds(s * rpt, rpt)])
    pltpu.sync_copy(ones_hbm.at[pl.ds(0, CHUNK)], ones_v)
    pltpu.sync_copy(dst_hbm.at[pl.ds(wid * NCH, NCH)], didx)
    plsc.subcore_barrier()

    def body(i, carry):
        descs = []
        for b in range(DEG_GRP):
            j = i * DEG_GRP + b
            descs.append(pltpu.async_copy(ones_v, acc.at[didx.at[j]], ssem, add=True))
        for d in descs:
            d.wait()
        return carry

    lax.fori_loop(0, NCH // DEG_GRP, body, 0)
    plsc.subcore_barrier()
    pltpu.sync_copy(acc.at[pl.ds(s * rpt, rpt)], degp_hbm.at[c, pl.ds(s * rpt, rpt)])


IDXR = 4
NBUF = 4
UNROLL = 4
CH0 = 80
CH1 = 80


def _make_agg(halves, W):
    @functools.partial(
        pl.kernel,
        out_type=jax.ShapeDtypeStruct((2, halves, NPAD, W), jnp.float32),
        mesh=_sc_mesh(),
        scratch_types=[
            [pltpu.VMEM((2, CHUNK), jnp.int32)] * IDXR,
            [pltpu.VMEM((CHUNK, W), jnp.float32)] * NBUF,
            pltpu.VMEM_SHARED((NPAD, W), jnp.float32),
            pltpu.VMEM_SHARED((NPAD, W), jnp.float32),
            [pltpu.SemaphoreType.DMA] * IDXR,
            [pltpu.SemaphoreType.DMA] * NBUF,
        ],
        compiler_params=_SC_PARAMS,
    )
    def agg(hs_hbm, idx_hbm, out_hbm, idxr, bufs, rep, acc, isems, gsems):
        c = lax.axis_index("c")
        s = lax.axis_index("s")
        rpt = NPAD // 16
        sl = pl.ds(s * rpt, rpt)
        nch = jnp.where(c == 0, CH0, CH1)
        row0 = jnp.where(c == 0, s * CH0, 16 * CH0 + s * CH1)

        for h in range(halves):
            pltpu.sync_copy(hs_hbm.at[h, sl], rep.at[sl])
            pltpu.sync_copy(hs_hbm.at[h, sl], acc.at[sl])
            for u in range(IDXR):
                pltpu.async_copy(idx_hbm.at[row0 + u], idxr[u], isems[u])
            plsc.subcore_barrier()
            for u in range(NBUF - 1):
                pltpu.make_async_copy(idx_hbm.at[row0], idxr[u], isems[u]).wait()
                pltpu.async_copy(rep.at[idxr[u].at[0]], bufs[u], gsems[u])

            def body(i, carry):
                for u in range(UNROLL):
                    j = i * UNROLL + u
                    ug = (u + 3) % NBUF
                    pltpu.make_async_copy(idx_hbm.at[row0], idxr[ug],
                                          isems[ug]).wait()
                    pltpu.async_copy(rep.at[idxr[ug].at[0]], bufs[ug], gsems[ug])
                    pltpu.make_async_copy(rep.at[idxr[u].at[0]], bufs[u],
                                          gsems[u]).wait()
                    pltpu.sync_copy(bufs[u], acc.at[idxr[u].at[1]], add=True)
                    nxi = jnp.minimum(j + IDXR, nch - 1)
                    pltpu.async_copy(idx_hbm.at[row0 + nxi], idxr[u], isems[u])
                return carry

            lax.fori_loop(0, jnp.where(c == 0, CH0 // UNROLL, CH1 // UNROLL),
                          body, 0)
            pltpu.make_async_copy(idx_hbm.at[row0], idxr[3], isems[3]).wait()
            for u in range(NBUF - 1):
                pltpu.make_async_copy(rep.at[idxr[u].at[0]], bufs[u],
                                      gsems[u]).wait()
            plsc.subcore_barrier()
            pltpu.sync_copy(acc.at[sl], out_hbm.at[c, h, sl])

    return agg


_agg128 = _make_agg(2, D_HID // 2)
_agg16 = _make_agg(1, D_OUT)



def _front_body(x_ref, w_ref, degp_ref, dis_ref, hs_ref):
    deg = degp_ref[0] + degp_ref[1] - 1.0
    dis = lax.rsqrt(deg)
    dis_ref[...] = dis
    hs = jnp.dot(x_ref[...], w_ref[...], preferred_element_type=jnp.float32) * dis
    hs_ref[0] = hs[:, :64]
    hs_ref[1] = hs[:, 64:]


def _mid_body(p_ref, hs_ref, dis_ref, b1_ref, w2_ref, o_ref):
    dis = dis_ref[...]
    agg_l = (p_ref[0, 0] + p_ref[1, 0] - hs_ref[0]) * dis + b1_ref[:, :64]
    agg_r = (p_ref[0, 1] + p_ref[1, 1] - hs_ref[1]) * dis + b1_ref[:, 64:]
    z_l = jnp.maximum(agg_l, 0.0)
    z_r = jnp.maximum(agg_r, 0.0)
    o_ref[...] = (jnp.dot(z_l, w2_ref[:64], preferred_element_type=jnp.float32)
                  + jnp.dot(z_r, w2_ref[64:], preferred_element_type=jnp.float32)) * dis


def _final_body(p_ref, hs_ref, dis_ref, b2_ref, o_ref):
    agg = (p_ref[0, 0] + p_ref[1, 0] - hs_ref[...]) * dis_ref[...] + b2_ref[...]
    o_ref[...] = jax.nn.sigmoid(agg)


def _row_spec(d):
    return pl.BlockSpec((BLK, d), lambda i: (i, 0))


def _full_spec(shape):
    nd = len(shape)
    return pl.BlockSpec(shape, lambda i: (0,) * nd)


def _part_spec(halves, d):
    return pl.BlockSpec((2, halves, BLK, d), lambda i: (0, 0, i, 0))


_GRID = NPAD // BLK


def _tc(body, out_d, in_specs):
    return pl.pallas_call(
        body,
        grid=(_GRID,),
        in_specs=in_specs,
        out_specs=_row_spec(out_d),
        out_shape=jax.ShapeDtypeStruct((NPAD, out_d), jnp.float32),
    )



def kernel(x, edge_index, W1, b1, W2, b2):
    ei = edge_index.astype(jnp.int32)
    src = jnp.concatenate([ei[0], jnp.zeros((EPAD - E,), jnp.int32)])
    dst = jnp.concatenate([ei[1], jnp.full((EPAD - E,), N, jnp.int32)])
    src2 = src.reshape(NROWS, CHUNK)
    dst2 = dst.reshape(NROWS, CHUNK)
    idx2 = jnp.stack([src2, dst2], axis=1)
    x_p = jnp.zeros((NPAD, D_IN), jnp.float32).at[:N].set(x)
    ones_col = jnp.ones((NPAD, 1), jnp.float32)
    b1_r = b1.reshape(1, D_HID)
    b2_r = b2.reshape(1, D_OUT)

    degp = _deg_pass(dst2, ones_col)

    dis, hs1 = pl.pallas_call(
        _front_body,
        grid=(_GRID,),
        in_specs=[_row_spec(D_IN), _full_spec((D_IN, D_HID)),
                  pl.BlockSpec((2, BLK, 1), lambda i: (0, i, 0))],
        out_specs=[_row_spec(1),
                   pl.BlockSpec((2, BLK, 64), lambda i: (0, i, 0))],
        out_shape=[jax.ShapeDtypeStruct((NPAD, 1), jnp.float32),
                   jax.ShapeDtypeStruct((2, NPAD, 64), jnp.float32)],
    )(x_p, W1, degp)

    aggp1 = _agg128(hs1, idx2)

    hs2 = _tc(
        _mid_body, D_OUT,
        [_part_spec(2, 64), pl.BlockSpec((2, BLK, 64), lambda i: (0, i, 0)),
         _row_spec(1), _full_spec((1, D_HID)), _full_spec((D_HID, D_OUT))],
    )(aggp1, hs1, dis, b1_r, W2)

    aggp2 = _agg16(hs2.reshape(1, NPAD, D_OUT), idx2)

    fblk = N // _GRID
    out = pl.pallas_call(
        _final_body,
        grid=(_GRID,),
        in_specs=[pl.BlockSpec((2, 1, fblk, D_OUT), lambda i: (0, 0, i, 0)),
                  pl.BlockSpec((fblk, D_OUT), lambda i: (i, 0)),
                  pl.BlockSpec((fblk, 1), lambda i: (i, 0)),
                  _full_spec((1, D_OUT))],
        out_specs=pl.BlockSpec((fblk, D_OUT), lambda i: (i, 0)),
        out_shape=jax.ShapeDtypeStruct((N, D_OUT), jnp.float32),
    )(aggp2, hs2, dis, b2_r)

    return out

# --- scband reference (transcript-rebuilt; emitter-appended) ---
"""Pipeline reference for scband-gnn-29197187678384 (READ-ONLY COPY).

The authoritative reference and input builder live on the scoring server;
editing this copy changes nothing except your own understanding.
"""

import jax, jax.numpy as jnp
import numpy as np

N_NODES = 10000
N_EDGES = 320000
D_IN = 128
D_HID = 128
N_CLASSES = 16


def _gcn_conv(x, edge_index, W, b):
    # Faithful GCNConv: add self-loops, symmetric deg normalization, scatter-add aggregation.
    n = x.shape[0]
    self_loops = jnp.arange(n, dtype=edge_index.dtype)
    src = jnp.concatenate([edge_index[0], self_loops])
    dst = jnp.concatenate([edge_index[1], self_loops])
    h = x @ W  # linear transform first (standard GCNConv order)
    deg = jnp.zeros((n,), dtype=h.dtype).at[dst].add(1.0)
    deg_inv_sqrt = jnp.where(deg > 0, jax.lax.rsqrt(jnp.maximum(deg, 1e-12)), 0.0)
    norm = deg_inv_sqrt[src] * deg_inv_sqrt[dst]
    msgs = h[src] * norm[:, None]  # gather (SparseCore-friendly)
    out = jax.ops.segment_sum(msgs, dst, num_segments=n)  # scatter-add
    return out + b


def setup_inputs(seed: int = 0) -> dict:
    key = jax.random.key(seed)
    k_x, k_ei, k_w1, k_b1, k_w2, k_b2 = jax.random.split(key, 6)
    x = jax.random.normal(k_x, (N_NODES, D_IN), dtype=jnp.float32)
    edge_index = jax.random.randint(k_ei, (2, N_EDGES), 0, N_NODES, dtype=jnp.int64)
    # learned parameters (glorot-ish scale)
    W1 = jax.random.normal(k_w1, (D_IN, D_HID), dtype=jnp.float32) * (1.0 / np.sqrt(D_IN))
    b1 = jnp.zeros((D_HID,), dtype=jnp.float32)
    W2 = jax.random.normal(k_w2, (D_HID, N_CLASSES), dtype=jnp.float32) * (1.0 / np.sqrt(D_HID))
    b2 = jnp.zeros((N_CLASSES,), dtype=jnp.float32)
    return {"x": x, "edge_index": edge_index, "W1": W1, "b1": b1, "W2": W2, "b2": b2}


def reference(x, edge_index, W1, b1, W2, b2):
    h = _gcn_conv(x, edge_index, W1, b1)
    h = jax.nn.relu(h)
    # dropout: eval-mode identity (deterministic reference)
    h = _gcn_conv(h, edge_index, W2, b2)
    h = jax.nn.sigmoid(h)
    return h

if __name__ == "__main__":
    import jax
    _d = setup_inputs()
    print(jax.jit(kernel)(*tuple(_d.values())))

</pallas_src>

<mosaic_0001>
#map = affine_map<(d0, d1) -> (0, 0)>
#map1 = affine_map<(d0, d1) -> (0, 0, 0)>
module attributes {stable_mosaic.version = 14 : i64} {
  func.func @_deg_pass(%arg0: i32, %arg1: i32, %arg2: memref<2560x128xi32, #tpu.memory_space<hbm>>, %arg3: memref<10240x1xf32, #tpu.memory_space<hbm>>, %arg4: memref<2x10240x1xf32, #tpu.memory_space<hbm>>, %arg5: memref<80x128xi32, #tpu.memory_space<vmem>>, %arg6: memref<128x1xf32, #tpu.memory_space<vmem>>, %arg7: memref<10240x1xf32, #tpu.memory_space<vmem_shared>>, %arg8: memref<!tpu.dma_semaphore, #tpu.memory_space<semaphore_mem>>) attributes {dimension_semantics = [#tpu.dimension_semantics<core_parallel>, #tpu.dimension_semantics<subcore_parallel>], iteration_bounds = array<i64: 2, 16>, scalar_prefetch = 0 : i64, scratch_operands = 4 : i64, tpu.core_type = #tpu.core_type<sc_vector_subcore>, window_params = [{transform_indices = #map}, {transform_indices = #map}, {transform_indices = #map1}]} {
    %mul3A = arith.constant 16 : i32
    %mul3A_0 = arith.muli %arg0, %mul3A : i32
    %add3A = arith.addi %mul3A_0, %arg1 : i32
    %mul3A_1 = arith.constant 640 : i32
    %mul3A_2 = arith.muli %arg1, %mul3A_1 : i32
    %mul3A_3 = arith.constant 640 : i32
    %mul3A_4 = arith.muli %arg1, %mul3A_3 : i32
    "tpu.region"() ({
      %run_scoped3A = tpu.sem_alloc : memref<!tpu.dma_semaphore, #tpu.memory_space<semaphore_mem>>
      %dma_start3A = arith.constant 0 : i32
      %dma_start3A_17 = tpu.memref_slice %arg7[%mul3A_4, %dma_start3A] : memref<10240x1xf32, #tpu.memory_space<vmem_shared>> -> memref<640x1xf32, #tpu.memory_space<vmem_shared>>
      %dma_start3A_18 = arith.constant 0 : i32
      %dma_start3A_19 = tpu.memref_slice %arg3[%mul3A_2, %dma_start3A_18] : memref<10240x1xf32, #tpu.memory_space<hbm>> -> memref<640x1xf32, #tpu.memory_space<hbm>>
      tpu.enqueue_dma source(%dma_start3A_19 : memref<640x1xf32, #tpu.memory_space<hbm>>) target(%dma_start3A_17 : memref<640x1xf32, #tpu.memory_space<vmem_shared>>) target_semaphore(%run_scoped3A : memref<!tpu.dma_semaphore, #tpu.memory_space<semaphore_mem>>)
      %dma_wait3A = arith.constant 0 : i32
      %dma_wait3A_20 = tpu.memref_slice %arg7[%mul3A_4, %dma_wait3A] : memref<10240x1xf32, #tpu.memory_space<vmem_shared>> -> memref<640x1xf32, #tpu.memory_space<vmem_shared>>
      %dma_wait3A_21 = arith.constant 0 : i32
      %dma_wait3A_22 = tpu.memref_slice %arg3[%mul3A_2, %dma_wait3A_21] : memref<10240x1xf32, #tpu.memory_space<hbm>> -> memref<640x1xf32, #tpu.memory_space<hbm>>
      tpu.wait_dma2 semaphore(%run_scoped3A : memref<!tpu.dma_semaphore, #tpu.memory_space<semaphore_mem>>) src(%dma_wait3A_22 : memref<640x1xf32, #tpu.memory_space<hbm>>) dst(%dma_wait3A_20 : memref<640x1xf32, #tpu.memory_space<vmem_shared>>)
      tpu.yield
    }) : () -> ()
    "tpu.region"() ({
      %run_scoped3A = tpu.sem_alloc : memref<!tpu.dma_semaphore, #tpu.memory_space<semaphore_mem>>
      %dma_start3A = arith.constant 0 : i32
      %dma_start3A_17 = arith.constant 0 : i32
      %dma_start3A_18 = tpu.memref_slice %arg3[%dma_start3A, %dma_start3A_17] : memref<10240x1xf32, #tpu.memory_space<hbm>> -> memref<128x1xf32, #tpu.memory_space<hbm>>
      %dma_start3A_19 = arith.constant 0 : i32
      %dma_start3A_20 = arith.constant 0 : i32
      %dma_start3A_21 = tpu.memref_slice %arg3[%dma_start3A_19, %dma_start3A_20] : memref<10240x1xf32, #tpu.memory_space<hbm>> -> memref<128x1xf32, #tpu.memory_space<hbm>>
      tpu.enqueue_dma source(%dma_start3A_21 : memref<128x1xf32, #tpu.memory_space<hbm>>) target(%arg6 : memref<128x1xf32, #tpu.memory_space<vmem>>) target_semaphore(%run_scoped3A : memref<!tpu.dma_semaphore, #tpu.memory_space<semaphore_mem>>)
      %dma_wait3A = arith.constant 0 : i32
      %dma_wait3A_22 = arith.constant 0 : i32
      %dma_wait3A_23 = tpu.memref_slice %arg3[%dma_wait3A, %dma_wait3A_22] : memref<10240x1xf32, #tpu.memory_space<hbm>> -> memref<128x1xf32, #tpu.memory_space<hbm>>
      %dma_wait3A_24 = arith.constant 0 : i32
      %dma_wait3A_25 = arith.constant 0 : i32
      %dma_wait3A_26 = tpu.memref_slice %arg3[%dma_wait3A_24, %dma_wait3A_25] : memref<10240x1xf32, #tpu.memory_space<hbm>> -> memref<128x1xf32, #tpu.memory_space<hbm>>
      tpu.wait_dma2 semaphore(%run_scoped3A : memref<!tpu.dma_semaphore, #tpu.memory_space<semaphore_mem>>) src(%dma_wait3A_26 : memref<128x1xf32, #tpu.memory_space<hbm>>) dst(%arg6 : memref<128x1xf32, #tpu.memory_space<vmem>>)
      tpu.yield
    }) : () -> ()
    %mul3A_5 = arith.constant 80 : i32
    %mul3A_6 = arith.muli %add3A, %mul3A_5 : i32
    "tpu.region"() ({
      %run_scoped3A = tpu.sem_alloc : memref<!tpu.dma_semaphore, #tpu.memory_space<semaphore_mem>>
      %dma_start3A = arith.constant 0 : i32
      %dma_start3A_17 = tpu.memref_slice %arg2[%mul3A_6, %dma_start3A] : memref<2560x128xi32, #tpu.memory_space<hbm>> -> memref<80x128xi32, #tpu.memory_space<hbm>>
      %dma_start3A_18 = arith.constant 0 : i32
      %dma_start3A_19 = tpu.memref_slice %arg2[%mul3A_6, %dma_start3A_18] : memref<2560x128xi32, #tpu.memory_space<hbm>> -> memref<80x128xi32, #tpu.memory_space<hbm>>
      tpu.enqueue_dma source(%dma_start3A_19 : memref<80x128xi32, #tpu.memory_space<hbm>>) target(%arg5 : memref<80x128xi32, #tpu.memory_space<vmem>>) target_semaphore(%run_scoped3A : memref<!tpu.dma_semaphore, #tpu.memory_space<semaphore_mem>>)
      %dma_wait3A = arith.constant 0 : i32
      %dma_wait3A_20 = tpu.memref_slice %arg2[%mul3A_6, %dma_wait3A] : memref<2560x128xi32, #tpu.memory_space<hbm>> -> memref<80x128xi32, #tpu.memory_space<hbm>>
      %dma_wait3A_21 = arith.constant 0 : i32
      %dma_wait3A_22 = tpu.memref_slice %arg2[%mul3A_6, %dma_wait3A_21] : memref<2560x128xi32, #tpu.memory_space<hbm>> -> memref<80x128xi32, #tpu.memory_space<hbm>>
      tpu.wait_dma2 semaphore(%run_scoped3A : memref<!tpu.dma_semaphore, #tpu.memory_space<semaphore_mem>>) src(%dma_wait3A_22 : memref<80x128xi32, #tpu.memory_space<hbm>>) dst(%arg5 : memref<80x128xi32, #tpu.memory_space<vmem>>)
      tpu.yield
    }) : () -> ()
    %barrier3A = arith.constant 0 : index
    tpu.barrier barrier_id(%barrier3A)
    %scan3A = arith.constant 0 : i32
    %scan3A_7 = arith.constant 0 : i32
    %scan3A_8 = arith.constant 10 : i32
    %scan3A_9 = arith.addi %scan3A_7, %scan3A_8 : i32
    %scan3A_10 = arith.constant 1 : i32
    scf.for %scan3A_17 = %scan3A_7 to %scan3A_9 step %scan3A_10  : i32 {
      %mul3A_18 = arith.constant 8 : i32
      %mul3A_19 = arith.muli %scan3A_17, %mul3A_18 : i32
      %add3A_20 = arith.constant 0 : i32
      %add3A_21 = arith.addi %mul3A_19, %add3A_20 : i32
      %dma_start3A = arith.constant 0 : i32
      %dma_start3A_22 = tpu.memref_slice %arg5[%add3A_21, %dma_start3A] : memref<80x128xi32, #tpu.memory_space<vmem>> -> memref<1x128xi32, #tpu.memory_space<vmem>>
      %dma_start3A_23 = tpu.memref_squeeze %dma_start3A_22 : memref<1x128xi32, #tpu.memory_space<vmem>> -> memref<128xi32, #tpu.memory_space<vmem>>
      %dma_start3A_24 = arith.constant 0 : i32
      %dma_start3A_25 = arith.constant 0 : i32
      %dma_start3A_26 = tpu.memref_slice %arg7[%dma_start3A_24, %dma_start3A_25] : memref<10240x1xf32, #tpu.memory_space<vmem_shared>> -> memref<10240x1xf32, #tpu.memory_space<vmem_shared>>
      tpu.enqueue_indirect_dma source(%arg6 : memref<128x1xf32, #tpu.memory_space<vmem>>) target(%dma_start3A_26 : memref<10240x1xf32, #tpu.memory_space<vmem_shared>>) offsets(%dma_start3A_23 : memref<128xi32, #tpu.memory_space<vmem>>) semaphore(%arg8 : memref<!tpu.dma_semaphore, #tpu.memory_space<semaphore_mem>>) {add = true}
      %mul3A_27 = arith.constant 8 : i32
      %mul3A_28 = arith.muli %scan3A_17, %mul3A_27 : i32
      %add3A_29 = arith.constant 1 : i32
      %add3A_30 = arith.addi %mul3A_28, %add3A_29 : i32
      %dma_start3A_31 = arith.constant 0 : i32
      %dma_start3A_32 = tpu.memref_slice %arg5[%add3A_30, %dma_start3A_31] : memref<80x128xi32, #tpu.memory_space<vmem>> -> memref<1x128xi32, #tpu.memory_space<vmem>>
      %dma_start3A_33 = tpu.memref_squeeze %dma_start3A_32 : memref<1x128xi32, #tpu.memory_space<vmem>> -> memref<128xi32, #tpu.memory_space<vmem>>
      %dma_start3A_34 = arith.constant 0 : i32
      %dma_start3A_35 = arith.constant 0 : i32
      %dma_start3A_36 = tpu.memref_slice %arg7[%dma_start3A_34, %dma_start3A_35] : memref<10240x1xf32, #tpu.memory_space<vmem_shared>> -> memref<10240x1xf32, #tpu.memory_space<vmem_shared>>
      tpu.enqueue_indirect_dma source(%arg6 : memref<128x1xf32, #tpu.memory_space<vmem>>) target(%dma_start3A_36 : memref<10240x1xf32, #tpu.memory_space<vmem_shared>>) offsets(%dma_start3A_33 : memref<128xi32, #tpu.memory_space<vmem>>) semaphore(%arg8 : memref<!tpu.dma_semaphore, #tpu.memory_space<semaphore_mem>>) {add = true}
      %mul3A_37 = arith.constant 8 : i32
      %mul3A_38 = arith.muli %scan3A_17, %mul3A_37 : i32
      %add3A_39 = arith.constant 2 : i32
      %add3A_40 = arith.addi %mul3A_38, %add3A_39 : i32
      %dma_start3A_41 = arith.constant 0 : i32
      %dma_start3A_42 = tpu.memref_slice %arg5[%add3A_40, %dma_start3A_41] : memref<80x128xi32, #tpu.memory_space<vmem>> -> memref<1x128xi32, #tpu.memory_space<vmem>>
      %dma_start3A_43 = tpu.memref_squeeze %dma_start3A_42 : memref<1x128xi32, #tpu.memory_space<vmem>> -> memref<128xi32, #tpu.memory_space<vmem>>
      %dma_start3A_44 = arith.constant 0 : i32
      %dma_start3A_45 = arith.constant 0 : i32
      %dma_start3A_46 = tpu.memref_slice %arg7[%dma_start3A_44, %dma_start3A_45] : memref<10240x1xf32, #tpu.memory_space<vmem_shared>> -> memref<10240x1xf32, #tpu.memory_space<vmem_shared>>
      tpu.enqueue_indirect_dma source(%arg6 : memref<128x1xf32, #tpu.memory_space<vmem>>) target(%dma_start3A_46 : memref<10240x1xf32, #tpu.memory_space<vmem_shared>>) offsets(%dma_start3A_43 : memref<128xi32, #tpu.memory_space<vmem>>) semaphore(%arg8 : memref<!tpu.dma_semaphore, #tpu.memory_space<semaphore_mem>>) {add = true}
      %mul3A_47 = arith.constant 8 : i32
      %mul3A_48 = arith.muli %scan3A_17, %mul3A_47 : i32
      %add3A_49 = arith.constant 3 : i32
      %add3A_50 = arith.addi %mul3A_48, %add3A_49 : i32
      %dma_start3A_51 = arith.constant 0 : i32
      %dma_start3A_52 = tpu.memref_slice %arg5[%add3A_50, %dma_start3A_51] : memref<80x128xi32, #tpu.memory_space<vmem>> -> memref<1x128xi32, #tpu.memory_space<vmem>>
      %dma_start3A_53 = tpu.memref_squeeze %dma_start3A_52 : memref<1x128xi32, #tpu.memory_space<vmem>> -> memref<128xi32, #tpu.memory_space<vmem>>
      %dma_start3A_54 = arith.constant 0 : i32
      %dma_start3A_55 = arith.constant 0 : i32
      %dma_start3A_56 = tpu.memref_slice %arg7[%dma_start3A_54, %dma_start3A_55] : memref<10240x1xf32, #tpu.memory_space<vmem_shared>> -> memref<10240x1xf32, #tpu.memory_space<vmem_shared>>
      tpu.enqueue_indirect_dma source(%arg6 : memref<128x1xf32, #tpu.memory_space<vmem>>) target(%dma_start3A_56 : memref<10240x1xf32, #tpu.memory_space<vmem_shared>>) offsets(%dma_start3A_53 : memref<128xi32, #tpu.memory_space<vmem>>) semaphore(%arg8 : memref<!tpu.dma_semaphore, #tpu.memory_space<semaphore_mem>>) {add = true}
      %mul3A_57 = arith.constant 8 : i32
      %mul3A_58 = arith.muli %scan3A_17, %mul3A_57 : i32
      %add3A_59 = arith.constant 4 : i32
      %add3A_60 = arith.addi %mul3A_58, %add3A_59 : i32
      %dma_start3A_61 = arith.constant 0 : i32
      %dma_start3A_62 = tpu.memref_slice %arg5[%add3A_60, %dma_start3A_61] : memref<80x128xi32, #tpu.memory_space<vmem>> -> memref<1x128xi32, #tpu.memory_space<vmem>>
      %dma_start3A_63 = tpu.memref_squeeze %dma_start3A_62 : memref<1x128xi32, #tpu.memory_space<vmem>> -> memref<128xi32, #tpu.memory_space<vmem>>
      %dma_start3A_64 = arith.constant 0 : i32
      %dma_start3A_65 = arith.constant 0 : i32
      %dma_start3A_66 = tpu.memref_slice %arg7[%dma_start3A_64, %dma_start3A_65] : memref<10240x1xf32, #tpu.memory_space<vmem_shared>> -> memref<10240x1xf32, #tpu.memory_space<vmem_shared>>
      tpu.enqueue_indirect_dma source(%arg6 : memref<128x1xf32, #tpu.memory_space<vmem>>) target(%dma_start3A_66 : memref<10240x1xf32, #tpu.memory_space<vmem_shared>>) offsets(%dma_start3A_63 : memref<128xi32, #tpu.memory_space<vmem>>) semaphore(%arg8 : memref<!tpu.dma_semaphore, #tpu.memory_space<semaphore_mem>>) {add = true}
      %mul3A_67 = arith.constant 8 : i32
      %mul3A_68 = arith.muli %scan3A_17, %mul3A_67 : i32
      %add3A_69 = arith.constant 5 : i32
      %add3A_70 = arith.addi %mul3A_68, %add3A_69 : i32
      %dma_start3A_71 = arith.constant 0 : i32
      %dma_start3A_72 = tpu.memref_slice %arg5[%add3A_70, %dma_start3A_71] : memref<80x128xi32, #tpu.memory_space<vmem>> -> memref<1x128xi32, #tpu.memory_space<vmem>>
      %dma_start3A_73 = tpu.memref_squeeze %dma_start3A_72 : memref<1x128xi32, #tpu.memory_space<vmem>> -> memref<128xi32, #tpu.memory_space<vmem>>
      %dma_start3A_74 = arith.constant 0 : i32
      %dma_start3A_75 = arith.constant 0 : i32
      %dma_start3A_76 = tpu.memref_slice %arg7[%dma_start3A_74, %dma_start3A_75] : memref<10240x1xf32, #tpu.memory_space<vmem_shared>> -> memref<10240x1xf32, #tpu.memory_space<vmem_shared>>
      tpu.enqueue_indirect_dma source(%arg6 : memref<128x1xf32, #tpu.memory_space<vmem>>) target(%dma_start3A_76 : memref<10240x1xf32, #tpu.memory_space<vmem_shared>>) offsets(%dma_start3A_73 : memref<128xi32, #tpu.memory_space<vmem>>) semaphore(%arg8 : memref<!tpu.dma_semaphore, #tpu.memory_space<semaphore_mem>>) {add = true}
      %mul3A_77 = arith.constant 8 : i32
      %mul3A_78 = arith.muli %scan3A_17, %mul3A_77 : i32
      %add3A_79 = arith.constant 6 : i32
      %add3A_80 = arith.addi %mul3A_78, %add3A_79 : i32
      %dma_start3A_81 = arith.constant 0 : i32
      %dma_start3A_82 = tpu.memref_slice %arg5[%add3A_80, %dma_start3A_81] : memref<80x128xi32, #tpu.memory_space<vmem>> -> memref<1x128xi32, #tpu.memory_space<vmem>>
      %dma_start3A_83 = tpu.memref_squeeze %dma_start3A_82 : memref<1x128xi32, #tpu.memory_space<vmem>> -> memref<128xi32, #tpu.memory_space<vmem>>
      %dma_start3A_84 = arith.constant 0 : i32
      %dma_start3A_85 = arith.constant 0 : i32
      %dma_start3A_86 = tpu.memref_slice %arg7[%dma_start3A_84, %dma_start3A_85] : memref<10240x1xf32, #tpu.memory_space<vmem_shared>> -> memref<10240x1xf32, #tpu.memory_space<vmem_shared>>
      tpu.enqueue_indirect_dma source(%arg6 : memref<128x1xf32, #tpu.memory_space<vmem>>) target(%dma_start3A_86 : memref<10240x1xf32, #tpu.memory_space<vmem_shared>>) offsets(%dma_start3A_83 : memref<128xi32, #tpu.memory_space<vmem>>) semaphore(%arg8 : memref<!tpu.dma_semaphore, #tpu.memory_space<semaphore_mem>>) {add = true}
      %mul3A_87 = arith.constant 8 : i32
      %mul3A_88 = arith.muli %scan3A_17, %mul3A_87 : i32
      %add3A_89 = arith.constant 7 : i32
      %add3A_90 = arith.addi %mul3A_88, %add3A_89 : i32
      %dma_start3A_91 = arith.constant 0 : i32
      %dma_start3A_92 = tpu.memref_slice %arg5[%add3A_90, %dma_start3A_91] : memref<80x128xi32, #tpu.memory_space<vmem>> -> memref<1x128xi32, #tpu.memory_space<vmem>>
      %dma_start3A_93 = tpu.memref_squeeze %dma_start3A_92 : memref<1x128xi32, #tpu.memory_space<vmem>> -> memref<128xi32, #tpu.memory_space<vmem>>
      %dma_start3A_94 = arith.constant 0 : i32
      %dma_start3A_95 = arith.constant 0 : i32
      %dma_start3A_96 = tpu.memref_slice %arg7[%dma_start3A_94, %dma_start3A_95] : memref<10240x1xf32, #tpu.memory_space<vmem_shared>> -> memref<10240x1xf32, #tpu.memory_space<vmem_shared>>
      tpu.enqueue_indirect_dma source(%arg6 : memref<128x1xf32, #tpu.memory_space<vmem>>) target(%dma_start3A_96 : memref<10240x1xf32, #tpu.memory_space<vmem_shared>>) offsets(%dma_start3A_93 : memref<128xi32, #tpu.memory_space<vmem>>) semaphore(%arg8 : memref<!tpu.dma_semaphore, #tpu.memory_space<semaphore_mem>>) {add = true}
      %dma_wait3A = arith.constant 0 : i32
      %dma_wait3A_97 = tpu.memref_slice %arg5[%add3A_21, %dma_wait3A] : memref<80x128xi32, #tpu.memory_space<vmem>> -> memref<1x128xi32, #tpu.memory_space<vmem>>
      %dma_wait3A_98 = tpu.memref_squeeze %dma_wait3A_97 : memref<1x128xi32, #tpu.memory_space<vmem>> -> memref<128xi32, #tpu.memory_space<vmem>>
      %dma_wait3A_99 = arith.constant 0 : i32
      %dma_wait3A_100 = arith.constant 0 : i32
      %dma_wait3A_101 = tpu.memref_slice %arg7[%dma_wait3A_99, %dma_wait3A_100] : memref<10240x1xf32, #tpu.memory_space<vmem_shared>> -> memref<10240x1xf32, #tpu.memory_space<vmem_shared>>
      tpu.wait_indirect_dma semaphore(%arg8 : memref<!tpu.dma_semaphore, #tpu.memory_space<semaphore_mem>>) src(%arg6 : memref<128x1xf32, #tpu.memory_space<vmem>>) dst(%dma_wait3A_101 : memref<10240x1xf32, #tpu.memory_space<vmem_shared>>)
      %dma_wait3A_102 = arith.constant 0 : i32
      %dma_wait3A_103 = tpu.memref_slice %arg5[%add3A_30, %dma_wait3A_102] : memref<80x128xi32, #tpu.memory_space<vmem>> -> memref<1x128xi32, #tpu.memory_space<vmem>>
      %dma_wait3A_104 = tpu.memref_squeeze %dma_wait3A_103 : memref<1x128xi32, #tpu.memory_space<vmem>> -> memref<128xi32, #tpu.memory_space<vmem>>
      %dma_wait3A_105 = arith.constant 0 : i32
      %dma_wait3A_106 = arith.constant 0 : i32
      %dma_wait3A_107 = tpu.memref_slice %arg7[%dma_wait3A_105, %dma_wait3A_106] : memref<10240x1xf32, #tpu.memory_space<vmem_shared>> -> memref<10240x1xf32, #tpu.memory_space<vmem_shared>>
      tpu.wait_indirect_dma semaphore(%arg8 : memref<!tpu.dma_semaphore, #tpu.memory_space<semaphore_mem>>) src(%arg6 : memref<128x1xf32, #tpu.memory_space<vmem>>) dst(%dma_wait3A_107 : memref<10240x1xf32, #tpu.memory_space<vmem_shared>>)
      %dma_wait3A_108 = arith.constant 0 : i32
      %dma_wait3A_109 = tpu.memref_slice %arg5[%add3A_40, %dma_wait3A_108] : memref<80x128xi32, #tpu.memory_space<vmem>> -> memref<1x128xi32, #tpu.memory_space<vmem>>
      %dma_wait3A_110 = tpu.memref_squeeze %dma_wait3A_109 : memref<1x128xi32, #tpu.memory_space<vmem>> -> memref<128xi32, #tpu.memory_space<vmem>>
      %dma_wait3A_111 = arith.constant 0 : i32
      %dma_wait3A_112 = arith.constant 0 : i32
      %dma_wait3A_113 = tpu.memref_slice %arg7[%dma_wait3A_111, %dma_wait3A_112] : memref<10240x1xf32, #tpu.memory_space<vmem_shared>> -> memref<10240x1xf32, #tpu.memory_space<vmem_shared>>
      tpu.wait_indirect_dma semaphore(%arg8 : memref<!tpu.dma_semaphore, #tpu.memory_space<semaphore_mem>>) src(%arg6 : memref<128x1xf32, #tpu.memory_space<vmem>>) dst(%dma_wait3A_113 : memref<10240x1xf32, #tpu.memory_space<vmem_shared>>)
      %dma_wait3A_114 = arith.constant 0 : i32
      %dma_wait3A_115 = tpu.memref_slice %arg5[%add3A_50, %dma_wait3A_114] : memref<80x128xi32, #tpu.memory_space<vmem>> -> memref<1x128xi32, #tpu.memory_space<vmem>>
      %dma_wait3A_116 = tpu.memref_squeeze %dma_wait3A_115 : memref<1x128xi32, #tpu.memory_space<vmem>> -> memref<128xi32, #tpu.memory_space<vmem>>
      %dma_wait3A_117 = arith.constant 0 : i32
      %dma_wait3A_118 = arith.constant 0 : i32
      %dma_wait3A_119 = tpu.memref_slice %arg7[%dma_wait3A_117, %dma_wait3A_118] : memref<10240x1xf32, #tpu.memory_space<vmem_shared>> -> memref<10240x1xf32, #tpu.memory_space<vmem_shared>>
      tpu.wait_indirect_dma semaphore(%arg8 : memref<!tpu.dma_semaphore, #tpu.memory_space<semaphore_mem>>) src(%arg6 : memref<128x1xf32, #tpu.memory_space<vmem>>) dst(%dma_wait3A_119 : memref<10240x1xf32, #tpu.memory_space<vmem_shared>>)
      %dma_wait3A_120 = arith.constant 0 : i32
      %dma_wait3A_121 = tpu.memref_slice %arg5[%add3A_60, %dma_wait3A_120] : memref<80x128xi32, #tpu.memory_space<vmem>> -> memref<1x128xi32, #tpu.memory_space<vmem>>
      %dma_wait3A_122 = tpu.memref_squeeze %dma_wait3A_121 : memref<1x128xi32, #tpu.memory_space<vmem>> -> memref<128xi32, #tpu.memory_space<vmem>>
      %dma_wait3A_123 = arith.constant 0 : i32
      %dma_wait3A_124 = arith.constant 0 : i32
      %dma_wait3A_125 = tpu.memref_slice %arg7[%dma_wait3A_123, %dma_wait3A_124] : memref<10240x1xf32, #tpu.memory_space<vmem_shared>> -> memref<10240x1xf32, #tpu.memory_space<vmem_shared>>
      tpu.wait_indirect_dma semaphore(%arg8 : memref<!tpu.dma_semaphore, #tpu.memory_space<semaphore_mem>>) src(%arg6 : memref<128x1xf32, #tpu.memory_space<vmem>>) dst(%dma_wait3A_125 : memref<10240x1xf32, #tpu.memory_space<vmem_shared>>)
      %dma_wait3A_126 = arith.constant 0 : i32
      %dma_wait3A_127 = tpu.memref_slice %arg5[%add3A_70, %dma_wait3A_126] : memref<80x128xi32, #tpu.memory_space<vmem>> -> memref<1x128xi32, #tpu.memory_space<vmem>>
      %dma_wait3A_128 = tpu.memref_squeeze %dma_wait3A_127 : memref<1x128xi32, #tpu.memory_space<vmem>> -> memref<128xi32, #tpu.memory_space<vmem>>
      %dma_wait3A_129 = arith.constant 0 : i32
      %dma_wait3A_130 = arith.constant 0 : i32
      %dma_wait3A_131 = tpu.memref_slice %arg7[%dma_wait3A_129, %dma_wait3A_130] : memref<10240x1xf32, #tpu.memory_space<vmem_shared>> -> memref<10240x1xf32, #tpu.memory_space<vmem_shared>>
      tpu.wait_indirect_dma semaphore(%arg8 : memref<!tpu.dma_semaphore, #tpu.memory_space<semaphore_mem>>) src(%arg6 : memref<128x1xf32, #tpu.memory_space<vmem>>) dst(%dma_wait3A_131 : memref<10240x1xf32, #tpu.memory_space<vmem_shared>>)
      %dma_wait3A_132 = arith.constant 0 : i32
      %dma_wait3A_133 = tpu.memref_slice %arg5[%add3A_80, %dma_wait3A_132] : memref<80x128xi32, #tpu.memory_space<vmem>> -> memref<1x128xi32, #tpu.memory_space<vmem>>
      %dma_wait3A_134 = tpu.memref_squeeze %dma_wait3A_133 : memref<1x128xi32, #tpu.memory_space<vmem>> -> memref<128xi32, #tpu.memory_space<vmem>>
      %dma_wait3A_135 = arith.constant 0 : i32
      %dma_wait3A_136 = arith.constant 0 : i32
      %dma_wait3A_137 = tpu.memref_slice %arg7[%dma_wait3A_135, %dma_wait3A_136] : memref<10240x1xf32, #tpu.memory_space<vmem_shared>> -> memref<10240x1xf32, #tpu.memory_space<vmem_shared>>
      tpu.wait_indirect_dma semaphore(%arg8 : memref<!tpu.dma_semaphore, #tpu.memory_space<semaphore_mem>>) src(%arg6 : memref<128x1xf32, #tpu.memory_space<vmem>>) dst(%dma_wait3A_137 : memref<10240x1xf32, #tpu.memory_space<vmem_shared>>)
      %dma_wait3A_138 = arith.constant 0 : i32
      %dma_wait3A_139 = tpu.memref_slice %arg5[%add3A_90, %dma_wait3A_138] : memref<80x128xi32, #tpu.memory_space<vmem>> -> memref<1x128xi32, #tpu.memory_space<vmem>>
      %dma_wait3A_140 = tpu.memref_squeeze %dma_wait3A_139 : memref<1x128xi32, #tpu.memory_space<vmem>> -> memref<128xi32, #tpu.memory_space<vmem>>
      %dma_wait3A_141 = arith.constant 0 : i32
      %dma_wait3A_142 = arith.constant 0 : i32
      %dma_wait3A_143 = tpu.memref_slice %arg7[%dma_wait3A_141, %dma_wait3A_142] : memref<10240x1xf32, #tpu.memory_space<vmem_shared>> -> memref<10240x1xf32, #tpu.memory_space<vmem_shared>>
      tpu.wait_indirect_dma semaphore(%arg8 : memref<!tpu.dma_semaphore, #tpu.memory_space<semaphore_mem>>) src(%arg6 : memref<128x1xf32, #tpu.memory_space<vmem>>) dst(%dma_wait3A_143 : memref<10240x1xf32, #tpu.memory_space<vmem_shared>>)
    }
    %scan3A_11 = arith.constant 10 : i32
    %barrier3A_12 = arith.constant 0 : index
    tpu.barrier barrier_id(%barrier3A_12)
    %mul3A_13 = arith.constant 640 : i32
    %mul3A_14 = arith.muli %arg1, %mul3A_13 : i32
    %mul3A_15 = arith.constant 640 : i32
    %mul3A_16 = arith.muli %arg1, %mul3A_15 : i32
    "tpu.region"() ({
      %run_scoped3A = tpu.sem_alloc : memref<!tpu.dma_semaphore, #tpu.memory_space<semaphore_mem>>
      %dma_start3A = arith.constant 0 : i32
      %dma_start3A_17 = tpu.memref_slice %arg4[%arg0, %mul3A_16, %dma_start3A] : memref<2x10240x1xf32, #tpu.memory_space<hbm>> -> memref<1x640x1xf32, #tpu.memory_space<hbm>>
      %dma_start3A_18 = tpu.memref_squeeze %dma_start3A_17 : memref<1x640x1xf32, #tpu.memory_space<hbm>> -> memref<640x1xf32, #tpu.memory_space<hbm>>
      %dma_start3A_19 = arith.constant 0 : i32
      %dma_start3A_20 = tpu.memref_slice %arg7[%mul3A_14, %dma_start3A_19] : memref<10240x1xf32, #tpu.memory_space<vmem_shared>> -> memref<640x1xf32, #tpu.memory_space<vmem_shared>>
      tpu.enqueue_dma source(%dma_start3A_20 : memref<640x1xf32, #tpu.memory_space<vmem_shared>>) target(%dma_start3A_18 : memref<640x1xf32, #tpu.memory_space<hbm>>) target_semaphore(%run_scoped3A : memref<!tpu.dma_semaphore, #tpu.memory_space<semaphore_mem>>)
      %dma_wait3A = arith.constant 0 : i32
      %dma_wait3A_21 = tpu.memref_slice %arg4[%arg0, %mul3A_16, %dma_wait3A] : memref<2x10240x1xf32, #tpu.memory_space<hbm>> -> memref<1x640x1xf32, #tpu.memory_space<hbm>>
      %dma_wait3A_22 = tpu.memref_squeeze %dma_wait3A_21 : memref<1x640x1xf32, #tpu.memory_space<hbm>> -> memref<640x1xf32, #tpu.memory_space<hbm>>
      %dma_wait3A_23 = arith.constant 0 : i32
      %dma_wait3A_24 = tpu.memref_slice %arg7[%mul3A_14, %dma_wait3A_23] : memref<10240x1xf32, #tpu.memory_space<vmem_shared>> -> memref<640x1xf32, #tpu.memory_space<vmem_shared>>
      tpu.wait_dma2 semaphore(%run_scoped3A : memref<!tpu.dma_semaphore, #tpu.memory_space<semaphore_mem>>) src(%dma_wait3A_24 : memref<640x1xf32, #tpu.memory_space<vmem_shared>>) dst(%dma_wait3A_22 : memref<640x1xf32, #tpu.memory_space<hbm>>)
      tpu.yield
    }) : () -> ()
    return
  }
}

#map = affine_map<(d0, d1) -> (0, 0, 0)>
#map1 = affine_map<(d0, d1) -> (0, 0, 0, 0)>
module attributes {stable_mosaic.version = 14 : i64} {
  func.func @agg(%arg0: i32, %arg1: i32, %arg2: memref<2x10240x64xf32, #tpu.memory_space<hbm>>, %arg3: memref<2560x2x128xi32, #tpu.memory_space<hbm>>, %arg4: memref<2x2x10240x64xf32, #tpu.memory_space<hbm>>, %arg5: memref<2x128xi32, #tpu.memory_space<vmem>>, %arg6: memref<2x128xi32, #tpu.memory_space<vmem>>, %arg7: memref<2x128xi32, #tpu.memory_space<vmem>>, %arg8: memref<2x128xi32, #tpu.memory_space<vmem>>, %arg9: memref<128x64xf32, #tpu.memory_space<vmem>>, %arg10: memref<128x64xf32, #tpu.memory_space<vmem>>, %arg11: memref<128x64xf32, #tpu.memory_space<vmem>>, %arg12: memref<128x64xf32, #tpu.memory_space<vmem>>, %arg13: memref<10240x64xf32, #tpu.memory_space<vmem_shared>>, %arg14: memref<10240x64xf32, #tpu.memory_space<vmem_shared>>, %arg15: memref<!tpu.dma_semaphore, #tpu.memory_space<semaphore_mem>>, %arg16: memref<!tpu.dma_semaphore, #tpu.memory_space<semaphore_mem>>, %arg17: memref<!tpu.dma_semaphore, #tpu.memory_space<semaphore_mem>>, %arg18: memref<!tpu.dma_semaphore, #tpu.memory_space<semaphore_mem>>, %arg19: memref<!tpu.dma_semaphore, #tpu.memory_space<semaphore_mem>>, %arg20: memref<!tpu.dma_semaphore, #tpu.memory_space<semaphore_mem>>, %arg21: memref<!tpu.dma_semaphore, #tpu.memory_space<semaphore_mem>>, %arg22: memref<!tpu.dma_semaphore, #tpu.memory_space<semaphore_mem>>) attributes {dimension_semantics = [#tpu.dimension_semantics<core_parallel>, #tpu.dimension_semantics<subcore_parallel>], iteration_bounds = array<i64: 2, 16>, scalar_prefetch = 0 : i64, scratch_operands = 18 : i64, tpu.core_type = #tpu.core_type<sc_vector_subcore>, window_params = [{transform_indices = #map}, {transform_indices = #map}, {transform_indices = #map1}]} {
    %mul3A = arith.constant 640 : i32
    %mul3A_0 = arith.muli %arg1, %mul3A : i32
    %eq3A = arith.constant 0 : i32
    %eq3A_1 = arith.cmpi eq, %arg0, %eq3A : i32
    %jit3A = arith.constant 80 : i32
    %jit3A_2 = arith.constant 80 : i32
    %select_n3A = arith.select %eq3A_1, %jit3A, %jit3A_2 : i32
    %eq3A_3 = arith.constant 0 : i32
    %eq3A_4 = arith.cmpi eq, %arg0, %eq3A_3 : i32
    %mul3A_5 = arith.constant 80 : i32
    %mul3A_6 = arith.muli %arg1, %mul3A_5 : i32
    %mul3A_7 = arith.constant 80 : i32
    %mul3A_8 = arith.muli %arg1, %mul3A_7 : i32
    %add3A = arith.constant 1280 : i32
    %add3A_9 = arith.addi %add3A, %mul3A_8 : i32
    %select_n3A_10 = arith.select %eq3A_4, %mul3A_6, %add3A_9 : i32
    %run_scoped3A = arith.constant 0 : i32
    "tpu.region"() ({
      %run_scoped3A_274 = tpu.sem_alloc : memref<!tpu.dma_semaphore, #tpu.memory_space<semaphore_mem>>
      %dma_start3A_275 = arith.constant 0 : i32
      %dma_start3A_276 = tpu.memref_slice %arg13[%mul3A_0, %dma_start3A_275] : memref<10240x64xf32, #tpu.memory_space<vmem_shared>> -> memref<640x64xf32, #tpu.memory_space<vmem_shared>>
      %dma_start3A_277 = arith.constant 0 : i32
      %dma_start3A_278 = tpu.memref_slice %arg2[%run_scoped3A, %mul3A_0, %dma_start3A_277] : memref<2x10240x64xf32, #tpu.memory_space<hbm>> -> memref<1x640x64xf32, #tpu.memory_space<hbm>>
      %dma_start3A_279 = tpu.memref_squeeze %dma_start3A_278 : memref<1x640x64xf32, #tpu.memory_space<hbm>> -> memref<640x64xf32, #tpu.memory_space<hbm>>
      tpu.enqueue_dma source(%dma_start3A_279 : memref<640x64xf32, #tpu.memory_space<hbm>>) target(%dma_start3A_276 : memref<640x64xf32, #tpu.memory_space<vmem_shared>>) target_semaphore(%run_scoped3A_274 : memref<!tpu.dma_semaphore, #tpu.memory_space<semaphore_mem>>)
      %dma_wait3A_280 = arith.constant 0 : i32
      %dma_wait3A_281 = tpu.memref_slice %arg13[%mul3A_0, %dma_wait3A_280] : memref<10240x64xf32, #tpu.memory_space<vmem_shared>> -> memref<640x64xf32, #tpu.memory_space<vmem_shared>>
      %dma_wait3A_282 = arith.constant 0 : i32
      %dma_wait3A_283 = tpu.memref_slice %arg2[%run_scoped3A, %mul3A_0, %dma_wait3A_282] : memref<2x10240x64xf32, #tpu.memory_space<hbm>> -> memref<1x640x64xf32, #tpu.memory_space<hbm>>
      %dma_wait3A_284 = tpu.memref_squeeze %dma_wait3A_283 : memref<1x640x64xf32, #tpu.memory_space<hbm>> -> memref<640x64xf32, #tpu.memory_space<hbm>>
      tpu.wait_dma2 semaphore(%run_scoped3A_274 : memref<!tpu.dma_semaphore, #tpu.memory_space<semaphore_mem>>) src(%dma_wait3A_284 : memref<640x64xf32, #tpu.memory_space<hbm>>) dst(%dma_wait3A_281 : memref<640x64xf32, #tpu.memory_space<vmem_shared>>)
      tpu.yield
    }) : () -> ()
    %run_scoped3A_11 = arith.constant 0 : i32
    "tpu.region"() ({
      %run_scoped3A_274 = tpu.sem_alloc : memref<!tpu.dma_semaphore, #tpu.memory_space<semaphore_mem>>
      %dma_start3A_275 = arith.constant 0 : i32
      %dma_start3A_276 = tpu.memref_slice %arg14[%mul3A_0, %dma_start3A_275] : memref<10240x64xf32, #tpu.memory_space<vmem_shared>> -> memref<640x64xf32, #tpu.memory_space<vmem_shared>>
      %dma_start3A_277 = arith.constant 0 : i32
      %dma_start3A_278 = tpu.memref_slice %arg2[%run_scoped3A_11, %mul3A_0, %dma_start3A_277] : memref<2x10240x64xf32, #tpu.memory_space<hbm>> -> memref<1x640x64xf32, #tpu.memory_space<hbm>>
      %dma_start3A_279 = tpu.memref_squeeze %dma_start3A_278 : memref<1x640x64xf32, #tpu.memory_space<hbm>> -> memref<640x64xf32, #tpu.memory_space<hbm>>
      tpu.enqueue_dma source(%dma_start3A_279 : memref<640x64xf32, #tpu.memory_space<hbm>>) target(%dma_start3A_276 : memref<640x64xf32, #tpu.memory_space<vmem_shared>>) target_semaphore(%run_scoped3A_274 : memref<!tpu.dma_semaphore, #tpu.memory_space<semaphore_mem>>)
      %dma_wait3A_280 = arith.constant 0 : i32
      %dma_wait3A_281 = tpu.memref_slice %arg14[%mul3A_0, %dma_wait3A_280] : memref<10240x64xf32, #tpu.memory_space<vmem_shared>> -> memref<640x64xf32, #tpu.memory_space<vmem_shared>>
      %dma_wait3A_282 = arith.constant 0 : i32
      %dma_wait3A_283 = tpu.memref_slice %arg2[%run_scoped3A_11, %mul3A_0, %dma_wait3A_282] : memref<2x10240x64xf32, #tpu.memory_space<hbm>> -> memref<1x640x64xf32, #tpu.memory_space<hbm>>
      %dma_wait3A_284 = tpu.memref_squeeze %dma_wait3A_283 : memref<1x640x64xf32, #tpu.memory_space<hbm>> -> memref<640x64xf32, #tpu.memory_space<hbm>>
      tpu.wait_dma2 semaphore(%run_scoped3A_274 : memref<!tpu.dma_semaphore, #tpu.memory_space<semaphore_mem>>) src(%dma_wait3A_284 : memref<640x64xf32, #tpu.memory_space<hbm>>) dst(%dma_wait3A_281 : memref<640x64xf32, #tpu.memory_space<vmem_shared>>)
      tpu.yield
    }) : () -> ()
    %add3A_12 = arith.constant 0 : i32
    %add3A_13 = arith.addi %select_n3A_10, %add3A_12 : i32
    %dma_start3A = arith.constant 0 : i32
    %dma_start3A_14 = arith.constant 0 : i32
    %dma_start3A_15 = tpu.memref_slice %arg3[%add3A_13, %dma_start3A, %dma_start3A_14] : memref<2560x2x128xi32, #tpu.memory_space<hbm>> -> memref<1x2x128xi32, #tpu.memory_space<hbm>>
    %dma_start3A_16 = tpu.memref_squeeze %dma_start3A_15 : memref<1x2x128xi32, #tpu.memory_space<hbm>> -> memref<2x128xi32, #tpu.memory_space<hbm>>
    %dma_start3A_17 = arith.constant 0 : i32
    %dma_start3A_18 = arith.constant 0 : i32
    %dma_start3A_19 = tpu.memref_slice %arg3[%add3A_13, %dma_start3A_17, %dma_start3A_18] : memref<2560x2x128xi32, #tpu.memory_space<hbm>> -> memref<1x2x128xi32, #tpu.memory_space<hbm>>
    %dma_start3A_20 = tpu.memref_squeeze %dma_start3A_19 : memref<1x2x128xi32, #tpu.memory_space<hbm>> -> memref<2x128xi32, #tpu.memory_space<hbm>>
    tpu.enqueue_dma source(%dma_start3A_20 : memref<2x128xi32, #tpu.memory_space<hbm>>) target(%arg5 : memref<2x128xi32, #tpu.memory_space<vmem>>) target_semaphore(%arg15 : memref<!tpu.dma_semaphore, #tpu.memory_space<semaphore_mem>>)
    %add3A_21 = arith.constant 1 : i32
    %add3A_22 = arith.addi %select_n3A_10, %add3A_21 : i32
    %dma_start3A_23 = arith.constant 0 : i32
    %dma_start3A_24 = arith.constant 0 : i32
    %dma_start3A_25 = tpu.memref_slice %arg3[%add3A_22, %dma_start3A_23, %dma_start3A_24] : memref<2560x2x128xi32, #tpu.memory_space<hbm>> -> memref<1x2x128xi32, #tpu.memory_space<hbm>>
    %dma_start3A_26 = tpu.memref_squeeze %dma_start3A_25 : memref<1x2x128xi32, #tpu.memory_space<hbm>> -> memref<2x128xi32, #tpu.memory_space<hbm>>
    %dma_start3A_27 = arith.constant 0 : i32
    %dma_start3A_28 = arith.constant 0 : i32
    %dma_start3A_29 = tpu.memref_slice %arg3[%add3A_22, %dma_start3A_27, %dma_start3A_28] : memref<2560x2x128xi32, #tpu.memory_space<hbm>> -> memref<1x2x128xi32, #tpu.memory_space<hbm>>
    %dma_start3A_30 = tpu.memref_squeeze %dma_start3A_29 : memref<1x2x128xi32, #tpu.memory_space<hbm>> -> memref<2x128xi32, #tpu.memory_space<hbm>>
    tpu.enqueue_dma source(%dma_start3A_30 : memref<2x128xi32, #tpu.memory_space<hbm>>) target(%arg6 : memref<2x128xi32, #tpu.memory_space<vmem>>) target_semaphore(%arg16 : memref<!tpu.dma_semaphore, #tpu.memory_space<semaphore_mem>>)
    %add3A_31 = arith.constant 2 : i32
    %add3A_32 = arith.addi %select_n3A_10, %add3A_31 : i32
    %dma_start3A_33 = arith.constant 0 : i32
    %dma_start3A_34 = arith.constant 0 : i32
    %dma_start3A_35 = tpu.memref_slice %arg3[%add3A_32, %dma_start3A_33, %dma_start3A_34] : memref<2560x2x128xi32, #tpu.memory_space<hbm>> -> memref<1x2x128xi32, #tpu.memory_space<hbm>>
    %dma_start3A_36 = tpu.memref_squeeze %dma_start3A_35 : memref<1x2x128xi32, #tpu.memory_space<hbm>> -> memref<2x128xi32, #tpu.memory_space<hbm>>
    %dma_start3A_37 = arith.constant 0 : i32
    %dma_start3A_38 = arith.constant 0 : i32
    %dma_start3A_39 = tpu.memref_slice %arg3[%add3A_32, %dma_start3A_37, %dma_start3A_38] : memref<2560x2x128xi32, #tpu.memory_space<hbm>> -> memref<1x2x128xi32, #tpu.memory_space<hbm>>
    %dma_start3A_40 = tpu.memref_squeeze %dma_start3A_39 : memref<1x2x128xi32, #tpu.memory_space<hbm>> -> memref<2x128xi32, #tpu.memory_space<hbm>>
    tpu.enqueue_dma source(%dma_start3A_40 : memref<2x128xi32, #tpu.memory_space<hbm>>) target(%arg7 : memref<2x128xi32, #tpu.memory_space<vmem>>) target_semaphore(%arg17 : memref<!tpu.dma_semaphore, #tpu.memory_space<semaphore_mem>>)
    %add3A_41 = arith.constant 3 : i32
    %add3A_42 = arith.addi %select_n3A_10, %add3A_41 : i32
    %dma_start3A_43 = arith.constant 0 : i32
    %dma_start3A_44 = arith.constant 0 : i32
    %dma_start3A_45 = tpu.memref_slice %arg3[%add3A_42, %dma_start3A_43, %dma_start3A_44] : memref<2560x2x128xi32, #tpu.memory_space<hbm>> -> memref<1x2x128xi32, #tpu.memory_space<hbm>>
    %dma_start3A_46 = tpu.memref_squeeze %dma_start3A_45 : memref<1x2x128xi32, #tpu.memory_space<hbm>> -> memref<2x128xi32, #tpu.memory_space<hbm>>
    %dma_start3A_47 = arith.constant 0 : i32
    %dma_start3A_48 = arith.constant 0 : i32
    %dma_start3A_49 = tpu.memref_slice %arg3[%add3A_42, %dma_start3A_47, %dma_start3A_48] : memref<2560x2x128xi32, #tpu.memory_space<hbm>> -> memref<1x2x128xi32, #tpu.memory_space<hbm>>
    %dma_start3A_50 = tpu.memref_squeeze %dma_start3A_49 : memref<1x2x128xi32, #tpu.memory_space<hbm>> -> memref<2x128xi32, #tpu.memory_space<hbm>>
    tpu.enqueue_dma source(%dma_start3A_50 : memref<2x128xi32, #tpu.memory_space<hbm>>) target(%arg8 : memref<2x128xi32, #tpu.memory_space<vmem>>) target_semaphore(%arg18 : memref<!tpu.dma_semaphore, #tpu.memory_space<semaphore_mem>>)
    %barrier3A = arith.constant 0 : index
    tpu.barrier barrier_id(%barrier3A)
    %dma_wait3A = arith.constant 0 : i32
    %dma_wait3A_51 = arith.constant 0 : i32
    %dma_wait3A_52 = tpu.memref_slice %arg3[%select_n3A_10, %dma_wait3A, %dma_wait3A_51] : memref<2560x2x128xi32, #tpu.memory_space<hbm>> -> memref<1x2x128xi32, #tpu.memory_space<hbm>>
    %dma_wait3A_53 = tpu.memref_squeeze %dma_wait3A_52 : memref<1x2x128xi32, #tpu.memory_space<hbm>> -> memref<2x128xi32, #tpu.memory_space<hbm>>
    %dma_wait3A_54 = arith.constant 0 : i32
    %dma_wait3A_55 = arith.constant 0 : i32
    %dma_wait3A_56 = tpu.memref_slice %arg3[%select_n3A_10, %dma_wait3A_54, %dma_wait3A_55] : memref<2560x2x128xi32, #tpu.memory_space<hbm>> -> memref<1x2x128xi32, #tpu.memory_space<hbm>>
    %dma_wait3A_57 = tpu.memref_squeeze %dma_wait3A_56 : memref<1x2x128xi32, #tpu.memory_space<hbm>> -> memref<2x128xi32, #tpu.memory_space<hbm>>
    tpu.wait_dma2 semaphore(%arg15 : memref<!tpu.dma_semaphore, #tpu.memory_space<semaphore_mem>>) src(%dma_wait3A_57 : memref<2x128xi32, #tpu.memory_space<hbm>>) dst(%arg5 : memref<2x128xi32, #tpu.memory_space<vmem>>)
    %dma_start3A_58 = arith.constant 0 : i32
    %dma_start3A_59 = arith.constant 0 : i32
    %dma_start3A_60 = tpu.memref_slice %arg5[%dma_start3A_58, %dma_start3A_59] : memref<2x128xi32, #tpu.memory_space<vmem>> -> memref<1x128xi32, #tpu.memory_space<vmem>>
    %dma_start3A_61 = tpu.memref_squeeze %dma_start3A_60 : memref<1x128xi32, #tpu.memory_space<vmem>> -> memref<128xi32, #tpu.memory_space<vmem>>
    %dma_start3A_62 = arith.constant 0 : i32
    %dma_start3A_63 = arith.constant 0 : i32
    %dma_start3A_64 = tpu.memref_slice %arg13[%dma_start3A_62, %dma_start3A_63] : memref<10240x64xf32, #tpu.memory_space<vmem_shared>> -> memref<10240x64xf32, #tpu.memory_space<vmem_shared>>
    tpu.enqueue_indirect_dma source(%dma_start3A_64 : memref<10240x64xf32, #tpu.memory_space<vmem_shared>>) target(%arg9 : memref<128x64xf32, #tpu.memory_space<vmem>>) offsets(%dma_start3A_61 : memref<128xi32, #tpu.memory_space<vmem>>) semaphore(%arg19 : memref<!tpu.dma_semaphore, #tpu.memory_space<semaphore_mem>>)
    %dma_wait3A_65 = arith.constant 0 : i32
    %dma_wait3A_66 = arith.constant 0 : i32
    %dma_wait3A_67 = tpu.memref_slice %arg3[%select_n3A_10, %dma_wait3A_65, %dma_wait3A_66] : memref<2560x2x128xi32, #tpu.memory_space<hbm>> -> memref<1x2x128xi32, #tpu.memory_space<hbm>>
    %dma_wait3A_68 = tpu.memref_squeeze %dma_wait3A_67 : memref<1x2x128xi32, #tpu.memory_space<hbm>> -> memref<2x128xi32, #tpu.memory_space<hbm>>
    %dma_wait3A_69 = arith.constant 0 : i32
    %dma_wait3A_70 = arith.constant 0 : i32
    %dma_wait3A_71 = tpu.memref_slice %arg3[%select_n3A_10, %dma_wait3A_69, %dma_wait3A_70] : memref<2560x2x128xi32, #tpu.memory_space<hbm>> -> memref<1x2x128xi32, #tpu.memory_space<hbm>>
    %dma_wait3A_72 = tpu.memref_squeeze %dma_wait3A_71 : memref<1x2x128xi32, #tpu.memory_space<hbm>> -> memref<2x128xi32, #tpu.memory_space<hbm>>
    tpu.wait_dma2 semaphore(%arg16 : memref<!tpu.dma_semaphore, #tpu.memory_space<semaphore_mem>>) src(%dma_wait3A_72 : memref<2x128xi32, #tpu.memory_space<hbm>>) dst(%arg6 : memref<2x128xi32, #tpu.memory_space<vmem>>)
    %dma_start3A_73 = arith.constant 0 : i32
    %dma_start3A_74 = arith.constant 0 : i32
    %dma_start3A_75 = tpu.memref_slice %arg6[%dma_start3A_73, %dma_start3A_74] : memref<2x128xi32, #tpu.memory_space<vmem>> -> memref<1x128xi32, #tpu.memory_space<vmem>>
    %dma_start3A_76 = tpu.memref_squeeze %dma_start3A_75 : memref<1x128xi32, #tpu.memory_space<vmem>> -> memref<128xi32, #tpu.memory_space<vmem>>
    %dma_start3A_77 = arith.constant 0 : i32
    %dma_start3A_78 = arith.constant 0 : i32
    %dma_start3A_79 = tpu.memref_slice %arg13[%dma_start3A_77, %dma_start3A_78] : memref<10240x64xf32, #tpu.memory_space<vmem_shared>> -> memref<10240x64xf32, #tpu.memory_space<vmem_shared>>
    tpu.enqueue_indirect_dma source(%dma_start3A_79 : memref<10240x64xf32, #tpu.memory_space<vmem_shared>>) target(%arg10 : memref<128x64xf32, #tpu.memory_space<vmem>>) offsets(%dma_start3A_76 : memref<128xi32, #tpu.memory_space<vmem>>) semaphore(%arg20 : memref<!tpu.dma_semaphore, #tpu.memory_space<semaphore_mem>>)
    %dma_wait3A_80 = arith.constant 0 : i32
    %dma_wait3A_81 = arith.constant 0 : i32
    %dma_wait3A_82 = tpu.memref_slice %arg3[%select_n3A_10, %dma_wait3A_80, %dma_wait3A_81] : memref<2560x2x128xi32, #tpu.memory_space<hbm>> -> memref<1x2x128xi32, #tpu.memory_space<hbm>>
    %dma_wait3A_83 = tpu.memref_squeeze %dma_wait3A_82 : memref<1x2x128xi32, #tpu.memory_space<hbm>> -> memref<2x128xi32, #tpu.memory_space<hbm>>
    %dma_wait3A_84 = arith.constant 0 : i32
    %dma_wait3A_85 = arith.constant 0 : i32
    %dma_wait3A_86 = tpu.memref_slice %arg3[%select_n3A_10, %dma_wait3A_84, %dma_wait3A_85] : memref<2560x2x128xi32, #tpu.memory_space<hbm>> -> memref<1x2x128xi32, #tpu.memory_space<hbm>>
    %dma_wait3A_87 = tpu.memref_squeeze %dma_wait3A_86 : memref<1x2x128xi32, #tpu.memory_space<hbm>> -> memref<2x128xi32, #tpu.memory_space<hbm>>
    tpu.wait_dma2 semaphore(%arg17 : memref<!tpu.dma_semaphore, #tpu.memory_space<semaphore_mem>>) src(%dma_wait3A_87 : memref<2x128xi32, #tpu.memory_space<hbm>>) dst(%arg7 : memref<2x128xi32, #tpu.memory_space<vmem>>)
    %dma_start3A_88 = arith.constant 0 : i32
    %dma_start3A_89 = arith.constant 0 : i32
    %dma_start3A_90 = tpu.memref_slice %arg7[%dma_start3A_88, %dma_start3A_89] : memref<2x128xi32, #tpu.memory_space<vmem>> -> memref<1x128xi32, #tpu.memory_space<vmem>>
    %dma_start3A_91 = tpu.memref_squeeze %dma_start3A_90 : memref<1x128xi32, #tpu.memory_space<vmem>> -> memref<128xi32, #tpu.memory_space<vmem>>
    %dma_start3A_92 = arith.constant 0 : i32
    %dma_start3A_93 = arith.constant 0 : i32
    %dma_start3A_94 = tpu.memref_slice %arg13[%dma_start3A_92, %dma_start3A_93] : memref<10240x64xf32, #tpu.memory_space<vmem_shared>> -> memref<10240x64xf32, #tpu.memory_space<vmem_shared>>
    tpu.enqueue_indirect_dma source(%dma_start3A_94 : memref<10240x64xf32, #tpu.memory_space<vmem_shared>>) target(%arg11 : memref<128x64xf32, #tpu.memory_space<vmem>>) offsets(%dma_start3A_91 : memref<128xi32, #tpu.memory_space<vmem>>) semaphore(%arg21 : memref<!tpu.dma_semaphore, #tpu.memory_space<semaphore_mem>>)
    %eq3A_95 = arith.constant 0 : i32
    %eq3A_96 = arith.cmpi eq, %arg0, %eq3A_95 : i32
    %jit3A_97 = arith.constant 20 : i32
    %jit3A_98 = arith.constant 20 : i32
    %select_n3A_99 = arith.select %eq3A_96, %jit3A_97, %jit3A_98 : i32
    %while3A = arith.constant 0 : i32
    %while3A_100 = arith.constant 0 : i32
    %while3A_101 = arith.subi %select_n3A_99, %while3A_100 : i32
    %while3A_102 = arith.addi %while3A_100, %while3A_101 : i32
    %while3A_103 = arith.constant 1 : i32
    %while3A_104 = arith.divsi %while3A_101, %while3A_103 : i32
    %while3A_105 = arith.muli %while3A_104, %while3A_103 : i32
    %while3A_106 = arith.addi %while3A_100, %while3A_105 : i32
    %while3A_107 = arith.constant 1 : i32
    scf.for %while3A_274 = %while3A_100 to %while3A_106 step %while3A_107  : i32 {
      %mul3A_275 = arith.constant 4 : i32
      %mul3A_276 = arith.muli %while3A_274, %mul3A_275 : i32
      %add3A_277 = arith.constant 0 : i32
      %add3A_278 = arith.addi %mul3A_276, %add3A_277 : i32
      %dma_wait3A_279 = arith.constant 0 : i32
      %dma_wait3A_280 = arith.constant 0 : i32
      %dma_wait3A_281 = tpu.memref_slice %arg3[%select_n3A_10, %dma_wait3A_279, %dma_wait3A_280] : memref<2560x2x128xi32, #tpu.memory_space<hbm>> -> memref<1x2x128xi32, #tpu.memory_space<hbm>>
      %dma_wait3A_282 = tpu.memref_squeeze %dma_wait3A_281 : memref<1x2x128xi32, #tpu.memory_space<hbm>> -> memref<2x128xi32, #tpu.memory_space<hbm>>
      %dma_wait3A_283 = arith.constant 0 : i32
      %dma_wait3A_284 = arith.constant 0 : i32
      %dma_wait3A_285 = tpu.memref_slice %arg3[%select_n3A_10, %dma_wait3A_283, %dma_wait3A_284] : memref<2560x2x128xi32, #tpu.memory_space<hbm>> -> memref<1x2x128xi32, #tpu.memory_space<hbm>>
      %dma_wait3A_286 = tpu.memref_squeeze %dma_wait3A_285 : memref<1x2x128xi32, #tpu.memory_space<hbm>> -> memref<2x128xi32, #tpu.memory_space<hbm>>
      tpu.wait_dma2 semaphore(%arg18 : memref<!tpu.dma_semaphore, #tpu.memory_space<semaphore_mem>>) src(%dma_wait3A_286 : memref<2x128xi32, #tpu.memory_space<hbm>>) dst(%arg8 : memref<2x128xi32, #tpu.memory_space<vmem>>)
      %dma_start3A_287 = arith.constant 0 : i32
      %dma_start3A_288 = arith.constant 0 : i32
      %dma_start3A_289 = tpu.memref_slice %arg8[%dma_start3A_287, %dma_start3A_288] : memref<2x128xi32, #tpu.memory_space<vmem>> -> memref<1x128xi32, #tpu.memory_space<vmem>>
      %dma_start3A_290 = tpu.memref_squeeze %dma_start3A_289 : memref<1x128xi32, #tpu.memory_space<vmem>> -> memref<128xi32, #tpu.memory_space<vmem>>
      %dma_start3A_291 = arith.constant 0 : i32
      %dma_start3A_292 = arith.constant 0 : i32
      %dma_start3A_293 = tpu.memref_slice %arg13[%dma_start3A_291, %dma_start3A_292] : memref<10240x64xf32, #tpu.memory_space<vmem_shared>> -> memref<10240x64xf32, #tpu.memory_space<vmem_shared>>
      tpu.enqueue_indirect_dma source(%dma_start3A_293 : memref<10240x64xf32, #tpu.memory_space<vmem_shared>>) target(%arg12 : memref<128x64xf32, #tpu.memory_space<vmem>>) offsets(%dma_start3A_290 : memref<128xi32, #tpu.memory_space<vmem>>) semaphore(%arg22 : memref<!tpu.dma_semaphore, #tpu.memory_space<semaphore_mem>>)
      %dma_wait3A_294 = arith.constant 0 : i32
      %dma_wait3A_295 = arith.constant 0 : i32
      %dma_wait3A_296 = tpu.memref_slice %arg5[%dma_wait3A_294, %dma_wait3A_295] : memref<2x128xi32, #tpu.memory_space<vmem>> -> memref<1x128xi32, #tpu.memory_space<vmem>>
      %dma_wait3A_297 = tpu.memref_squeeze %dma_wait3A_296 : memref<1x128xi32, #tpu.memory_space<vmem>> -> memref<128xi32, #tpu.memory_space<vmem>>
      %dma_wait3A_298 = arith.constant 0 : i32
      %dma_wait3A_299 = arith.constant 0 : i32
      %dma_wait3A_300 = tpu.memref_slice %arg13[%dma_wait3A_298, %dma_wait3A_299] : memref<10240x64xf32, #tpu.memory_space<vmem_shared>> -> memref<10240x64xf32, #tpu.memory_space<vmem_shared>>
      tpu.wait_indirect_dma semaphore(%arg19 : memref<!tpu.dma_semaphore, #tpu.memory_space<semaphore_mem>>) src(%dma_wait3A_300 : memref<10240x64xf32, #tpu.memory_space<vmem_shared>>) dst(%arg9 : memref<128x64xf32, #tpu.memory_space<vmem>>)
      %run_scoped3A_301 = arith.constant 1 : i32
      "tpu.region"() ({
        %run_scoped3A_437 = tpu.sem_alloc : memref<!tpu.dma_semaphore, #tpu.memory_space<semaphore_mem>>
        %dma_start3A_438 = arith.constant 0 : i32
        %dma_start3A_439 = tpu.memref_slice %arg5[%run_scoped3A_301, %dma_start3A_438] : memref<2x128xi32, #tpu.memory_space<vmem>> -> memref<1x128xi32, #tpu.memory_space<vmem>>
        %dma_start3A_440 = tpu.memref_squeeze %dma_start3A_439 : memref<1x128xi32, #tpu.memory_space<vmem>> -> memref<128xi32, #tpu.memory_space<vmem>>
        %dma_start3A_441 = arith.constant 0 : i32
        %dma_start3A_442 = arith.constant 0 : i32
        %dma_start3A_443 = tpu.memref_slice %arg14[%dma_start3A_441, %dma_start3A_442] : memref<10240x64xf32, #tpu.memory_space<vmem_shared>> -> memref<10240x64xf32, #tpu.memory_space<vmem_shared>>
        tpu.enqueue_indirect_dma source(%arg9 : memref<128x64xf32, #tpu.memory_space<vmem>>) target(%dma_start3A_443 : memref<10240x64xf32, #tpu.memory_space<vmem_shared>>) offsets(%dma_start3A_440 : memref<128xi32, #tpu.memory_space<vmem>>) semaphore(%run_scoped3A_437 : memref<!tpu.dma_semaphore, #tpu.memory_space<semaphore_mem>>) {add = true}
        %dma_wait3A_444 = arith.constant 0 : i32
        %dma_wait3A_445 = tpu.memref_slice %arg5[%run_scoped3A_301, %dma_wait3A_444] : memref<2x128xi32, #tpu.memory_space<vmem>> -> memref<1x128xi32, #tpu.memory_space<vmem>>
        %dma_wait3A_446 = tpu.memref_squeeze %dma_wait3A_445 : memref<1x128xi32, #tpu.memory_space<vmem>> -> memref<128xi32, #tpu.memory_space<vmem>>
        %dma_wait3A_447 = arith.constant 0 : i32
        %dma_wait3A_448 = arith.constant 0 : i32
        %dma_wait3A_449 = tpu.memref_slice %arg14[%dma_wait3A_447, %dma_wait3A_448] : memref<10240x64xf32, #tpu.memory_space<vmem_shared>> -> memref<10240x64xf32, #tpu.memory_space<vmem_shared>>
        tpu.wait_indirect_dma semaphore(%run_scoped3A_437 : memref<!tpu.dma_semaphore, #tpu.memory_space<semaphore_mem>>) src(%arg9 : memref<128x64xf32, #tpu.memory_space<vmem>>) dst(%dma_wait3A_449 : memref<10240x64xf32, #tpu.memory_space<vmem_shared>>)
        tpu.yield
      }) : () -> ()
      %add3A_302 = arith.constant 4 : i32
      %add3A_303 = arith.addi %add3A_278, %add3A_302 : i32
      %sub3A = arith.constant 1 : i32
      %sub3A_304 = arith.subi %select_n3A, %sub3A : i32
      %min3A = arith.minsi %add3A_303, %sub3A_304 : i32
      %add3A_305 = arith.addi %select_n3A_10, %min3A : i32
      %dma_start3A_306 = arith.constant 0 : i32
      %dma_start3A_307 = arith.constant 0 : i32
      %dma_start3A_308 = tpu.memref_slice %arg3[%add3A_305, %dma_start3A_306, %dma_start3A_307] : memref<2560x2x128xi32, #tpu.memory_space<hbm>> -> memref<1x2x128xi32, #tpu.memory_space<hbm>>
      %dma_start3A_309 = tpu.memref_squeeze %dma_start3A_308 : memref<1x2x128xi32, #tpu.memory_space<hbm>> -> memref<2x128xi32, #tpu.memory_space<hbm>>
      %dma_start3A_310 = arith.constant 0 : i32
      %dma_start3A_311 = arith.constant 0 : i32
      %dma_start3A_312 = tpu.memref_slice %arg3[%add3A_305, %dma_start3A_310, %dma_start3A_311] : memref<2560x2x128xi32, #tpu.memory_space<hbm>> -> memref<1x2x128xi32, #tpu.memory_space<hbm>>
      %dma_start3A_313 = tpu.memref_squeeze %dma_start3A_312 : memref<1x2x128xi32, #tpu.memory_space<hbm>> -> memref<2x128xi32, #tpu.memory_space<hbm>>
      tpu.enqueue_dma source(%dma_start3A_313 : memref<2x128xi32, #tpu.memory_space<hbm>>) target(%arg5 : memref<2x128xi32, #tpu.memory_space<vmem>>) target_semaphore(%arg15 : memref<!tpu.dma_semaphore, #tpu.memory_space<semaphore_mem>>)
      %mul3A_314 = arith.constant 4 : i32
      %mul3A_315 = arith.muli %while3A_274, %mul3A_314 : i32
      %add3A_316 = arith.constant 1 : i32
      %add3A_317 = arith.addi %mul3A_315, %add3A_316 : i32
      %dma_wait3A_318 = arith.constant 0 : i32
      %dma_wait3A_319 = arith.constant 0 : i32
      %dma_wait3A_320 = tpu.memref_slice %arg3[%select_n3A_10, %dma_wait3A_318, %dma_wait3A_319] : memref<2560x2x128xi32, #tpu.memory_space<hbm>> -> memref<1x2x128xi32, #tpu.memory_space<hbm>>
      %dma_wait3A_321 = tpu.memref_squeeze %dma_wait3A_320 : memref<1x2x128xi32, #tpu.memory_space<hbm>> -> memref<2x128xi32, #tpu.memory_space<hbm>>
      %dma_wait3A_322 = arith.constant 0 : i32
      %dma_wait3A_323 = arith.constant 0 : i32
      %dma_wait3A_324 = tpu.memref_slice %arg3[%select_n3A_10, %dma_wait3A_322, %dma_wait3A_323] : memref<2560x2x128xi32, #tpu.memory_space<hbm>> -> memref<1x2x128xi32, #tpu.memory_space<hbm>>
      %dma_wait3A_325 = tpu.memref_squeeze %dma_wait3A_324 : memref<1x2x128xi32, #tpu.memory_space<hbm>> -> memref<2x128xi32, #tpu.memory_space<hbm>>
      tpu.wait_dma2 semaphore(%arg15 : memref<!tpu.dma_semaphore, #tpu.memory_space<semaphore_mem>>) src(%dma_wait3A_325 : memref<2x128xi32, #tpu.memory_space<hbm>>) dst(%arg5 : memref<2x128xi32, #tpu.memory_space<vmem>>)
      %dma_start3A_326 = arith.constant 0 : i32
      %dma_start3A_327 = arith.constant 0 : i32
      %dma_start3A_328 = tpu.memref_slice %arg5[%dma_start3A_326, %dma_start3A_327] : memref<2x128xi32, #tpu.memory_space<vmem>> -> memref<1x128xi32, #tpu.memory_space<vmem>>
      %dma_start3A_329 = tpu.memref_squeeze %dma_start3A_328 : memref<1x128xi32, #tpu.memory_space<vmem>> -> memref<128xi32, #tpu.memory_space<vmem>>
      %dma_start3A_330 = arith.constant 0 : i32
      %dma_start3A_331 = arith.constant 0 : i32
      %dma_start3A_332 = tpu.memref_slice %arg13[%dma_start3A_330, %dma_start3A_331] : memref<10240x64xf32, #tpu.memory_space<vmem_shared>> -> memref<10240x64xf32, #tpu.memory_space<vmem_shared>>
      tpu.enqueue_indirect_dma source(%dma_start3A_332 : memref<10240x64xf32, #tpu.memory_space<vmem_shared>>) target(%arg9 : memref<128x64xf32, #tpu.memory_space<vmem>>) offsets(%dma_start3A_329 : memref<128xi32, #tpu.memory_space<vmem>>) semaphore(%arg19 : memref<!tpu.dma_semaphore, #tpu.memory_space<semaphore_mem>>)
      %dma_wait3A_333 = arith.constant 0 : i32
      %dma_wait3A_334 = arith.constant 0 : i32
      %dma_wait3A_335 = tpu.memref_slice %arg6[%dma_wait3A_333, %dma_wait3A_334] : memref<2x128xi32, #tpu.memory_space<vmem>> -> memref<1x128xi32, #tpu.memory_space<vmem>>
      %dma_wait3A_336 = tpu.memref_squeeze %dma_wait3A_335 : memref<1x128xi32, #tpu.memory_space<vmem>> -> memref<128xi32, #tpu.memory_space<vmem>>
      %dma_wait3A_337 = arith.constant 0 : i32
      %dma_wait3A_338 = arith.constant 0 : i32
      %dma_wait3A_339 = tpu.memref_slice %arg13[%dma_wait3A_337, %dma_wait3A_338] : memref<10240x64xf32, #tpu.memory_space<vmem_shared>> -> memref<10240x64xf32, #tpu.memory_space<vmem_shared>>
      tpu.wait_indirect_dma semaphore(%arg20 : memref<!tpu.dma_semaphore, #tpu.memory_space<semaphore_mem>>) src(%dma_wait3A_339 : memref<10240x64xf32, #tpu.memory_space<vmem_shared>>) dst(%arg10 : memref<128x64xf32, #tpu.memory_space<vmem>>)
      %run_scoped3A_340 = arith.constant 1 : i32
      "tpu.region"() ({
        %run_scoped3A_437 = tpu.sem_alloc : memref<!tpu.dma_semaphore, #tpu.memory_space<semaphore_mem>>
        %dma_start3A_438 = arith.constant 0 : i32
        %dma_start3A_439 = tpu.memref_slice %arg6[%run_scoped3A_340, %dma_start3A_438] : memref<2x128xi32, #tpu.memory_space<vmem>> -> memref<1x128xi32, #tpu.memory_space<vmem>>
        %dma_start3A_440 = tpu.memref_squeeze %dma_start3A_439 : memref<1x128xi32, #tpu.memory_space<vmem>> -> memref<128xi32, #tpu.memory_space<vmem>>
        %dma_start3A_441 = arith.constant 0 : i32
        %dma_start3A_442 = arith.constant 0 : i32
        %dma_start3A_443 = tpu.memref_slice %arg14[%dma_start3A_441, %dma_start3A_442] : memref<10240x64xf32, #tpu.memory_space<vmem_shared>> -> memref<10240x64xf32, #tpu.memory_space<vmem_shared>>
        tpu.enqueue_indirect_dma source(%arg10 : memref<128x64xf32, #tpu.memory_space<vmem>>) target(%dma_start3A_443 : memref<10240x64xf32, #tpu.memory_space<vmem_shared>>) offsets(%dma_start3A_440 : memref<128xi32, #tpu.memory_space<vmem>>) semaphore(%run_scoped3A_437 : memref<!tpu.dma_semaphore, #tpu.memory_space<semaphore_mem>>) {add = true}
        %dma_wait3A_444 = arith.constant 0 : i32
        %dma_wait3A_445 = tpu.memref_slice %arg6[%run_scoped3A_340, %dma_wait3A_444] : memref<2x128xi32, #tpu.memory_space<vmem>> -> memref<1x128xi32, #tpu.memory_space<vmem>>
        %dma_wait3A_446 = tpu.memref_squeeze %dma_wait3A_445 : memref<1x128xi32, #tpu.memory_space<vmem>> -> memref<128xi32, #tpu.memory_space<vmem>>
        %dma_wait3A_447 = arith.constant 0 : i32
        %dma_wait3A_448 = arith.constant 0 : i32
        %dma_wait3A_449 = tpu.memref_slice %arg14[%dma_wait3A_447, %dma_wait3A_448] : memref<10240x64xf32, #tpu.memory_space<vmem_shared>> -> memref<10240x64xf32, #tpu.memory_space<vmem_shared>>
        tpu.wait_indirect_dma semaphore(%run_scoped3A_437 : memref<!tpu.dma_semaphore, #tpu.memory_space<semaphore_mem>>) src(%arg10 : memref<128x64xf32, #tpu.memory_space<vmem>>) dst(%dma_wait3A_449 : memref<10240x64xf32, #tpu.memory_space<vmem_shared>>)
        tpu.yield
      }) : () -> ()
      %add3A_341 = arith.constant 4 : i32
      %add3A_342 = arith.addi %add3A_317, %add3A_341 : i32
      %sub3A_343 = arith.constant 1 : i32
      %sub3A_344 = arith.subi %select_n3A, %sub3A_343 : i32
      %min3A_345 = arith.minsi %add3A_342, %sub3A_344 : i32
      %add3A_346 = arith.addi %select_n3A_10, %min3A_345 : i32
      %dma_start3A_347 = arith.constant 0 : i32
      %dma_start3A_348 = arith.constant 0 : i32
      %dma_start3A_349 = tpu.memref_slice %arg3[%add3A_346, %dma_start3A_347, %dma_start3A_348] : memref<2560x2x128xi32, #tpu.memory_space<hbm>> -> memref<1x2x128xi32, #tpu.memory_space<hbm>>
      %dma_start3A_350 = tpu.memref_squeeze %dma_start3A_349 : memref<1x2x128xi32, #tpu.memory_space<hbm>> -> memref<2x128xi32, #tpu.memory_space<hbm>>
      %dma_start3A_351 = arith.constant 0 : i32
      %dma_start3A_352 = arith.constant 0 : i32
      %dma_start3A_353 = tpu.memref_slice %arg3[%add3A_346, %dma_start3A_351, %dma_start3A_352] : memref<2560x2x128xi32, #tpu.memory_space<hbm>> -> memref<1x2x128xi32, #tpu.memory_space<hbm>>
      %dma_start3A_354 = tpu.memref_squeeze %dma_start3A_353 : memref<1x2x128xi32, #tpu.memory_space<hbm>> -> memref<2x128xi32, #tpu.memory_space<hbm>>
      tpu.enqueue_dma source(%dma_start3A_354 : memref<2x128xi32, #tpu.memory_space<hbm>>) target(%arg6 : memref<2x128xi32, #tpu.memory_space<vmem>>) target_semaphore(%arg16 : memref<!tpu.dma_semaphore, #tpu.memory_space<semaphore_mem>>)
      %mul3A_355 = arith.constant 4 : i32
      %mul3A_356 = arith.muli %while3A_274, %mul3A_355 : i32
      %add3A_357 = arith.constant 2 : i32
      %add3A_358 = arith.addi %mul3A_356, %add3A_357 : i32
      %dma_wait3A_359 = arith.constant 0 : i32
      %dma_wait3A_360 = arith.constant 0 : i32
      %dma_wait3A_361 = tpu.memref_slice %arg3[%select_n3A_10, %dma_wait3A_359, %dma_wait3A_360] : memref<2560x2x128xi32, #tpu.memory_space<hbm>> -> memref<1x2x128xi32, #tpu.memory_space<hbm>>
      %dma_wait3A_362 = tpu.memref_squeeze %dma_wait3A_361 : memref<1x2x128xi32, #tpu.memory_space<hbm>> -> memref<2x128xi32, #tpu.memory_space<hbm>>
      %dma_wait3A_363 = arith.constant 0 : i32
      %dma_wait3A_364 = arith.constant 0 : i32
      %dma_wait3A_365 = tpu.memref_slice %arg3[%select_n3A_10, %dma_wait3A_363, %dma_wait3A_364] : memref<2560x2x128xi32, #tpu.memory_space<hbm>> -> memref<1x2x128xi32, #tpu.memory_space<hbm>>
      %dma_wait3A_366 = tpu.memref_squeeze %dma_wait3A_365 : memref<1x2x128xi32, #tpu.memory_space<hbm>> -> memref<2x128xi32, #tpu.memory_space<hbm>>
      tpu.wait_dma2 semaphore(%arg16 : memref<!tpu.dma_semaphore, #tpu.memory_space<semaphore_mem>>) src(%dma_wait3A_366 : memref<2x128xi32, #tpu.memory_space<hbm>>) dst(%arg6 : memref<2x128xi32, #tpu.memory_space<vmem>>)
      %dma_start3A_367 = arith.constant 0 : i32
      %dma_start3A_368 = arith.constant 0 : i32
      %dma_start3A_369 = tpu.memref_slice %arg6[%dma_start3A_367, %dma_start3A_368] : memref<2x128xi32, #tpu.memory_space<vmem>> -> memref<1x128xi32, #tpu.memory_space<vmem>>
      %dma_start3A_370 = tpu.memref_squeeze %dma_start3A_369 : memref<1x128xi32, #tpu.memory_space<vmem>> -> memref<128xi32, #tpu.memory_space<vmem>>
      %dma_start3A_371 = arith.constant 0 : i32
      %dma_start3A_372 = arith.constant 0 : i32
      %dma_start3A_373 = tpu.memref_slice %arg13[%dma_start3A_371, %dma_start3A_372] : memref<10240x64xf32, #tpu.memory_space<vmem_shared>> -> memref<10240x64xf32, #tpu.memory_space<vmem_shared>>
      tpu.enqueue_indirect_dma source(%dma_start3A_373 : memref<10240x64xf32, #tpu.memory_space<vmem_shared>>) target(%arg10 : memref<128x64xf32, #tpu.memory_space<vmem>>) offsets(%dma_start3A_370 : memref<128xi32, #tpu.memory_space<vmem>>) semaphore(%arg20 : memref<!tpu.dma_semaphore, #tpu.memory_space<semaphore_mem>>)
      %dma_wait3A_374 = arith.constant 0 : i32
      %dma_wait3A_375 = arith.constant 0 : i32
      %dma_wait3A_376 = tpu.memref_slice %arg7[%dma_wait3A_374, %dma_wait3A_375] : memref<2x128xi32, #tpu.memory_space<vmem>> -> memref<1x128xi32, #tpu.memory_space<vmem>>
      %dma_wait3A_377 = tpu.memref_squeeze %dma_wait3A_376 : memref<1x128xi32, #tpu.memory_space<vmem>> -> memref<128xi32, #tpu.memory_space<vmem>>
      %dma_wait3A_378 = arith.constant 0 : i32
      %dma_wait3A_379 = arith.constant 0 : i32
      %dma_wait3A_380 = tpu.memref_slice %arg13[%dma_wait3A_378, %dma_wait3A_379] : memref<10240x64xf32, #tpu.memory_space<vmem_shared>> -> memref<10240x64xf32, #tpu.memory_space<vmem_shared>>
      tpu.wait_indirect_dma semaphore(%arg21 : memref<!tpu.dma_semaphore, #tpu.memory_space<semaphore_mem>>) src(%dma_wait3A_380 : memref<10240x64xf32, #tpu.memory_space<vmem_shared>>) dst(%arg11 : memref<128x64xf32, #tpu.memory_space<vmem>>)
      %run_scoped3A_381 = arith.constant 1 : i32
      "tpu.region"() ({
        %run_scoped3A_437 = tpu.sem_alloc : memref<!tpu.dma_semaphore, #tpu.memory_space<semaphore_mem>>
        %dma_start3A_438 = arith.constant 0 : i32
        %dma_start3A_439 = tpu.memref_slice %arg7[%run_scoped3A_381, %dma_start3A_438] : memref<2x128xi32, #tpu.memory_space<vmem>> -> memref<1x128xi32, #tpu.memory_space<vmem>>
        %dma_start3A_440 = tpu.memref_squeeze %dma_start3A_439 : memref<1x128xi32, #tpu.memory_space<vmem>> -> memref<128xi32, #tpu.memory_space<vmem>>
        %dma_start3A_441 = arith.constant 0 : i32
        %dma_start3A_442 = arith.constant 0 : i32
        %dma_start3A_443 = tpu.memref_slice %arg14[%dma_start3A_441, %dma_start3A_442] : memref<10240x64xf32, #tpu.memory_space<vmem_shared>> -> memref<10240x64xf32, #tpu.memory_space<vmem_shared>>
        tpu.enqueue_indirect_dma source(%arg11 : memref<128x64xf32, #tpu.memory_space<vmem>>) target(%dma_start3A_443 : memref<10240x64xf32, #tpu.memory_space<vmem_shared>>) offsets(%dma_start3A_440 : memref<128xi32, #tpu.memory_space<vmem>>) semaphore(%run_scoped3A_437 : memref<!tpu.dma_semaphore, #tpu.memory_space<semaphore_mem>>) {add = true}
        %dma_wait3A_444 = arith.constant 0 : i32
        %dma_wait3A_445 = tpu.memref_slice %arg7[%run_scoped3A_381, %dma_wait3A_444] : memref<2x128xi32, #tpu.memory_space<vmem>> -> memref<1x128xi32, #tpu.memory_space<vmem>>
        %dma_wait3A_446 = tpu.memref_squeeze %dma_wait3A_445 : memref<1x128xi32, #tpu.memory_space<vmem>> -> memref<128xi32, #tpu.memory_space<vmem>>
        %dma_wait3A_447 = arith.constant 0 : i32
        %dma_wait3A_448 = arith.constant 0 : i32
        %dma_wait3A_449 = tpu.memref_slice %arg14[%dma_wait3A_447, %dma_wait3A_448] : memref<10240x64xf32, #tpu.memory_space<vmem_shared>> -> memref<10240x64xf32, #tpu.memory_space<vmem_shared>>
        tpu.wait_indirect_dma semaphore(%run_scoped3A_437 : memref<!tpu.dma_semaphore, #tpu.memory_space<semaphore_mem>>) src(%arg11 : memref<128x64xf32, #tpu.memory_space<vmem>>) dst(%dma_wait3A_449 : memref<10240x64xf32, #tpu.memory_space<vmem_shared>>)
        tpu.yield
      }) : () -> ()
      %add3A_382 = arith.constant 4 : i32
      %add3A_383 = arith.addi %add3A_358, %add3A_382 : i32
      %sub3A_384 = arith.constant 1 : i32
      %sub3A_385 = arith.subi %select_n3A, %sub3A_384 : i32
      %min3A_386 = arith.minsi %add3A_383, %sub3A_385 : i32
      %add3A_387 = arith.addi %select_n3A_10, %min3A_386 : i32
      %dma_start3A_388 = arith.constant 0 : i32
      %dma_start3A_389 = arith.constant 0 : i32
      %dma_start3A_390 = tpu.memref_slice %arg3[%add3A_387, %dma_start3A_388, %dma_start3A_389] : memref<2560x2x128xi32, #tpu.memory_space<hbm>> -> memref<1x2x128xi32, #tpu.memory_space<hbm>>
      %dma_start3A_391 = tpu.memref_squeeze %dma_start3A_390 : memref<1x2x128xi32, #tpu.memory_space<hbm>> -> memref<2x128xi32, #tpu.memory_space<hbm>>
      %dma_start3A_392 = arith.constant 0 : i32
      %dma_start3A_393 = arith.constant 0 : i32
      %dma_start3A_394 = tpu.memref_slice %arg3[%add3A_387, %dma_start3A_392, %dma_start3A_393] : memref<2560x2x128xi32, #tpu.memory_space<hbm>> -> memref<1x2x128xi32, #tpu.memory_space<hbm>>
      %dma_start3A_395 = tpu.memref_squeeze %dma_start3A_394 : memref<1x2x128xi32, #tpu.memory_space<hbm>> -> memref<2x128xi32, #tpu.memory_space<hbm>>
      tpu.enqueue_dma source(%dma_start3A_395 : memref<2x128xi32, #tpu.memory_space<hbm>>) target(%arg7 : memref<2x128xi32, #tpu.memory_space<vmem>>) target_semaphore(%arg17 : memref<!tpu.dma_semaphore, #tpu.memory_space<semaphore_mem>>)
      %mul3A_396 = arith.constant 4 : i32
      %mul3A_397 = arith.muli %while3A_274, %mul3A_396 : i32
      %add3A_398 = arith.constant 3 : i32
      %add3A_399 = arith.addi %mul3A_397, %add3A_398 : i32
      %dma_wait3A_400 = arith.constant 0 : i32
      %dma_wait3A_401 = arith.constant 0 : i32
      %dma_wait3A_402 = tpu.memref_slice %arg3[%select_n3A_10, %dma_wait3A_400, %dma_wait3A_401] : memref<2560x2x128xi32, #tpu.memory_space<hbm>> -> memref<1x2x128xi32, #tpu.memory_space<hbm>>
      %dma_wait3A_403 = tpu.memref_squeeze %dma_wait3A_402 : memref<1x2x128xi32, #tpu.memory_space<hbm>> -> memref<2x128xi32, #tpu.memory_space<hbm>>
      %dma_wait3A_404 = arith.constant 0 : i32
      %dma_wait3A_405 = arith.constant 0 : i32
      %dma_wait3A_406 = tpu.memref_slice %arg3[%select_n3A_10, %dma_wait3A_404, %dma_wait3A_405] : memref<2560x2x128xi32, #tpu.memory_space<hbm>> -> memref<1x2x128xi32, #tpu.memory_space<hbm>>
      %dma_wait3A_407 = tpu.memref_squeeze %dma_wait3A_406 : memref<1x2x128xi32, #tpu.memory_space<hbm>> -> memref<2x128xi32, #tpu.memory_space<hbm>>
      tpu.wait_dma2 semaphore(%arg17 : memref<!tpu.dma_semaphore, #tpu.memory_space<semaphore_mem>>) src(%dma_wait3A_407 : memref<2x128xi32, #tpu.memory_space<hbm>>) dst(%arg7 : memref<2x128xi32, #tpu.memory_space<vmem>>)
      %dma_start3A_408 = arith.constant 0 : i32
      %dma_start3A_409 = arith.constant 0 : i32
      %dma_start3A_410 = tpu.memref_slice %arg7[%dma_start3A_408, %dma_start3A_409] : memref<2x128xi32, #tpu.memory_space<vmem>> -> memref<1x128xi32, #tpu.memory_space<vmem>>
      %dma_start3A_411 = tpu.memref_squeeze %dma_start3A_410 : memref<1x128xi32, #tpu.memory_space<vmem>> -> memref<128xi32, #tpu.memory_space<vmem>>
      %dma_start3A_412 = arith.constant 0 : i32
      %dma_start3A_413 = arith.constant 0 : i32
      %dma_start3A_414 = tpu.memref_slice %arg13[%dma_start3A_412, %dma_start3A_413] : memref<10240x64xf32, #tpu.memory_space<vmem_shared>> -> memref<10240x64xf32, #tpu.memory_space<vmem_shared>>
      tpu.enqueue_indirect_dma source(%dma_start3A_414 : memref<10240x64xf32, #tpu.memory_space<vmem_shared>>) target(%arg11 : memref<128x64xf32, #tpu.memory_space<vmem>>) offsets(%dma_start3A_411 : memref<128xi32, #tpu.memory_space<vmem>>) semaphore(%arg21 : memref<!tpu.dma_semaphore, #tpu.memory_space<semaphore_mem>>)
      %dma_wait3A_415 = arith.constant 0 : i32
      %dma_wait3A_416 = arith.constant 0 : i32
      %dma_wait3A_417 = tpu.memref_slice %arg8[%dma_wait3A_415, %dma_wait3A_416] : memref<2x128xi32, #tpu.memory_space<vmem>> -> memref<1x128xi32, #tpu.memory_space<vmem>>
      %dma_wait3A_418 = tpu.memref_squeeze %dma_wait3A_417 : memref<1x128xi32, #tpu.memory_space<vmem>> -> memref<128xi32, #tpu.memory_space<vmem>>
      %dma_wait3A_419 = arith.constant 0 : i32
      %dma_wait3A_420 = arith.constant 0 : i32
      %dma_wait3A_421 = tpu.memref_slice %arg13[%dma_wait3A_419, %dma_wait3A_420] : memref<10240x64xf32, #tpu.memory_space<vmem_shared>> -> memref<10240x64xf32, #tpu.memory_space<vmem_shared>>
      tpu.wait_indirect_dma semaphore(%arg22 : memref<!tpu.dma_semaphore, #tpu.memory_space<semaphore_mem>>) src(%dma_wait3A_421 : memref<10240x64xf32, #tpu.memory_space<vmem_shared>>) dst(%arg12 : memref<128x64xf32, #tpu.memory_space<vmem>>)
      %run_scoped3A_422 = arith.constant 1 : i32
      "tpu.region"() ({
        %run_scoped3A_437 = tpu.sem_alloc : memref<!tpu.dma_semaphore, #tpu.memory_space<semaphore_mem>>
        %dma_start3A_438 = arith.constant 0 : i32
        %dma_start3A_439 = tpu.memref_slice %arg8[%run_scoped3A_422, %dma_start3A_438] : memref<2x128xi32, #tpu.memory_space<vmem>> -> memref<1x128xi32, #tpu.memory_space<vmem>>
        %dma_start3A_440 = tpu.memref_squeeze %dma_start3A_439 : memref<1x128xi32, #tpu.memory_space<vmem>> -> memref<128xi32, #tpu.memory_space<vmem>>
        %dma_start3A_441 = arith.constant 0 : i32
        %dma_start3A_442 = arith.constant 0 : i32
        %dma_start3A_443 = tpu.memref_slice %arg14[%dma_start3A_441, %dma_start3A_442] : memref<10240x64xf32, #tpu.memory_space<vmem_shared>> -> memref<10240x64xf32, #tpu.memory_space<vmem_shared>>
        tpu.enqueue_indirect_dma source(%arg12 : memref<128x64xf32, #tpu.memory_space<vmem>>) target(%dma_start3A_443 : memref<10240x64xf32, #tpu.memory_space<vmem_shared>>) offsets(%dma_start3A_440 : memref<128xi32, #tpu.memory_space<vmem>>) semaphore(%run_scoped3A_437 : memref<!tpu.dma_semaphore, #tpu.memory_space<semaphore_mem>>) {add = true}
        %dma_wait3A_444 = arith.constant 0 : i32
        %dma_wait3A_445 = tpu.memref_slice %arg8[%run_scoped3A_422, %dma_wait3A_444] : memref<2x128xi32, #tpu.memory_space<vmem>> -> memref<1x128xi32, #tpu.memory_space<vmem>>
        %dma_wait3A_446 = tpu.memref_squeeze %dma_wait3A_445 : memref<1x128xi32, #tpu.memory_space<vmem>> -> memref<128xi32, #tpu.memory_space<vmem>>
        %dma_wait3A_447 = arith.constant 0 : i32
        %dma_wait3A_448 = arith.constant 0 : i32
        %dma_wait3A_449 = tpu.memref_slice %arg14[%dma_wait3A_447, %dma_wait3A_448] : memref<10240x64xf32, #tpu.memory_space<vmem_shared>> -> memref<10240x64xf32, #tpu.memory_space<vmem_shared>>
        tpu.wait_indirect_dma semaphore(%run_scoped3A_437 : memref<!tpu.dma_semaphore, #tpu.memory_space<semaphore_mem>>) src(%arg12 : memref<128x64xf32, #tpu.memory_space<vmem>>) dst(%dma_wait3A_449 : memref<10240x64xf32, #tpu.memory_space<vmem_shared>>)
        tpu.yield
      }) : () -> ()
      %add3A_423 = arith.constant 4 : i32
      %add3A_424 = arith.addi %add3A_399, %add3A_423 : i32
      %sub3A_425 = arith.constant 1 : i32
      %sub3A_426 = arith.subi %select_n3A, %sub3A_425 : i32
      %min3A_427 = arith.minsi %add3A_424, %sub3A_426 : i32
      %add3A_428 = arith.addi %select_n3A_10, %min3A_427 : i32
      %dma_start3A_429 = arith.constant 0 : i32
      %dma_start3A_430 = arith.constant 0 : i32
      %dma_start3A_431 = tpu.memref_slice %arg3[%add3A_428, %dma_start3A_429, %dma_start3A_430] : memref<2560x2x128xi32, #tpu.memory_space<hbm>> -> memref<1x2x128xi32, #tpu.memory_space<hbm>>
      %dma_start3A_432 = tpu.memref_squeeze %dma_start3A_431 : memref<1x2x128xi32, #tpu.memory_space<hbm>> -> memref<2x128xi32, #tpu.memory_space<hbm>>
      %dma_start3A_433 = arith.constant 0 : i32
      %dma_start3A_434 = arith.constant 0 : i32
      %dma_start3A_435 = tpu.memref_slice %arg3[%add3A_428, %dma_start3A_433, %dma_start3A_434] : memref<2560x2x128xi32, #tpu.memory_space<hbm>> -> memref<1x2x128xi32, #tpu.memory_space<hbm>>
      %dma_start3A_436 = tpu.memref_squeeze %dma_start3A_435 : memref<1x2x128xi32, #tpu.memory_space<hbm>> -> memref<2x128xi32, #tpu.memory_space<hbm>>
      tpu.enqueue_dma source(%dma_start3A_436 : memref<2x128xi32, #tpu.memory_space<hbm>>) target(%arg8 : memref<2x128xi32, #tpu.memory_space<vmem>>) target_semaphore(%arg18 : memref<!tpu.dma_semaphore, #tpu.memory_space<semaphore_mem>>)
    }
    %while3A_108 = arith.constant 1 : i32
    scf.for %while3A_274 = %while3A_106 to %while3A_102 step %while3A_108  : i32 {
      %mul3A_275 = arith.constant 4 : i32
      %mul3A_276 = arith.muli %while3A_274, %mul3A_275 : i32
      %add3A_277 = arith.constant 0 : i32
      %add3A_278 = arith.addi %mul3A_276, %add3A_277 : i32
      %dma_wait3A_279 = arith.constant 0 : i32
      %dma_wait3A_280 = arith.constant 0 : i32
      %dma_wait3A_281 = tpu.memref_slice %arg3[%select_n3A_10, %dma_wait3A_279, %dma_wait3A_280] : memref<2560x2x128xi32, #tpu.memory_space<hbm>> -> memref<1x2x128xi32, #tpu.memory_space<hbm>>
      %dma_wait3A_282 = tpu.memref_squeeze %dma_wait3A_281 : memref<1x2x128xi32, #tpu.memory_space<hbm>> -> memref<2x128xi32, #tpu.memory_space<hbm>>
      %dma_wait3A_283 = arith.constant 0 : i32
      %dma_wait3A_284 = arith.constant 0 : i32
      %dma_wait3A_285 = tpu.memref_slice %arg3[%select_n3A_10, %dma_wait3A_283, %dma_wait3A_284] : memref<2560x2x128xi32, #tpu.memory_space<hbm>> -> memref<1x2x128xi32, #tpu.memory_space<hbm>>
      %dma_wait3A_286 = tpu.memref_squeeze %dma_wait3A_285 : memref<1x2x128xi32, #tpu.memory_space<hbm>> -> memref<2x128xi32, #tpu.memory_space<hbm>>
      tpu.wait_dma2 semaphore(%arg18 : memref<!tpu.dma_semaphore, #tpu.memory_space<semaphore_mem>>) src(%dma_wait3A_286 : memref<2x128xi32, #tpu.memory_space<hbm>>) dst(%arg8 : memref<2x128xi32, #tpu.memory_space<vmem>>)
      %dma_start3A_287 = arith.constant 0 : i32
      %dma_start3A_288 = arith.constant 0 : i32
      %dma_start3A_289 = tpu.memref_slice %arg8[%dma_start3A_287, %dma_start3A_288] : memref<2x128xi32, #tpu.memory_space<vmem>> -> memref<1x128xi32, #tpu.memory_space<vmem>>
      %dma_start3A_290 = tpu.memref_squeeze %dma_start3A_289 : memref<1x128xi32, #tpu.memory_space<vmem>> -> memref<128xi32, #tpu.memory_space<vmem>>
      %dma_start3A_291 = arith.constant 0 : i32
      %dma_start3A_292 = arith.constant 0 : i32
      %dma_start3A_293 = tpu.memref_slice %arg13[%dma_start3A_291, %dma_start3A_292] : memref<10240x64xf32, #tpu.memory_space<vmem_shared>> -> memref<10240x64xf32, #tpu.memory_space<vmem_shared>>
      tpu.enqueue_indirect_dma source(%dma_start3A_293 : memref<10240x64xf32, #tpu.memory_space<vmem_shared>>) target(%arg12 : memref<128x64xf32, #tpu.memory_space<vmem>>) offsets(%dma_start3A_290 : memref<128xi32, #tpu.memory_space<vmem>>) semaphore(%arg22 : memref<!tpu.dma_semaphore, #tpu.memory_space<semaphore_mem>>)
      %dma_wait3A_294 = arith.constant 0 : i32
      %dma_wait3A_295 = arith.constant 0 : i32
      %dma_wait3A_296 = tpu.memref_slice %arg5[%dma_wait3A_294, %dma_wait3A_295] : memref<2x128xi32, #tpu.memory_space<vmem>> -> memref<1x128xi32, #tpu.memory_space<vmem>>
      %dma_wait3A_297 = tpu.memref_squeeze %dma_wait3A_296 : memref<1x128xi32, #tpu.memory_space<vmem>> -> memref<128xi32, #tpu.memory_space<vmem>>
      %dma_wait3A_298 = arith.constant 0 : i32
      %dma_wait3A_299 = arith.constant 0 : i32
      %dma_wait3A_300 = tpu.memref_slice %arg13[%dma_wait3A_298, %dma_wait3A_299] : memref<10240x64xf32, #tpu.memory_space<vmem_shared>> -> memref<10240x64xf32, #tpu.memory_space<vmem_shared>>
      tpu.wait_indirect_dma semaphore(%arg19 : memref<!tpu.dma_semaphore, #tpu.memory_space<semaphore_mem>>) src(%dma_wait3A_300 : memref<10240x64xf32, #tpu.memory_space<vmem_shared>>) dst(%arg9 : memref<128x64xf32, #tpu.memory_space<vmem>>)
      %run_scoped3A_301 = arith.constant 1 : i32
      "tpu.region"() ({
        %run_scoped3A_437 = tpu.sem_alloc : memref<!tpu.dma_semaphore, #tpu.memory_space<semaphore_mem>>
        %dma_start3A_438 = arith.constant 0 : i32
        %dma_start3A_439 = tpu.memref_slice %arg5[%run_scoped3A_301, %dma_start3A_438] : memref<2x128xi32, #tpu.memory_space<vmem>> -> memref<1x128xi32, #tpu.memory_space<vmem>>
        %dma_start3A_440 = tpu.memref_squeeze %dma_start3A_439 : memref<1x128xi32, #tpu.memory_space<vmem>> -> memref<128xi32, #tpu.memory_space<vmem>>
        %dma_start3A_441 = arith.constant 0 : i32
        %dma_start3A_442 = arith.constant 0 : i32
        %dma_start3A_443 = tpu.memref_slice %arg14[%dma_start3A_441, %dma_start3A_442] : memref<10240x64xf32, #tpu.memory_space<vmem_shared>> -> memref<10240x64xf32, #tpu.memory_space<vmem_shared>>
        tpu.enqueue_indirect_dma source(%arg9 : memref<128x64xf32, #tpu.memory_space<vmem>>) target(%dma_start3A_443 : memref<10240x64xf32, #tpu.memory_space<vmem_shared>>) offsets(%dma_start3A_440 : memref<128xi32, #tpu.memory_space<vmem>>) semaphore(%run_scoped3A_437 : memref<!tpu.dma_semaphore, #tpu.memory_space<semaphore_mem>>) {add = true}
        %dma_wait3A_444 = arith.constant 0 : i32
        %dma_wait3A_445 = tpu.memref_slice %arg5[%run_scoped3A_301, %dma_wait3A_444] : memref<2x128xi32, #tpu.memory_space<vmem>> -> memref<1x128xi32, #tpu.memory_space<vmem>>
        %dma_wait3A_446 = tpu.memref_squeeze %dma_wait3A_445 : memref<1x128xi32, #tpu.memory_space<vmem>> -> memref<128xi32, #tpu.memory_space<vmem>>
        %dma_wait3A_447 = arith.constant 0 : i32
        %dma_wait3A_448 = arith.constant 0 : i32
        %dma_wait3A_449 = tpu.memref_slice %arg14[%dma_wait3A_447, %dma_wait3A_448] : memref<10240x64xf32, #tpu.memory_space<vmem_shared>> -> memref<10240x64xf32, #tpu.memory_space<vmem_shared>>
        tpu.wait_indirect_dma semaphore(%run_scoped3A_437 : memref<!tpu.dma_semaphore, #tpu.memory_space<semaphore_mem>>) src(%arg9 : memref<128x64xf32, #tpu.memory_space<vmem>>) dst(%dma_wait3A_449 : memref<10240x64xf32, #tpu.memory_space<vmem_shared>>)
        tpu.yield
      }) : () -> ()
      %add3A_302 = arith.constant 4 : i32
      %add3A_303 = arith.addi %add3A_278, %add3A_302 : i32
      %sub3A = arith.constant 1 : i32
      %sub3A_304 = arith.subi %select_n3A, %sub3A : i32
      %min3A = arith.minsi %add3A_303, %sub3A_304 : i32
      %add3A_305 = arith.addi %select_n3A_10, %min3A : i32
      %dma_start3A_306 = arith.constant 0 : i32
      %dma_start3A_307 = arith.constant 0 : i32
      %dma_start3A_308 = tpu.memref_slice %arg3[%add3A_305, %dma_start3A_306, %dma_start3A_307] : memref<2560x2x128xi32, #tpu.memory_space<hbm>> -> memref<1x2x128xi32, #tpu.memory_space<hbm>>
      %dma_start3A_309 = tpu.memref_squeeze %dma_start3A_308 : memref<1x2x128xi32, #tpu.memory_space<hbm>> -> memref<2x128xi32, #tpu.memory_space<hbm>>
      %dma_start3A_310 = arith.constant 0 : i32
      %dma_start3A_311 = arith.constant 0 : i32
      %dma_start3A_312 = tpu.memref_slice %arg3[%add3A_305, %dma_start3A_310, %dma_start3A_311] : memref<2560x2x128xi32, #tpu.memory_space<hbm>> -> memref<1x2x128xi32, #tpu.memory_space<hbm>>
      %dma_start3A_313 = tpu.memref_squeeze %dma_start3A_312 : memref<1x2x128xi32, #tpu.memory_space<hbm>> -> memref<2x128xi32, #tpu.memory_space<hbm>>
      tpu.enqueue_dma source(%dma_start3A_313 : memref<2x128xi32, #tpu.memory_space<hbm>>) target(%arg5 : memref<2x128xi32, #tpu.memory_space<vmem>>) target_semaphore(%arg15 : memref<!tpu.dma_semaphore, #tpu.memory_space<semaphore_mem>>)
      %mul3A_314 = arith.constant 4 : i32
      %mul3A_315 = arith.muli %while3A_274, %mul3A_314 : i32
      %add3A_316 = arith.constant 1 : i32
      %add3A_317 = arith.addi %mul3A_315, %add3A_316 : i32
      %dma_wait3A_318 = arith.constant 0 : i32
      %dma_wait3A_319 = arith.constant 0 : i32
      %dma_wait3A_320 = tpu.memref_slice %arg3[%select_n3A_10, %dma_wait3A_318, %dma_wait3A_319] : memref<2560x2x128xi32, #tpu.memory_space<hbm>> -> memref<1x2x128xi32, #tpu.memory_space<hbm>>
      %dma_wait3A_321 = tpu.memref_squeeze %dma_wait3A_320 : memref<1x2x128xi32, #tpu.memory_space<hbm>> -> memref<2x128xi32, #tpu.memory_space<hbm>>
      %dma_wait3A_322 = arith.constant 0 : i32
      %dma_wait3A_323 = arith.constant 0 : i32
      %dma_wait3A_324 = tpu.memref_slice %arg3[%select_n3A_10, %dma_wait3A_322, %dma_wait3A_323] : memref<2560x2x128xi32, #tpu.memory_space<hbm>> -> memref<1x2x128xi32, #tpu.memory_space<hbm>>
      %dma_wait3A_325 = tpu.memref_squeeze %dma_wait3A_324 : memref<1x2x128xi32, #tpu.memory_space<hbm>> -> memref<2x128xi32, #tpu.memory_space<hbm>>
      tpu.wait_dma2 semaphore(%arg15 : memref<!tpu.dma_semaphore, #tpu.memory_space<semaphore_mem>>) src(%dma_wait3A_325 : memref<2x128xi32, #tpu.memory_space<hbm>>) dst(%arg5 : memref<2x128xi32, #tpu.memory_space<vmem>>)
      %dma_start3A_326 = arith.constant 0 : i32
      %dma_start3A_327 = arith.constant 0 : i32
      %dma_start3A_328 = tpu.memref_slice %arg5[%dma_start3A_326, %dma_start3A_327] : memref<2x128xi32, #tpu.memory_space<vmem>> -> memref<1x128xi32, #tpu.memory_space<vmem>>
      %dma_start3A_329 = tpu.memref_squeeze %dma_start3A_328 : memref<1x128xi32, #tpu.memory_space<vmem>> -> memref<128xi32, #tpu.memory_space<vmem>>
      %dma_start3A_330 = arith.constant 0 : i32
      %dma_start3A_331 = arith.constant 0 : i32
      %dma_start3A_332 = tpu.memref_slice %arg13[%dma_start3A_330, %dma_start3A_331] : memref<10240x64xf32, #tpu.memory_space<vmem_shared>> -> memref<10240x64xf32, #tpu.memory_space<vmem_shared>>
      tpu.enqueue_indirect_dma source(%dma_start3A_332 : memref<10240x64xf32, #tpu.memory_space<vmem_shared>>) target(%arg9 : memref<128x64xf32, #tpu.memory_space<vmem>>) offsets(%dma_start3A_329 : memref<128xi32, #tpu.memory_space<vmem>>) semaphore(%arg19 : memref<!tpu.dma_semaphore, #tpu.memory_space<semaphore_mem>>)
      %dma_wait3A_333 = arith.constant 0 : i32
      %dma_wait3A_334 = arith.constant 0 : i32
      %dma_wait3A_335 = tpu.memref_slice %arg6[%dma_wait3A_333, %dma_wait3A_334] : memref<2x128xi32, #tpu.memory_space<vmem>> -> memref<1x128xi32, #tpu.memory_space<vmem>>
      %dma_wait3A_336 = tpu.memref_squeeze %dma_wait3A_335 : memref<1x128xi32, #tpu.memory_space<vmem>> -> memref<128xi32, #tpu.memory_space<vmem>>
      %dma_wait3A_337 = arith.constant 0 : i32
      %dma_wait3A_338 = arith.constant 0 : i32
      %dma_wait3A_339 = tpu.memref_slice %arg13[%dma_wait3A_337, %dma_wait3A_338] : memref<10240x64xf32, #tpu.memory_space<vmem_shared>> -> memref<10240x64xf32, #tpu.memory_space<vmem_shared>>
      tpu.wait_indirect_dma semaphore(%arg20 : memref<!tpu.dma_semaphore, #tpu.memory_space<semaphore_mem>>) src(%dma_wait3A_339 : memref<10240x64xf32, #tpu.memory_space<vmem_shared>>) dst(%arg10 : memref<128x64xf32, #tpu.memory_space<vmem>>)
      %run_scoped3A_340 = arith.constant 1 : i32
      "tpu.region"() ({
        %run_scoped3A_437 = tpu.sem_alloc : memref<!tpu.dma_semaphore, #tpu.memory_space<semaphore_mem>>
        %dma_start3A_438 = arith.constant 0 : i32
        %dma_start3A_439 = tpu.memref_slice %arg6[%run_scoped3A_340, %dma_start3A_438] : memref<2x128xi32, #tpu.memory_space<vmem>> -> memref<1x128xi32, #tpu.memory_space<vmem>>
        %dma_start3A_440 = tpu.memref_squeeze %dma_start3A_439 : memref<1x128xi32, #tpu.memory_space<vmem>> -> memref<128xi32, #tpu.memory_space<vmem>>
        %dma_start3A_441 = arith.constant 0 : i32
        %dma_start3A_442 = arith.constant 0 : i32
        %dma_start3A_443 = tpu.memref_slice %arg14[%dma_start3A_441, %dma_start3A_442] : memref<10240x64xf32, #tpu.memory_space<vmem_shared>> -> memref<10240x64xf32, #tpu.memory_space<vmem_shared>>
        tpu.enqueue_indirect_dma source(%arg10 : memref<128x64xf32, #tpu.memory_space<vmem>>) target(%dma_start3A_443 : memref<10240x64xf32, #tpu.memory_space<vmem_shared>>) offsets(%dma_start3A_440 : memref<128xi32, #tpu.memory_space<vmem>>) semaphore(%run_scoped3A_437 : memref<!tpu.dma_semaphore, #tpu.memory_space<semaphore_mem>>) {add = true}
        %dma_wait3A_444 = arith.constant 0 : i32
        %dma_wait3A_445 = tpu.memref_slice %arg6[%run_scoped3A_340, %dma_wait3A_444] : memref<2x128xi32, #tpu.memory_space<vmem>> -> memref<1x128xi32, #tpu.memory_space<vmem>>
        %dma_wait3A_446 = tpu.memref_squeeze %dma_wait3A_445 : memref<1x128xi32, #tpu.memory_space<vmem>> -> memref<128xi32, #tpu.memory_space<vmem>>
        %dma_wait3A_447 = arith.constant 0 : i32
        %dma_wait3A_448 = arith.constant 0 : i32
        %dma_wait3A_449 = tpu.memref_slice %arg14[%dma_wait3A_447, %dma_wait3A_448] : memref<10240x64xf32, #tpu.memory_space<vmem_shared>> -> memref<10240x64xf32, #tpu.memory_space<vmem_shared>>
        tpu.wait_indirect_dma semaphore(%run_scoped3A_437 : memref<!tpu.dma_semaphore, #tpu.memory_space<semaphore_mem>>) src(%arg10 : memref<128x64xf32, #tpu.memory_space<vmem>>) dst(%dma_wait3A_449 : memref<10240x64xf32, #tpu.memory_space<vmem_shared>>)
        tpu.yield
      }) : () -> ()
      %add3A_341 = arith.constant 4 : i32
      %add3A_342 = arith.addi %add3A_317, %add3A_341 : i32
      %sub3A_343 = arith.constant 1 : i32
      %sub3A_344 = arith.subi %select_n3A, %sub3A_343 : i32
      %min3A_345 = arith.minsi %add3A_342, %sub3A_344 : i32
      %add3A_346 = arith.addi %select_n3A_10, %min3A_345 : i32
      %dma_start3A_347 = arith.constant 0 : i32
      %dma_start3A_348 = arith.constant 0 : i32
      %dma_start3A_349 = tpu.memref_slice %arg3[%add3A_346, %dma_start3A_347, %dma_start3A_348] : memref<2560x2x128xi32, #tpu.memory_space<hbm>> -> memref<1x2x128xi32, #tpu.memory_space<hbm>>
      %dma_start3A_350 = tpu.memref_squeeze %dma_start3A_349 : memref<1x2x128xi32, #tpu.memory_space<hbm>> -> memref<2x128xi32, #tpu.memory_space<hbm>>
      %dma_start3A_351 = arith.constant 0 : i32
      %dma_start3A_352 = arith.constant 0 : i32
      %dma_start3A_353 = tpu.memref_slice %arg3[%add3A_346, %dma_start3A_351, %dma_start3A_352] : memref<2560x2x128xi32, #tpu.memory_space<hbm>> -> memref<1x2x128xi32, #tpu.memory_space<hbm>>
      %dma_start3A_354 = tpu.memref_squeeze %dma_start3A_353 : memref<1x2x128xi32, #tpu.memory_space<hbm>> -> memref<2x128xi32, #tpu.memory_space<hbm>>
      tpu.enqueue_dma source(%dma_start3A_354 : memref<2x128xi32, #tpu.memory_space<hbm>>) target(%arg6 : memref<2x128xi32, #tpu.memory_space<vmem>>) target_semaphore(%arg16 : memref<!tpu.dma_semaphore, #tpu.memory_space<semaphore_mem>>)
      %mul3A_355 = arith.constant 4 : i32
      %mul3A_356 = arith.muli %while3A_274, %mul3A_355 : i32
      %add3A_357 = arith.constant 2 : i32
      %add3A_358 = arith.addi %mul3A_356, %add3A_357 : i32
      %dma_wait3A_359 = arith.constant 0 : i32
      %dma_wait3A_360 = arith.constant 0 : i32
      %dma_wait3A_361 = tpu.memref_slice %arg3[%select_n3A_10, %dma_wait3A_359, %dma_wait3A_360] : memref<2560x2x128xi32, #tpu.memory_space<hbm>> -> memref<1x2x128xi32, #tpu.memory_space<hbm>>
      %dma_wait3A_362 = tpu.memref_squeeze %dma_wait3A_361 : memref<1x2x128xi32, #tpu.memory_space<hbm>> -> memref<2x128xi32, #tpu.memory_space<hbm>>
      %dma_wait3A_363 = arith.constant 0 : i32
      %dma_wait3A_364 = arith.constant 0 : i32
      %dma_wait3A_365 = tpu.memref_slice %arg3[%select_n3A_10, %dma_wait3A_363, %dma_wait3A_364] : memref<2560x2x128xi32, #tpu.memory_space<hbm>> -> memref<1x2x128xi32, #tpu.memory_space<hbm>>
      %dma_wait3A_366 = tpu.memref_squeeze %dma_wait3A_365 : memref<1x2x128xi32, #tpu.memory_space<hbm>> -> memref<2x128xi32, #tpu.memory_space<hbm>>
      tpu.wait_dma2 semaphore(%arg16 : memref<!tpu.dma_semaphore, #tpu.memory_space<semaphore_mem>>) src(%dma_wait3A_366 : memref<2x128xi32, #tpu.memory_space<hbm>>) dst(%arg6 : memref<2x128xi32, #tpu.memory_space<vmem>>)
      %dma_start3A_367 = arith.constant 0 : i32
      %dma_start3A_368 = arith.constant 0 : i32
      %dma_start3A_369 = tpu.memref_slice %arg6[%dma_start3A_367, %dma_start3A_368] : memref<2x128xi32, #tpu.memory_space<vmem>> -> memref<1x128xi32, #tpu.memory_space<vmem>>
      %dma_start3A_370 = tpu.memref_squeeze %dma_start3A_369 : memref<1x128xi32, #tpu.memory_space<vmem>> -> memref<128xi32, #tpu.memory_space<vmem>>
      %dma_start3A_371 = arith.constant 0 : i32
      %dma_start3A_372 = arith.constant 0 : i32
      %dma_start3A_373 = tpu.memref_slice %arg13[%dma_start3A_371, %dma_start3A_372] : memref<10240x64xf32, #tpu.memory_space<vmem_shared>> -> memref<10240x64xf32, #tpu.memory_space<vmem_shared>>
      tpu.enqueue_indirect_dma source(%dma_start3A_373 : memref<10240x64xf32, #tpu.memory_space<vmem_shared>>) target(%arg10 : memref<128x64xf32, #tpu.memory_space<vmem>>) offsets(%dma_start3A_370 : memref<128xi32, #tpu.memory_space<vmem>>) semaphore(%arg20 : memref<!tpu.dma_semaphore, #tpu.memory_space<semaphore_mem>>)
      %dma_wait3A_374 = arith.constant 0 : i32
      %dma_wait3A_375 = arith.constant 0 : i32
      %dma_wait3A_376 = tpu.memref_slice %arg7[%dma_wait3A_374, %dma_wait3A_375] : memref<2x128xi32, #tpu.memory_space<vmem>> -> memref<1x128xi32, #tpu.memory_space<vmem>>
      %dma_wait3A_377 = tpu.memref_squeeze %dma_wait3A_376 : memref<1x128xi32, #tpu.memory_space<vmem>> -> memref<128xi32, #tpu.memory_space<vmem>>
      %dma_wait3A_378 = arith.constant 0 : i32
      %dma_wait3A_379 = arith.constant 0 : i32
      %dma_wait3A_380 = tpu.memref_slice %arg13[%dma_wait3A_378, %dma_wait3A_379] : memref<10240x64xf32, #tpu.memory_space<vmem_shared>> -> memref<10240x64xf32, #tpu.memory_space<vmem_shared>>
      tpu.wait_indirect_dma semaphore(%arg21 : memref<!tpu.dma_semaphore, #tpu.memory_space<semaphore_mem>>) src(%dma_wait3A_380 : memref<10240x64xf32, #tpu.memory_space<vmem_shared>>) dst(%arg11 : memref<128x64xf32, #tpu.memory_space<vmem>>)
      %run_scoped3A_381 = arith.constant 1 : i32
      "tpu.region"() ({
        %run_scoped3A_437 = tpu.sem_alloc : memref<!tpu.dma_semaphore, #tpu.memory_space<semaphore_mem>>
        %dma_start3A_438 = arith.constant 0 : i32
        %dma_start3A_439 = tpu.memref_slice %arg7[%run_scoped3A_381, %dma_start3A_438] : memref<2x128xi32, #tpu.memory_space<vmem>> -> memref<1x128xi32, #tpu.memory_space<vmem>>
        %dma_start3A_440 = tpu.memref_squeeze %dma_start3A_439 : memref<1x128xi32, #tpu.memory_space<vmem>> -> memref<128xi32, #tpu.memory_space<vmem>>
        %dma_start3A_441 = arith.constant 0 : i32
        %dma_start3A_442 = arith.constant 0 : i32
        %dma_start3A_443 = tpu.memref_slice %arg14[%dma_start3A_441, %dma_start3A_442] : memref<10240x64xf32, #tpu.memory_space<vmem_shared>> -> memref<10240x64xf32, #tpu.memory_space<vmem_shared>>
        tpu.enqueue_indirect_dma source(%arg11 : memref<128x64xf32, #tpu.memory_space<vmem>>) target(%dma_start3A_443 : memref<10240x64xf32, #tpu.memory_space<vmem_shared>>) offsets(%dma_start3A_440 : memref<128xi32, #tpu.memory_space<vmem>>) semaphore(%run_scoped3A_437 : memref<!tpu.dma_semaphore, #tpu.memory_space<semaphore_mem>>) {add = true}
        %dma_wait3A_444 = arith.constant 0 : i32
        %dma_wait3A_445 = tpu.memref_slice %arg7[%run_scoped3A_381, %dma_wait3A_444] : memref<2x128xi32, #tpu.memory_space<vmem>> -> memref<1x128xi32, #tpu.memory_space<vmem>>
        %dma_wait3A_446 = tpu.memref_squeeze %dma_wait3A_445 : memref<1x128xi32, #tpu.memory_space<vmem>> -> memref<128xi32, #tpu.memory_space<vmem>>
        %dma_wait3A_447 = arith.constant 0 : i32
        %dma_wait3A_448 = arith.constant 0 : i32
        %dma_wait3A_449 = tpu.memref_slice %arg14[%dma_wait3A_447, %dma_wait3A_448] : memref<10240x64xf32, #tpu.memory_space<vmem_shared>> -> memref<10240x64xf32, #tpu.memory_space<vmem_shared>>
        tpu.wait_indirect_dma semaphore(%run_scoped3A_437 : memref<!tpu.dma_semaphore, #tpu.memory_space<semaphore_mem>>) src(%arg11 : memref<128x64xf32, #tpu.memory_space<vmem>>) dst(%dma_wait3A_449 : memref<10240x64xf32, #tpu.memory_space<vmem_shared>>)
        tpu.yield
      }) : () -> ()
      %add3A_382 = arith.constant 4 : i32
      %add3A_383 = arith.addi %add3A_358, %add3A_382 : i32
      %sub3A_384 = arith.constant 1 : i32
      %sub3A_385 = arith.subi %select_n3A, %sub3A_384 : i32
      %min3A_386 = arith.minsi %add3A_383, %sub3A_385 : i32
      %add3A_387 = arith.addi %select_n3A_10, %min3A_386 : i32
      %dma_start3A_388 = arith.constant 0 : i32
      %dma_start3A_389 = arith.constant 0 : i32
      %dma_start3A_390 = tpu.memref_slice %arg3[%add3A_387, %dma_start3A_388, %dma_start3A_389] : memref<2560x2x128xi32, #tpu.memory_space<hbm>> -> memref<1x2x128xi32, #tpu.memory_space<hbm>>
      %dma_start3A_391 = tpu.memref_squeeze %dma_start3A_390 : memref<1x2x128xi32, #tpu.memory_space<hbm>> -> memref<2x128xi32, #tpu.memory_space<hbm>>
      %dma_start3A_392 = arith.constant 0 : i32
      %dma_start3A_393 = arith.constant 0 : i32
      %dma_start3A_394 = tpu.memref_slice %arg3[%add3A_387, %dma_start3A_392, %dma_start3A_393] : memref<2560x2x128xi32, #tpu.memory_space<hbm>> -> memref<1x2x128xi32, #tpu.memory_space<hbm>>
      %dma_start3A_395 = tpu.memref_squeeze %dma_start3A_394 : memref<1x2x128xi32, #tpu.memory_space<hbm>> -> memref<2x128xi32, #tpu.memory_space<hbm>>
      tpu.enqueue_dma source(%dma_start3A_395 : memref<2x128xi32, #tpu.memory_space<hbm>>) target(%arg7 : memref<2x128xi32, #tpu.memory_space<vmem>>) target_semaphore(%arg17 : memref<!tpu.dma_semaphore, #tpu.memory_space<semaphore_mem>>)
      %mul3A_396 = arith.constant 4 : i32
      %mul3A_397 = arith.muli %while3A_274, %mul3A_396 : i32
      %add3A_398 = arith.constant 3 : i32
      %add3A_399 = arith.addi %mul3A_397, %add3A_398 : i32
      %dma_wait3A_400 = arith.constant 0 : i32
      %dma_wait3A_401 = arith.constant 0 : i32
      %dma_wait3A_402 = tpu.memref_slice %arg3[%select_n3A_10, %dma_wait3A_400, %dma_wait3A_401] : memref<2560x2x128xi32, #tpu.memory_space<hbm>> -> memref<1x2x128xi32, #tpu.memory_space<hbm>>
      %dma_wait3A_403 = tpu.memref_squeeze %dma_wait3A_402 : memref<1x2x128xi32, #tpu.memory_space<hbm>> -> memref<2x128xi32, #tpu.memory_space<hbm>>
      %dma_wait3A_404 = arith.constant 0 : i32
      %dma_wait3A_405 = arith.constant 0 : i32
      %dma_wait3A_406 = tpu.memref_slice %arg3[%select_n3A_10, %dma_wait3A_404, %dma_wait3A_405] : memref<2560x2x128xi32, #tpu.memory_space<hbm>> -> memref<1x2x128xi32, #tpu.memory_space<hbm>>
      %dma_wait3A_407 = tpu.memref_squeeze %dma_wait3A_406 : memref<1x2x128xi32, #tpu.memory_space<hbm>> -> memref<2x128xi32, #tpu.memory_space<hbm>>
      tpu.wait_dma2 semaphore(%arg17 : memref<!tpu.dma_semaphore, #tpu.memory_space<semaphore_mem>>) src(%dma_wait3A_407 : memref<2x128xi32, #tpu.memory_space<hbm>>) dst(%arg7 : memref<2x128xi32, #tpu.memory_space<vmem>>)
      %dma_start3A_408 = arith.constant 0 : i32
      %dma_start3A_409 = arith.constant 0 : i32
      %dma_start3A_410 = tpu.memref_slice %arg7[%dma_start3A_408, %dma_start3A_409] : memref<2x128xi32, #tpu.memory_space<vmem>> -> memref<1x128xi32, #tpu.memory_space<vmem>>
      %dma_start3A_411 = tpu.memref_squeeze %dma_start3A_410 : memref<1x128xi32, #tpu.memory_space<vmem>> -> memref<128xi32, #tpu.memory_space<vmem>>
      %dma_start3A_412 = arith.constant 0 : i32
      %dma_start3A_413 = arith.constant 0 : i32
      %dma_start3A_414 = tpu.memref_slice %arg13[%dma_start3A_412, %dma_start3A_413] : memref<10240x64xf32, #tpu.memory_space<vmem_shared>> -> memref<10240x64xf32, #tpu.memory_space<vmem_shared>>
      tpu.enqueue_indirect_dma source(%dma_start3A_414 : memref<10240x64xf32, #tpu.memory_space<vmem_shared>>) target(%arg11 : memref<128x64xf32, #tpu.memory_space<vmem>>) offsets(%dma_start3A_411 : memref<128xi32, #tpu.memory_space<vmem>>) semaphore(%arg21 : memref<!tpu.dma_semaphore, #tpu.memory_space<semaphore_mem>>)
      %dma_wait3A_415 = arith.constant 0 : i32
      %dma_wait3A_416 = arith.constant 0 : i32
      %dma_wait3A_417 = tpu.memref_slice %arg8[%dma_wait3A_415, %dma_wait3A_416] : memref<2x128xi32, #tpu.memory_space<vmem>> -> memref<1x128xi32, #tpu.memory_space<vmem>>
      %dma_wait3A_418 = tpu.memref_squeeze %dma_wait3A_417 : memref<1x128xi32, #tpu.memory_space<vmem>> -> memref<128xi32, #tpu.memory_space<vmem>>
      %dma_wait3A_419 = arith.constant 0 : i32
      %dma_wait3A_420 = arith.constant 0 : i32
      %dma_wait3A_421 = tpu.memref_slice %arg13[%dma_wait3A_419, %dma_wait3A_420] : memref<10240x64xf32, #tpu.memory_space<vmem_shared>> -> memref<10240x64xf32, #tpu.memory_space<vmem_shared>>
      tpu.wait_indirect_dma semaphore(%arg22 : memref<!tpu.dma_semaphore, #tpu.memory_space<semaphore_mem>>) src(%dma_wait3A_421 : memref<10240x64xf32, #tpu.memory_space<vmem_shared>>) dst(%arg12 : memref<128x64xf32, #tpu.memory_space<vmem>>)
      %run_scoped3A_422 = arith.constant 1 : i32
      "tpu.region"() ({
        %run_scoped3A_437 = tpu.sem_alloc : memref<!tpu.dma_semaphore, #tpu.memory_space<semaphore_mem>>
        %dma_start3A_438 = arith.constant 0 : i32
        %dma_start3A_439 = tpu.memref_slice %arg8[%run_scoped3A_422, %dma_start3A_438] : memref<2x128xi32, #tpu.memory_space<vmem>> -> memref<1x128xi32, #tpu.memory_space<vmem>>
        %dma_start3A_440 = tpu.memref_squeeze %dma_start3A_439 : memref<1x128xi32, #tpu.memory_space<vmem>> -> memref<128xi32, #tpu.memory_space<vmem>>
        %dma_start3A_441 = arith.constant 0 : i32
        %dma_start3A_442 = arith.constant 0 : i32
        %dma_start3A_443 = tpu.memref_slice %arg14[%dma_start3A_441, %dma_start3A_442] : memref<10240x64xf32, #tpu.memory_space<vmem_shared>> -> memref<10240x64xf32, #tpu.memory_space<vmem_shared>>
        tpu.enqueue_indirect_dma source(%arg12 : memref<128x64xf32, #tpu.memory_space<vmem>>) target(%dma_start3A_443 : memref<10240x64xf32, #tpu.memory_space<vmem_shared>>) offsets(%dma_start3A_440 : memref<128xi32, #tpu.memory_space<vmem>>) semaphore(%run_scoped3A_437 : memref<!tpu.dma_semaphore, #tpu.memory_space<semaphore_mem>>) {add = true}
        %dma_wait3A_444 = arith.constant 0 : i32
        %dma_wait3A_445 = tpu.memref_slice %arg8[%run_scoped3A_422, %dma_wait3A_444] : memref<2x128xi32, #tpu.memory_space<vmem>> -> memref<1x128xi32, #tpu.memory_space<vmem>>
        %dma_wait3A_446 = tpu.memref_squeeze %dma_wait3A_445 : memref<1x128xi32, #tpu.memory_space<vmem>> -> memref<128xi32, #tpu.memory_space<vmem>>
        %dma_wait3A_447 = arith.constant 0 : i32
        %dma_wait3A_448 = arith.constant 0 : i32
        %dma_wait3A_449 = tpu.memref_slice %arg14[%dma_wait3A_447, %dma_wait3A_448] : memref<10240x64xf32, #tpu.memory_space<vmem_shared>> -> memref<10240x64xf32, #tpu.memory_space<vmem_shared>>
        tpu.wait_indirect_dma semaphore(%run_scoped3A_437 : memref<!tpu.dma_semaphore, #tpu.memory_space<semaphore_mem>>) src(%arg12 : memref<128x64xf32, #tpu.memory_space<vmem>>) dst(%dma_wait3A_449 : memref<10240x64xf32, #tpu.memory_space<vmem_shared>>)
        tpu.yield
      }) : () -> ()
      %add3A_423 = arith.constant 4 : i32
      %add3A_424 = arith.addi %add3A_399, %add3A_423 : i32
      %sub3A_425 = arith.constant 1 : i32
      %sub3A_426 = arith.subi %select_n3A, %sub3A_425 : i32
      %min3A_427 = arith.minsi %add3A_424, %sub3A_426 : i32
      %add3A_428 = arith.addi %select_n3A_10, %min3A_427 : i32
      %dma_start3A_429 = arith.constant 0 : i32
      %dma_start3A_430 = arith.constant 0 : i32
      %dma_start3A_431 = tpu.memref_slice %arg3[%add3A_428, %dma_start3A_429, %dma_start3A_430] : memref<2560x2x128xi32, #tpu.memory_space<hbm>> -> memref<1x2x128xi32, #tpu.memory_space<hbm>>
      %dma_start3A_432 = tpu.memref_squeeze %dma_start3A_431 : memref<1x2x128xi32, #tpu.memory_space<hbm>> -> memref<2x128xi32, #tpu.memory_space<hbm>>
      %dma_start3A_433 = arith.constant 0 : i32
      %dma_start3A_434 = arith.constant 0 : i32
      %dma_start3A_435 = tpu.memref_slice %arg3[%add3A_428, %dma_start3A_433, %dma_start3A_434] : memref<2560x2x128xi32, #tpu.memory_space<hbm>> -> memref<1x2x128xi32, #tpu.memory_space<hbm>>
      %dma_start3A_436 = tpu.memref_squeeze %dma_start3A_435 : memref<1x2x128xi32, #tpu.memory_space<hbm>> -> memref<2x128xi32, #tpu.memory_space<hbm>>
      tpu.enqueue_dma source(%dma_start3A_436 : memref<2x128xi32, #tpu.memory_space<hbm>>) target(%arg8 : memref<2x128xi32, #tpu.memory_space<vmem>>) target_semaphore(%arg18 : memref<!tpu.dma_semaphore, #tpu.memory_space<semaphore_mem>>)
    }
    %dma_wait3A_109 = arith.constant 0 : i32
    %dma_wait3A_110 = arith.constant 0 : i32
    %dma_wait3A_111 = tpu.memref_slice %arg3[%select_n3A_10, %dma_wait3A_109, %dma_wait3A_110] : memref<2560x2x128xi32, #tpu.memory_space<hbm>> -> memref<1x2x128xi32, #tpu.memory_space<hbm>>
    %dma_wait3A_112 = tpu.memref_squeeze %dma_wait3A_111 : memref<1x2x128xi32, #tpu.memory_space<hbm>> -> memref<2x128xi32, #tpu.memory_space<hbm>>
    %dma_wait3A_113 = arith.constant 0 : i32
    %dma_wait3A_114 = arith.constant 0 : i32
    %dma_wait3A_115 = tpu.memref_slice %arg3[%select_n3A_10, %dma_wait3A_113, %dma_wait3A_114] : memref<2560x2x128xi32, #tpu.memory_space<hbm>> -> memref<1x2x128xi32, #tpu.memory_space<hbm>>
    %dma_wait3A_116 = tpu.memref_squeeze %dma_wait3A_115 : memref<1x2x128xi32, #tpu.memory_space<hbm>> -> memref<2x128xi32, #tpu.memory_space<hbm>>
    tpu.wait_dma2 semaphore(%arg18 : memref<!tpu.dma_semaphore, #tpu.memory_space<semaphore_mem>>) src(%dma_wait3A_116 : memref<2x128xi32, #tpu.memory_space<hbm>>) dst(%arg8 : memref<2x128xi32, #tpu.memory_space<vmem>>)
    %dma_wait3A_117 = arith.constant 0 : i32
    %dma_wait3A_118 = arith.constant 0 : i32
    %dma_wait3A_119 = tpu.memref_slice %arg5[%dma_wait3A_117, %dma_wait3A_118] : memref<2x128xi32, #tpu.memory_space<vmem>> -> memref<1x128xi32, #tpu.memory_space<vmem>>
    %dma_wait3A_120 = tpu.memref_squeeze %dma_wait3A_119 : memref<1x128xi32, #tpu.memory_space<vmem>> -> memref<128xi32, #tpu.memory_space<vmem>>
    %dma_wait3A_121 = arith.constant 0 : i32
    %dma_wait3A_122 = arith.constant 0 : i32
    %dma_wait3A_123 = tpu.memref_slice %arg13[%dma_wait3A_121, %dma_wait3A_122] : memref<10240x64xf32, #tpu.memory_space<vmem_shared>> -> memref<10240x64xf32, #tpu.memory_space<vmem_shared>>
    tpu.wait_indirect_dma semaphore(%arg19 : memref<!tpu.dma_semaphore, #tpu.memory_space<semaphore_mem>>) src(%dma_wait3A_123 : memref<10240x64xf32, #tpu.memory_space<vmem_shared>>) dst(%arg9 : memref<128x64xf32, #tpu.memory_space<vmem>>)
    %dma_wait3A_124 = arith.constant 0 : i32
    %dma_wait3A_125 = arith.constant 0 : i32
    %dma_wait3A_126 = tpu.memref_slice %arg6[%dma_wait3A_124, %dma_wait3A_125] : memref<2x128xi32, #tpu.memory_space<vmem>> -> memref<1x128xi32, #tpu.memory_space<vmem>>
    %dma_wait3A_127 = tpu.memref_squeeze %dma_wait3A_126 : memref<1x128xi32, #tpu.memory_space<vmem>> -> memref<128xi32, #tpu.memory_space<vmem>>
    %dma_wait3A_128 = arith.constant 0 : i32
    %dma_wait3A_129 = arith.constant 0 : i32
    %dma_wait3A_130 = tpu.memref_slice %arg13[%dma_wait3A_128, %dma_wait3A_129] : memref<10240x64xf32, #tpu.memory_space<vmem_shared>> -> memref<10240x64xf32, #tpu.memory_space<vmem_shared>>
    tpu.wait_indirect_dma semaphore(%arg20 : memref<!tpu.dma_semaphore, #tpu.memory_space<semaphore_mem>>) src(%dma_wait3A_130 : memref<10240x64xf32, #tpu.memory_space<vmem_shared>>) dst(%arg10 : memref<128x64xf32, #tpu.memory_space<vmem>>)
    %dma_wait3A_131 = arith.constant 0 : i32
    %dma_wait3A_132 = arith.constant 0 : i32
    %dma_wait3A_133 = tpu.memref_slice %arg7[%dma_wait3A_131, %dma_wait3A_132] : memref<2x128xi32, #tpu.memory_space<vmem>> -> memref<1x128xi32, #tpu.memory_space<vmem>>
    %dma_wait3A_134 = tpu.memref_squeeze %dma_wait3A_133 : memref<1x128xi32, #tpu.memory_space<vmem>> -> memref<128xi32, #tpu.memory_space<vmem>>
    %dma_wait3A_135 = arith.constant 0 : i32
    %dma_wait3A_136 = arith.constant 0 : i32
    %dma_wait3A_137 = tpu.memref_slice %arg13[%dma_wait3A_135, %dma_wait3A_136] : memref<10240x64xf32, #tpu.memory_space<vmem_shared>> -> memref<10240x64xf32, #tpu.memory_space<vmem_shared>>
    tpu.wait_indirect_dma semaphore(%arg21 : memref<!tpu.dma_semaphore, #tpu.memory_space<semaphore_mem>>) src(%dma_wait3A_137 : memref<10240x64xf32, #tpu.memory_space<vmem_shared>>) dst(%arg11 : memref<128x64xf32, #tpu.memory_space<vmem>>)
    %barrier3A_138 = arith.constant 0 : index
    tpu.barrier barrier_id(%barrier3A_138)
    %run_scoped3A_139 = arith.constant 0 : i32
    "tpu.region"() ({
      %run_scoped3A_274 = tpu.sem_alloc : memref<!tpu.dma_semaphore, #tpu.memory_space<semaphore_mem>>
      %dma_start3A_275 = arith.constant 0 : i32
      %dma_start3A_276 = tpu.memref_slice %arg4[%arg0, %run_scoped3A_139, %mul3A_0, %dma_start3A_275] : memref<2x2x10240x64xf32, #tpu.memory_space<hbm>> -> memref<1x1x640x64xf32, #tpu.memory_space<hbm>>
      %dma_start3A_277 = tpu.memref_squeeze %dma_start3A_276 : memref<1x1x640x64xf32, #tpu.memory_space<hbm>> -> memref<640x64xf32, #tpu.memory_space<hbm>>
      %dma_start3A_278 = arith.constant 0 : i32
      %dma_start3A_279 = tpu.memref_slice %arg14[%mul3A_0, %dma_start3A_278] : memref<10240x64xf32, #tpu.memory_space<vmem_shared>> -> memref<640x64xf32, #tpu.memory_space<vmem_shared>>
      tpu.enqueue_dma source(%dma_start3A_279 : memref<640x64xf32, #tpu.memory_space<vmem_shared>>) target(%dma_start3A_277 : memref<640x64xf32, #tpu.memory_space<hbm>>) target_semaphore(%run_scoped3A_274 : memref<!tpu.dma_semaphore, #tpu.memory_space<semaphore_mem>>)
      %dma_wait3A_280 = arith.constant 0 : i32
      %dma_wait3A_281 = tpu.memref_slice %arg4[%arg0, %run_scoped3A_139, %mul3A_0, %dma_wait3A_280] : memref<2x2x10240x64xf32, #tpu.memory_space<hbm>> -> memref<1x1x640x64xf32, #tpu.memory_space<hbm>>
      %dma_wait3A_282 = tpu.memref_squeeze %dma_wait3A_281 : memref<1x1x640x64xf32, #tpu.memory_space<hbm>> -> memref<640x64xf32, #tpu.memory_space<hbm>>
      %dma_wait3A_283 = arith.constant 0 : i32
      %dma_wait3A_284 = tpu.memref_slice %arg14[%mul3A_0, %dma_wait3A_283] : memref<10240x64xf32, #tpu.memory_space<vmem_shared>> -> memref<640x64xf32, #tpu.memory_space<vmem_shared>>
      tpu.wait_dma2 semaphore(%run_scoped3A_274 : memref<!tpu.dma_semaphore, #tpu.memory_space<semaphore_mem>>) src(%dma_wait3A_284 : memref<640x64xf32, #tpu.memory_space<vmem_shared>>) dst(%dma_wait3A_282 : memref<640x64xf32, #tpu.memory_space<hbm>>)
      tpu.yield
    }) : () -> ()
    %run_scoped3A_140 = arith.constant 1 : i32
    "tpu.region"() ({
      %run_scoped3A_274 = tpu.sem_alloc : memref<!tpu.dma_semaphore, #tpu.memory_space<semaphore_mem>>
      %dma_start3A_275 = arith.constant 0 : i32
      %dma_start3A_276 = tpu.memref_slice %arg13[%mul3A_0, %dma_start3A_275] : memref<10240x64xf32, #tpu.memory_space<vmem_shared>> -> memref<640x64xf32, #tpu.memory_space<vmem_shared>>
      %dma_start3A_277 = arith.constant 0 : i32
      %dma_start3A_278 = tpu.memref_slice %arg2[%run_scoped3A_140, %mul3A_0, %dma_start3A_277] : memref<2x10240x64xf32, #tpu.memory_space<hbm>> -> memref<1x640x64xf32, #tpu.memory_space<hbm>>
      %dma_start3A_279 = tpu.memref_squeeze %dma_start3A_278 : memref<1x640x64xf32, #tpu.memory_space<hbm>> -> memref<640x64xf32, #tpu.memory_space<hbm>>
      tpu.enqueue_dma source(%dma_start3A_279 : memref<640x64xf32, #tpu.memory_space<hbm>>) target(%dma_start3A_276 : memref<640x64xf32, #tpu.memory_space<vmem_shared>>) target_semaphore(%run_scoped3A_274 : memref<!tpu.dma_semaphore, #tpu.memory_space<semaphore_mem>>)
      %dma_wait3A_280 = arith.constant 0 : i32
      %dma_wait3A_281 = tpu.memref_slice %arg13[%mul3A_0, %dma_wait3A_280] : memref<10240x64xf32, #tpu.memory_space<vmem_shared>> -> memref<640x64xf32, #tpu.memory_space<vmem_shared>>
      %dma_wait3A_282 = arith.constant 0 : i32
      %dma_wait3A_283 = tpu.memref_slice %arg2[%run_scoped3A_140, %mul3A_0, %dma_wait3A_282] : memref<2x10240x64xf32, #tpu.memory_space<hbm>> -> memref<1x640x64xf32, #tpu.memory_space<hbm>>
      %dma_wait3A_284 = tpu.memref_squeeze %dma_wait3A_283 : memref<1x640x64xf32, #tpu.memory_space<hbm>> -> memref<640x64xf32, #tpu.memory_space<hbm>>
      tpu.wait_dma2 semaphore(%run_scoped3A_274 : memref<!tpu.dma_semaphore, #tpu.memory_space<semaphore_mem>>) src(%dma_wait3A_284 : memref<640x64xf32, #tpu.memory_space<hbm>>) dst(%dma_wait3A_281 : memref<640x64xf32, #tpu.memory_space<vmem_shared>>)
      tpu.yield
    }) : () -> ()
    %run_scoped3A_141 = arith.constant 1 : i32
    "tpu.region"() ({
      %run_scoped3A_274 = tpu.sem_alloc : memref<!tpu.dma_semaphore, #tpu.memory_space<semaphore_mem>>
      %dma_start3A_275 = arith.constant 0 : i32
      %dma_start3A_276 = tpu.memref_slice %arg14[%mul3A_0, %dma_start3A_275] : memref<10240x64xf32, #tpu.memory_space<vmem_shared>> -> memref<640x64xf32, #tpu.memory_space<vmem_shared>>
      %dma_start3A_277 = arith.constant 0 : i32
      %dma_start3A_278 = tpu.memref_slice %arg2[%run_scoped3A_141, %mul3A_0, %dma_start3A_277] : memref<2x10240x64xf32, #tpu.memory_space<hbm>> -> memref<1x640x64xf32, #tpu.memory_space<hbm>>
      %dma_start3A_279 = tpu.memref_squeeze %dma_start3A_278 : memref<1x640x64xf32, #tpu.memory_space<hbm>> -> memref<640x64xf32, #tpu.memory_space<hbm>>
      tpu.enqueue_dma source(%dma_start3A_279 : memref<640x64xf32, #tpu.memory_space<hbm>>) target(%dma_start3A_276 : memref<640x64xf32, #tpu.memory_space<vmem_shared>>) target_semaphore(%run_scoped3A_274 : memref<!tpu.dma_semaphore, #tpu.memory_space<semaphore_mem>>)
      %dma_wait3A_280 = arith.constant 0 : i32
      %dma_wait3A_281 = tpu.memref_slice %arg14[%mul3A_0, %dma_wait3A_280] : memref<10240x64xf32, #tpu.memory_space<vmem_shared>> -> memref<640x64xf32, #tpu.memory_space<vmem_shared>>
      %dma_wait3A_282 = arith.constant 0 : i32
      %dma_wait3A_283 = tpu.memref_slice %arg2[%run_scoped3A_141, %mul3A_0, %dma_wait3A_282] : memref<2x10240x64xf32, #tpu.memory_space<hbm>> -> memref<1x640x64xf32, #tpu.memory_space<hbm>>
      %dma_wait3A_284 = tpu.memref_squeeze %dma_wait3A_283 : memref<1x640x64xf32, #tpu.memory_space<hbm>> -> memref<640x64xf32, #tpu.memory_space<hbm>>
      tpu.wait_dma2 semaphore(%run_scoped3A_274 : memref<!tpu.dma_semaphore, #tpu.memory_space<semaphore_mem>>) src(%dma_wait3A_284 : memref<640x64xf32, #tpu.memory_space<hbm>>) dst(%dma_wait3A_281 : memref<640x64xf32, #tpu.memory_space<vmem_shared>>)
      tpu.yield
    }) : () -> ()
    %add3A_142 = arith.constant 0 : i32
    %add3A_143 = arith.addi %select_n3A_10, %add3A_142 : i32
    %dma_start3A_144 = arith.constant 0 : i32
    %dma_start3A_145 = arith.constant 0 : i32
    %dma_start3A_146 = tpu.memref_slice %arg3[%add3A_143, %dma_start3A_144, %dma_start3A_145] : memref<2560x2x128xi32, #tpu.memory_space<hbm>> -> memref<1x2x128xi32, #tpu.memory_space<hbm>>
    %dma_start3A_147 = tpu.memref_squeeze %dma_start3A_146 : memref<1x2x128xi32, #tpu.memory_space<hbm>> -> memref<2x128xi32, #tpu.memory_space<hbm>>
    %dma_start3A_148 = arith.constant 0 : i32
    %dma_start3A_149 = arith.constant 0 : i32
    %dma_start3A_150 = tpu.memref_slice %arg3[%add3A_143, %dma_start3A_148, %dma_start3A_149] : memref<2560x2x128xi32, #tpu.memory_space<hbm>> -> memref<1x2x128xi32, #tpu.memory_space<hbm>>
    %dma_start3A_151 = tpu.memref_squeeze %dma_start3A_150 : memref<1x2x128xi32, #tpu.memory_space<hbm>> -> memref<2x128xi32, #tpu.memory_space<hbm>>
    tpu.enqueue_dma source(%dma_start3A_151 : memref<2x128xi32, #tpu.memory_space<hbm>>) target(%arg5 : memref<2x128xi32, #tpu.memory_space<vmem>>) target_semaphore(%arg15 : memref<!tpu.dma_semaphore, #tpu.memory_space<semaphore_mem>>)
    %add3A_152 = arith.constant 1 : i32
    %add3A_153 = arith.addi %select_n3A_10, %add3A_152 : i32
    %dma_start3A_154 = arith.constant 0 : i32
    %dma_start3A_155 = arith.constant 0 : i32
    %dma_start3A_156 = tpu.memref_slice %arg3[%add3A_153, %dma_start3A_154, %dma_start3A_155] : memref<2560x2x128xi32, #tpu.memory_space<hbm>> -> memref<1x2x128xi32, #tpu.memory_space<hbm>>
    %dma_start3A_157 = tpu.memref_squeeze %dma_start3A_156 : memref<1x2x128xi32, #tpu.memory_space<hbm>> -> memref<2x128xi32, #tpu.memory_space<hbm>>
    %dma_start3A_158 = arith.constant 0 : i32
    %dma_start3A_159 = arith.constant 0 : i32
    %dma_start3A_160 = tpu.memref_slice %arg3[%add3A_153, %dma_start3A_158, %dma_start3A_159] : memref<2560x2x128xi32, #tpu.memory_space<hbm>> -> memref<1x2x128xi32, #tpu.memory_space<hbm>>
    %dma_start3A_161 = tpu.memref_squeeze %dma_start3A_160 : memref<1x2x128xi32, #tpu.memory_space<hbm>> -> memref<2x128xi32, #tpu.memory_space<hbm>>
    tpu.enqueue_dma source(%dma_start3A_161 : memref<2x128xi32, #tpu.memory_space<hbm>>) target(%arg6 : memref<2x128xi32, #tpu.memory_space<vmem>>) target_semaphore(%arg16 : memref<!tpu.dma_semaphore, #tpu.memory_space<semaphore_mem>>)
    %add3A_162 = arith.constant 2 : i32
    %add3A_163 = arith.addi %select_n3A_10, %add3A_162 : i32
    %dma_start3A_164 = arith.constant 0 : i32
    %dma_start3A_165 = arith.constant 0 : i32
    %dma_start3A_166 = tpu.memref_slice %arg3[%add3A_163, %dma_start3A_164, %dma_start3A_165] : memref<2560x2x128xi32, #tpu.memory_space<hbm>> -> memref<1x2x128xi32, #tpu.memory_space<hbm>>
    %dma_start3A_167 = tpu.memref_squeeze %dma_start3A_166 : memref<1x2x128xi32, #tpu.memory_space<hbm>> -> memref<2x128xi32, #tpu.memory_space<hbm>>
    %dma_start3A_168 = arith.constant 0 : i32
    %dma_start3A_169 = arith.constant 0 : i32
    %dma_start3A_170 = tpu.memref_slice %arg3[%add3A_163, %dma_start3A_168, %dma_start3A_169] : memref<2560x2x128xi32, #tpu.memory_space<hbm>> -> memref<1x2x128xi32, #tpu.memory_space<hbm>>
    %dma_start3A_171 = tpu.memref_squeeze %dma_start3A_170 : memref<1x2x128xi32, #tpu.memory_space<hbm>> -> memref<2x128xi32, #tpu.memory_space<hbm>>
    tpu.enqueue_dma source(%dma_start3A_171 : memref<2x128xi32, #tpu.memory_space<hbm>>) target(%arg7 : memref<2x128xi32, #tpu.memory_space<vmem>>) target_semaphore(%arg17 : memref<!tpu.dma_semaphore, #tpu.memory_space<semaphore_mem>>)
    %add3A_172 = arith.constant 3 : i32
    %add3A_173 = arith.addi %select_n3A_10, %add3A_172 : i32
    %dma_start3A_174 = arith.constant 0 : i32
    %dma_start3A_175 = arith.constant 0 : i32
    %dma_start3A_176 = tpu.memref_slice %arg3[%add3A_173, %dma_start3A_174, %dma_start3A_175] : memref<2560x2x128xi32, #tpu.memory_space<hbm>> -> memref<1x2x128xi32, #tpu.memory_space<hbm>>
    %dma_start3A_177 = tpu.memref_squeeze %dma_start3A_176 : memref<1x2x128xi32, #tpu.memory_space<hbm>> -> memref<2x128xi32, #tpu.memory_space<hbm>>
    %dma_start3A_178 = arith.constant 0 : i32
    %dma_start3A_179 = arith.constant 0 : i32
    %dma_start3A_180 = tpu.memref_slice %arg3[%add3A_173, %dma_start3A_178, %dma_start3A_179] : memref<2560x2x128xi32, #tpu.memory_space<hbm>> -> memref<1x2x128xi32, #tpu.memory_space<hbm>>
    %dma_start3A_181 = tpu.memref_squeeze %dma_start3A_180 : memref<1x2x128xi32, #tpu.memory_space<hbm>> -> memref<2x128xi32, #tpu.memory_space<hbm>>
    tpu.enqueue_dma source(%dma_start3A_181 : memref<2x128xi32, #tpu.memory_space<hbm>>) target(%arg8 : memref<2x128xi32, #tpu.memory_space<vmem>>) target_semaphore(%arg18 : memref<!tpu.dma_semaphore, #tpu.memory_space<semaphore_mem>>)
    %barrier3A_182 = arith.constant 0 : index
    tpu.barrier barrier_id(%barrier3A_182)
    %dma_wait3A_183 = arith.constant 0 : i32
    %dma_wait3A_184 = arith.constant 0 : i32
    %dma_wait3A_185 = tpu.memref_slice %arg3[%select_n3A_10, %dma_wait3A_183, %dma_wait3A_184] : memref<2560x2x128xi32, #tpu.memory_space<hbm>> -> memref<1x2x128xi32, #tpu.memory_space<hbm>>
    %dma_wait3A_186 = tpu.memref_squeeze %dma_wait3A_185 : memref<1x2x128xi32, #tpu.memory_space<hbm>> -> memref<2x128xi32, #tpu.memory_space<hbm>>
    %dma_wait3A_187 = arith.constant 0 : i32
    %dma_wait3A_188 = arith.constant 0 : i32
    %dma_wait3A_189 = tpu.memref_slice %arg3[%select_n3A_10, %dma_wait3A_187, %dma_wait3A_188] : memref<2560x2x128xi32, #tpu.memory_space<hbm>> -> memref<1x2x128xi32, #tpu.memory_space<hbm>>
    %dma_wait3A_190 = tpu.memref_squeeze %dma_wait3A_189 : memref<1x2x128xi32, #tpu.memory_space<hbm>> -> memref<2x128xi32, #tpu.memory_space<hbm>>
    tpu.wait_dma2 semaphore(%arg15 : memref<!tpu.dma_semaphore, #tpu.memory_space<semaphore_mem>>) src(%dma_wait3A_190 : memref<2x128xi32, #tpu.memory_space<hbm>>) dst(%arg5 : memref<2x128xi32, #tpu.memory_space<vmem>>)
    %dma_start3A_191 = arith.constant 0 : i32
    %dma_start3A_192 = arith.constant 0 : i32
    %dma_start3A_193 = tpu.memref_slice %arg5[%dma_start3A_191, %dma_start3A_192] : memref<2x128xi32, #tpu.memory_space<vmem>> -> memref<1x128xi32, #tpu.memory_space<vmem>>
    %dma_start3A_194 = tpu.memref_squeeze %dma_start3A_193 : memref<1x128xi32, #tpu.memory_space<vmem>> -> memref<128xi32, #tpu.memory_space<vmem>>
    %dma_start3A_195 = arith.constant 0 : i32
    %dma_start3A_196 = arith.constant 0 : i32
    %dma_start3A_197 = tpu.memref_slice %arg13[%dma_start3A_195, %dma_start3A_196] : memref<10240x64xf32, #tpu.memory_space<vmem_shared>> -> memref<10240x64xf32, #tpu.memory_space<vmem_shared>>
    tpu.enqueue_indirect_dma source(%dma_start3A_197 : memref<10240x64xf32, #tpu.memory_space<vmem_shared>>) target(%arg9 : memref<128x64xf32, #tpu.memory_space<vmem>>) offsets(%dma_start3A_194 : memref<128xi32, #tpu.memory_space<vmem>>) semaphore(%arg19 : memref<!tpu.dma_semaphore, #tpu.memory_space<semaphore_mem>>)
    %dma_wait3A_198 = arith.constant 0 : i32
    %dma_wait3A_199 = arith.constant 0 : i32
    %dma_wait3A_200 = tpu.memref_slice %arg3[%select_n3A_10, %dma_wait3A_198, %dma_wait3A_199] : memref<2560x2x128xi32, #tpu.memory_space<hbm>> -> memref<1x2x128xi32, #tpu.memory_space<hbm>>
    %dma_wait3A_201 = tpu.memref_squeeze %dma_wait3A_200 : memref<1x2x128xi32, #tpu.memory_space<hbm>> -> memref<2x128xi32, #tpu.memory_space<hbm>>
    %dma_wait3A_202 = arith.constant 0 : i32
    %dma_wait3A_203 = arith.constant 0 : i32
    %dma_wait3A_204 = tpu.memref_slice %arg3[%select_n3A_10, %dma_wait3A_202, %dma_wait3A_203] : memref<2560x2x128xi32, #tpu.memory_space<hbm>> -> memref<1x2x128xi32, #tpu.memory_space<hbm>>
    %dma_wait3A_205 = tpu.memref_squeeze %dma_wait3A_204 : memref<1x2x128xi32, #tpu.memory_space<hbm>> -> memref<2x128xi32, #tpu.memory_space<hbm>>
    tpu.wait_dma2 semaphore(%arg16 : memref<!tpu.dma_semaphore, #tpu.memory_space<semaphore_mem>>) src(%dma_wait3A_205 : memref<2x128xi32, #tpu.memory_space<hbm>>) dst(%arg6 : memref<2x128xi32, #tpu.memory_space<vmem>>)
    %dma_start3A_206 = arith.constant 0 : i32
    %dma_start3A_207 = arith.constant 0 : i32
    %dma_start3A_208 = tpu.memref_slice %arg6[%dma_start3A_206, %dma_start3A_207] : memref<2x128xi32, #tpu.memory_space<vmem>> -> memref<1x128xi32, #tpu.memory_space<vmem>>
    %dma_start3A_209 = tpu.memref_squeeze %dma_start3A_208 : memref<1x128xi32, #tpu.memory_space<vmem>> -> memref<128xi32, #tpu.memory_space<vmem>>
    %dma_start3A_210 = arith.constant 0 : i32
    %dma_start3A_211 = arith.constant 0 : i32
    %dma_start3A_212 = tpu.memref_slice %arg13[%dma_start3A_210, %dma_start3A_211] : memref<10240x64xf32, #tpu.memory_space<vmem_shared>> -> memref<10240x64xf32, #tpu.memory_space<vmem_shared>>
    tpu.enqueue_indirect_dma source(%dma_start3A_212 : memref<10240x64xf32, #tpu.memory_space<vmem_shared>>) target(%arg10 : memref<128x64xf32, #tpu.memory_space<vmem>>) offsets(%dma_start3A_209 : memref<128xi32, #tpu.memory_space<vmem>>) semaphore(%arg20 : memref<!tpu.dma_semaphore, #tpu.memory_space<semaphore_mem>>)
    %dma_wait3A_213 = arith.constant 0 : i32
    %dma_wait3A_214 = arith.constant 0 : i32
    %dma_wait3A_215 = tpu.memref_slice %arg3[%select_n3A_10, %dma_wait3A_213, %dma_wait3A_214] : memref<2560x2x128xi32, #tpu.memory_space<hbm>> -> memref<1x2x128xi32, #tpu.memory_space<hbm>>
    %dma_wait3A_216 = tpu.memref_squeeze %dma_wait3A_215 : memref<1x2x128xi32, #tpu.memory_space<hbm>> -> memref<2x128xi32, #tpu.memory_space<hbm>>
    %dma_wait3A_217 = arith.constant 0 : i32
    %dma_wait3A_218 = arith.constant 0 : i32
    %dma_wait3A_219 = tpu.memref_slice %arg3[%select_n3A_10, %dma_wait3A_217, %dma_wait3A_218] : memref<2560x2x128xi32, #tpu.memory_space<hbm>> -> memref<1x2x128xi32, #tpu.memory_space<hbm>>
    %dma_wait3A_220 = tpu.memref_squeeze %dma_wait3A_219 : memref<1x2x128xi32, #tpu.memory_space<hbm>> -> memref<2x128xi32, #tpu.memory_space<hbm>>
    tpu.wait_dma2 semaphore(%arg17 : memref<!tpu.dma_semaphore, #tpu.memory_space<semaphore_mem>>) src(%dma_wait3A_220 : memref<2x128xi32, #tpu.memory_space<hbm>>) dst(%arg7 : memref<2x128xi32, #tpu.memory_space<vmem>>)
    %dma_start3A_221 = arith.constant 0 : i32
    %dma_start3A_222 = arith.constant 0 : i32
    %dma_start3A_223 = tpu.memref_slice %arg7[%dma_start3A_221, %dma_start3A_222] : memref<2x128xi32, #tpu.memory_space<vmem>> -> memref<1x128xi32, #tpu.memory_space<vmem>>
    %dma_start3A_224 = tpu.memref_squeeze %dma_start3A_223 : memref<1x128xi32, #tpu.memory_space<vmem>> -> memref<128xi32, #tpu.memory_space<vmem>>
    %dma_start3A_225 = arith.constant 0 : i32
    %dma_start3A_226 = arith.constant 0 : i32
    %dma_start3A_227 = tpu.memref_slice %arg13[%dma_start3A_225, %dma_start3A_226] : memref<10240x64xf32, #tpu.memory_space<vmem_shared>> -> memref<10240x64xf32, #tpu.memory_space<vmem_shared>>
    tpu.enqueue_indirect_dma source(%dma_start3A_227 : memref<10240x64xf32, #tpu.memory_space<vmem_shared>>) target(%arg11 : memref<128x64xf32, #tpu.memory_space<vmem>>) offsets(%dma_start3A_224 : memref<128xi32, #tpu.memory_space<vmem>>) semaphore(%arg21 : memref<!tpu.dma_semaphore, #tpu.memory_space<semaphore_mem>>)
    %eq3A_228 = arith.constant 0 : i32
    %eq3A_229 = arith.cmpi eq, %arg0, %eq3A_228 : i32
    %jit3A_230 = arith.constant 20 : i32
    %jit3A_231 = arith.constant 20 : i32
    %select_n3A_232 = arith.select %eq3A_229, %jit3A_230, %jit3A_231 : i32
    %while3A_233 = arith.constant 0 : i32
    %while3A_234 = arith.constant 0 : i32
    %while3A_235 = arith.subi %select_n3A_232, %while3A_234 : i32
    %while3A_236 = arith.addi %while3A_234, %while3A_235 : i32
    %while3A_237 = arith.constant 1 : i32
    %while3A_238 = arith.divsi %while3A_235, %while3A_237 : i32
    %while3A_239 = arith.muli %while3A_238, %while3A_237 : i32
    %while3A_240 = arith.addi %while3A_234, %while3A_239 : i32
    %while3A_241 = arith.constant 1 : i32
    scf.for %while3A_274 = %while3A_234 to %while3A_240 step %while3A_241  : i32 {
      %mul3A_275 = arith.constant 4 : i32
      %mul3A_276 = arith.muli %while3A_274, %mul3A_275 : i32
      %add3A_277 = arith.constant 0 : i32
      %add3A_278 = arith.addi %mul3A_276, %add3A_277 : i32
      %dma_wait3A_279 = arith.constant 0 : i32
      %dma_wait3A_280 = arith.constant 0 : i32
      %dma_wait3A_281 = tpu.memref_slice %arg3[%select_n3A_10, %dma_wait3A_279, %dma_wait3A_280] : memref<2560x2x128xi32, #tpu.memory_space<hbm>> -> memref<1x2x128xi32, #tpu.memory_space<hbm>>
      %dma_wait3A_282 = tpu.memref_squeeze %dma_wait3A_281 : memref<1x2x128xi32, #tpu.memory_space<hbm>> -> memref<2x128xi32, #tpu.memory_space<hbm>>
      %dma_wait3A_283 = arith.constant 0 : i32
      %dma_wait3A_284 = arith.constant 0 : i32
      %dma_wait3A_285 = tpu.memref_slice %arg3[%select_n3A_10, %dma_wait3A_283, %dma_wait3A_284] : memref<2560x2x128xi32, #tpu.memory_space<hbm>> -> memref<1x2x128xi32, #tpu.memory_space<hbm>>
      %dma_wait3A_286 = tpu.memref_squeeze %dma_wait3A_285 : memref<1x2x128xi32, #tpu.memory_space<hbm>> -> memref<2x128xi32, #tpu.memory_space<hbm>>
      tpu.wait_dma2 semaphore(%arg18 : memref<!tpu.dma_semaphore, #tpu.memory_space<semaphore_mem>>) src(%dma_wait3A_286 : memref<2x128xi32, #tpu.memory_space<hbm>>) dst(%arg8 : memref<2x128xi32, #tpu.memory_space<vmem>>)
      %dma_start3A_287 = arith.constant 0 : i32
      %dma_start3A_288 = arith.constant 0 : i32
      %dma_start3A_289 = tpu.memref_slice %arg8[%dma_start3A_287, %dma_start3A_288] : memref<2x128xi32, #tpu.memory_space<vmem>> -> memref<1x128xi32, #tpu.memory_space<vmem>>
      %dma_start3A_290 = tpu.memref_squeeze %dma_start3A_289 : memref<1x128xi32, #tpu.memory_space<vmem>> -> memref<128xi32, #tpu.memory_space<vmem>>
      %dma_start3A_291 = arith.constant 0 : i32
      %dma_start3A_292 = arith.constant 0 : i32
      %dma_start3A_293 = tpu.memref_slice %arg13[%dma_start3A_291, %dma_start3A_292] : memref<10240x64xf32, #tpu.memory_space<vmem_shared>> -> memref<10240x64xf32, #tpu.memory_space<vmem_shared>>
      tpu.enqueue_indirect_dma source(%dma_start3A_293 : memref<10240x64xf32, #tpu.memory_space<vmem_shared>>) target(%arg12 : memref<128x64xf32, #tpu.memory_space<vmem>>) offsets(%dma_start3A_290 : memref<128xi32, #tpu.memory_space<vmem>>) semaphore(%arg22 : memref<!tpu.dma_semaphore, #tpu.memory_space<semaphore_mem>>)
      %dma_wait3A_294 = arith.constant 0 : i32
      %dma_wait3A_295 = arith.constant 0 : i32
      %dma_wait3A_296 = tpu.memref_slice %arg5[%dma_wait3A_294, %dma_wait3A_295] : memref<2x128xi32, #tpu.memory_space<vmem>> -> memref<1x128xi32, #tpu.memory_space<vmem>>
      %dma_wait3A_297 = tpu.memref_squeeze %dma_wait3A_296 : memref<1x128xi32, #tpu.memory_space<vmem>> -> memref<128xi32, #tpu.memory_space<vmem>>
      %dma_wait3A_298 = arith.constant 0 : i32
      %dma_wait3A_299 = arith.constant 0 : i32
      %dma_wait3A_300 = tpu.memref_slice %arg13[%dma_wait3A_298, %dma_wait3A_299] : memref<10240x64xf32, #tpu.memory_space<vmem_shared>> -> memref<10240x64xf32, #tpu.memory_space<vmem_shared>>
      tpu.wait_indirect_dma semaphore(%arg19 : memref<!tpu.dma_semaphore, #tpu.memory_space<semaphore_mem>>) src(%dma_wait3A_300 : memref<10240x64xf32, #tpu.memory_space<vmem_shared>>) dst(%arg9 : memref<128x64xf32, #tpu.memory_space<vmem>>)
      %run_scoped3A_301 = arith.constant 1 : i32
      "tpu.region"() ({
        %run_scoped3A_437 = tpu.sem_alloc : memref<!tpu.dma_semaphore, #tpu.memory_space<semaphore_mem>>
        %dma_start3A_438 = arith.constant 0 : i32
        %dma_start3A_439 = tpu.memref_slice %arg5[%run_scoped3A_301, %dma_start3A_438] : memref<2x128xi32, #tpu.memory_space<vmem>> -> memref<1x128xi32, #tpu.memory_space<vmem>>
        %dma_start3A_440 = tpu.memref_squeeze %dma_start3A_439 : memref<1x128xi32, #tpu.memory_space<vmem>> -> memref<128xi32, #tpu.memory_space<vmem>>
        %dma_start3A_441 = arith.constant 0 : i32
        %dma_start3A_442 = arith.constant 0 : i32
        %dma_start3A_443 = tpu.memref_slice %arg14[%dma_start3A_441, %dma_start3A_442] : memref<10240x64xf32, #tpu.memory_space<vmem_shared>> -> memref<10240x64xf32, #tpu.memory_space<vmem_shared>>
        tpu.enqueue_indirect_dma source(%arg9 : memref<128x64xf32, #tpu.memory_space<vmem>>) target(%dma_start3A_443 : memref<10240x64xf32, #tpu.memory_space<vmem_shared>>) offsets(%dma_start3A_440 : memref<128xi32, #tpu.memory_space<vmem>>) semaphore(%run_scoped3A_437 : memref<!tpu.dma_semaphore, #tpu.memory_space<semaphore_mem>>) {add = true}
        %dma_wait3A_444 = arith.constant 0 : i32
        %dma_wait3A_445 = tpu.memref_slice %arg5[%run_scoped3A_301, %dma_wait3A_444] : memref<2x128xi32, #tpu.memory_space<vmem>> -> memref<1x128xi32, #tpu.memory_space<vmem>>
        %dma_wait3A_446 = tpu.memref_squeeze %dma_wait3A_445 : memref<1x128xi32, #tpu.memory_space<vmem>> -> memref<128xi32, #tpu.memory_space<vmem>>
        %dma_wait3A_447 = arith.constant 0 : i32
        %dma_wait3A_448 = arith.constant 0 : i32
        %dma_wait3A_449 = tpu.memref_slice %arg14[%dma_wait3A_447, %dma_wait3A_448] : memref<10240x64xf32, #tpu.memory_space<vmem_shared>> -> memref<10240x64xf32, #tpu.memory_space<vmem_shared>>
        tpu.wait_indirect_dma semaphore(%run_scoped3A_437 : memref<!tpu.dma_semaphore, #tpu.memory_space<semaphore_mem>>) src(%arg9 : memref<128x64xf32, #tpu.memory_space<vmem>>) dst(%dma_wait3A_449 : memref<10240x64xf32, #tpu.memory_space<vmem_shared>>)
        tpu.yield
      }) : () -> ()
      %add3A_302 = arith.constant 4 : i32
      %add3A_303 = arith.addi %add3A_278, %add3A_302 : i32
      %sub3A = arith.constant 1 : i32
      %sub3A_304 = arith.subi %select_n3A, %sub3A : i32
      %min3A = arith.minsi %add3A_303, %sub3A_304 : i32
      %add3A_305 = arith.addi %select_n3A_10, %min3A : i32
      %dma_start3A_306 = arith.constant 0 : i32
      %dma_start3A_307 = arith.constant 0 : i32
      %dma_start3A_308 = tpu.memref_slice %arg3[%add3A_305, %dma_start3A_306, %dma_start3A_307] : memref<2560x2x128xi32, #tpu.memory_space<hbm>> -> memref<1x2x128xi32, #tpu.memory_space<hbm>>
      %dma_start3A_309 = tpu.memref_squeeze %dma_start3A_308 : memref<1x2x128xi32, #tpu.memory_space<hbm>> -> memref<2x128xi32, #tpu.memory_space<hbm>>
      %dma_start3A_310 = arith.constant 0 : i32
      %dma_start3A_311 = arith.constant 0 : i32
      %dma_start3A_312 = tpu.memref_slice %arg3[%add3A_305, %dma_start3A_310, %dma_start3A_311] : memref<2560x2x128xi32, #tpu.memory_space<hbm>> -> memref<1x2x128xi32, #tpu.memory_space<hbm>>
      %dma_start3A_313 = tpu.memref_squeeze %dma_start3A_312 : memref<1x2x128xi32, #tpu.memory_space<hbm>> -> memref<2x128xi32, #tpu.memory_space<hbm>>
      tpu.enqueue_dma source(%dma_start3A_313 : memref<2x128xi32, #tpu.memory_space<hbm>>) target(%arg5 : memref<2x128xi32, #tpu.memory_space<vmem>>) target_semaphore(%arg15 : memref<!tpu.dma_semaphore, #tpu.memory_space<semaphore_mem>>)
      %mul3A_314 = arith.constant 4 : i32
      %mul3A_315 = arith.muli %while3A_274, %mul3A_314 : i32
      %add3A_316 = arith.constant 1 : i32
      %add3A_317 = arith.addi %mul3A_315, %add3A_316 : i32
      %dma_wait3A_318 = arith.constant 0 : i32
      %dma_wait3A_319 = arith.constant 0 : i32
      %dma_wait3A_320 = tpu.memref_slice %arg3[%select_n3A_10, %dma_wait3A_318, %dma_wait3A_319] : memref<2560x2x128xi32, #tpu.memory_space<hbm>> -> memref<1x2x128xi32, #tpu.memory_space<hbm>>
      %dma_wait3A_321 = tpu.memref_squeeze %dma_wait3A_320 : memref<1x2x128xi32, #tpu.memory_space<hbm>> -> memref<2x128xi32, #tpu.memory_space<hbm>>
      %dma_wait3A_322 = arith.constant 0 : i32
      %dma_wait3A_323 = arith.constant 0 : i32
      %dma_wait3A_324 = tpu.memref_slice %arg3[%select_n3A_10, %dma_wait3A_322, %dma_wait3A_323] : memref<2560x2x128xi32, #tpu.memory_space<hbm>> -> memref<1x2x128xi32, #tpu.memory_space<hbm>>
      %dma_wait3A_325 = tpu.memref_squeeze %dma_wait3A_324 : memref<1x2x128xi32, #tpu.memory_space<hbm>> -> memref<2x128xi32, #tpu.memory_space<hbm>>
      tpu.wait_dma2 semaphore(%arg15 : memref<!tpu.dma_semaphore, #tpu.memory_space<semaphore_mem>>) src(%dma_wait3A_325 : memref<2x128xi32, #tpu.memory_space<hbm>>) dst(%arg5 : memref<2x128xi32, #tpu.memory_space<vmem>>)
      %dma_start3A_326 = arith.constant 0 : i32
      %dma_start3A_327 = arith.constant 0 : i32
      %dma_start3A_328 = tpu.memref_slice %arg5[%dma_start3A_326, %dma_start3A_327] : memref<2x128xi32, #tpu.memory_space<vmem>> -> memref<1x128xi32, #tpu.memory_space<vmem>>
      %dma_start3A_329 = tpu.memref_squeeze %dma_start3A_328 : memref<1x128xi32, #tpu.memory_space<vmem>> -> memref<128xi32, #tpu.memory_space<vmem>>
      %dma_start3A_330 = arith.constant 0 : i32
      %dma_start3A_331 = arith.constant 0 : i32
      %dma_start3A_332 = tpu.memref_slice %arg13[%dma_start3A_330, %dma_start3A_331] : memref<10240x64xf32, #tpu.memory_space<vmem_shared>> -> memref<10240x64xf32, #tpu.memory_space<vmem_shared>>
      tpu.enqueue_indirect_dma source(%dma_start3A_332 : memref<10240x64xf32, #tpu.memory_space<vmem_shared>>) target(%arg9 : memref<128x64xf32, #tpu.memory_space<vmem>>) offsets(%dma_start3A_329 : memref<128xi32, #tpu.memory_space<vmem>>) semaphore(%arg19 : memref<!tpu.dma_semaphore, #tpu.memory_space<semaphore_mem>>)
      %dma_wait3A_333 = arith.constant 0 : i32
      %dma_wait3A_334 = arith.constant 0 : i32
      %dma_wait3A_335 = tpu.memref_slice %arg6[%dma_wait3A_333, %dma_wait3A_334] : memref<2x128xi32, #tpu.memory_space<vmem>> -> memref<1x128xi32, #tpu.memory_space<vmem>>
      %dma_wait3A_336 = tpu.memref_squeeze %dma_wait3A_335 : memref<1x128xi32, #tpu.memory_space<vmem>> -> memref<128xi32, #tpu.memory_space<vmem>>
      %dma_wait3A_337 = arith.constant 0 : i32
      %dma_wait3A_338 = arith.constant 0 : i32
      %dma_wait3A_339 = tpu.memref_slice %arg13[%dma_wait3A_337, %dma_wait3A_338] : memref<10240x64xf32, #tpu.memory_space<vmem_shared>> -> memref<10240x64xf32, #tpu.memory_space<vmem_shared>>
      tpu.wait_indirect_dma semaphore(%arg20 : memref<!tpu.dma_semaphore, #tpu.memory_space<semaphore_mem>>) src(%dma_wait3A_339 : memref<10240x64xf32, #tpu.memory_space<vmem_shared>>) dst(%arg10 : memref<128x64xf32, #tpu.memory_space<vmem>>)
      %run_scoped3A_340 = arith.constant 1 : i32
      "tpu.region"() ({
        %run_scoped3A_437 = tpu.sem_alloc : memref<!tpu.dma_semaphore, #tpu.memory_space<semaphore_mem>>
        %dma_start3A_438 = arith.constant 0 : i32
        %dma_start3A_439 = tpu.memref_slice %arg6[%run_scoped3A_340, %dma_start3A_438] : memref<2x128xi32, #tpu.memory_space<vmem>> -> memref<1x128xi32, #tpu.memory_space<vmem>>
        %dma_start3A_440 = tpu.memref_squeeze %dma_start3A_439 : memref<1x128xi32, #tpu.memory_space<vmem>> -> memref<128xi32, #tpu.memory_space<vmem>>
        %dma_start3A_441 = arith.constant 0 : i32
        %dma_start3A_442 = arith.constant 0 : i32
        %dma_start3A_443 = tpu.memref_slice %arg14[%dma_start3A_441, %dma_start3A_442] : memref<10240x64xf32, #tpu.memory_space<vmem_shared>> -> memref<10240x64xf32, #tpu.memory_space<vmem_shared>>
        tpu.enqueue_indirect_dma source(%arg10 : memref<128x64xf32, #tpu.memory_space<vmem>>) target(%dma_start3A_443 : memref<10240x64xf32, #tpu.memory_space<vmem_shared>>) offsets(%dma_start3A_440 : memref<128xi32, #tpu.memory_space<vmem>>) semaphore(%run_scoped3A_437 : memref<!tpu.dma_semaphore, #tpu.memory_space<semaphore_mem>>) {add = true}
        %dma_wait3A_444 = arith.constant 0 : i32
        %dma_wait3A_445 = tpu.memref_slice %arg6[%run_scoped3A_340, %dma_wait3A_444] : memref<2x128xi32, #tpu.memory_space<vmem>> -> memref<1x128xi32, #tpu.memory_space<vmem>>
        %dma_wait3A_446 = tpu.memref_squeeze %dma_wait3A_445 : memref<1x128xi32, #tpu.memory_space<vmem>> -> memref<128xi32, #tpu.memory_space<vmem>>
        %dma_wait3A_447 = arith.constant 0 : i32
        %dma_wait3A_448 = arith.constant 0 : i32
        %dma_wait3A_449 = tpu.memref_slice %arg14[%dma_wait3A_447, %dma_wait3A_448] : memref<10240x64xf32, #tpu.memory_space<vmem_shared>> -> memref<10240x64xf32, #tpu.memory_space<vmem_shared>>
        tpu.wait_indirect_dma semaphore(%run_scoped3A_437 : memref<!tpu.dma_semaphore, #tpu.memory_space<semaphore_mem>>) src(%arg10 : memref<128x64xf32, #tpu.memory_space<vmem>>) dst(%dma_wait3A_449 : memref<10240x64xf32, #tpu.memory_space<vmem_shared>>)
        tpu.yield
      }) : () -> ()
      %add3A_341 = arith.constant 4 : i32
      %add3A_342 = arith.addi %add3A_317, %add3A_341 : i32
      %sub3A_343 = arith.constant 1 : i32
      %sub3A_344 = arith.subi %select_n3A, %sub3A_343 : i32
      %min3A_345 = arith.minsi %add3A_342, %sub3A_344 : i32
      %add3A_346 = arith.addi %select_n3A_10, %min3A_345 : i32
      %dma_start3A_347 = arith.constant 0 : i32
      %dma_start3A_348 = arith.constant 0 : i32
      %dma_start3A_349 = tpu.memref_slice %arg3[%add3A_346, %dma_start3A_347, %dma_start3A_348] : memref<2560x2x128xi32, #tpu.memory_space<hbm>> -> memref<1x2x128xi32, #tpu.memory_space<hbm>>
      %dma_start3A_350 = tpu.memref_squeeze %dma_start3A_349 : memref<1x2x128xi32, #tpu.memory_space<hbm>> -> memref<2x128xi32, #tpu.memory_space<hbm>>
      %dma_start3A_351 = arith.constant 0 : i32
      %dma_start3A_352 = arith.constant 0 : i32
      %dma_start3A_353 = tpu.memref_slice %arg3[%add3A_346, %dma_start3A_351, %dma_start3A_352] : memref<2560x2x128xi32, #tpu.memory_space<hbm>> -> memref<1x2x128xi32, #tpu.memory_space<hbm>>
      %dma_start3A_354 = tpu.memref_squeeze %dma_start3A_353 : memref<1x2x128xi32, #tpu.memory_space<hbm>> -> memref<2x128xi32, #tpu.memory_space<hbm>>
      tpu.enqueue_dma source(%dma_start3A_354 : memref<2x128xi32, #tpu.memory_space<hbm>>) target(%arg6 : memref<2x128xi32, #tpu.memory_space<vmem>>) target_semaphore(%arg16 : memref<!tpu.dma_semaphore, #tpu.memory_space<semaphore_mem>>)
      %mul3A_355 = arith.constant 4 : i32
      %mul3A_356 = arith.muli %while3A_274, %mul3A_355 : i32
      %add3A_357 = arith.constant 2 : i32
      %add3A_358 = arith.addi %mul3A_356, %add3A_357 : i32
      %dma_wait3A_359 = arith.constant 0 : i32
      %dma_wait3A_360 = arith.constant 0 : i32
      %dma_wait3A_361 = tpu.memref_slice %arg3[%select_n3A_10, %dma_wait3A_359, %dma_wait3A_360] : memref<2560x2x128xi32, #tpu.memory_space<hbm>> -> memref<1x2x128xi32, #tpu.memory_space<hbm>>
      %dma_wait3A_362 = tpu.memref_squeeze %dma_wait3A_361 : memref<1x2x128xi32, #tpu.memory_space<hbm>> -> memref<2x128xi32, #tpu.memory_space<hbm>>
      %dma_wait3A_363 = arith.constant 0 : i32
      %dma_wait3A_364 = arith.constant 0 : i32
      %dma_wait3A_365 = tpu.memref_slice %arg3[%select_n3A_10, %dma_wait3A_363, %dma_wait3A_364] : memref<2560x2x128xi32, #tpu.memory_space<hbm>> -> memref<1x2x128xi32, #tpu.memory_space<hbm>>
      %dma_wait3A_366 = tpu.memref_squeeze %dma_wait3A_365 : memref<1x2x128xi32, #tpu.memory_space<hbm>> -> memref<2x128xi32, #tpu.memory_space<hbm>>
      tpu.wait_dma2 semaphore(%arg16 : memref<!tpu.dma_semaphore, #tpu.memory_space<semaphore_mem>>) src(%dma_wait3A_366 : memref<2x128xi32, #tpu.memory_space<hbm>>) dst(%arg6 : memref<2x128xi32, #tpu.memory_space<vmem>>)
      %dma_start3A_367 = arith.constant 0 : i32
      %dma_start3A_368 = arith.constant 0 : i32
      %dma_start3A_369 = tpu.memref_slice %arg6[%dma_start3A_367, %dma_start3A_368] : memref<2x128xi32, #tpu.memory_space<vmem>> -> memref<1x128xi32, #tpu.memory_space<vmem>>
      %dma_start3A_370 = tpu.memref_squeeze %dma_start3A_369 : memref<1x128xi32, #tpu.memory_space<vmem>> -> memref<128xi32, #tpu.memory_space<vmem>>
      %dma_start3A_371 = arith.constant 0 : i32
      %dma_start3A_372 = arith.constant 0 : i32
      %dma_start3A_373 = tpu.memref_slice %arg13[%dma_start3A_371, %dma_start3A_372] : memref<10240x64xf32, #tpu.memory_space<vmem_shared>> -> memref<10240x64xf32, #tpu.memory_space<vmem_shared>>
      tpu.enqueue_indirect_dma source(%dma_start3A_373 : memref<10240x64xf32, #tpu.memory_space<vmem_shared>>) target(%arg10 : memref<128x64xf32, #tpu.memory_space<vmem>>) offsets(%dma_start3A_370 : memref<128xi32, #tpu.memory_space<vmem>>) semaphore(%arg20 : memref<!tpu.dma_semaphore, #tpu.memory_space<semaphore_mem>>)
      %dma_wait3A_374 = arith.constant 0 : i32
      %dma_wait3A_375 = arith.constant 0 : i32
      %dma_wait3A_376 = tpu.memref_slice %arg7[%dma_wait3A_374, %dma_wait3A_375] : memref<2x128xi32, #tpu.memory_space<vmem>> -> memref<1x128xi32, #tpu.memory_space<vmem>>
      %dma_wait3A_377 = tpu.memref_squeeze %dma_wait3A_376 : memref<1x128xi32, #tpu.memory_space<vmem>> -> memref<128xi32, #tpu.memory_space<vmem>>
      %dma_wait3A_378 = arith.constant 0 : i32
      %dma_wait3A_379 = arith.constant 0 : i32
      %dma_wait3A_380 = tpu.memref_slice %arg13[%dma_wait3A_378, %dma_wait3A_379] : memref<10240x64xf32, #tpu.memory_space<vmem_shared>> -> memref<10240x64xf32, #tpu.memory_space<vmem_shared>>
      tpu.wait_indirect_dma semaphore(%arg21 : memref<!tpu.dma_semaphore, #tpu.memory_space<semaphore_mem>>) src(%dma_wait3A_380 : memref<10240x64xf32, #tpu.memory_space<vmem_shared>>) dst(%arg11 : memref<128x64xf32, #tpu.memory_space<vmem>>)
      %run_scoped3A_381 = arith.constant 1 : i32
      "tpu.region"() ({
        %run_scoped3A_437 = tpu.sem_alloc : memref<!tpu.dma_semaphore, #tpu.memory_space<semaphore_mem>>
        %dma_start3A_438 = arith.constant 0 : i32
        %dma_start3A_439 = tpu.memref_slice %arg7[%run_scoped3A_381, %dma_start3A_438] : memref<2x128xi32, #tpu.memory_space<vmem>> -> memref<1x128xi32, #tpu.memory_space<vmem>>
        %dma_start3A_440 = tpu.memref_squeeze %dma_start3A_439 : memref<1x128xi32, #tpu.memory_space<vmem>> -> memref<128xi32, #tpu.memory_space<vmem>>
        %dma_start3A_441 = arith.constant 0 : i32
        %dma_start3A_442 = arith.constant 0 : i32
        %dma_start3A_443 = tpu.memref_slice %arg14[%dma_start3A_441, %dma_start3A_442] : memref<10240x64xf32, #tpu.memory_space<vmem_shared>> -> memref<10240x64xf32, #tpu.memory_space<vmem_shared>>
        tpu.enqueue_indirect_dma source(%arg11 : memref<128x64xf32, #tpu.memory_space<vmem>>) target(%dma_start3A_443 : memref<10240x64xf32, #tpu.memory_space<vmem_shared>>) offsets(%dma_start3A_440 : memref<128xi32, #tpu.memory_space<vmem>>) semaphore(%run_scoped3A_437 : memref<!tpu.dma_semaphore, #tpu.memory_space<semaphore_mem>>) {add = true}
        %dma_wait3A_444 = arith.constant 0 : i32
        %dma_wait3A_445 = tpu.memref_slice %arg7[%run_scoped3A_381, %dma_wait3A_444] : memref<2x128xi32, #tpu.memory_space<vmem>> -> memref<1x128xi32, #tpu.memory_space<vmem>>
        %dma_wait3A_446 = tpu.memref_squeeze %dma_wait3A_445 : memref<1x128xi32, #tpu.memory_space<vmem>> -> memref<128xi32, #tpu.memory_space<vmem>>
        %dma_wait3A_447 = arith.constant 0 : i32
        %dma_wait3A_448 = arith.constant 0 : i32
        %dma_wait3A_449 = tpu.memref_slice %arg14[%dma_wait3A_447, %dma_wait3A_448] : memref<10240x64xf32, #tpu.memory_space<vmem_shared>> -> memref<10240x64xf32, #tpu.memory_space<vmem_shared>>
        tpu.wait_indirect_dma semaphore(%run_scoped3A_437 : memref<!tpu.dma_semaphore, #tpu.memory_space<semaphore_mem>>) src(%arg11 : memref<128x64xf32, #tpu.memory_space<vmem>>) dst(%dma_wait3A_449 : memref<10240x64xf32, #tpu.memory_space<vmem_shared>>)
        tpu.yield
      }) : () -> ()
      %add3A_382 = arith.constant 4 : i32
      %add3A_383 = arith.addi %add3A_358, %add3A_382 : i32
      %sub3A_384 = arith.constant 1 : i32
      %sub3A_385 = arith.subi %select_n3A, %sub3A_384 : i32
      %min3A_386 = arith.minsi %add3A_383, %sub3A_385 : i32
      %add3A_387 = arith.addi %select_n3A_10, %min3A_386 : i32
      %dma_start3A_388 = arith.constant 0 : i32
      %dma_start3A_389 = arith.constant 0 : i32
      %dma_start3A_390 = tpu.memref_slice %arg3[%add3A_387, %dma_start3A_388, %dma_start3A_389] : memref<2560x2x128xi32, #tpu.memory_space<hbm>> -> memref<1x2x128xi32, #tpu.memory_space<hbm>>
      %dma_start3A_391 = tpu.memref_squeeze %dma_start3A_390 : memref<1x2x128xi32, #tpu.memory_space<hbm>> -> memref<2x128xi32, #tpu.memory_space<hbm>>
      %dma_start3A_392 = arith.constant 0 : i32
      %dma_start3A_393 = arith.constant 0 : i32
      %dma_start3A_394 = tpu.memref_slice %arg3[%add3A_387, %dma_start3A_392, %dma_start3A_393] : memref<2560x2x128xi32, #tpu.memory_space<hbm>> -> memref<1x2x128xi32, #tpu.memory_space<hbm>>
      %dma_start3A_395 = tpu.memref_squeeze %dma_start3A_394 : memref<1x2x128xi32, #tpu.memory_space<hbm>> -> memref<2x128xi32, #tpu.memory_space<hbm>>
      tpu.enqueue_dma source(%dma_start3A_395 : memref<2x128xi32, #tpu.memory_space<hbm>>) target(%arg7 : memref<2x128xi32, #tpu.memory_space<vmem>>) target_semaphore(%arg17 : memref<!tpu.dma_semaphore, #tpu.memory_space<semaphore_mem>>)
      %mul3A_396 = arith.constant 4 : i32
      %mul3A_397 = arith.muli %while3A_274, %mul3A_396 : i32
      %add3A_398 = arith.constant 3 : i32
      %add3A_399 = arith.addi %mul3A_397, %add3A_398 : i32
      %dma_wait3A_400 = arith.constant 0 : i32
      %dma_wait3A_401 = arith.constant 0 : i32
      %dma_wait3A_402 = tpu.memref_slice %arg3[%select_n3A_10, %dma_wait3A_400, %dma_wait3A_401] : memref<2560x2x128xi32, #tpu.memory_space<hbm>> -> memref<1x2x128xi32, #tpu.memory_space<hbm>>
      %dma_wait3A_403 = tpu.memref_squeeze %dma_wait3A_402 : memref<1x2x128xi32, #tpu.memory_space<hbm>> -> memref<2x128xi32, #tpu.memory_space<hbm>>
      %dma_wait3A_404 = arith.constant 0 : i32
      %dma_wait3A_405 = arith.constant 0 : i32
      %dma_wait3A_406 = tpu.memref_slice %arg3[%select_n3A_10, %dma_wait3A_404, %dma_wait3A_405] : memref<2560x2x128xi32, #tpu.memory_space<hbm>> -> memref<1x2x128xi32, #tpu.memory_space<hbm>>
      %dma_wait3A_407 = tpu.memref_squeeze %dma_wait3A_406 : memref<1x2x128xi32, #tpu.memory_space<hbm>> -> memref<2x128xi32, #tpu.memory_space<hbm>>
      tpu.wait_dma2 semaphore(%arg17 : memref<!tpu.dma_semaphore, #tpu.memory_space<semaphore_mem>>) src(%dma_wait3A_407 : memref<2x128xi32, #tpu.memory_space<hbm>>) dst(%arg7 : memref<2x128xi32, #tpu.memory_space<vmem>>)
      %dma_start3A_408 = arith.constant 0 : i32
      %dma_start3A_409 = arith.constant 0 : i32
      %dma_start3A_410 = tpu.memref_slice %arg7[%dma_start3A_408, %dma_start3A_409] : memref<2x128xi32, #tpu.memory_space<vmem>> -> memref<1x128xi32, #tpu.memory_space<vmem>>
      %dma_start3A_411 = tpu.memref_squeeze %dma_start3A_410 : memref<1x128xi32, #tpu.memory_space<vmem>> -> memref<128xi32, #tpu.memory_space<vmem>>
      %dma_start3A_412 = arith.constant 0 : i32
      %dma_start3A_413 = arith.constant 0 : i32
      %dma_start3A_414 = tpu.memref_slice %arg13[%dma_start3A_412, %dma_start3A_413] : memref<10240x64xf32, #tpu.memory_space<vmem_shared>> -> memref<10240x64xf32, #tpu.memory_space<vmem_shared>>
      tpu.enqueue_indirect_dma source(%dma_start3A_414 : memref<10240x64xf32, #tpu.memory_space<vmem_shared>>) target(%arg11 : memref<128x64xf32, #tpu.memory_space<vmem>>) offsets(%dma_start3A_411 : memref<128xi32, #tpu.memory_space<vmem>>) semaphore(%arg21 : memref<!tpu.dma_semaphore, #tpu.memory_space<semaphore_mem>>)
      %dma_wait3A_415 = arith.constant 0 : i32
      %dma_wait3A_416 = arith.constant 0 : i32
      %dma_wait3A_417 = tpu.memref_slice %arg8[%dma_wait3A_415, %dma_wait3A_416] : memref<2x128xi32, #tpu.memory_space<vmem>> -> memref<1x128xi32, #tpu.memory_space<vmem>>
      %dma_wait3A_418 = tpu.memref_squeeze %dma_wait3A_417 : memref<1x128xi32, #tpu.memory_space<vmem>> -> memref<128xi32, #tpu.memory_space<vmem>>
      %dma_wait3A_419 = arith.constant 0 : i32
      %dma_wait3A_420 = arith.constant 0 : i32
      %dma_wait3A_421 = tpu.memref_slice %arg13[%dma_wait3A_419, %dma_wait3A_420] : memref<10240x64xf32, #tpu.memory_space<vmem_shared>> -> memref<10240x64xf32, #tpu.memory_space<vmem_shared>>
      tpu.wait_indirect_dma semaphore(%arg22 : memref<!tpu.dma_semaphore, #tpu.memory_space<semaphore_mem>>) src(%dma_wait3A_421 : memref<10240x64xf32, #tpu.memory_space<vmem_shared>>) dst(%arg12 : memref<128x64xf32, #tpu.memory_space<vmem>>)
      %run_scoped3A_422 = arith.constant 1 : i32
      "tpu.region"() ({
        %run_scoped3A_437 = tpu.sem_alloc : memref<!tpu.dma_semaphore, #tpu.memory_space<semaphore_mem>>
        %dma_start3A_438 = arith.constant 0 : i32
        %dma_start3A_439 = tpu.memref_slice %arg8[%run_scoped3A_422, %dma_start3A_438] : memref<2x128xi32, #tpu.memory_space<vmem>> -> memref<1x128xi32, #tpu.memory_space<vmem>>
        %dma_start3A_440 = tpu.memref_squeeze %dma_start3A_439 : memref<1x128xi32, #tpu.memory_space<vmem>> -> memref<128xi32, #tpu.memory_space<vmem>>
        %dma_start3A_441 = arith.constant 0 : i32
        %dma_start3A_442 = arith.constant 0 : i32
        %dma_start3A_443 = tpu.memref_slice %arg14[%dma_start3A_441, %dma_start3A_442] : memref<10240x64xf32, #tpu.memory_space<vmem_shared>> -> memref<10240x64xf32, #tpu.memory_space<vmem_shared>>
        tpu.enqueue_indirect_dma source(%arg12 : memref<128x64xf32, #tpu.memory_space<vmem>>) target(%dma_start3A_443 : memref<10240x64xf32, #tpu.memory_space<vmem_shared>>) offsets(%dma_start3A_440 : memref<128xi32, #tpu.memory_space<vmem>>) semaphore(%run_scoped3A_437 : memref<!tpu.dma_semaphore, #tpu.memory_space<semaphore_mem>>) {add = true}
        %dma_wait3A_444 = arith.constant 0 : i32
        %dma_wait3A_445 = tpu.memref_slice %arg8[%run_scoped3A_422, %dma_wait3A_444] : memref<2x128xi32, #tpu.memory_space<vmem>> -> memref<1x128xi32, #tpu.memory_space<vmem>>
        %dma_wait3A_446 = tpu.memref_squeeze %dma_wait3A_445 : memref<1x128xi32, #tpu.memory_space<vmem>> -> memref<128xi32, #tpu.memory_space<vmem>>
        %dma_wait3A_447 = arith.constant 0 : i32
        %dma_wait3A_448 = arith.constant 0 : i32
        %dma_wait3A_449 = tpu.memref_slice %arg14[%dma_wait3A_447, %dma_wait3A_448] : memref<10240x64xf32, #tpu.memory_space<vmem_shared>> -> memref<10240x64xf32, #tpu.memory_space<vmem_shared>>
        tpu.wait_indirect_dma semaphore(%run_scoped3A_437 : memref<!tpu.dma_semaphore, #tpu.memory_space<semaphore_mem>>) src(%arg12 : memref<128x64xf32, #tpu.memory_space<vmem>>) dst(%dma_wait3A_449 : memref<10240x64xf32, #tpu.memory_space<vmem_shared>>)
        tpu.yield
      }) : () -> ()
      %add3A_423 = arith.constant 4 : i32
      %add3A_424 = arith.addi %add3A_399, %add3A_423 : i32
      %sub3A_425 = arith.constant 1 : i32
      %sub3A_426 = arith.subi %select_n3A, %sub3A_425 : i32
      %min3A_427 = arith.minsi %add3A_424, %sub3A_426 : i32
      %add3A_428 = arith.addi %select_n3A_10, %min3A_427 : i32
      %dma_start3A_429 = arith.constant 0 : i32
      %dma_start3A_430 = arith.constant 0 : i32
      %dma_start3A_431 = tpu.memref_slice %arg3[%add3A_428, %dma_start3A_429, %dma_start3A_430] : memref<2560x2x128xi32, #tpu.memory_space<hbm>> -> memref<1x2x128xi32, #tpu.memory_space<hbm>>
      %dma_start3A_432 = tpu.memref_squeeze %dma_start3A_431 : memref<1x2x128xi32, #tpu.memory_space<hbm>> -> memref<2x128xi32, #tpu.memory_space<hbm>>
      %dma_start3A_433 = arith.constant 0 : i32
      %dma_start3A_434 = arith.constant 0 : i32
      %dma_start3A_435 = tpu.memref_slice %arg3[%add3A_428, %dma_start3A_433, %dma_start3A_434] : memref<2560x2x128xi32, #tpu.memory_space<hbm>> -> memref<1x2x128xi32, #tpu.memory_space<hbm>>
      %dma_start3A_436 = tpu.memref_squeeze %dma_start3A_435 : memref<1x2x128xi32, #tpu.memory_space<hbm>> -> memref<2x128xi32, #tpu.memory_space<hbm>>
      tpu.enqueue_dma source(%dma_start3A_436 : memref<2x128xi32, #tpu.memory_space<hbm>>) target(%arg8 : memref<2x128xi32, #tpu.memory_space<vmem>>) target_semaphore(%arg18 : memref<!tpu.dma_semaphore, #tpu.memory_space<semaphore_mem>>)
    }
    %while3A_242 = arith.constant 1 : i32
    scf.for %while3A_274 = %while3A_240 to %while3A_236 step %while3A_242  : i32 {
      %mul3A_275 = arith.constant 4 : i32
      %mul3A_276 = arith.muli %while3A_274, %mul3A_275 : i32
      %add3A_277 = arith.constant 0 : i32
      %add3A_278 = arith.addi %mul3A_276, %add3A_277 : i32
      %dma_wait3A_279 = arith.constant 0 : i32
      %dma_wait3A_280 = arith.constant 0 : i32
      %dma_wait3A_281 = tpu.memref_slice %arg3[%select_n3A_10, %dma_wait3A_279, %dma_wait3A_280] : memref<2560x2x128xi32, #tpu.memory_space<hbm>> -> memref<1x2x128xi32, #tpu.memory_space<hbm>>
      %dma_wait3A_282 = tpu.memref_squeeze %dma_wait3A_281 : memref<1x2x128xi32, #tpu.memory_space<hbm>> -> memref<2x128xi32, #tpu.memory_space<hbm>>
      %dma_wait3A_283 = arith.constant 0 : i32
      %dma_wait3A_284 = arith.constant 0 : i32
      %dma_wait3A_285 = tpu.memref_slice %arg3[%select_n3A_10, %dma_wait3A_283, %dma_wait3A_284] : memref<2560x2x128xi32, #tpu.memory_space<hbm>> -> memref<1x2x128xi32, #tpu.memory_space<hbm>>
      %dma_wait3A_286 = tpu.memref_squeeze %dma_wait3A_285 : memref<1x2x128xi32, #tpu.memory_space<hbm>> -> memref<2x128xi32, #tpu.memory_space<hbm>>
      tpu.wait_dma2 semaphore(%arg18 : memref<!tpu.dma_semaphore, #tpu.memory_space<semaphore_mem>>) src(%dma_wait3A_286 : memref<2x128xi32, #tpu.memory_space<hbm>>) dst(%arg8 : memref<2x128xi32, #tpu.memory_space<vmem>>)
      %dma_start3A_287 = arith.constant 0 : i32
      %dma_start3A_288 = arith.constant 0 : i32
      %dma_start3A_289 = tpu.memref_slice %arg8[%dma_start3A_287, %dma_start3A_288] : memref<2x128xi32, #tpu.memory_space<vmem>> -> memref<1x128xi32, #tpu.memory_space<vmem>>
      %dma_start3A_290 = tpu.memref_squeeze %dma_start3A_289 : memref<1x128xi32, #tpu.memory_space<vmem>> -> memref<128xi32, #tpu.memory_space<vmem>>
      %dma_start3A_291 = arith.constant 0 : i32
      %dma_start3A_292 = arith.constant 0 : i32
      %dma_start3A_293 = tpu.memref_slice %arg13[%dma_start3A_291, %dma_start3A_292] : memref<10240x64xf32, #tpu.memory_space<vmem_shared>> -> memref<10240x64xf32, #tpu.memory_space<vmem_shared>>
      tpu.enqueue_indirect_dma source(%dma_start3A_293 : memref<10240x64xf32, #tpu.memory_space<vmem_shared>>) target(%arg12 : memref<128x64xf32, #tpu.memory_space<vmem>>) offsets(%dma_start3A_290 : memref<128xi32, #tpu.memory_space<vmem>>) semaphore(%arg22 : memref<!tpu.dma_semaphore, #tpu.memory_space<semaphore_mem>>)
      %dma_wait3A_294 = arith.constant 0 : i32
      %dma_wait3A_295 = arith.constant 0 : i32
      %dma_wait3A_296 = tpu.memref_slice %arg5[%dma_wait3A_294, %dma_wait3A_295] : memref<2x128xi32, #tpu.memory_space<vmem>> -> memref<1x128xi32, #tpu.memory_space<vmem>>
      %dma_wait3A_297 = tpu.memref_squeeze %dma_wait3A_296 : memref<1x128xi32, #tpu.memory_space<vmem>> -> memref<128xi32, #tpu.memory_space<vmem>>
      %dma_wait3A_298 = arith.constant 0 : i32
      %dma_wait3A_299 = arith.constant 0 : i32
      %dma_wait3A_300 = tpu.memref_slice %arg13[%dma_wait3A_298, %dma_wait3A_299] : memref<10240x64xf32, #tpu.memory_space<vmem_shared>> -> memref<10240x64xf32, #tpu.memory_space<vmem_shared>>
      tpu.wait_indirect_dma semaphore(%arg19 : memref<!tpu.dma_semaphore, #tpu.memory_space<semaphore_mem>>) src(%dma_wait3A_300 : memref<10240x64xf32, #tpu.memory_space<vmem_shared>>) dst(%arg9 : memref<128x64xf32, #tpu.memory_space<vmem>>)
      %run_scoped3A_301 = arith.constant 1 : i32
      "tpu.region"() ({
        %run_scoped3A_437 = tpu.sem_alloc : memref<!tpu.dma_semaphore, #tpu.memory_space<semaphore_mem>>
        %dma_start3A_438 = arith.constant 0 : i32
        %dma_start3A_439 = tpu.memref_slice %arg5[%run_scoped3A_301, %dma_start3A_438] : memref<2x128xi32, #tpu.memory_space<vmem>> -> memref<1x128xi32, #tpu.memory_space<vmem>>
        %dma_start3A_440 = tpu.memref_squeeze %dma_start3A_439 : memref<1x128xi32, #tpu.memory_space<vmem>> -> memref<128xi32, #tpu.memory_space<vmem>>
        %dma_start3A_441 = arith.constant 0 : i32
        %dma_start3A_442 = arith.constant 0 : i32
        %dma_start3A_443 = tpu.memref_slice %arg14[%dma_start3A_441, %dma_start3A_442] : memref<10240x64xf32, #tpu.memory_space<vmem_shared>> -> memref<10240x64xf32, #tpu.memory_space<vmem_shared>>
        tpu.enqueue_indirect_dma source(%arg9 : memref<128x64xf32, #tpu.memory_space<vmem>>) target(%dma_start3A_443 : memref<10240x64xf32, #tpu.memory_space<vmem_shared>>) offsets(%dma_start3A_440 : memref<128xi32, #tpu.memory_space<vmem>>) semaphore(%run_scoped3A_437 : memref<!tpu.dma_semaphore, #tpu.memory_space<semaphore_mem>>) {add = true}
        %dma_wait3A_444 = arith.constant 0 : i32
        %dma_wait3A_445 = tpu.memref_slice %arg5[%run_scoped3A_301, %dma_wait3A_444] : memref<2x128xi32, #tpu.memory_space<vmem>> -> memref<1x128xi32, #tpu.memory_space<vmem>>
        %dma_wait3A_446 = tpu.memref_squeeze %dma_wait3A_445 : memref<1x128xi32, #tpu.memory_space<vmem>> -> memref<128xi32, #tpu.memory_space<vmem>>
        %dma_wait3A_447 = arith.constant 0 : i32
        %dma_wait3A_448 = arith.constant 0 : i32
        %dma_wait3A_449 = tpu.memref_slice %arg14[%dma_wait3A_447, %dma_wait3A_448] : memref<10240x64xf32, #tpu.memory_space<vmem_shared>> -> memref<10240x64xf32, #tpu.memory_space<vmem_shared>>
        tpu.wait_indirect_dma semaphore(%run_scoped3A_437 : memref<!tpu.dma_semaphore, #tpu.memory_space<semaphore_mem>>) src(%arg9 : memref<128x64xf32, #tpu.memory_space<vmem>>) dst(%dma_wait3A_449 : memref<10240x64xf32, #tpu.memory_space<vmem_shared>>)
        tpu.yield
      }) : () -> ()
      %add3A_302 = arith.constant 4 : i32
      %add3A_303 = arith.addi %add3A_278, %add3A_302 : i32
      %sub3A = arith.constant 1 : i32
      %sub3A_304 = arith.subi %select_n3A, %sub3A : i32
      %min3A = arith.minsi %add3A_303, %sub3A_304 : i32
      %add3A_305 = arith.addi %select_n3A_10, %min3A : i32
      %dma_start3A_306 = arith.constant 0 : i32
      %dma_start3A_307 = arith.constant 0 : i32
      %dma_start3A_308 = tpu.memref_slice %arg3[%add3A_305, %dma_start3A_306, %dma_start3A_307] : memref<2560x2x128xi32, #tpu.memory_space<hbm>> -> memref<1x2x128xi32, #tpu.memory_space<hbm>>
      %dma_start3A_309 = tpu.memref_squeeze %dma_start3A_308 : memref<1x2x128xi32, #tpu.memory_space<hbm>> -> memref<2x128xi32, #tpu.memory_space<hbm>>
      %dma_start3A_310 = arith.constant 0 : i32
      %dma_start3A_311 = arith.constant 0 : i32
      %dma_start3A_312 = tpu.memref_slice %arg3[%add3A_305, %dma_start3A_310, %dma_start3A_311] : memref<2560x2x128xi32, #tpu.memory_space<hbm>> -> memref<1x2x128xi32, #tpu.memory_space<hbm>>
      %dma_start3A_313 = tpu.memref_squeeze %dma_start3A_312 : memref<1x2x128xi32, #tpu.memory_space<hbm>> -> memref<2x128xi32, #tpu.memory_space<hbm>>
      tpu.enqueue_dma source(%dma_start3A_313 : memref<2x128xi32, #tpu.memory_space<hbm>>) target(%arg5 : memref<2x128xi32, #tpu.memory_space<vmem>>) target_semaphore(%arg15 : memref<!tpu.dma_semaphore, #tpu.memory_space<semaphore_mem>>)
      %mul3A_314 = arith.constant 4 : i32
      %mul3A_315 = arith.muli %while3A_274, %mul3A_314 : i32
      %add3A_316 = arith.constant 1 : i32
      %add3A_317 = arith.addi %mul3A_315, %add3A_316 : i32
      %dma_wait3A_318 = arith.constant 0 : i32
      %dma_wait3A_319 = arith.constant 0 : i32
      %dma_wait3A_320 = tpu.memref_slice %arg3[%select_n3A_10, %dma_wait3A_318, %dma_wait3A_319] : memref<2560x2x128xi32, #tpu.memory_space<hbm>> -> memref<1x2x128xi32, #tpu.memory_space<hbm>>
      %dma_wait3A_321 = tpu.memref_squeeze %dma_wait3A_320 : memref<1x2x128xi32, #tpu.memory_space<hbm>> -> memref<2x128xi32, #tpu.memory_space<hbm>>
      %dma_wait3A_322 = arith.constant 0 : i32
      %dma_wait3A_323 = arith.constant 0 : i32
      %dma_wait3A_324 = tpu.memref_slice %arg3[%select_n3A_10, %dma_wait3A_322, %dma_wait3A_323] : memref<2560x2x128xi32, #tpu.memory_space<hbm>> -> memref<1x2x128xi32, #tpu.memory_space<hbm>>
      %dma_wait3A_325 = tpu.memref_squeeze %dma_wait3A_324 : memref<1x2x128xi32, #tpu.memory_space<hbm>> -> memref<2x128xi32, #tpu.memory_space<hbm>>
      tpu.wait_dma2 semaphore(%arg15 : memref<!tpu.dma_semaphore, #tpu.memory_space<semaphore_mem>>) src(%dma_wait3A_325 : memref<2x128xi32, #tpu.memory_space<hbm>>) dst(%arg5 : memref<2x128xi32, #tpu.memory_space<vmem>>)
      %dma_start3A_326 = arith.constant 0 : i32
      %dma_start3A_327 = arith.constant 0 : i32
      %dma_start3A_328 = tpu.memref_slice %arg5[%dma_start3A_326, %dma_start3A_327] : memref<2x128xi32, #tpu.memory_space<vmem>> -> memref<1x128xi32, #tpu.memory_space<vmem>>
      %dma_start3A_329 = tpu.memref_squeeze %dma_start3A_328 : memref<1x128xi32, #tpu.memory_space<vmem>> -> memref<128xi32, #tpu.memory_space<vmem>>
      %dma_start3A_330 = arith.constant 0 : i32
      %dma_start3A_331 = arith.constant 0 : i32
      %dma_start3A_332 = tpu.memref_slice %arg13[%dma_start3A_330, %dma_start3A_331] : memref<10240x64xf32, #tpu.memory_space<vmem_shared>> -> memref<10240x64xf32, #tpu.memory_space<vmem_shared>>
      tpu.enqueue_indirect_dma source(%dma_start3A_332 : memref<10240x64xf32, #tpu.memory_space<vmem_shared>>) target(%arg9 : memref<128x64xf32, #tpu.memory_space<vmem>>) offsets(%dma_start3A_329 : memref<128xi32, #tpu.memory_space<vmem>>) semaphore(%arg19 : memref<!tpu.dma_semaphore, #tpu.memory_space<semaphore_mem>>)
      %dma_wait3A_333 = arith.constant 0 : i32
      %dma_wait3A_334 = arith.constant 0 : i32
      %dma_wait3A_335 = tpu.memref_slice %arg6[%dma_wait3A_333, %dma_wait3A_334] : memref<2x128xi32, #tpu.memory_space<vmem>> -> memref<1x128xi32, #tpu.memory_space<vmem>>
      %dma_wait3A_336 = tpu.memref_squeeze %dma_wait3A_335 : memref<1x128xi32, #tpu.memory_space<vmem>> -> memref<128xi32, #tpu.memory_space<vmem>>
      %dma_wait3A_337 = arith.constant 0 : i32
      %dma_wait3A_338 = arith.constant 0 : i32
      %dma_wait3A_339 = tpu.memref_slice %arg13[%dma_wait3A_337, %dma_wait3A_338] : memref<10240x64xf32, #tpu.memory_space<vmem_shared>> -> memref<10240x64xf32, #tpu.memory_space<vmem_shared>>
      tpu.wait_indirect_dma semaphore(%arg20 : memref<!tpu.dma_semaphore, #tpu.memory_space<semaphore_mem>>) src(%dma_wait3A_339 : memref<10240x64xf32, #tpu.memory_space<vmem_shared>>) dst(%arg10 : memref<128x64xf32, #tpu.memory_space<vmem>>)
      %run_scoped3A_340 = arith.constant 1 : i32
      "tpu.region"() ({
        %run_scoped3A_437 = tpu.sem_alloc : memref<!tpu.dma_semaphore, #tpu.memory_space<semaphore_mem>>
        %dma_start3A_438 = arith.constant 0 : i32
        %dma_start3A_439 = tpu.memref_slice %arg6[%run_scoped3A_340, %dma_start3A_438] : memref<2x128xi32, #tpu.memory_space<vmem>> -> memref<1x128xi32, #tpu.memory_space<vmem>>
        %dma_start3A_440 = tpu.memref_squeeze %dma_start3A_439 : memref<1x128xi32, #tpu.memory_space<vmem>> -> memref<128xi32, #tpu.memory_space<vmem>>
        %dma_start3A_441 = arith.constant 0 : i32
        %dma_start3A_442 = arith.constant 0 : i32
        %dma_start3A_443 = tpu.memref_slice %arg14[%dma_start3A_441, %dma_start3A_442] : memref<10240x64xf32, #tpu.memory_space<vmem_shared>> -> memref<10240x64xf32, #tpu.memory_space<vmem_shared>>
        tpu.enqueue_indirect_dma source(%arg10 : memref<128x64xf32, #tpu.memory_space<vmem>>) target(%dma_start3A_443 : memref<10240x64xf32, #tpu.memory_space<vmem_shared>>) offsets(%dma_start3A_440 : memref<128xi32, #tpu.memory_space<vmem>>) semaphore(%run_scoped3A_437 : memref<!tpu.dma_semaphore, #tpu.memory_space<semaphore_mem>>) {add = true}
        %dma_wait3A_444 = arith.constant 0 : i32
        %dma_wait3A_445 = tpu.memref_slice %arg6[%run_scoped3A_340, %dma_wait3A_444] : memref<2x128xi32, #tpu.memory_space<vmem>> -> memref<1x128xi32, #tpu.memory_space<vmem>>
        %dma_wait3A_446 = tpu.memref_squeeze %dma_wait3A_445 : memref<1x128xi32, #tpu.memory_space<vmem>> -> memref<128xi32, #tpu.memory_space<vmem>>
        %dma_wait3A_447 = arith.constant 0 : i32
        %dma_wait3A_448 = arith.constant 0 : i32
        %dma_wait3A_449 = tpu.memref_slice %arg14[%dma_wait3A_447, %dma_wait3A_448] : memref<10240x64xf32, #tpu.memory_space<vmem_shared>> -> memref<10240x64xf32, #tpu.memory_space<vmem_shared>>
        tpu.wait_indirect_dma semaphore(%run_scoped3A_437 : memref<!tpu.dma_semaphore, #tpu.memory_space<semaphore_mem>>) src(%arg10 : memref<128x64xf32, #tpu.memory_space<vmem>>) dst(%dma_wait3A_449 : memref<10240x64xf32, #tpu.memory_space<vmem_shared>>)
        tpu.yield
      }) : () -> ()
      %add3A_341 = arith.constant 4 : i32
      %add3A_342 = arith.addi %add3A_317, %add3A_341 : i32
      %sub3A_343 = arith.constant 1 : i32
      %sub3A_344 = arith.subi %select_n3A, %sub3A_343 : i32
      %min3A_345 = arith.minsi %add3A_342, %sub3A_344 : i32
      %add3A_346 = arith.addi %select_n3A_10, %min3A_345 : i32
      %dma_start3A_347 = arith.constant 0 : i32
      %dma_start3A_348 = arith.constant 0 : i32
      %dma_start3A_349 = tpu.memref_slice %arg3[%add3A_346, %dma_start3A_347, %dma_start3A_348] : memref<2560x2x128xi32, #tpu.memory_space<hbm>> -> memref<1x2x128xi32, #tpu.memory_space<hbm>>
      %dma_start3A_350 = tpu.memref_squeeze %dma_start3A_349 : memref<1x2x128xi32, #tpu.memory_space<hbm>> -> memref<2x128xi32, #tpu.memory_space<hbm>>
      %dma_start3A_351 = arith.constant 0 : i32
      %dma_start3A_352 = arith.constant 0 : i32
      %dma_start3A_353 = tpu.memref_slice %arg3[%add3A_346, %dma_start3A_351, %dma_start3A_352] : memref<2560x2x128xi32, #tpu.memory_space<hbm>> -> memref<1x2x128xi32, #tpu.memory_space<hbm>>
      %dma_start3A_354 = tpu.memref_squeeze %dma_start3A_353 : memref<1x2x128xi32, #tpu.memory_space<hbm>> -> memref<2x128xi32, #tpu.memory_space<hbm>>
      tpu.enqueue_dma source(%dma_start3A_354 : memref<2x128xi32, #tpu.memory_space<hbm>>) target(%arg6 : memref<2x128xi32, #tpu.memory_space<vmem>>) target_semaphore(%arg16 : memref<!tpu.dma_semaphore, #tpu.memory_space<semaphore_mem>>)
      %mul3A_355 = arith.constant 4 : i32
      %mul3A_356 = arith.muli %while3A_274, %mul3A_355 : i32
      %add3A_357 = arith.constant 2 : i32
      %add3A_358 = arith.addi %mul3A_356, %add3A_357 : i32
      %dma_wait3A_359 = arith.constant 0 : i32
      %dma_wait3A_360 = arith.constant 0 : i32
      %dma_wait3A_361 = tpu.memref_slice %arg3[%select_n3A_10, %dma_wait3A_359, %dma_wait3A_360] : memref<2560x2x128xi32, #tpu.memory_space<hbm>> -> memref<1x2x128xi32, #tpu.memory_space<hbm>>
      %dma_wait3A_362 = tpu.memref_squeeze %dma_wait3A_361 : memref<1x2x128xi32, #tpu.memory_space<hbm>> -> memref<2x128xi32, #tpu.memory_space<hbm>>
      %dma_wait3A_363 = arith.constant 0 : i32
      %dma_wait3A_364 = arith.constant 0 : i32
      %dma_wait3A_365 = tpu.memref_slice %arg3[%select_n3A_10, %dma_wait3A_363, %dma_wait3A_364] : memref<2560x2x128xi32, #tpu.memory_space<hbm>> -> memref<1x2x128xi32, #tpu.memory_space<hbm>>
      %dma_wait3A_366 = tpu.memref_squeeze %dma_wait3A_365 : memref<1x2x128xi32, #tpu.memory_space<hbm>> -> memref<2x128xi32, #tpu.memory_space<hbm>>
      tpu.wait_dma2 semaphore(%arg16 : memref<!tpu.dma_semaphore, #tpu.memory_space<semaphore_mem>>) src(%dma_wait3A_366 : memref<2x128xi32, #tpu.memory_space<hbm>>) dst(%arg6 : memref<2x128xi32, #tpu.memory_space<vmem>>)
      %dma_start3A_367 = arith.constant 0 : i32
      %dma_start3A_368 = arith.constant 0 : i32
      %dma_start3A_369 = tpu.memref_slice %arg6[%dma_start3A_367, %dma_start3A_368] : memref<2x128xi32, #tpu.memory_space<vmem>> -> memref<1x128xi32, #tpu.memory_space<vmem>>
      %dma_start3A_370 = tpu.memref_squeeze %dma_start3A_369 : memref<1x128xi32, #tpu.memory_space<vmem>> -> memref<128xi32, #tpu.memory_space<vmem>>
      %dma_start3A_371 = arith.constant 0 : i32
      %dma_start3A_372 = arith.constant 0 : i32
      %dma_start3A_373 = tpu.memref_slice %arg13[%dma_start3A_371, %dma_start3A_372] : memref<10240x64xf32, #tpu.memory_space<vmem_shared>> -> memref<10240x64xf32, #tpu.memory_space<vmem_shared>>
      tpu.enqueue_indirect_dma source(%dma_start3A_373 : memref<10240x64xf32, #tpu.memory_space<vmem_shared>>) target(%arg10 : memref<128x64xf32, #tpu.memory_space<vmem>>) offsets(%dma_start3A_370 : memref<128xi32, #tpu.memory_space<vmem>>) semaphore(%arg20 : memref<!tpu.dma_semaphore, #tpu.memory_space<semaphore_mem>>)
      %dma_wait3A_374 = arith.constant 0 : i32
      %dma_wait3A_375 = arith.constant 0 : i32
      %dma_wait3A_376 = tpu.memref_slice %arg7[%dma_wait3A_374, %dma_wait3A_375] : memref<2x128xi32, #tpu.memory_space<vmem>> -> memref<1x128xi32, #tpu.memory_space<vmem>>
      %dma_wait3A_377 = tpu.memref_squeeze %dma_wait3A_376 : memref<1x128xi32, #tpu.memory_space<vmem>> -> memref<128xi32, #tpu.memory_space<vmem>>
      %dma_wait3A_378 = arith.constant 0 : i32
      %dma_wait3A_379 = arith.constant 0 : i32
      %dma_wait3A_380 = tpu.memref_slice %arg13[%dma_wait3A_378, %dma_wait3A_379] : memref<10240x64xf32, #tpu.memory_space<vmem_shared>> -> memref<10240x64xf32, #tpu.memory_space<vmem_shared>>
      tpu.wait_indirect_dma semaphore(%arg21 : memref<!tpu.dma_semaphore, #tpu.memory_space<semaphore_mem>>) src(%dma_wait3A_380 : memref<10240x64xf32, #tpu.memory_space<vmem_shared>>) dst(%arg11 : memref<128x64xf32, #tpu.memory_space<vmem>>)
      %run_scoped3A_381 = arith.constant 1 : i32
      "tpu.region"() ({
        %run_scoped3A_437 = tpu.sem_alloc : memref<!tpu.dma_semaphore, #tpu.memory_space<semaphore_mem>>
        %dma_start3A_438 = arith.constant 0 : i32
        %dma_start3A_439 = tpu.memref_slice %arg7[%run_scoped3A_381, %dma_start3A_438] : memref<2x128xi32, #tpu.memory_space<vmem>> -> memref<1x128xi32, #tpu.memory_space<vmem>>
        %dma_start3A_440 = tpu.memref_squeeze %dma_start3A_439 : memref<1x128xi32, #tpu.memory_space<vmem>> -> memref<128xi32, #tpu.memory_space<vmem>>
        %dma_start3A_441 = arith.constant 0 : i32
        %dma_start3A_442 = arith.constant 0 : i32
        %dma_start3A_443 = tpu.memref_slice %arg14[%dma_start3A_441, %dma_start3A_442] : memref<10240x64xf32, #tpu.memory_space<vmem_shared>> -> memref<10240x64xf32, #tpu.memory_space<vmem_shared>>
        tpu.enqueue_indirect_dma source(%arg11 : memref<128x64xf32, #tpu.memory_space<vmem>>) target(%dma_start3A_443 : memref<10240x64xf32, #tpu.memory_space<vmem_shared>>) offsets(%dma_start3A_440 : memref<128xi32, #tpu.memory_space<vmem>>) semaphore(%run_scoped3A_437 : memref<!tpu.dma_semaphore, #tpu.memory_space<semaphore_mem>>) {add = true}
        %dma_wait3A_444 = arith.constant 0 : i32
        %dma_wait3A_445 = tpu.memref_slice %arg7[%run_scoped3A_381, %dma_wait3A_444] : memref<2x128xi32, #tpu.memory_space<vmem>> -> memref<1x128xi32, #tpu.memory_space<vmem>>
        %dma_wait3A_446 = tpu.memref_squeeze %dma_wait3A_445 : memref<1x128xi32, #tpu.memory_space<vmem>> -> memref<128xi32, #tpu.memory_space<vmem>>
        %dma_wait3A_447 = arith.constant 0 : i32
        %dma_wait3A_448 = arith.constant 0 : i32
        %dma_wait3A_449 = tpu.memref_slice %arg14[%dma_wait3A_447, %dma_wait3A_448] : memref<10240x64xf32, #tpu.memory_space<vmem_shared>> -> memref<10240x64xf32, #tpu.memory_space<vmem_shared>>
        tpu.wait_indirect_dma semaphore(%run_scoped3A_437 : memref<!tpu.dma_semaphore, #tpu.memory_space<semaphore_mem>>) src(%arg11 : memref<128x64xf32, #tpu.memory_space<vmem>>) dst(%dma_wait3A_449 : memref<10240x64xf32, #tpu.memory_space<vmem_shared>>)
        tpu.yield
      }) : () -> ()
      %add3A_382 = arith.constant 4 : i32
      %add3A_383 = arith.addi %add3A_358, %add3A_382 : i32
      %sub3A_384 = arith.constant 1 : i32
      %sub3A_385 = arith.subi %select_n3A, %sub3A_384 : i32
      %min3A_386 = arith.minsi %add3A_383, %sub3A_385 : i32
      %add3A_387 = arith.addi %select_n3A_10, %min3A_386 : i32
      %dma_start3A_388 = arith.constant 0 : i32
      %dma_start3A_389 = arith.constant 0 : i32
      %dma_start3A_390 = tpu.memref_slice %arg3[%add3A_387, %dma_start3A_388, %dma_start3A_389] : memref<2560x2x128xi32, #tpu.memory_space<hbm>> -> memref<1x2x128xi32, #tpu.memory_space<hbm>>
      %dma_start3A_391 = tpu.memref_squeeze %dma_start3A_390 : memref<1x2x128xi32, #tpu.memory_space<hbm>> -> memref<2x128xi32, #tpu.memory_space<hbm>>
      %dma_start3A_392 = arith.constant 0 : i32
      %dma_start3A_393 = arith.constant 0 : i32
      %dma_start3A_394 = tpu.memref_slice %arg3[%add3A_387, %dma_start3A_392, %dma_start3A_393] : memref<2560x2x128xi32, #tpu.memory_space<hbm>> -> memref<1x2x128xi32, #tpu.memory_space<hbm>>
      %dma_start3A_395 = tpu.memref_squeeze %dma_start3A_394 : memref<1x2x128xi32, #tpu.memory_space<hbm>> -> memref<2x128xi32, #tpu.memory_space<hbm>>
      tpu.enqueue_dma source(%dma_start3A_395 : memref<2x128xi32, #tpu.memory_space<hbm>>) target(%arg7 : memref<2x128xi32, #tpu.memory_space<vmem>>) target_semaphore(%arg17 : memref<!tpu.dma_semaphore, #tpu.memory_space<semaphore_mem>>)
      %mul3A_396 = arith.constant 4 : i32
      %mul3A_397 = arith.muli %while3A_274, %mul3A_396 : i32
      %add3A_398 = arith.constant 3 : i32
      %add3A_399 = arith.addi %mul3A_397, %add3A_398 : i32
      %dma_wait3A_400 = arith.constant 0 : i32
      %dma_wait3A_401 = arith.constant 0 : i32
      %dma_wait3A_402 = tpu.memref_slice %arg3[%select_n3A_10, %dma_wait3A_400, %dma_wait3A_401] : memref<2560x2x128xi32, #tpu.memory_space<hbm>> -> memref<1x2x128xi32, #tpu.memory_space<hbm>>
      %dma_wait3A_403 = tpu.memref_squeeze %dma_wait3A_402 : memref<1x2x128xi32, #tpu.memory_space<hbm>> -> memref<2x128xi32, #tpu.memory_space<hbm>>
      %dma_wait3A_404 = arith.constant 0 : i32
      %dma_wait3A_405 = arith.constant 0 : i32
      %dma_wait3A_406 = tpu.memref_slice %arg3[%select_n3A_10, %dma_wait3A_404, %dma_wait3A_405] : memref<2560x2x128xi32, #tpu.memory_space<hbm>> -> memref<1x2x128xi32, #tpu.memory_space<hbm>>
      %dma_wait3A_407 = tpu.memref_squeeze %dma_wait3A_406 : memref<1x2x128xi32, #tpu.memory_space<hbm>> -> memref<2x128xi32, #tpu.memory_space<hbm>>
      tpu.wait_dma2 semaphore(%arg17 : memref<!tpu.dma_semaphore, #tpu.memory_space<semaphore_mem>>) src(%dma_wait3A_407 : memref<2x128xi32, #tpu.memory_space<hbm>>) dst(%arg7 : memref<2x128xi32, #tpu.memory_space<vmem>>)
      %dma_start3A_408 = arith.constant 0 : i32
      %dma_start3A_409 = arith.constant 0 : i32
      %dma_start3A_410 = tpu.memref_slice %arg7[%dma_start3A_408, %dma_start3A_409] : memref<2x128xi32, #tpu.memory_space<vmem>> -> memref<1x128xi32, #tpu.memory_space<vmem>>
      %dma_start3A_411 = tpu.memref_squeeze %dma_start3A_410 : memref<1x128xi32, #tpu.memory_space<vmem>> -> memref<128xi32, #tpu.memory_space<vmem>>
      %dma_start3A_412 = arith.constant 0 : i32
      %dma_start3A_413 = arith.constant 0 : i32
      %dma_start3A_414 = tpu.memref_slice %arg13[%dma_start3A_412, %dma_start3A_413] : memref<10240x64xf32, #tpu.memory_space<vmem_shared>> -> memref<10240x64xf32, #tpu.memory_space<vmem_shared>>
      tpu.enqueue_indirect_dma source(%dma_start3A_414 : memref<10240x64xf32, #tpu.memory_space<vmem_shared>>) target(%arg11 : memref<128x64xf32, #tpu.memory_space<vmem>>) offsets(%dma_start3A_411 : memref<128xi32, #tpu.memory_space<vmem>>) semaphore(%arg21 : memref<!tpu.dma_semaphore, #tpu.memory_space<semaphore_mem>>)
      %dma_wait3A_415 = arith.constant 0 : i32
      %dma_wait3A_416 = arith.constant 0 : i32
      %dma_wait3A_417 = tpu.memref_slice %arg8[%dma_wait3A_415, %dma_wait3A_416] : memref<2x128xi32, #tpu.memory_space<vmem>> -> memref<1x128xi32, #tpu.memory_space<vmem>>
      %dma_wait3A_418 = tpu.memref_squeeze %dma_wait3A_417 : memref<1x128xi32, #tpu.memory_space<vmem>> -> memref<128xi32, #tpu.memory_space<vmem>>
      %dma_wait3A_419 = arith.constant 0 : i32
      %dma_wait3A_420 = arith.constant 0 : i32
      %dma_wait3A_421 = tpu.memref_slice %arg13[%dma_wait3A_419, %dma_wait3A_420] : memref<10240x64xf32, #tpu.memory_space<vmem_shared>> -> memref<10240x64xf32, #tpu.memory_space<vmem_shared>>
      tpu.wait_indirect_dma semaphore(%arg22 : memref<!tpu.dma_semaphore, #tpu.memory_space<semaphore_mem>>) src(%dma_wait3A_421 : memref<10240x64xf32, #tpu.memory_space<vmem_shared>>) dst(%arg12 : memref<128x64xf32, #tpu.memory_space<vmem>>)
      %run_scoped3A_422 = arith.constant 1 : i32
      "tpu.region"() ({
        %run_scoped3A_437 = tpu.sem_alloc : memref<!tpu.dma_semaphore, #tpu.memory_space<semaphore_mem>>
        %dma_start3A_438 = arith.constant 0 : i32
        %dma_start3A_439 = tpu.memref_slice %arg8[%run_scoped3A_422, %dma_start3A_438] : memref<2x128xi32, #tpu.memory_space<vmem>> -> memref<1x128xi32, #tpu.memory_space<vmem>>
        %dma_start3A_440 = tpu.memref_squeeze %dma_start3A_439 : memref<1x128xi32, #tpu.memory_space<vmem>> -> memref<128xi32, #tpu.memory_space<vmem>>
        %dma_start3A_441 = arith.constant 0 : i32
        %dma_start3A_442 = arith.constant 0 : i32
        %dma_start3A_443 = tpu.memref_slice %arg14[%dma_start3A_441, %dma_start3A_442] : memref<10240x64xf32, #tpu.memory_space<vmem_shared>> -> memref<10240x64xf32, #tpu.memory_space<vmem_shared>>
        tpu.enqueue_indirect_dma source(%arg12 : memref<128x64xf32, #tpu.memory_space<vmem>>) target(%dma_start3A_443 : memref<10240x64xf32, #tpu.memory_space<vmem_shared>>) offsets(%dma_start3A_440 : memref<128xi32, #tpu.memory_space<vmem>>) semaphore(%run_scoped3A_437 : memref<!tpu.dma_semaphore, #tpu.memory_space<semaphore_mem>>) {add = true}
        %dma_wait3A_444 = arith.constant 0 : i32
        %dma_wait3A_445 = tpu.memref_slice %arg8[%run_scoped3A_422, %dma_wait3A_444] : memref<2x128xi32, #tpu.memory_space<vmem>> -> memref<1x128xi32, #tpu.memory_space<vmem>>
        %dma_wait3A_446 = tpu.memref_squeeze %dma_wait3A_445 : memref<1x128xi32, #tpu.memory_space<vmem>> -> memref<128xi32, #tpu.memory_space<vmem>>
        %dma_wait3A_447 = arith.constant 0 : i32
        %dma_wait3A_448 = arith.constant 0 : i32
        %dma_wait3A_449 = tpu.memref_slice %arg14[%dma_wait3A_447, %dma_wait3A_448] : memref<10240x64xf32, #tpu.memory_space<vmem_shared>> -> memref<10240x64xf32, #tpu.memory_space<vmem_shared>>
        tpu.wait_indirect_dma semaphore(%run_scoped3A_437 : memref<!tpu.dma_semaphore, #tpu.memory_space<semaphore_mem>>) src(%arg12 : memref<128x64xf32, #tpu.memory_space<vmem>>) dst(%dma_wait3A_449 : memref<10240x64xf32, #tpu.memory_space<vmem_shared>>)
        tpu.yield
      }) : () -> ()
      %add3A_423 = arith.constant 4 : i32
      %add3A_424 = arith.addi %add3A_399, %add3A_423 : i32
      %sub3A_425 = arith.constant 1 : i32
      %sub3A_426 = arith.subi %select_n3A, %sub3A_425 : i32
      %min3A_427 = arith.minsi %add3A_424, %sub3A_426 : i32
      %add3A_428 = arith.addi %select_n3A_10, %min3A_427 : i32
      %dma_start3A_429 = arith.constant 0 : i32
      %dma_start3A_430 = arith.constant 0 : i32
      %dma_start3A_431 = tpu.memref_slice %arg3[%add3A_428, %dma_start3A_429, %dma_start3A_430] : memref<2560x2x128xi32, #tpu.memory_space<hbm>> -> memref<1x2x128xi32, #tpu.memory_space<hbm>>
      %dma_start3A_432 = tpu.memref_squeeze %dma_start3A_431 : memref<1x2x128xi32, #tpu.memory_space<hbm>> -> memref<2x128xi32, #tpu.memory_space<hbm>>
      %dma_start3A_433 = arith.constant 0 : i32
      %dma_start3A_434 = arith.constant 0 : i32
      %dma_start3A_435 = tpu.memref_slice %arg3[%add3A_428, %dma_start3A_433, %dma_start3A_434] : memref<2560x2x128xi32, #tpu.memory_space<hbm>> -> memref<1x2x128xi32, #tpu.memory_space<hbm>>
      %dma_start3A_436 = tpu.memref_squeeze %dma_start3A_435 : memref<1x2x128xi32, #tpu.memory_space<hbm>> -> memref<2x128xi32, #tpu.memory_space<hbm>>
      tpu.enqueue_dma source(%dma_start3A_436 : memref<2x128xi32, #tpu.memory_space<hbm>>) target(%arg8 : memref<2x128xi32, #tpu.memory_space<vmem>>) target_semaphore(%arg18 : memref<!tpu.dma_semaphore, #tpu.memory_space<semaphore_mem>>)
    }
    %dma_wait3A_243 = arith.constant 0 : i32
    %dma_wait3A_244 = arith.constant 0 : i32
    %dma_wait3A_245 = tpu.memref_slice %arg3[%select_n3A_10, %dma_wait3A_243, %dma_wait3A_244] : memref<2560x2x128xi32, #tpu.memory_space<hbm>> -> memref<1x2x128xi32, #tpu.memory_space<hbm>>
    %dma_wait3A_246 = tpu.memref_squeeze %dma_wait3A_245 : memref<1x2x128xi32, #tpu.memory_space<hbm>> -> memref<2x128xi32, #tpu.memory_space<hbm>>
    %dma_wait3A_247 = arith.constant 0 : i32
    %dma_wait3A_248 = arith.constant 0 : i32
    %dma_wait3A_249 = tpu.memref_slice %arg3[%select_n3A_10, %dma_wait3A_247, %dma_wait3A_248] : memref<2560x2x128xi32, #tpu.memory_space<hbm>> -> memref<1x2x128xi32, #tpu.memory_space<hbm>>
    %dma_wait3A_250 = tpu.memref_squeeze %dma_wait3A_249 : memref<1x2x128xi32, #tpu.memory_space<hbm>> -> memref<2x128xi32, #tpu.memory_space<hbm>>
    tpu.wait_dma2 semaphore(%arg18 : memref<!tpu.dma_semaphore, #tpu.memory_space<semaphore_mem>>) src(%dma_wait3A_250 : memref<2x128xi32, #tpu.memory_space<hbm>>) dst(%arg8 : memref<2x128xi32, #tpu.memory_space<vmem>>)
    %dma_wait3A_251 = arith.constant 0 : i32
    %dma_wait3A_252 = arith.constant 0 : i32
    %dma_wait3A_253 = tpu.memref_slice %arg5[%dma_wait3A_251, %dma_wait3A_252] : memref<2x128xi32, #tpu.memory_space<vmem>> -> memref<1x128xi32, #tpu.memory_space<vmem>>
    %dma_wait3A_254 = tpu.memref_squeeze %dma_wait3A_253 : memref<1x128xi32, #tpu.memory_space<vmem>> -> memref<128xi32, #tpu.memory_space<vmem>>
    %dma_wait3A_255 = arith.constant 0 : i32
    %dma_wait3A_256 = arith.constant 0 : i32
    %dma_wait3A_257 = tpu.memref_slice %arg13[%dma_wait3A_255, %dma_wait3A_256] : memref<10240x64xf32, #tpu.memory_space<vmem_shared>> -> memref<10240x64xf32, #tpu.memory_space<vmem_shared>>
    tpu.wait_indirect_dma semaphore(%arg19 : memref<!tpu.dma_semaphore, #tpu.memory_space<semaphore_mem>>) src(%dma_wait3A_257 : memref<10240x64xf32, #tpu.memory_space<vmem_shared>>) dst(%arg9 : memref<128x64xf32, #tpu.memory_space<vmem>>)
    %dma_wait3A_258 = arith.constant 0 : i32
    %dma_wait3A_259 = arith.constant 0 : i32
    %dma_wait3A_260 = tpu.memref_slice %arg6[%dma_wait3A_258, %dma_wait3A_259] : memref<2x128xi32, #tpu.memory_space<vmem>> -> memref<1x128xi32, #tpu.memory_space<vmem>>
    %dma_wait3A_261 = tpu.memref_squeeze %dma_wait3A_260 : memref<1x128xi32, #tpu.memory_space<vmem>> -> memref<128xi32, #tpu.memory_space<vmem>>
    %dma_wait3A_262 = arith.constant 0 : i32
    %dma_wait3A_263 = arith.constant 0 : i32
    %dma_wait3A_264 = tpu.memref_slice %arg13[%dma_wait3A_262, %dma_wait3A_263] : memref<10240x64xf32, #tpu.memory_space<vmem_shared>> -> memref<10240x64xf32, #tpu.memory_space<vmem_shared>>
    tpu.wait_indirect_dma semaphore(%arg20 : memref<!tpu.dma_semaphore, #tpu.memory_space<semaphore_mem>>) src(%dma_wait3A_264 : memref<10240x64xf32, #tpu.memory_space<vmem_shared>>) dst(%arg10 : memref<128x64xf32, #tpu.memory_space<vmem>>)
    %dma_wait3A_265 = arith.constant 0 : i32
    %dma_wait3A_266 = arith.constant 0 : i32
    %dma_wait3A_267 = tpu.memref_slice %arg7[%dma_wait3A_265, %dma_wait3A_266] : memref<2x128xi32, #tpu.memory_space<vmem>> -> memref<1x128xi32, #tpu.memory_space<vmem>>
    %dma_wait3A_268 = tpu.memref_squeeze %dma_wait3A_267 : memref<1x128xi32, #tpu.memory_space<vmem>> -> memref<128xi32, #tpu.memory_space<vmem>>
    %dma_wait3A_269 = arith.constant 0 : i32
    %dma_wait3A_270 = arith.constant 0 : i32
    %dma_wait3A_271 = tpu.memref_slice %arg13[%dma_wait3A_269, %dma_wait3A_270] : memref<10240x64xf32, #tpu.memory_space<vmem_shared>> -> memref<10240x64xf32, #tpu.memory_space<vmem_shared>>
    tpu.wait_indirect_dma semaphore(%arg21 : memref<!tpu.dma_semaphore, #tpu.memory_space<semaphore_mem>>) src(%dma_wait3A_271 : memref<10240x64xf32, #tpu.memory_space<vmem_shared>>) dst(%arg11 : memref<128x64xf32, #tpu.memory_space<vmem>>)
    %barrier3A_272 = arith.constant 0 : index
    tpu.barrier barrier_id(%barrier3A_272)
    %run_scoped3A_273 = arith.constant 1 : i32
    "tpu.region"() ({
      %run_scoped3A_274 = tpu.sem_alloc : memref<!tpu.dma_semaphore, #tpu.memory_space<semaphore_mem>>
      %dma_start3A_275 = arith.constant 0 : i32
      %dma_start3A_276 = tpu.memref_slice %arg4[%arg0, %run_scoped3A_273, %mul3A_0, %dma_start3A_275] : memref<2x2x10240x64xf32, #tpu.memory_space<hbm>> -> memref<1x1x640x64xf32, #tpu.memory_space<hbm>>
      %dma_start3A_277 = tpu.memref_squeeze %dma_start3A_276 : memref<1x1x640x64xf32, #tpu.memory_space<hbm>> -> memref<640x64xf32, #tpu.memory_space<hbm>>
      %dma_start3A_278 = arith.constant 0 : i32
      %dma_start3A_279 = tpu.memref_slice %arg14[%mul3A_0, %dma_start3A_278] : memref<10240x64xf32, #tpu.memory_space<vmem_shared>> -> memref<640x64xf32, #tpu.memory_space<vmem_shared>>
      tpu.enqueue_dma source(%dma_start3A_279 : memref<640x64xf32, #tpu.memory_space<vmem_shared>>) target(%dma_start3A_277 : memref<640x64xf32, #tpu.memory_space<hbm>>) target_semaphore(%run_scoped3A_274 : memref<!tpu.dma_semaphore, #tpu.memory_space<semaphore_mem>>)
      %dma_wait3A_280 = arith.constant 0 : i32
      %dma_wait3A_281 = tpu.memref_slice %arg4[%arg0, %run_scoped3A_273, %mul3A_0, %dma_wait3A_280] : memref<2x2x10240x64xf32, #tpu.memory_space<hbm>> -> memref<1x1x640x64xf32, #tpu.memory_space<hbm>>
      %dma_wait3A_282 = tpu.memref_squeeze %dma_wait3A_281 : memref<1x1x640x64xf32, #tpu.memory_space<hbm>> -> memref<640x64xf32, #tpu.memory_space<hbm>>
      %dma_wait3A_283 = arith.constant 0 : i32
      %dma_wait3A_284 = tpu.memref_slice %arg14[%mul3A_0, %dma_wait3A_283] : memref<10240x64xf32, #tpu.memory_space<vmem_shared>> -> memref<640x64xf32, #tpu.memory_space<vmem_shared>>
      tpu.wait_dma2 semaphore(%run_scoped3A_274 : memref<!tpu.dma_semaphore, #tpu.memory_space<semaphore_mem>>) src(%dma_wait3A_284 : memref<640x64xf32, #tpu.memory_space<vmem_shared>>) dst(%dma_wait3A_282 : memref<640x64xf32, #tpu.memory_space<hbm>>)
      tpu.yield
    }) : () -> ()
    return
  }
}

#map = affine_map<(d0, d1) -> (0, 0, 0)>
#map1 = affine_map<(d0, d1) -> (0, 0, 0, 0)>
module attributes {stable_mosaic.version = 14 : i64} {
  func.func @agg(%arg0: i32, %arg1: i32, %arg2: memref<1x10240x16xf32, #tpu.memory_space<hbm>>, %arg3: memref<2560x2x128xi32, #tpu.memory_space<hbm>>, %arg4: memref<2x1x10240x16xf32, #tpu.memory_space<hbm>>, %arg5: memref<2x128xi32, #tpu.memory_space<vmem>>, %arg6: memref<2x128xi32, #tpu.memory_space<vmem>>, %arg7: memref<2x128xi32, #tpu.memory_space<vmem>>, %arg8: memref<2x128xi32, #tpu.memory_space<vmem>>, %arg9: memref<128x16xf32, #tpu.memory_space<vmem>>, %arg10: memref<128x16xf32, #tpu.memory_space<vmem>>, %arg11: memref<128x16xf32, #tpu.memory_space<vmem>>, %arg12: memref<128x16xf32, #tpu.memory_space<vmem>>, %arg13: memref<10240x16xf32, #tpu.memory_space<vmem_shared>>, %arg14: memref<10240x16xf32, #tpu.memory_space<vmem_shared>>, %arg15: memref<!tpu.dma_semaphore, #tpu.memory_space<semaphore_mem>>, %arg16: memref<!tpu.dma_semaphore, #tpu.memory_space<semaphore_mem>>, %arg17: memref<!tpu.dma_semaphore, #tpu.memory_space<semaphore_mem>>, %arg18: memref<!tpu.dma_semaphore, #tpu.memory_space<semaphore_mem>>, %arg19: memref<!tpu.dma_semaphore, #tpu.memory_space<semaphore_mem>>, %arg20: memref<!tpu.dma_semaphore, #tpu.memory_space<semaphore_mem>>, %arg21: memref<!tpu.dma_semaphore, #tpu.memory_space<semaphore_mem>>, %arg22: memref<!tpu.dma_semaphore, #tpu.memory_space<semaphore_mem>>) attributes {dimension_semantics = [#tpu.dimension_semantics<core_parallel>, #tpu.dimension_semantics<subcore_parallel>], iteration_bounds = array<i64: 2, 16>, scalar_prefetch = 0 : i64, scratch_operands = 18 : i64, tpu.core_type = #tpu.core_type<sc_vector_subcore>, window_params = [{transform_indices = #map}, {transform_indices = #map}, {transform_indices = #map1}]} {
    %mul3A = arith.constant 640 : i32
    %mul3A_0 = arith.muli %arg1, %mul3A : i32
    %eq3A = arith.constant 0 : i32
    %eq3A_1 = arith.cmpi eq, %arg0, %eq3A : i32
    %jit3A = arith.constant 80 : i32
    %jit3A_2 = arith.constant 80 : i32
    %select_n3A = arith.select %eq3A_1, %jit3A, %jit3A_2 : i32
    %eq3A_3 = arith.constant 0 : i32
    %eq3A_4 = arith.cmpi eq, %arg0, %eq3A_3 : i32
    %mul3A_5 = arith.constant 80 : i32
    %mul3A_6 = arith.muli %arg1, %mul3A_5 : i32
    %mul3A_7 = arith.constant 80 : i32
    %mul3A_8 = arith.muli %arg1, %mul3A_7 : i32
    %add3A = arith.constant 1280 : i32
    %add3A_9 = arith.addi %add3A, %mul3A_8 : i32
    %select_n3A_10 = arith.select %eq3A_4, %mul3A_6, %add3A_9 : i32
    %run_scoped3A = arith.constant 0 : i32
    "tpu.region"() ({
      %run_scoped3A_140 = tpu.sem_alloc : memref<!tpu.dma_semaphore, #tpu.memory_space<semaphore_mem>>
      %dma_start3A_141 = arith.constant 0 : i32
      %dma_start3A_142 = tpu.memref_slice %arg13[%mul3A_0, %dma_start3A_141] : memref<10240x16xf32, #tpu.memory_space<vmem_shared>> -> memref<640x16xf32, #tpu.memory_space<vmem_shared>>
      %dma_start3A_143 = arith.constant 0 : i32
      %dma_start3A_144 = tpu.memref_slice %arg2[%run_scoped3A, %mul3A_0, %dma_start3A_143] : memref<1x10240x16xf32, #tpu.memory_space<hbm>> -> memref<1x640x16xf32, #tpu.memory_space<hbm>>
      %dma_start3A_145 = tpu.memref_squeeze %dma_start3A_144 : memref<1x640x16xf32, #tpu.memory_space<hbm>> -> memref<640x16xf32, #tpu.memory_space<hbm>>
      tpu.enqueue_dma source(%dma_start3A_145 : memref<640x16xf32, #tpu.memory_space<hbm>>) target(%dma_start3A_142 : memref<640x16xf32, #tpu.memory_space<vmem_shared>>) target_semaphore(%run_scoped3A_140 : memref<!tpu.dma_semaphore, #tpu.memory_space<semaphore_mem>>)
      %dma_wait3A_146 = arith.constant 0 : i32
      %dma_wait3A_147 = tpu.memref_slice %arg13[%mul3A_0, %dma_wait3A_146] : memref<10240x16xf32, #tpu.memory_space<vmem_shared>> -> memref<640x16xf32, #tpu.memory_space<vmem_shared>>
      %dma_wait3A_148 = arith.constant 0 : i32
      %dma_wait3A_149 = tpu.memref_slice %arg2[%run_scoped3A, %mul3A_0, %dma_wait3A_148] : memref<1x10240x16xf32, #tpu.memory_space<hbm>> -> memref<1x640x16xf32, #tpu.memory_space<hbm>>
      %dma_wait3A_150 = tpu.memref_squeeze %dma_wait3A_149 : memref<1x640x16xf32, #tpu.memory_space<hbm>> -> memref<640x16xf32, #tpu.memory_space<hbm>>
      tpu.wait_dma2 semaphore(%run_scoped3A_140 : memref<!tpu.dma_semaphore, #tpu.memory_space<semaphore_mem>>) src(%dma_wait3A_150 : memref<640x16xf32, #tpu.memory_space<hbm>>) dst(%dma_wait3A_147 : memref<640x16xf32, #tpu.memory_space<vmem_shared>>)
      tpu.yield
    }) : () -> ()
    %run_scoped3A_11 = arith.constant 0 : i32
    "tpu.region"() ({
      %run_scoped3A_140 = tpu.sem_alloc : memref<!tpu.dma_semaphore, #tpu.memory_space<semaphore_mem>>
      %dma_start3A_141 = arith.constant 0 : i32
      %dma_start3A_142 = tpu.memref_slice %arg14[%mul3A_0, %dma_start3A_141] : memref<10240x16xf32, #tpu.memory_space<vmem_shared>> -> memref<640x16xf32, #tpu.memory_space<vmem_shared>>
      %dma_start3A_143 = arith.constant 0 : i32
      %dma_start3A_144 = tpu.memref_slice %arg2[%run_scoped3A_11, %mul3A_0, %dma_start3A_143] : memref<1x10240x16xf32, #tpu.memory_space<hbm>> -> memref<1x640x16xf32, #tpu.memory_space<hbm>>
      %dma_start3A_145 = tpu.memref_squeeze %dma_start3A_144 : memref<1x640x16xf32, #tpu.memory_space<hbm>> -> memref<640x16xf32, #tpu.memory_space<hbm>>
      tpu.enqueue_dma source(%dma_start3A_145 : memref<640x16xf32, #tpu.memory_space<hbm>>) target(%dma_start3A_142 : memref<640x16xf32, #tpu.memory_space<vmem_shared>>) target_semaphore(%run_scoped3A_140 : memref<!tpu.dma_semaphore, #tpu.memory_space<semaphore_mem>>)
      %dma_wait3A_146 = arith.constant 0 : i32
      %dma_wait3A_147 = tpu.memref_slice %arg14[%mul3A_0, %dma_wait3A_146] : memref<10240x16xf32, #tpu.memory_space<vmem_shared>> -> memref<640x16xf32, #tpu.memory_space<vmem_shared>>
      %dma_wait3A_148 = arith.constant 0 : i32
      %dma_wait3A_149 = tpu.memref_slice %arg2[%run_scoped3A_11, %mul3A_0, %dma_wait3A_148] : memref<1x10240x16xf32, #tpu.memory_space<hbm>> -> memref<1x640x16xf32, #tpu.memory_space<hbm>>
      %dma_wait3A_150 = tpu.memref_squeeze %dma_wait3A_149 : memref<1x640x16xf32, #tpu.memory_space<hbm>> -> memref<640x16xf32, #tpu.memory_space<hbm>>
      tpu.wait_dma2 semaphore(%run_scoped3A_140 : memref<!tpu.dma_semaphore, #tpu.memory_space<semaphore_mem>>) src(%dma_wait3A_150 : memref<640x16xf32, #tpu.memory_space<hbm>>) dst(%dma_wait3A_147 : memref<640x16xf32, #tpu.memory_space<vmem_shared>>)
      tpu.yield
    }) : () -> ()
    %add3A_12 = arith.constant 0 : i32
    %add3A_13 = arith.addi %select_n3A_10, %add3A_12 : i32
    %dma_start3A = arith.constant 0 : i32
    %dma_start3A_14 = arith.constant 0 : i32
    %dma_start3A_15 = tpu.memref_slice %arg3[%add3A_13, %dma_start3A, %dma_start3A_14] : memref<2560x2x128xi32, #tpu.memory_space<hbm>> -> memref<1x2x128xi32, #tpu.memory_space<hbm>>
    %dma_start3A_16 = tpu.memref_squeeze %dma_start3A_15 : memref<1x2x128xi32, #tpu.memory_space<hbm>> -> memref<2x128xi32, #tpu.memory_space<hbm>>
    %dma_start3A_17 = arith.constant 0 : i32
    %dma_start3A_18 = arith.constant 0 : i32
    %dma_start3A_19 = tpu.memref_slice %arg3[%add3A_13, %dma_start3A_17, %dma_start3A_18] : memref<2560x2x128xi32, #tpu.memory_space<hbm>> -> memref<1x2x128xi32, #tpu.memory_space<hbm>>
    %dma_start3A_20 = tpu.memref_squeeze %dma_start3A_19 : memref<1x2x128xi32, #tpu.memory_space<hbm>> -> memref<2x128xi32, #tpu.memory_space<hbm>>
    tpu.enqueue_dma source(%dma_start3A_20 : memref<2x128xi32, #tpu.memory_space<hbm>>) target(%arg5 : memref<2x128xi32, #tpu.memory_space<vmem>>) target_semaphore(%arg15 : memref<!tpu.dma_semaphore, #tpu.memory_space<semaphore_mem>>)
    %add3A_21 = arith.constant 1 : i32
    %add3A_22 = arith.addi %select_n3A_10, %add3A_21 : i32
    %dma_start3A_23 = arith.constant 0 : i32
    %dma_start3A_24 = arith.constant 0 : i32
    %dma_start3A_25 = tpu.memref_slice %arg3[%add3A_22, %dma_start3A_23, %dma_start3A_24] : memref<2560x2x128xi32, #tpu.memory_space<hbm>> -> memref<1x2x128xi32, #tpu.memory_space<hbm>>
    %dma_start3A_26 = tpu.memref_squeeze %dma_start3A_25 : memref<1x2x128xi32, #tpu.memory_space<hbm>> -> memref<2x128xi32, #tpu.memory_space<hbm>>
    %dma_start3A_27 = arith.constant 0 : i32
    %dma_start3A_28 = arith.constant 0 : i32
    %dma_start3A_29 = tpu.memref_slice %arg3[%add3A_22, %dma_start3A_27, %dma_start3A_28] : memref<2560x2x128xi32, #tpu.memory_space<hbm>> -> memref<1x2x128xi32, #tpu.memory_space<hbm>>
    %dma_start3A_30 = tpu.memref_squeeze %dma_start3A_29 : memref<1x2x128xi32, #tpu.memory_space<hbm>> -> memref<2x128xi32, #tpu.memory_space<hbm>>
    tpu.enqueue_dma source(%dma_start3A_30 : memref<2x128xi32, #tpu.memory_space<hbm>>) target(%arg6 : memref<2x128xi32, #tpu.memory_space<vmem>>) target_semaphore(%arg16 : memref<!tpu.dma_semaphore, #tpu.memory_space<semaphore_mem>>)
    %add3A_31 = arith.constant 2 : i32
    %add3A_32 = arith.addi %select_n3A_10, %add3A_31 : i32
    %dma_start3A_33 = arith.constant 0 : i32
    %dma_start3A_34 = arith.constant 0 : i32
    %dma_start3A_35 = tpu.memref_slice %arg3[%add3A_32, %dma_start3A_33, %dma_start3A_34] : memref<2560x2x128xi32, #tpu.memory_space<hbm>> -> memref<1x2x128xi32, #tpu.memory_space<hbm>>
    %dma_start3A_36 = tpu.memref_squeeze %dma_start3A_35 : memref<1x2x128xi32, #tpu.memory_space<hbm>> -> memref<2x128xi32, #tpu.memory_space<hbm>>
    %dma_start3A_37 = arith.constant 0 : i32
    %dma_start3A_38 = arith.constant 0 : i32
    %dma_start3A_39 = tpu.memref_slice %arg3[%add3A_32, %dma_start3A_37, %dma_start3A_38] : memref<2560x2x128xi32, #tpu.memory_space<hbm>> -> memref<1x2x128xi32, #tpu.memory_space<hbm>>
    %dma_start3A_40 = tpu.memref_squeeze %dma_start3A_39 : memref<1x2x128xi32, #tpu.memory_space<hbm>> -> memref<2x128xi32, #tpu.memory_space<hbm>>
    tpu.enqueue_dma source(%dma_start3A_40 : memref<2x128xi32, #tpu.memory_space<hbm>>) target(%arg7 : memref<2x128xi32, #tpu.memory_space<vmem>>) target_semaphore(%arg17 : memref<!tpu.dma_semaphore, #tpu.memory_space<semaphore_mem>>)
    %add3A_41 = arith.constant 3 : i32
    %add3A_42 = arith.addi %select_n3A_10, %add3A_41 : i32
    %dma_start3A_43 = arith.constant 0 : i32
    %dma_start3A_44 = arith.constant 0 : i32
    %dma_start3A_45 = tpu.memref_slice %arg3[%add3A_42, %dma_start3A_43, %dma_start3A_44] : memref<2560x2x128xi32, #tpu.memory_space<hbm>> -> memref<1x2x128xi32, #tpu.memory_space<hbm>>
    %dma_start3A_46 = tpu.memref_squeeze %dma_start3A_45 : memref<1x2x128xi32, #tpu.memory_space<hbm>> -> memref<2x128xi32, #tpu.memory_space<hbm>>
    %dma_start3A_47 = arith.constant 0 : i32
    %dma_start3A_48 = arith.constant 0 : i32
    %dma_start3A_49 = tpu.memref_slice %arg3[%add3A_42, %dma_start3A_47, %dma_start3A_48] : memref<2560x2x128xi32, #tpu.memory_space<hbm>> -> memref<1x2x128xi32, #tpu.memory_space<hbm>>
    %dma_start3A_50 = tpu.memref_squeeze %dma_start3A_49 : memref<1x2x128xi32, #tpu.memory_space<hbm>> -> memref<2x128xi32, #tpu.memory_space<hbm>>
    tpu.enqueue_dma source(%dma_start3A_50 : memref<2x128xi32, #tpu.memory_space<hbm>>) target(%arg8 : memref<2x128xi32, #tpu.memory_space<vmem>>) target_semaphore(%arg18 : memref<!tpu.dma_semaphore, #tpu.memory_space<semaphore_mem>>)
    %barrier3A = arith.constant 0 : index
    tpu.barrier barrier_id(%barrier3A)
    %dma_wait3A = arith.constant 0 : i32
    %dma_wait3A_51 = arith.constant 0 : i32
    %dma_wait3A_52 = tpu.memref_slice %arg3[%select_n3A_10, %dma_wait3A, %dma_wait3A_51] : memref<2560x2x128xi32, #tpu.memory_space<hbm>> -> memref<1x2x128xi32, #tpu.memory_space<hbm>>
    %dma_wait3A_53 = tpu.memref_squeeze %dma_wait3A_52 : memref<1x2x128xi32, #tpu.memory_space<hbm>> -> memref<2x128xi32, #tpu.memory_space<hbm>>
    %dma_wait3A_54 = arith.constant 0 : i32
    %dma_wait3A_55 = arith.constant 0 : i32
    %dma_wait3A_56 = tpu.memref_slice %arg3[%select_n3A_10, %dma_wait3A_54, %dma_wait3A_55] : memref<2560x2x128xi32, #tpu.memory_space<hbm>> -> memref<1x2x128xi32, #tpu.memory_space<hbm>>
    %dma_wait3A_57 = tpu.memref_squeeze %dma_wait3A_56 : memref<1x2x128xi32, #tpu.memory_space<hbm>> -> memref<2x128xi32, #tpu.memory_space<hbm>>
    tpu.wait_dma2 semaphore(%arg15 : memref<!tpu.dma_semaphore, #tpu.memory_space<semaphore_mem>>) src(%dma_wait3A_57 : memref<2x128xi32, #tpu.memory_space<hbm>>) dst(%arg5 : memref<2x128xi32, #tpu.memory_space<vmem>>)
    %dma_start3A_58 = arith.constant 0 : i32
    %dma_start3A_59 = arith.constant 0 : i32
    %dma_start3A_60 = tpu.memref_slice %arg5[%dma_start3A_58, %dma_start3A_59] : memref<2x128xi32, #tpu.memory_space<vmem>> -> memref<1x128xi32, #tpu.memory_space<vmem>>
    %dma_start3A_61 = tpu.memref_squeeze %dma_start3A_60 : memref<1x128xi32, #tpu.memory_space<vmem>> -> memref<128xi32, #tpu.memory_space<vmem>>
    %dma_start3A_62 = arith.constant 0 : i32
    %dma_start3A_63 = arith.constant 0 : i32
    %dma_start3A_64 = tpu.memref_slice %arg13[%dma_start3A_62, %dma_start3A_63] : memref<10240x16xf32, #tpu.memory_space<vmem_shared>> -> memref<10240x16xf32, #tpu.memory_space<vmem_shared>>
    tpu.enqueue_indirect_dma source(%dma_start3A_64 : memref<10240x16xf32, #tpu.memory_space<vmem_shared>>) target(%arg9 : memref<128x16xf32, #tpu.memory_space<vmem>>) offsets(%dma_start3A_61 : memref<128xi32, #tpu.memory_space<vmem>>) semaphore(%arg19 : memref<!tpu.dma_semaphore, #tpu.memory_space<semaphore_mem>>)
    %dma_wait3A_65 = arith.constant 0 : i32
    %dma_wait3A_66 = arith.constant 0 : i32
    %dma_wait3A_67 = tpu.memref_slice %arg3[%select_n3A_10, %dma_wait3A_65, %dma_wait3A_66] : memref<2560x2x128xi32, #tpu.memory_space<hbm>> -> memref<1x2x128xi32, #tpu.memory_space<hbm>>
    %dma_wait3A_68 = tpu.memref_squeeze %dma_wait3A_67 : memref<1x2x128xi32, #tpu.memory_space<hbm>> -> memref<2x128xi32, #tpu.memory_space<hbm>>
    %dma_wait3A_69 = arith.constant 0 : i32
    %dma_wait3A_70 = arith.constant 0 : i32
    %dma_wait3A_71 = tpu.memref_slice %arg3[%select_n3A_10, %dma_wait3A_69, %dma_wait3A_70] : memref<2560x2x128xi32, #tpu.memory_space<hbm>> -> memref<1x2x128xi32, #tpu.memory_space<hbm>>
    %dma_wait3A_72 = tpu.memref_squeeze %dma_wait3A_71 : memref<1x2x128xi32, #tpu.memory_space<hbm>> -> memref<2x128xi32, #tpu.memory_space<hbm>>
    tpu.wait_dma2 semaphore(%arg16 : memref<!tpu.dma_semaphore, #tpu.memory_space<semaphore_mem>>) src(%dma_wait3A_72 : memref<2x128xi32, #tpu.memory_space<hbm>>) dst(%arg6 : memref<2x128xi32, #tpu.memory_space<vmem>>)
    %dma_start3A_73 = arith.constant 0 : i32
    %dma_start3A_74 = arith.constant 0 : i32
    %dma_start3A_75 = tpu.memref_slice %arg6[%dma_start3A_73, %dma_start3A_74] : memref<2x128xi32, #tpu.memory_space<vmem>> -> memref<1x128xi32, #tpu.memory_space<vmem>>
    %dma_start3A_76 = tpu.memref_squeeze %dma_start3A_75 : memref<1x128xi32, #tpu.memory_space<vmem>> -> memref<128xi32, #tpu.memory_space<vmem>>
    %dma_start3A_77 = arith.constant 0 : i32
    %dma_start3A_78 = arith.constant 0 : i32
    %dma_start3A_79 = tpu.memref_slice %arg13[%dma_start3A_77, %dma_start3A_78] : memref<10240x16xf32, #tpu.memory_space<vmem_shared>> -> memref<10240x16xf32, #tpu.memory_space<vmem_shared>>
    tpu.enqueue_indirect_dma source(%dma_start3A_79 : memref<10240x16xf32, #tpu.memory_space<vmem_shared>>) target(%arg10 : memref<128x16xf32, #tpu.memory_space<vmem>>) offsets(%dma_start3A_76 : memref<128xi32, #tpu.memory_space<vmem>>) semaphore(%arg20 : memref<!tpu.dma_semaphore, #tpu.memory_space<semaphore_mem>>)
    %dma_wait3A_80 = arith.constant 0 : i32
    %dma_wait3A_81 = arith.constant 0 : i32
    %dma_wait3A_82 = tpu.memref_slice %arg3[%select_n3A_10, %dma_wait3A_80, %dma_wait3A_81] : memref<2560x2x128xi32, #tpu.memory_space<hbm>> -> memref<1x2x128xi32, #tpu.memory_space<hbm>>
    %dma_wait3A_83 = tpu.memref_squeeze %dma_wait3A_82 : memref<1x2x128xi32, #tpu.memory_space<hbm>> -> memref<2x128xi32, #tpu.memory_space<hbm>>
    %dma_wait3A_84 = arith.constant 0 : i32
    %dma_wait3A_85 = arith.constant 0 : i32
    %dma_wait3A_86 = tpu.memref_slice %arg3[%select_n3A_10, %dma_wait3A_84, %dma_wait3A_85] : memref<2560x2x128xi32, #tpu.memory_space<hbm>> -> memref<1x2x128xi32, #tpu.memory_space<hbm>>
    %dma_wait3A_87 = tpu.memref_squeeze %dma_wait3A_86 : memref<1x2x128xi32, #tpu.memory_space<hbm>> -> memref<2x128xi32, #tpu.memory_space<hbm>>
    tpu.wait_dma2 semaphore(%arg17 : memref<!tpu.dma_semaphore, #tpu.memory_space<semaphore_mem>>) src(%dma_wait3A_87 : memref<2x128xi32, #tpu.memory_space<hbm>>) dst(%arg7 : memref<2x128xi32, #tpu.memory_space<vmem>>)
    %dma_start3A_88 = arith.constant 0 : i32
    %dma_start3A_89 = arith.constant 0 : i32
    %dma_start3A_90 = tpu.memref_slice %arg7[%dma_start3A_88, %dma_start3A_89] : memref<2x128xi32, #tpu.memory_space<vmem>> -> memref<1x128xi32, #tpu.memory_space<vmem>>
    %dma_start3A_91 = tpu.memref_squeeze %dma_start3A_90 : memref<1x128xi32, #tpu.memory_space<vmem>> -> memref<128xi32, #tpu.memory_space<vmem>>
    %dma_start3A_92 = arith.constant 0 : i32
    %dma_start3A_93 = arith.constant 0 : i32
    %dma_start3A_94 = tpu.memref_slice %arg13[%dma_start3A_92, %dma_start3A_93] : memref<10240x16xf32, #tpu.memory_space<vmem_shared>> -> memref<10240x16xf32, #tpu.memory_space<vmem_shared>>
    tpu.enqueue_indirect_dma source(%dma_start3A_94 : memref<10240x16xf32, #tpu.memory_space<vmem_shared>>) target(%arg11 : memref<128x16xf32, #tpu.memory_space<vmem>>) offsets(%dma_start3A_91 : memref<128xi32, #tpu.memory_space<vmem>>) semaphore(%arg21 : memref<!tpu.dma_semaphore, #tpu.memory_space<semaphore_mem>>)
    %eq3A_95 = arith.constant 0 : i32
    %eq3A_96 = arith.cmpi eq, %arg0, %eq3A_95 : i32
    %jit3A_97 = arith.constant 20 : i32
    %jit3A_98 = arith.constant 20 : i32
    %select_n3A_99 = arith.select %eq3A_96, %jit3A_97, %jit3A_98 : i32
    %while3A = arith.constant 0 : i32
    %while3A_100 = arith.constant 0 : i32
    %while3A_101 = arith.subi %select_n3A_99, %while3A_100 : i32
    %while3A_102 = arith.addi %while3A_100, %while3A_101 : i32
    %while3A_103 = arith.constant 1 : i32
    %while3A_104 = arith.divsi %while3A_101, %while3A_103 : i32
    %while3A_105 = arith.muli %while3A_104, %while3A_103 : i32
    %while3A_106 = arith.addi %while3A_100, %while3A_105 : i32
    %while3A_107 = arith.constant 1 : i32
    scf.for %while3A_140 = %while3A_100 to %while3A_106 step %while3A_107  : i32 {
      %mul3A_141 = arith.constant 4 : i32
      %mul3A_142 = arith.muli %while3A_140, %mul3A_141 : i32
      %add3A_143 = arith.constant 0 : i32
      %add3A_144 = arith.addi %mul3A_142, %add3A_143 : i32
      %dma_wait3A_145 = arith.constant 0 : i32
      %dma_wait3A_146 = arith.constant 0 : i32
      %dma_wait3A_147 = tpu.memref_slice %arg3[%select_n3A_10, %dma_wait3A_145, %dma_wait3A_146] : memref<2560x2x128xi32, #tpu.memory_space<hbm>> -> memref<1x2x128xi32, #tpu.memory_space<hbm>>
      %dma_wait3A_148 = tpu.memref_squeeze %dma_wait3A_147 : memref<1x2x128xi32, #tpu.memory_space<hbm>> -> memref<2x128xi32, #tpu.memory_space<hbm>>
      %dma_wait3A_149 = arith.constant 0 : i32
      %dma_wait3A_150 = arith.constant 0 : i32
      %dma_wait3A_151 = tpu.memref_slice %arg3[%select_n3A_10, %dma_wait3A_149, %dma_wait3A_150] : memref<2560x2x128xi32, #tpu.memory_space<hbm>> -> memref<1x2x128xi32, #tpu.memory_space<hbm>>
      %dma_wait3A_152 = tpu.memref_squeeze %dma_wait3A_151 : memref<1x2x128xi32, #tpu.memory_space<hbm>> -> memref<2x128xi32, #tpu.memory_space<hbm>>
      tpu.wait_dma2 semaphore(%arg18 : memref<!tpu.dma_semaphore, #tpu.memory_space<semaphore_mem>>) src(%dma_wait3A_152 : memref<2x128xi32, #tpu.memory_space<hbm>>) dst(%arg8 : memref<2x128xi32, #tpu.memory_space<vmem>>)
      %dma_start3A_153 = arith.constant 0 : i32
      %dma_start3A_154 = arith.constant 0 : i32
      %dma_start3A_155 = tpu.memref_slice %arg8[%dma_start3A_153, %dma_start3A_154] : memref<2x128xi32, #tpu.memory_space<vmem>> -> memref<1x128xi32, #tpu.memory_space<vmem>>
      %dma_start3A_156 = tpu.memref_squeeze %dma_start3A_155 : memref<1x128xi32, #tpu.memory_space<vmem>> -> memref<128xi32, #tpu.memory_space<vmem>>
      %dma_start3A_157 = arith.constant 0 : i32
      %dma_start3A_158 = arith.constant 0 : i32
      %dma_start3A_159 = tpu.memref_slice %arg13[%dma_start3A_157, %dma_start3A_158] : memref<10240x16xf32, #tpu.memory_space<vmem_shared>> -> memref<10240x16xf32, #tpu.memory_space<vmem_shared>>
      tpu.enqueue_indirect_dma source(%dma_start3A_159 : memref<10240x16xf32, #tpu.memory_space<vmem_shared>>) target(%arg12 : memref<128x16xf32, #tpu.memory_space<vmem>>) offsets(%dma_start3A_156 : memref<128xi32, #tpu.memory_space<vmem>>) semaphore(%arg22 : memref<!tpu.dma_semaphore, #tpu.memory_space<semaphore_mem>>)
      %dma_wait3A_160 = arith.constant 0 : i32
      %dma_wait3A_161 = arith.constant 0 : i32
      %dma_wait3A_162 = tpu.memref_slice %arg5[%dma_wait3A_160, %dma_wait3A_161] : memref<2x128xi32, #tpu.memory_space<vmem>> -> memref<1x128xi32, #tpu.memory_space<vmem>>
      %dma_wait3A_163 = tpu.memref_squeeze %dma_wait3A_162 : memref<1x128xi32, #tpu.memory_space<vmem>> -> memref<128xi32, #tpu.memory_space<vmem>>
      %dma_wait3A_164 = arith.constant 0 : i32
      %dma_wait3A_165 = arith.constant 0 : i32
      %dma_wait3A_166 = tpu.memref_slice %arg13[%dma_wait3A_164, %dma_wait3A_165] : memref<10240x16xf32, #tpu.memory_space<vmem_shared>> -> memref<10240x16xf32, #tpu.memory_space<vmem_shared>>
      tpu.wait_indirect_dma semaphore(%arg19 : memref<!tpu.dma_semaphore, #tpu.memory_space<semaphore_mem>>) src(%dma_wait3A_166 : memref<10240x16xf32, #tpu.memory_space<vmem_shared>>) dst(%arg9 : memref<128x16xf32, #tpu.memory_space<vmem>>)
      %run_scoped3A_167 = arith.constant 1 : i32
      "tpu.region"() ({
        %run_scoped3A_303 = tpu.sem_alloc : memref<!tpu.dma_semaphore, #tpu.memory_space<semaphore_mem>>
        %dma_start3A_304 = arith.constant 0 : i32
        %dma_start3A_305 = tpu.memref_slice %arg5[%run_scoped3A_167, %dma_start3A_304] : memref<2x128xi32, #tpu.memory_space<vmem>> -> memref<1x128xi32, #tpu.memory_space<vmem>>
        %dma_start3A_306 = tpu.memref_squeeze %dma_start3A_305 : memref<1x128xi32, #tpu.memory_space<vmem>> -> memref<128xi32, #tpu.memory_space<vmem>>
        %dma_start3A_307 = arith.constant 0 : i32
        %dma_start3A_308 = arith.constant 0 : i32
        %dma_start3A_309 = tpu.memref_slice %arg14[%dma_start3A_307, %dma_start3A_308] : memref<10240x16xf32, #tpu.memory_space<vmem_shared>> -> memref<10240x16xf32, #tpu.memory_space<vmem_shared>>
        tpu.enqueue_indirect_dma source(%arg9 : memref<128x16xf32, #tpu.memory_space<vmem>>) target(%dma_start3A_309 : memref<10240x16xf32, #tpu.memory_space<vmem_shared>>) offsets(%dma_start3A_306 : memref<128xi32, #tpu.memory_space<vmem>>) semaphore(%run_scoped3A_303 : memref<!tpu.dma_semaphore, #tpu.memory_space<semaphore_mem>>) {add = true}
        %dma_wait3A_310 = arith.constant 0 : i32
        %dma_wait3A_311 = tpu.memref_slice %arg5[%run_scoped3A_167, %dma_wait3A_310] : memref<2x128xi32, #tpu.memory_space<vmem>> -> memref<1x128xi32, #tpu.memory_space<vmem>>
        %dma_wait3A_312 = tpu.memref_squeeze %dma_wait3A_311 : memref<1x128xi32, #tpu.memory_space<vmem>> -> memref<128xi32, #tpu.memory_space<vmem>>
        %dma_wait3A_313 = arith.constant 0 : i32
        %dma_wait3A_314 = arith.constant 0 : i32
        %dma_wait3A_315 = tpu.memref_slice %arg14[%dma_wait3A_313, %dma_wait3A_314] : memref<10240x16xf32, #tpu.memory_space<vmem_shared>> -> memref<10240x16xf32, #tpu.memory_space<vmem_shared>>
        tpu.wait_indirect_dma semaphore(%run_scoped3A_303 : memref<!tpu.dma_semaphore, #tpu.memory_space<semaphore_mem>>) src(%arg9 : memref<128x16xf32, #tpu.memory_space<vmem>>) dst(%dma_wait3A_315 : memref<10240x16xf32, #tpu.memory_space<vmem_shared>>)
        tpu.yield
      }) : () -> ()
      %add3A_168 = arith.constant 4 : i32
      %add3A_169 = arith.addi %add3A_144, %add3A_168 : i32
      %sub3A = arith.constant 1 : i32
      %sub3A_170 = arith.subi %select_n3A, %sub3A : i32
      %min3A = arith.minsi %add3A_169, %sub3A_170 : i32
      %add3A_171 = arith.addi %select_n3A_10, %min3A : i32
      %dma_start3A_172 = arith.constant 0 : i32
      %dma_start3A_173 = arith.constant 0 : i32
      %dma_start3A_174 = tpu.memref_slice %arg3[%add3A_171, %dma_start3A_172, %dma_start3A_173] : memref<2560x2x128xi32, #tpu.memory_space<hbm>> -> memref<1x2x128xi32, #tpu.memory_space<hbm>>
      %dma_start3A_175 = tpu.memref_squeeze %dma_start3A_174 : memref<1x2x128xi32, #tpu.memory_space<hbm>> -> memref<2x128xi32, #tpu.memory_space<hbm>>
      %dma_start3A_176 = arith.constant 0 : i32
      %dma_start3A_177 = arith.constant 0 : i32
      %dma_start3A_178 = tpu.memref_slice %arg3[%add3A_171, %dma_start3A_176, %dma_start3A_177] : memref<2560x2x128xi32, #tpu.memory_space<hbm>> -> memref<1x2x128xi32, #tpu.memory_space<hbm>>
      %dma_start3A_179 = tpu.memref_squeeze %dma_start3A_178 : memref<1x2x128xi32, #tpu.memory_space<hbm>> -> memref<2x128xi32, #tpu.memory_space<hbm>>
      tpu.enqueue_dma source(%dma_start3A_179 : memref<2x128xi32, #tpu.memory_space<hbm>>) target(%arg5 : memref<2x128xi32, #tpu.memory_space<vmem>>) target_semaphore(%arg15 : memref<!tpu.dma_semaphore, #tpu.memory_space<semaphore_mem>>)
      %mul3A_180 = arith.constant 4 : i32
      %mul3A_181 = arith.muli %while3A_140, %mul3A_180 : i32
      %add3A_182 = arith.constant 1 : i32
      %add3A_183 = arith.addi %mul3A_181, %add3A_182 : i32
      %dma_wait3A_184 = arith.constant 0 : i32
      %dma_wait3A_185 = arith.constant 0 : i32
      %dma_wait3A_186 = tpu.memref_slice %arg3[%select_n3A_10, %dma_wait3A_184, %dma_wait3A_185] : memref<2560x2x128xi32, #tpu.memory_space<hbm>> -> memref<1x2x128xi32, #tpu.memory_space<hbm>>
      %dma_wait3A_187 = tpu.memref_squeeze %dma_wait3A_186 : memref<1x2x128xi32, #tpu.memory_space<hbm>> -> memref<2x128xi32, #tpu.memory_space<hbm>>
      %dma_wait3A_188 = arith.constant 0 : i32
      %dma_wait3A_189 = arith.constant 0 : i32
      %dma_wait3A_190 = tpu.memref_slice %arg3[%select_n3A_10, %dma_wait3A_188, %dma_wait3A_189] : memref<2560x2x128xi32, #tpu.memory_space<hbm>> -> memref<1x2x128xi32, #tpu.memory_space<hbm>>
      %dma_wait3A_191 = tpu.memref_squeeze %dma_wait3A_190 : memref<1x2x128xi32, #tpu.memory_space<hbm>> -> memref<2x128xi32, #tpu.memory_space<hbm>>
      tpu.wait_dma2 semaphore(%arg15 : memref<!tpu.dma_semaphore, #tpu.memory_space<semaphore_mem>>) src(%dma_wait3A_191 : memref<2x128xi32, #tpu.memory_space<hbm>>) dst(%arg5 : memref<2x128xi32, #tpu.memory_space<vmem>>)
      %dma_start3A_192 = arith.constant 0 : i32
      %dma_start3A_193 = arith.constant 0 : i32
      %dma_start3A_194 = tpu.memref_slice %arg5[%dma_start3A_192, %dma_start3A_193] : memref<2x128xi32, #tpu.memory_space<vmem>> -> memref<1x128xi32, #tpu.memory_space<vmem>>
      %dma_start3A_195 = tpu.memref_squeeze %dma_start3A_194 : memref<1x128xi32, #tpu.memory_space<vmem>> -> memref<128xi32, #tpu.memory_space<vmem>>
      %dma_start3A_196 = arith.constant 0 : i32
      %dma_start3A_197 = arith.constant 0 : i32
      %dma_start3A_198 = tpu.memref_slice %arg13[%dma_start3A_196, %dma_start3A_197] : memref<10240x16xf32, #tpu.memory_space<vmem_shared>> -> memref<10240x16xf32, #tpu.memory_space<vmem_shared>>
      tpu.enqueue_indirect_dma source(%dma_start3A_198 : memref<10240x16xf32, #tpu.memory_space<vmem_shared>>) target(%arg9 : memref<128x16xf32, #tpu.memory_space<vmem>>) offsets(%dma_start3A_195 : memref<128xi32, #tpu.memory_space<vmem>>) semaphore(%arg19 : memref<!tpu.dma_semaphore, #tpu.memory_space<semaphore_mem>>)
      %dma_wait3A_199 = arith.constant 0 : i32
      %dma_wait3A_200 = arith.constant 0 : i32
      %dma_wait3A_201 = tpu.memref_slice %arg6[%dma_wait3A_199, %dma_wait3A_200] : memref<2x128xi32, #tpu.memory_space<vmem>> -> memref<1x128xi32, #tpu.memory_space<vmem>>
      %dma_wait3A_202 = tpu.memref_squeeze %dma_wait3A_201 : memref<1x128xi32, #tpu.memory_space<vmem>> -> memref<128xi32, #tpu.memory_space<vmem>>
      %dma_wait3A_203 = arith.constant 0 : i32
      %dma_wait3A_204 = arith.constant 0 : i32
      %dma_wait3A_205 = tpu.memref_slice %arg13[%dma_wait3A_203, %dma_wait3A_204] : memref<10240x16xf32, #tpu.memory_space<vmem_shared>> -> memref<10240x16xf32, #tpu.memory_space<vmem_shared>>
      tpu.wait_indirect_dma semaphore(%arg20 : memref<!tpu.dma_semaphore, #tpu.memory_space<semaphore_mem>>) src(%dma_wait3A_205 : memref<10240x16xf32, #tpu.memory_space<vmem_shared>>) dst(%arg10 : memref<128x16xf32, #tpu.memory_space<vmem>>)
      %run_scoped3A_206 = arith.constant 1 : i32
      "tpu.region"() ({
        %run_scoped3A_303 = tpu.sem_alloc : memref<!tpu.dma_semaphore, #tpu.memory_space<semaphore_mem>>
        %dma_start3A_304 = arith.constant 0 : i32
        %dma_start3A_305 = tpu.memref_slice %arg6[%run_scoped3A_206, %dma_start3A_304] : memref<2x128xi32, #tpu.memory_space<vmem>> -> memref<1x128xi32, #tpu.memory_space<vmem>>
        %dma_start3A_306 = tpu.memref_squeeze %dma_start3A_305 : memref<1x128xi32, #tpu.memory_space<vmem>> -> memref<128xi32, #tpu.memory_space<vmem>>
        %dma_start3A_307 = arith.constant 0 : i32
        %dma_start3A_308 = arith.constant 0 : i32
        %dma_start3A_309 = tpu.memref_slice %arg14[%dma_start3A_307, %dma_start3A_308] : memref<10240x16xf32, #tpu.memory_space<vmem_shared>> -> memref<10240x16xf32, #tpu.memory_space<vmem_shared>>
        tpu.enqueue_indirect_dma source(%arg10 : memref<128x16xf32, #tpu.memory_space<vmem>>) target(%dma_start3A_309 : memref<10240x16xf32, #tpu.memory_space<vmem_shared>>) offsets(%dma_start3A_306 : memref<128xi32, #tpu.memory_space<vmem>>) semaphore(%run_scoped3A_303 : memref<!tpu.dma_semaphore, #tpu.memory_space<semaphore_mem>>) {add = true}
        %dma_wait3A_310 = arith.constant 0 : i32
        %dma_wait3A_311 = tpu.memref_slice %arg6[%run_scoped3A_206, %dma_wait3A_310] : memref<2x128xi32, #tpu.memory_space<vmem>> -> memref<1x128xi32, #tpu.memory_space<vmem>>
        %dma_wait3A_312 = tpu.memref_squeeze %dma_wait3A_311 : memref<1x128xi32, #tpu.memory_space<vmem>> -> memref<128xi32, #tpu.memory_space<vmem>>
        %dma_wait3A_313 = arith.constant 0 : i32
        %dma_wait3A_314 = arith.constant 0 : i32
        %dma_wait3A_315 = tpu.memref_slice %arg14[%dma_wait3A_313, %dma_wait3A_314] : memref<10240x16xf32, #tpu.memory_space<vmem_shared>> -> memref<10240x16xf32, #tpu.memory_space<vmem_shared>>
        tpu.wait_indirect_dma semaphore(%run_scoped3A_303 : memref<!tpu.dma_semaphore, #tpu.memory_space<semaphore_mem>>) src(%arg10 : memref<128x16xf32, #tpu.memory_space<vmem>>) dst(%dma_wait3A_315 : memref<10240x16xf32, #tpu.memory_space<vmem_shared>>)
        tpu.yield
      }) : () -> ()
      %add3A_207 = arith.constant 4 : i32
      %add3A_208 = arith.addi %add3A_183, %add3A_207 : i32
      %sub3A_209 = arith.constant 1 : i32
      %sub3A_210 = arith.subi %select_n3A, %sub3A_209 : i32
      %min3A_211 = arith.minsi %add3A_208, %sub3A_210 : i32
      %add3A_212 = arith.addi %select_n3A_10, %min3A_211 : i32
      %dma_start3A_213 = arith.constant 0 : i32
      %dma_start3A_214 = arith.constant 0 : i32
      %dma_start3A_215 = tpu.memref_slice %arg3[%add3A_212, %dma_start3A_213, %dma_start3A_214] : memref<2560x2x128xi32, #tpu.memory_space<hbm>> -> memref<1x2x128xi32, #tpu.memory_space<hbm>>
      %dma_start3A_216 = tpu.memref_squeeze %dma_start3A_215 : memref<1x2x128xi32, #tpu.memory_space<hbm>> -> memref<2x128xi32, #tpu.memory_space<hbm>>
      %dma_start3A_217 = arith.constant 0 : i32
      %dma_start3A_218 = arith.constant 0 : i32
      %dma_start3A_219 = tpu.memref_slice %arg3[%add3A_212, %dma_start3A_217, %dma_start3A_218] : memref<2560x2x128xi32, #tpu.memory_space<hbm>> -> memref<1x2x128xi32, #tpu.memory_space<hbm>>
      %dma_start3A_220 = tpu.memref_squeeze %dma_start3A_219 : memref<1x2x128xi32, #tpu.memory_space<hbm>> -> memref<2x128xi32, #tpu.memory_space<hbm>>
      tpu.enqueue_dma source(%dma_start3A_220 : memref<2x128xi32, #tpu.memory_space<hbm>>) target(%arg6 : memref<2x128xi32, #tpu.memory_space<vmem>>) target_semaphore(%arg16 : memref<!tpu.dma_semaphore, #tpu.memory_space<semaphore_mem>>)
      %mul3A_221 = arith.constant 4 : i32
      %mul3A_222 = arith.muli %while3A_140, %mul3A_221 : i32
      %add3A_223 = arith.constant 2 : i32
      %add3A_224 = arith.addi %mul3A_222, %add3A_223 : i32
      %dma_wait3A_225 = arith.constant 0 : i32
      %dma_wait3A_226 = arith.constant 0 : i32
      %dma_wait3A_227 = tpu.memref_slice %arg3[%select_n3A_10, %dma_wait3A_225, %dma_wait3A_226] : memref<2560x2x128xi32, #tpu.memory_space<hbm>> -> memref<1x2x128xi32, #tpu.memory_space<hbm>>
      %dma_wait3A_228 = tpu.memref_squeeze %dma_wait3A_227 : memref<1x2x128xi32, #tpu.memory_space<hbm>> -> memref<2x128xi32, #tpu.memory_space<hbm>>
      %dma_wait3A_229 = arith.constant 0 : i32
      %dma_wait3A_230 = arith.constant 0 : i32
      %dma_wait3A_231 = tpu.memref_slice %arg3[%select_n3A_10, %dma_wait3A_229, %dma_wait3A_230] : memref<2560x2x128xi32, #tpu.memory_space<hbm>> -> memref<1x2x128xi32, #tpu.memory_space<hbm>>
      %dma_wait3A_232 = tpu.memref_squeeze %dma_wait3A_231 : memref<1x2x128xi32, #tpu.memory_space<hbm>> -> memref<2x128xi32, #tpu.memory_space<hbm>>
      tpu.wait_dma2 semaphore(%arg16 : memref<!tpu.dma_semaphore, #tpu.memory_space<semaphore_mem>>) src(%dma_wait3A_232 : memref<2x128xi32, #tpu.memory_space<hbm>>) dst(%arg6 : memref<2x128xi32, #tpu.memory_space<vmem>>)
      %dma_start3A_233 = arith.constant 0 : i32
      %dma_start3A_234 = arith.constant 0 : i32
      %dma_start3A_235 = tpu.memref_slice %arg6[%dma_start3A_233, %dma_start3A_234] : memref<2x128xi32, #tpu.memory_space<vmem>> -> memref<1x128xi32, #tpu.memory_space<vmem>>
      %dma_start3A_236 = tpu.memref_squeeze %dma_start3A_235 : memref<1x128xi32, #tpu.memory_space<vmem>> -> memref<128xi32, #tpu.memory_space<vmem>>
      %dma_start3A_237 = arith.constant 0 : i32
      %dma_start3A_238 = arith.constant 0 : i32
      %dma_start3A_239 = tpu.memref_slice %arg13[%dma_start3A_237, %dma_start3A_238] : memref<10240x16xf32, #tpu.memory_space<vmem_shared>> -> memref<10240x16xf32, #tpu.memory_space<vmem_shared>>
      tpu.enqueue_indirect_dma source(%dma_start3A_239 : memref<10240x16xf32, #tpu.memory_space<vmem_shared>>) target(%arg10 : memref<128x16xf32, #tpu.memory_space<vmem>>) offsets(%dma_start3A_236 : memref<128xi32, #tpu.memory_space<vmem>>) semaphore(%arg20 : memref<!tpu.dma_semaphore, #tpu.memory_space<semaphore_mem>>)
      %dma_wait3A_240 = arith.constant 0 : i32
      %dma_wait3A_241 = arith.constant 0 : i32
      %dma_wait3A_242 = tpu.memref_slice %arg7[%dma_wait3A_240, %dma_wait3A_241] : memref<2x128xi32, #tpu.memory_space<vmem>> -> memref<1x128xi32, #tpu.memory_space<vmem>>
      %dma_wait3A_243 = tpu.memref_squeeze %dma_wait3A_242 : memref<1x128xi32, #tpu.memory_space<vmem>> -> memref<128xi32, #tpu.memory_space<vmem>>
      %dma_wait3A_244 = arith.constant 0 : i32
      %dma_wait3A_245 = arith.constant 0 : i32
      %dma_wait3A_246 = tpu.memref_slice %arg13[%dma_wait3A_244, %dma_wait3A_245] : memref<10240x16xf32, #tpu.memory_space<vmem_shared>> -> memref<10240x16xf32, #tpu.memory_space<vmem_shared>>
      tpu.wait_indirect_dma semaphore(%arg21 : memref<!tpu.dma_semaphore, #tpu.memory_space<semaphore_mem>>) src(%dma_wait3A_246 : memref<10240x16xf32, #tpu.memory_space<vmem_shared>>) dst(%arg11 : memref<128x16xf32, #tpu.memory_space<vmem>>)
      %run_scoped3A_247 = arith.constant 1 : i32
      "tpu.region"() ({
        %run_scoped3A_303 = tpu.sem_alloc : memref<!tpu.dma_semaphore, #tpu.memory_space<semaphore_mem>>
        %dma_start3A_304 = arith.constant 0 : i32
        %dma_start3A_305 = tpu.memref_slice %arg7[%run_scoped3A_247, %dma_start3A_304] : memref<2x128xi32, #tpu.memory_space<vmem>> -> memref<1x128xi32, #tpu.memory_space<vmem>>
        %dma_start3A_306 = tpu.memref_squeeze %dma_start3A_305 : memref<1x128xi32, #tpu.memory_space<vmem>> -> memref<128xi32, #tpu.memory_space<vmem>>
        %dma_start3A_307 = arith.constant 0 : i32
        %dma_start3A_308 = arith.constant 0 : i32
        %dma_start3A_309 = tpu.memref_slice %arg14[%dma_start3A_307, %dma_start3A_308] : memref<10240x16xf32, #tpu.memory_space<vmem_shared>> -> memref<10240x16xf32, #tpu.memory_space<vmem_shared>>
        tpu.enqueue_indirect_dma source(%arg11 : memref<128x16xf32, #tpu.memory_space<vmem>>) target(%dma_start3A_309 : memref<10240x16xf32, #tpu.memory_space<vmem_shared>>) offsets(%dma_start3A_306 : memref<128xi32, #tpu.memory_space<vmem>>) semaphore(%run_scoped3A_303 : memref<!tpu.dma_semaphore, #tpu.memory_space<semaphore_mem>>) {add = true}
        %dma_wait3A_310 = arith.constant 0 : i32
        %dma_wait3A_311 = tpu.memref_slice %arg7[%run_scoped3A_247, %dma_wait3A_310] : memref<2x128xi32, #tpu.memory_space<vmem>> -> memref<1x128xi32, #tpu.memory_space<vmem>>
        %dma_wait3A_312 = tpu.memref_squeeze %dma_wait3A_311 : memref<1x128xi32, #tpu.memory_space<vmem>> -> memref<128xi32, #tpu.memory_space<vmem>>
        %dma_wait3A_313 = arith.constant 0 : i32
        %dma_wait3A_314 = arith.constant 0 : i32
        %dma_wait3A_315 = tpu.memref_slice %arg14[%dma_wait3A_313, %dma_wait3A_314] : memref<10240x16xf32, #tpu.memory_space<vmem_shared>> -> memref<10240x16xf32, #tpu.memory_space<vmem_shared>>
        tpu.wait_indirect_dma semaphore(%run_scoped3A_303 : memref<!tpu.dma_semaphore, #tpu.memory_space<semaphore_mem>>) src(%arg11 : memref<128x16xf32, #tpu.memory_space<vmem>>) dst(%dma_wait3A_315 : memref<10240x16xf32, #tpu.memory_space<vmem_shared>>)
        tpu.yield
      }) : () -> ()
      %add3A_248 = arith.constant 4 : i32
      %add3A_249 = arith.addi %add3A_224, %add3A_248 : i32
      %sub3A_250 = arith.constant 1 : i32
      %sub3A_251 = arith.subi %select_n3A, %sub3A_250 : i32
      %min3A_252 = arith.minsi %add3A_249, %sub3A_251 : i32
      %add3A_253 = arith.addi %select_n3A_10, %min3A_252 : i32
      %dma_start3A_254 = arith.constant 0 : i32
      %dma_start3A_255 = arith.constant 0 : i32
      %dma_start3A_256 = tpu.memref_slice %arg3[%add3A_253, %dma_start3A_254, %dma_start3A_255] : memref<2560x2x128xi32, #tpu.memory_space<hbm>> -> memref<1x2x128xi32, #tpu.memory_space<hbm>>
      %dma_start3A_257 = tpu.memref_squeeze %dma_start3A_256 : memref<1x2x128xi32, #tpu.memory_space<hbm>> -> memref<2x128xi32, #tpu.memory_space<hbm>>
      %dma_start3A_258 = arith.constant 0 : i32
      %dma_start3A_259 = arith.constant 0 : i32
      %dma_start3A_260 = tpu.memref_slice %arg3[%add3A_253, %dma_start3A_258, %dma_start3A_259] : memref<2560x2x128xi32, #tpu.memory_space<hbm>> -> memref<1x2x128xi32, #tpu.memory_space<hbm>>
      %dma_start3A_261 = tpu.memref_squeeze %dma_start3A_260 : memref<1x2x128xi32, #tpu.memory_space<hbm>> -> memref<2x128xi32, #tpu.memory_space<hbm>>
      tpu.enqueue_dma source(%dma_start3A_261 : memref<2x128xi32, #tpu.memory_space<hbm>>) target(%arg7 : memref<2x128xi32, #tpu.memory_space<vmem>>) target_semaphore(%arg17 : memref<!tpu.dma_semaphore, #tpu.memory_space<semaphore_mem>>)
      %mul3A_262 = arith.constant 4 : i32
      %mul3A_263 = arith.muli %while3A_140, %mul3A_262 : i32
      %add3A_264 = arith.constant 3 : i32
      %add3A_265 = arith.addi %mul3A_263, %add3A_264 : i32
      %dma_wait3A_266 = arith.constant 0 : i32
      %dma_wait3A_267 = arith.constant 0 : i32
      %dma_wait3A_268 = tpu.memref_slice %arg3[%select_n3A_10, %dma_wait3A_266, %dma_wait3A_267] : memref<2560x2x128xi32, #tpu.memory_space<hbm>> -> memref<1x2x128xi32, #tpu.memory_space<hbm>>
      %dma_wait3A_269 = tpu.memref_squeeze %dma_wait3A_268 : memref<1x2x128xi32, #tpu.memory_space<hbm>> -> memref<2x128xi32, #tpu.memory_space<hbm>>
      %dma_wait3A_270 = arith.constant 0 : i32
      %dma_wait3A_271 = arith.constant 0 : i32
      %dma_wait3A_272 = tpu.memref_slice %arg3[%select_n3A_10, %dma_wait3A_270, %dma_wait3A_271] : memref<2560x2x128xi32, #tpu.memory_space<hbm>> -> memref<1x2x128xi32, #tpu.memory_space<hbm>>
      %dma_wait3A_273 = tpu.memref_squeeze %dma_wait3A_272 : memref<1x2x128xi32, #tpu.memory_space<hbm>> -> memref<2x128xi32, #tpu.memory_space<hbm>>
      tpu.wait_dma2 semaphore(%arg17 : memref<!tpu.dma_semaphore, #tpu.memory_space<semaphore_mem>>) src(%dma_wait3A_273 : memref<2x128xi32, #tpu.memory_space<hbm>>) dst(%arg7 : memref<2x128xi32, #tpu.memory_space<vmem>>)
      %dma_start3A_274 = arith.constant 0 : i32
      %dma_start3A_275 = arith.constant 0 : i32
      %dma_start3A_276 = tpu.memref_slice %arg7[%dma_start3A_274, %dma_start3A_275] : memref<2x128xi32, #tpu.memory_space<vmem>> -> memref<1x128xi32, #tpu.memory_space<vmem>>
      %dma_start3A_277 = tpu.memref_squeeze %dma_start3A_276 : memref<1x128xi32, #tpu.memory_space<vmem>> -> memref<128xi32, #tpu.memory_space<vmem>>
      %dma_start3A_278 = arith.constant 0 : i32
      %dma_start3A_279 = arith.constant 0 : i32
      %dma_start3A_280 = tpu.memref_slice %arg13[%dma_start3A_278, %dma_start3A_279] : memref<10240x16xf32, #tpu.memory_space<vmem_shared>> -> memref<10240x16xf32, #tpu.memory_space<vmem_shared>>
      tpu.enqueue_indirect_dma source(%dma_start3A_280 : memref<10240x16xf32, #tpu.memory_space<vmem_shared>>) target(%arg11 : memref<128x16xf32, #tpu.memory_space<vmem>>) offsets(%dma_start3A_277 : memref<128xi32, #tpu.memory_space<vmem>>) semaphore(%arg21 : memref<!tpu.dma_semaphore, #tpu.memory_space<semaphore_mem>>)
      %dma_wait3A_281 = arith.constant 0 : i32
      %dma_wait3A_282 = arith.constant 0 : i32
      %dma_wait3A_283 = tpu.memref_slice %arg8[%dma_wait3A_281, %dma_wait3A_282] : memref<2x128xi32, #tpu.memory_space<vmem>> -> memref<1x128xi32, #tpu.memory_space<vmem>>
      %dma_wait3A_284 = tpu.memref_squeeze %dma_wait3A_283 : memref<1x128xi32, #tpu.memory_space<vmem>> -> memref<128xi32, #tpu.memory_space<vmem>>
      %dma_wait3A_285 = arith.constant 0 : i32
      %dma_wait3A_286 = arith.constant 0 : i32
      %dma_wait3A_287 = tpu.memref_slice %arg13[%dma_wait3A_285, %dma_wait3A_286] : memref<10240x16xf32, #tpu.memory_space<vmem_shared>> -> memref<10240x16xf32, #tpu.memory_space<vmem_shared>>
      tpu.wait_indirect_dma semaphore(%arg22 : memref<!tpu.dma_semaphore, #tpu.memory_space<semaphore_mem>>) src(%dma_wait3A_287 : memref<10240x16xf32, #tpu.memory_space<vmem_shared>>) dst(%arg12 : memref<128x16xf32, #tpu.memory_space<vmem>>)
      %run_scoped3A_288 = arith.constant 1 : i32
      "tpu.region"() ({
        %run_scoped3A_303 = tpu.sem_alloc : memref<!tpu.dma_semaphore, #tpu.memory_space<semaphore_mem>>
        %dma_start3A_304 = arith.constant 0 : i32
        %dma_start3A_305 = tpu.memref_slice %arg8[%run_scoped3A_288, %dma_start3A_304] : memref<2x128xi32, #tpu.memory_space<vmem>> -> memref<1x128xi32, #tpu.memory_space<vmem>>
        %dma_start3A_306 = tpu.memref_squeeze %dma_start3A_305 : memref<1x128xi32, #tpu.memory_space<vmem>> -> memref<128xi32, #tpu.memory_space<vmem>>
        %dma_start3A_307 = arith.constant 0 : i32
        %dma_start3A_308 = arith.constant 0 : i32
        %dma_start3A_309 = tpu.memref_slice %arg14[%dma_start3A_307, %dma_start3A_308] : memref<10240x16xf32, #tpu.memory_space<vmem_shared>> -> memref<10240x16xf32, #tpu.memory_space<vmem_shared>>
        tpu.enqueue_indirect_dma source(%arg12 : memref<128x16xf32, #tpu.memory_space<vmem>>) target(%dma_start3A_309 : memref<10240x16xf32, #tpu.memory_space<vmem_shared>>) offsets(%dma_start3A_306 : memref<128xi32, #tpu.memory_space<vmem>>) semaphore(%run_scoped3A_303 : memref<!tpu.dma_semaphore, #tpu.memory_space<semaphore_mem>>) {add = true}
        %dma_wait3A_310 = arith.constant 0 : i32
        %dma_wait3A_311 = tpu.memref_slice %arg8[%run_scoped3A_288, %dma_wait3A_310] : memref<2x128xi32, #tpu.memory_space<vmem>> -> memref<1x128xi32, #tpu.memory_space<vmem>>
        %dma_wait3A_312 = tpu.memref_squeeze %dma_wait3A_311 : memref<1x128xi32, #tpu.memory_space<vmem>> -> memref<128xi32, #tpu.memory_space<vmem>>
        %dma_wait3A_313 = arith.constant 0 : i32
        %dma_wait3A_314 = arith.constant 0 : i32
        %dma_wait3A_315 = tpu.memref_slice %arg14[%dma_wait3A_313, %dma_wait3A_314] : memref<10240x16xf32, #tpu.memory_space<vmem_shared>> -> memref<10240x16xf32, #tpu.memory_space<vmem_shared>>
        tpu.wait_indirect_dma semaphore(%run_scoped3A_303 : memref<!tpu.dma_semaphore, #tpu.memory_space<semaphore_mem>>) src(%arg12 : memref<128x16xf32, #tpu.memory_space<vmem>>) dst(%dma_wait3A_315 : memref<10240x16xf32, #tpu.memory_space<vmem_shared>>)
        tpu.yield
      }) : () -> ()
      %add3A_289 = arith.constant 4 : i32
      %add3A_290 = arith.addi %add3A_265, %add3A_289 : i32
      %sub3A_291 = arith.constant 1 : i32
      %sub3A_292 = arith.subi %select_n3A, %sub3A_291 : i32
      %min3A_293 = arith.minsi %add3A_290, %sub3A_292 : i32
      %add3A_294 = arith.addi %select_n3A_10, %min3A_293 : i32
      %dma_start3A_295 = arith.constant 0 : i32
      %dma_start3A_296 = arith.constant 0 : i32
      %dma_start3A_297 = tpu.memref_slice %arg3[%add3A_294, %dma_start3A_295, %dma_start3A_296] : memref<2560x2x128xi32, #tpu.memory_space<hbm>> -> memref<1x2x128xi32, #tpu.memory_space<hbm>>
      %dma_start3A_298 = tpu.memref_squeeze %dma_start3A_297 : memref<1x2x128xi32, #tpu.memory_space<hbm>> -> memref<2x128xi32, #tpu.memory_space<hbm>>
      %dma_start3A_299 = arith.constant 0 : i32
      %dma_start3A_300 = arith.constant 0 : i32
      %dma_start3A_301 = tpu.memref_slice %arg3[%add3A_294, %dma_start3A_299, %dma_start3A_300] : memref<2560x2x128xi32, #tpu.memory_space<hbm>> -> memref<1x2x128xi32, #tpu.memory_space<hbm>>
      %dma_start3A_302 = tpu.memref_squeeze %dma_start3A_301 : memref<1x2x128xi32, #tpu.memory_space<hbm>> -> memref<2x128xi32, #tpu.memory_space<hbm>>
      tpu.enqueue_dma source(%dma_start3A_302 : memref<2x128xi32, #tpu.memory_space<hbm>>) target(%arg8 : memref<2x128xi32, #tpu.memory_space<vmem>>) target_semaphore(%arg18 : memref<!tpu.dma_semaphore, #tpu.memory_space<semaphore_mem>>)
    }
    %while3A_108 = arith.constant 1 : i32
    scf.for %while3A_140 = %while3A_106 to %while3A_102 step %while3A_108  : i32 {
      %mul3A_141 = arith.constant 4 : i32
      %mul3A_142 = arith.muli %while3A_140, %mul3A_141 : i32
      %add3A_143 = arith.constant 0 : i32
      %add3A_144 = arith.addi %mul3A_142, %add3A_143 : i32
      %dma_wait3A_145 = arith.constant 0 : i32
      %dma_wait3A_146 = arith.constant 0 : i32
      %dma_wait3A_147 = tpu.memref_slice %arg3[%select_n3A_10, %dma_wait3A_145, %dma_wait3A_146] : memref<2560x2x128xi32, #tpu.memory_space<hbm>> -> memref<1x2x128xi32, #tpu.memory_space<hbm>>
      %dma_wait3A_148 = tpu.memref_squeeze %dma_wait3A_147 : memref<1x2x128xi32, #tpu.memory_space<hbm>> -> memref<2x128xi32, #tpu.memory_space<hbm>>
      %dma_wait3A_149 = arith.constant 0 : i32
      %dma_wait3A_150 = arith.constant 0 : i32
      %dma_wait3A_151 = tpu.memref_slice %arg3[%select_n3A_10, %dma_wait3A_149, %dma_wait3A_150] : memref<2560x2x128xi32, #tpu.memory_space<hbm>> -> memref<1x2x128xi32, #tpu.memory_space<hbm>>
      %dma_wait3A_152 = tpu.memref_squeeze %dma_wait3A_151 : memref<1x2x128xi32, #tpu.memory_space<hbm>> -> memref<2x128xi32, #tpu.memory_space<hbm>>
      tpu.wait_dma2 semaphore(%arg18 : memref<!tpu.dma_semaphore, #tpu.memory_space<semaphore_mem>>) src(%dma_wait3A_152 : memref<2x128xi32, #tpu.memory_space<hbm>>) dst(%arg8 : memref<2x128xi32, #tpu.memory_space<vmem>>)
      %dma_start3A_153 = arith.constant 0 : i32
      %dma_start3A_154 = arith.constant 0 : i32
      %dma_start3A_155 = tpu.memref_slice %arg8[%dma_start3A_153, %dma_start3A_154] : memref<2x128xi32, #tpu.memory_space<vmem>> -> memref<1x128xi32, #tpu.memory_space<vmem>>
      %dma_start3A_156 = tpu.memref_squeeze %dma_start3A_155 : memref<1x128xi32, #tpu.memory_space<vmem>> -> memref<128xi32, #tpu.memory_space<vmem>>
      %dma_start3A_157 = arith.constant 0 : i32
      %dma_start3A_158 = arith.constant 0 : i32
      %dma_start3A_159 = tpu.memref_slice %arg13[%dma_start3A_157, %dma_start3A_158] : memref<10240x16xf32, #tpu.memory_space<vmem_shared>> -> memref<10240x16xf32, #tpu.memory_space<vmem_shared>>
      tpu.enqueue_indirect_dma source(%dma_start3A_159 : memref<10240x16xf32, #tpu.memory_space<vmem_shared>>) target(%arg12 : memref<128x16xf32, #tpu.memory_space<vmem>>) offsets(%dma_start3A_156 : memref<128xi32, #tpu.memory_space<vmem>>) semaphore(%arg22 : memref<!tpu.dma_semaphore, #tpu.memory_space<semaphore_mem>>)
      %dma_wait3A_160 = arith.constant 0 : i32
      %dma_wait3A_161 = arith.constant 0 : i32
      %dma_wait3A_162 = tpu.memref_slice %arg5[%dma_wait3A_160, %dma_wait3A_161] : memref<2x128xi32, #tpu.memory_space<vmem>> -> memref<1x128xi32, #tpu.memory_space<vmem>>
      %dma_wait3A_163 = tpu.memref_squeeze %dma_wait3A_162 : memref<1x128xi32, #tpu.memory_space<vmem>> -> memref<128xi32, #tpu.memory_space<vmem>>
      %dma_wait3A_164 = arith.constant 0 : i32
      %dma_wait3A_165 = arith.constant 0 : i32
      %dma_wait3A_166 = tpu.memref_slice %arg13[%dma_wait3A_164, %dma_wait3A_165] : memref<10240x16xf32, #tpu.memory_space<vmem_shared>> -> memref<10240x16xf32, #tpu.memory_space<vmem_shared>>
      tpu.wait_indirect_dma semaphore(%arg19 : memref<!tpu.dma_semaphore, #tpu.memory_space<semaphore_mem>>) src(%dma_wait3A_166 : memref<10240x16xf32, #tpu.memory_space<vmem_shared>>) dst(%arg9 : memref<128x16xf32, #tpu.memory_space<vmem>>)
      %run_scoped3A_167 = arith.constant 1 : i32
      "tpu.region"() ({
        %run_scoped3A_303 = tpu.sem_alloc : memref<!tpu.dma_semaphore, #tpu.memory_space<semaphore_mem>>
        %dma_start3A_304 = arith.constant 0 : i32
        %dma_start3A_305 = tpu.memref_slice %arg5[%run_scoped3A_167, %dma_start3A_304] : memref<2x128xi32, #tpu.memory_space<vmem>> -> memref<1x128xi32, #tpu.memory_space<vmem>>
        %dma_start3A_306 = tpu.memref_squeeze %dma_start3A_305 : memref<1x128xi32, #tpu.memory_space<vmem>> -> memref<128xi32, #tpu.memory_space<vmem>>
        %dma_start3A_307 = arith.constant 0 : i32
        %dma_start3A_308 = arith.constant 0 : i32
        %dma_start3A_309 = tpu.memref_slice %arg14[%dma_start3A_307, %dma_start3A_308] : memref<10240x16xf32, #tpu.memory_space<vmem_shared>> -> memref<10240x16xf32, #tpu.memory_space<vmem_shared>>
        tpu.enqueue_indirect_dma source(%arg9 : memref<128x16xf32, #tpu.memory_space<vmem>>) target(%dma_start3A_309 : memref<10240x16xf32, #tpu.memory_space<vmem_shared>>) offsets(%dma_start3A_306 : memref<128xi32, #tpu.memory_space<vmem>>) semaphore(%run_scoped3A_303 : memref<!tpu.dma_semaphore, #tpu.memory_space<semaphore_mem>>) {add = true}
        %dma_wait3A_310 = arith.constant 0 : i32
        %dma_wait3A_311 = tpu.memref_slice %arg5[%run_scoped3A_167, %dma_wait3A_310] : memref<2x128xi32, #tpu.memory_space<vmem>> -> memref<1x128xi32, #tpu.memory_space<vmem>>
        %dma_wait3A_312 = tpu.memref_squeeze %dma_wait3A_311 : memref<1x128xi32, #tpu.memory_space<vmem>> -> memref<128xi32, #tpu.memory_space<vmem>>
        %dma_wait3A_313 = arith.constant 0 : i32
        %dma_wait3A_314 = arith.constant 0 : i32
        %dma_wait3A_315 = tpu.memref_slice %arg14[%dma_wait3A_313, %dma_wait3A_314] : memref<10240x16xf32, #tpu.memory_space<vmem_shared>> -> memref<10240x16xf32, #tpu.memory_space<vmem_shared>>
        tpu.wait_indirect_dma semaphore(%run_scoped3A_303 : memref<!tpu.dma_semaphore, #tpu.memory_space<semaphore_mem>>) src(%arg9 : memref<128x16xf32, #tpu.memory_space<vmem>>) dst(%dma_wait3A_315 : memref<10240x16xf32, #tpu.memory_space<vmem_shared>>)
        tpu.yield
      }) : () -> ()
      %add3A_168 = arith.constant 4 : i32
      %add3A_169 = arith.addi %add3A_144, %add3A_168 : i32
      %sub3A = arith.constant 1 : i32
      %sub3A_170 = arith.subi %select_n3A, %sub3A : i32
      %min3A = arith.minsi %add3A_169, %sub3A_170 : i32
      %add3A_171 = arith.addi %select_n3A_10, %min3A : i32
      %dma_start3A_172 = arith.constant 0 : i32
      %dma_start3A_173 = arith.constant 0 : i32
      %dma_start3A_174 = tpu.memref_slice %arg3[%add3A_171, %dma_start3A_172, %dma_start3A_173] : memref<2560x2x128xi32, #tpu.memory_space<hbm>> -> memref<1x2x128xi32, #tpu.memory_space<hbm>>
      %dma_start3A_175 = tpu.memref_squeeze %dma_start3A_174 : memref<1x2x128xi32, #tpu.memory_space<hbm>> -> memref<2x128xi32, #tpu.memory_space<hbm>>
      %dma_start3A_176 = arith.constant 0 : i32
      %dma_start3A_177 = arith.constant 0 : i32
      %dma_start3A_178 = tpu.memref_slice %arg3[%add3A_171, %dma_start3A_176, %dma_start3A_177] : memref<2560x2x128xi32, #tpu.memory_space<hbm>> -> memref<1x2x128xi32, #tpu.memory_space<hbm>>
      %dma_start3A_179 = tpu.memref_squeeze %dma_start3A_178 : memref<1x2x128xi32, #tpu.memory_space<hbm>> -> memref<2x128xi32, #tpu.memory_space<hbm>>
      tpu.enqueue_dma source(%dma_start3A_179 : memref<2x128xi32, #tpu.memory_space<hbm>>) target(%arg5 : memref<2x128xi32, #tpu.memory_space<vmem>>) target_semaphore(%arg15 : memref<!tpu.dma_semaphore, #tpu.memory_space<semaphore_mem>>)
      %mul3A_180 = arith.constant 4 : i32
      %mul3A_181 = arith.muli %while3A_140, %mul3A_180 : i32
      %add3A_182 = arith.constant 1 : i32
      %add3A_183 = arith.addi %mul3A_181, %add3A_182 : i32
      %dma_wait3A_184 = arith.constant 0 : i32
      %dma_wait3A_185 = arith.constant 0 : i32
      %dma_wait3A_186 = tpu.memref_slice %arg3[%select_n3A_10, %dma_wait3A_184, %dma_wait3A_185] : memref<2560x2x128xi32, #tpu.memory_space<hbm>> -> memref<1x2x128xi32, #tpu.memory_space<hbm>>
      %dma_wait3A_187 = tpu.memref_squeeze %dma_wait3A_186 : memref<1x2x128xi32, #tpu.memory_space<hbm>> -> memref<2x128xi32, #tpu.memory_space<hbm>>
      %dma_wait3A_188 = arith.constant 0 : i32
      %dma_wait3A_189 = arith.constant 0 : i32
      %dma_wait3A_190 = tpu.memref_slice %arg3[%select_n3A_10, %dma_wait3A_188, %dma_wait3A_189] : memref<2560x2x128xi32, #tpu.memory_space<hbm>> -> memref<1x2x128xi32, #tpu.memory_space<hbm>>
      %dma_wait3A_191 = tpu.memref_squeeze %dma_wait3A_190 : memref<1x2x128xi32, #tpu.memory_space<hbm>> -> memref<2x128xi32, #tpu.memory_space<hbm>>
      tpu.wait_dma2 semaphore(%arg15 : memref<!tpu.dma_semaphore, #tpu.memory_space<semaphore_mem>>) src(%dma_wait3A_191 : memref<2x128xi32, #tpu.memory_space<hbm>>) dst(%arg5 : memref<2x128xi32, #tpu.memory_space<vmem>>)
      %dma_start3A_192 = arith.constant 0 : i32
      %dma_start3A_193 = arith.constant 0 : i32
      %dma_start3A_194 = tpu.memref_slice %arg5[%dma_start3A_192, %dma_start3A_193] : memref<2x128xi32, #tpu.memory_space<vmem>> -> memref<1x128xi32, #tpu.memory_space<vmem>>
      %dma_start3A_195 = tpu.memref_squeeze %dma_start3A_194 : memref<1x128xi32, #tpu.memory_space<vmem>> -> memref<128xi32, #tpu.memory_space<vmem>>
      %dma_start3A_196 = arith.constant 0 : i32
      %dma_start3A_197 = arith.constant 0 : i32
      %dma_start3A_198 = tpu.memref_slice %arg13[%dma_start3A_196, %dma_start3A_197] : memref<10240x16xf32, #tpu.memory_space<vmem_shared>> -> memref<10240x16xf32, #tpu.memory_space<vmem_shared>>
      tpu.enqueue_indirect_dma source(%dma_start3A_198 : memref<10240x16xf32, #tpu.memory_space<vmem_shared>>) target(%arg9 : memref<128x16xf32, #tpu.memory_space<vmem>>) offsets(%dma_start3A_195 : memref<128xi32, #tpu.memory_space<vmem>>) semaphore(%arg19 : memref<!tpu.dma_semaphore, #tpu.memory_space<semaphore_mem>>)
      %dma_wait3A_199 = arith.constant 0 : i32
      %dma_wait3A_200 = arith.constant 0 : i32
      %dma_wait3A_201 = tpu.memref_slice %arg6[%dma_wait3A_199, %dma_wait3A_200] : memref<2x128xi32, #tpu.memory_space<vmem>> -> memref<1x128xi32, #tpu.memory_space<vmem>>
      %dma_wait3A_202 = tpu.memref_squeeze %dma_wait3A_201 : memref<1x128xi32, #tpu.memory_space<vmem>> -> memref<128xi32, #tpu.memory_space<vmem>>
      %dma_wait3A_203 = arith.constant 0 : i32
      %dma_wait3A_204 = arith.constant 0 : i32
      %dma_wait3A_205 = tpu.memref_slice %arg13[%dma_wait3A_203, %dma_wait3A_204] : memref<10240x16xf32, #tpu.memory_space<vmem_shared>> -> memref<10240x16xf32, #tpu.memory_space<vmem_shared>>
      tpu.wait_indirect_dma semaphore(%arg20 : memref<!tpu.dma_semaphore, #tpu.memory_space<semaphore_mem>>) src(%dma_wait3A_205 : memref<10240x16xf32, #tpu.memory_space<vmem_shared>>) dst(%arg10 : memref<128x16xf32, #tpu.memory_space<vmem>>)
      %run_scoped3A_206 = arith.constant 1 : i32
      "tpu.region"() ({
        %run_scoped3A_303 = tpu.sem_alloc : memref<!tpu.dma_semaphore, #tpu.memory_space<semaphore_mem>>
        %dma_start3A_304 = arith.constant 0 : i32
        %dma_start3A_305 = tpu.memref_slice %arg6[%run_scoped3A_206, %dma_start3A_304] : memref<2x128xi32, #tpu.memory_space<vmem>> -> memref<1x128xi32, #tpu.memory_space<vmem>>
        %dma_start3A_306 = tpu.memref_squeeze %dma_start3A_305 : memref<1x128xi32, #tpu.memory_space<vmem>> -> memref<128xi32, #tpu.memory_space<vmem>>
        %dma_start3A_307 = arith.constant 0 : i32
        %dma_start3A_308 = arith.constant 0 : i32
        %dma_start3A_309 = tpu.memref_slice %arg14[%dma_start3A_307, %dma_start3A_308] : memref<10240x16xf32, #tpu.memory_space<vmem_shared>> -> memref<10240x16xf32, #tpu.memory_space<vmem_shared>>
        tpu.enqueue_indirect_dma source(%arg10 : memref<128x16xf32, #tpu.memory_space<vmem>>) target(%dma_start3A_309 : memref<10240x16xf32, #tpu.memory_space<vmem_shared>>) offsets(%dma_start3A_306 : memref<128xi32, #tpu.memory_space<vmem>>) semaphore(%run_scoped3A_303 : memref<!tpu.dma_semaphore, #tpu.memory_space<semaphore_mem>>) {add = true}
        %dma_wait3A_310 = arith.constant 0 : i32
        %dma_wait3A_311 = tpu.memref_slice %arg6[%run_scoped3A_206, %dma_wait3A_310] : memref<2x128xi32, #tpu.memory_space<vmem>> -> memref<1x128xi32, #tpu.memory_space<vmem>>
        %dma_wait3A_312 = tpu.memref_squeeze %dma_wait3A_311 : memref<1x128xi32, #tpu.memory_space<vmem>> -> memref<128xi32, #tpu.memory_space<vmem>>
        %dma_wait3A_313 = arith.constant 0 : i32
        %dma_wait3A_314 = arith.constant 0 : i32
        %dma_wait3A_315 = tpu.memref_slice %arg14[%dma_wait3A_313, %dma_wait3A_314] : memref<10240x16xf32, #tpu.memory_space<vmem_shared>> -> memref<10240x16xf32, #tpu.memory_space<vmem_shared>>
        tpu.wait_indirect_dma semaphore(%run_scoped3A_303 : memref<!tpu.dma_semaphore, #tpu.memory_space<semaphore_mem>>) src(%arg10 : memref<128x16xf32, #tpu.memory_space<vmem>>) dst(%dma_wait3A_315 : memref<10240x16xf32, #tpu.memory_space<vmem_shared>>)
        tpu.yield
      }) : () -> ()
      %add3A_207 = arith.constant 4 : i32
      %add3A_208 = arith.addi %add3A_183, %add3A_207 : i32
      %sub3A_209 = arith.constant 1 : i32
      %sub3A_210 = arith.subi %select_n3A, %sub3A_209 : i32
      %min3A_211 = arith.minsi %add3A_208, %sub3A_210 : i32
      %add3A_212 = arith.addi %select_n3A_10, %min3A_211 : i32
      %dma_start3A_213 = arith.constant 0 : i32
      %dma_start3A_214 = arith.constant 0 : i32
      %dma_start3A_215 = tpu.memref_slice %arg3[%add3A_212, %dma_start3A_213, %dma_start3A_214] : memref<2560x2x128xi32, #tpu.memory_space<hbm>> -> memref<1x2x128xi32, #tpu.memory_space<hbm>>
      %dma_start3A_216 = tpu.memref_squeeze %dma_start3A_215 : memref<1x2x128xi32, #tpu.memory_space<hbm>> -> memref<2x128xi32, #tpu.memory_space<hbm>>
      %dma_start3A_217 = arith.constant 0 : i32
      %dma_start3A_218 = arith.constant 0 : i32
      %dma_start3A_219 = tpu.memref_slice %arg3[%add3A_212, %dma_start3A_217, %dma_start3A_218] : memref<2560x2x128xi32, #tpu.memory_space<hbm>> -> memref<1x2x128xi32, #tpu.memory_space<hbm>>
      %dma_start3A_220 = tpu.memref_squeeze %dma_start3A_219 : memref<1x2x128xi32, #tpu.memory_space<hbm>> -> memref<2x128xi32, #tpu.memory_space<hbm>>
      tpu.enqueue_dma source(%dma_start3A_220 : memref<2x128xi32, #tpu.memory_space<hbm>>) target(%arg6 : memref<2x128xi32, #tpu.memory_space<vmem>>) target_semaphore(%arg16 : memref<!tpu.dma_semaphore, #tpu.memory_space<semaphore_mem>>)
      %mul3A_221 = arith.constant 4 : i32
      %mul3A_222 = arith.muli %while3A_140, %mul3A_221 : i32
      %add3A_223 = arith.constant 2 : i32
      %add3A_224 = arith.addi %mul3A_222, %add3A_223 : i32
      %dma_wait3A_225 = arith.constant 0 : i32
      %dma_wait3A_226 = arith.constant 0 : i32
      %dma_wait3A_227 = tpu.memref_slice %arg3[%select_n3A_10, %dma_wait3A_225, %dma_wait3A_226] : memref<2560x2x128xi32, #tpu.memory_space<hbm>> -> memref<1x2x128xi32, #tpu.memory_space<hbm>>
      %dma_wait3A_228 = tpu.memref_squeeze %dma_wait3A_227 : memref<1x2x128xi32, #tpu.memory_space<hbm>> -> memref<2x128xi32, #tpu.memory_space<hbm>>
      %dma_wait3A_229 = arith.constant 0 : i32
      %dma_wait3A_230 = arith.constant 0 : i32
      %dma_wait3A_231 = tpu.memref_slice %arg3[%select_n3A_10, %dma_wait3A_229, %dma_wait3A_230] : memref<2560x2x128xi32, #tpu.memory_space<hbm>> -> memref<1x2x128xi32, #tpu.memory_space<hbm>>
      %dma_wait3A_232 = tpu.memref_squeeze %dma_wait3A_231 : memref<1x2x128xi32, #tpu.memory_space<hbm>> -> memref<2x128xi32, #tpu.memory_space<hbm>>
      tpu.wait_dma2 semaphore(%arg16 : memref<!tpu.dma_semaphore, #tpu.memory_space<semaphore_mem>>) src(%dma_wait3A_232 : memref<2x128xi32, #tpu.memory_space<hbm>>) dst(%arg6 : memref<2x128xi32, #tpu.memory_space<vmem>>)
      %dma_start3A_233 = arith.constant 0 : i32
      %dma_start3A_234 = arith.constant 0 : i32
      %dma_start3A_235 = tpu.memref_slice %arg6[%dma_start3A_233, %dma_start3A_234] : memref<2x128xi32, #tpu.memory_space<vmem>> -> memref<1x128xi32, #tpu.memory_space<vmem>>
      %dma_start3A_236 = tpu.memref_squeeze %dma_start3A_235 : memref<1x128xi32, #tpu.memory_space<vmem>> -> memref<128xi32, #tpu.memory_space<vmem>>
      %dma_start3A_237 = arith.constant 0 : i32
      %dma_start3A_238 = arith.constant 0 : i32
      %dma_start3A_239 = tpu.memref_slice %arg13[%dma_start3A_237, %dma_start3A_238] : memref<10240x16xf32, #tpu.memory_space<vmem_shared>> -> memref<10240x16xf32, #tpu.memory_space<vmem_shared>>
      tpu.enqueue_indirect_dma source(%dma_start3A_239 : memref<10240x16xf32, #tpu.memory_space<vmem_shared>>) target(%arg10 : memref<128x16xf32, #tpu.memory_space<vmem>>) offsets(%dma_start3A_236 : memref<128xi32, #tpu.memory_space<vmem>>) semaphore(%arg20 : memref<!tpu.dma_semaphore, #tpu.memory_space<semaphore_mem>>)
      %dma_wait3A_240 = arith.constant 0 : i32
      %dma_wait3A_241 = arith.constant 0 : i32
      %dma_wait3A_242 = tpu.memref_slice %arg7[%dma_wait3A_240, %dma_wait3A_241] : memref<2x128xi32, #tpu.memory_space<vmem>> -> memref<1x128xi32, #tpu.memory_space<vmem>>
      %dma_wait3A_243 = tpu.memref_squeeze %dma_wait3A_242 : memref<1x128xi32, #tpu.memory_space<vmem>> -> memref<128xi32, #tpu.memory_space<vmem>>
      %dma_wait3A_244 = arith.constant 0 : i32
      %dma_wait3A_245 = arith.constant 0 : i32
      %dma_wait3A_246 = tpu.memref_slice %arg13[%dma_wait3A_244, %dma_wait3A_245] : memref<10240x16xf32, #tpu.memory_space<vmem_shared>> -> memref<10240x16xf32, #tpu.memory_space<vmem_shared>>
      tpu.wait_indirect_dma semaphore(%arg21 : memref<!tpu.dma_semaphore, #tpu.memory_space<semaphore_mem>>) src(%dma_wait3A_246 : memref<10240x16xf32, #tpu.memory_space<vmem_shared>>) dst(%arg11 : memref<128x16xf32, #tpu.memory_space<vmem>>)
      %run_scoped3A_247 = arith.constant 1 : i32
      "tpu.region"() ({
        %run_scoped3A_303 = tpu.sem_alloc : memref<!tpu.dma_semaphore, #tpu.memory_space<semaphore_mem>>
        %dma_start3A_304 = arith.constant 0 : i32
        %dma_start3A_305 = tpu.memref_slice %arg7[%run_scoped3A_247, %dma_start3A_304] : memref<2x128xi32, #tpu.memory_space<vmem>> -> memref<1x128xi32, #tpu.memory_space<vmem>>
        %dma_start3A_306 = tpu.memref_squeeze %dma_start3A_305 : memref<1x128xi32, #tpu.memory_space<vmem>> -> memref<128xi32, #tpu.memory_space<vmem>>
        %dma_start3A_307 = arith.constant 0 : i32
        %dma_start3A_308 = arith.constant 0 : i32
        %dma_start3A_309 = tpu.memref_slice %arg14[%dma_start3A_307, %dma_start3A_308] : memref<10240x16xf32, #tpu.memory_space<vmem_shared>> -> memref<10240x16xf32, #tpu.memory_space<vmem_shared>>
        tpu.enqueue_indirect_dma source(%arg11 : memref<128x16xf32, #tpu.memory_space<vmem>>) target(%dma_start3A_309 : memref<10240x16xf32, #tpu.memory_space<vmem_shared>>) offsets(%dma_start3A_306 : memref<128xi32, #tpu.memory_space<vmem>>) semaphore(%run_scoped3A_303 : memref<!tpu.dma_semaphore, #tpu.memory_space<semaphore_mem>>) {add = true}
        %dma_wait3A_310 = arith.constant 0 : i32
        %dma_wait3A_311 = tpu.memref_slice %arg7[%run_scoped3A_247, %dma_wait3A_310] : memref<2x128xi32, #tpu.memory_space<vmem>> -> memref<1x128xi32, #tpu.memory_space<vmem>>
        %dma_wait3A_312 = tpu.memref_squeeze %dma_wait3A_311 : memref<1x128xi32, #tpu.memory_space<vmem>> -> memref<128xi32, #tpu.memory_space<vmem>>
        %dma_wait3A_313 = arith.constant 0 : i32
        %dma_wait3A_314 = arith.constant 0 : i32
        %dma_wait3A_315 = tpu.memref_slice %arg14[%dma_wait3A_313, %dma_wait3A_314] : memref<10240x16xf32, #tpu.memory_space<vmem_shared>> -> memref<10240x16xf32, #tpu.memory_space<vmem_shared>>
        tpu.wait_indirect_dma semaphore(%run_scoped3A_303 : memref<!tpu.dma_semaphore, #tpu.memory_space<semaphore_mem>>) src(%arg11 : memref<128x16xf32, #tpu.memory_space<vmem>>) dst(%dma_wait3A_315 : memref<10240x16xf32, #tpu.memory_space<vmem_shared>>)
        tpu.yield
      }) : () -> ()
      %add3A_248 = arith.constant 4 : i32
      %add3A_249 = arith.addi %add3A_224, %add3A_248 : i32
      %sub3A_250 = arith.constant 1 : i32
      %sub3A_251 = arith.subi %select_n3A, %sub3A_250 : i32
      %min3A_252 = arith.minsi %add3A_249, %sub3A_251 : i32
      %add3A_253 = arith.addi %select_n3A_10, %min3A_252 : i32
      %dma_start3A_254 = arith.constant 0 : i32
      %dma_start3A_255 = arith.constant 0 : i32
      %dma_start3A_256 = tpu.memref_slice %arg3[%add3A_253, %dma_start3A_254, %dma_start3A_255] : memref<2560x2x128xi32, #tpu.memory_space<hbm>> -> memref<1x2x128xi32, #tpu.memory_space<hbm>>
      %dma_start3A_257 = tpu.memref_squeeze %dma_start3A_256 : memref<1x2x128xi32, #tpu.memory_space<hbm>> -> memref<2x128xi32, #tpu.memory_space<hbm>>
      %dma_start3A_258 = arith.constant 0 : i32
      %dma_start3A_259 = arith.constant 0 : i32
      %dma_start3A_260 = tpu.memref_slice %arg3[%add3A_253, %dma_start3A_258, %dma_start3A_259] : memref<2560x2x128xi32, #tpu.memory_space<hbm>> -> memref<1x2x128xi32, #tpu.memory_space<hbm>>
      %dma_start3A_261 = tpu.memref_squeeze %dma_start3A_260 : memref<1x2x128xi32, #tpu.memory_space<hbm>> -> memref<2x128xi32, #tpu.memory_space<hbm>>
      tpu.enqueue_dma source(%dma_start3A_261 : memref<2x128xi32, #tpu.memory_space<hbm>>) target(%arg7 : memref<2x128xi32, #tpu.memory_space<vmem>>) target_semaphore(%arg17 : memref<!tpu.dma_semaphore, #tpu.memory_space<semaphore_mem>>)
      %mul3A_262 = arith.constant 4 : i32
      %mul3A_263 = arith.muli %while3A_140, %mul3A_262 : i32
      %add3A_264 = arith.constant 3 : i32
      %add3A_265 = arith.addi %mul3A_263, %add3A_264 : i32
      %dma_wait3A_266 = arith.constant 0 : i32
      %dma_wait3A_267 = arith.constant 0 : i32
      %dma_wait3A_268 = tpu.memref_slice %arg3[%select_n3A_10, %dma_wait3A_266, %dma_wait3A_267] : memref<2560x2x128xi32, #tpu.memory_space<hbm>> -> memref<1x2x128xi32, #tpu.memory_space<hbm>>
      %dma_wait3A_269 = tpu.memref_squeeze %dma_wait3A_268 : memref<1x2x128xi32, #tpu.memory_space<hbm>> -> memref<2x128xi32, #tpu.memory_space<hbm>>
      %dma_wait3A_270 = arith.constant 0 : i32
      %dma_wait3A_271 = arith.constant 0 : i32
      %dma_wait3A_272 = tpu.memref_slice %arg3[%select_n3A_10, %dma_wait3A_270, %dma_wait3A_271] : memref<2560x2x128xi32, #tpu.memory_space<hbm>> -> memref<1x2x128xi32, #tpu.memory_space<hbm>>
      %dma_wait3A_273 = tpu.memref_squeeze %dma_wait3A_272 : memref<1x2x128xi32, #tpu.memory_space<hbm>> -> memref<2x128xi32, #tpu.memory_space<hbm>>
      tpu.wait_dma2 semaphore(%arg17 : memref<!tpu.dma_semaphore, #tpu.memory_space<semaphore_mem>>) src(%dma_wait3A_273 : memref<2x128xi32, #tpu.memory_space<hbm>>) dst(%arg7 : memref<2x128xi32, #tpu.memory_space<vmem>>)
      %dma_start3A_274 = arith.constant 0 : i32
      %dma_start3A_275 = arith.constant 0 : i32
      %dma_start3A_276 = tpu.memref_slice %arg7[%dma_start3A_274, %dma_start3A_275] : memref<2x128xi32, #tpu.memory_space<vmem>> -> memref<1x128xi32, #tpu.memory_space<vmem>>
      %dma_start3A_277 = tpu.memref_squeeze %dma_start3A_276 : memref<1x128xi32, #tpu.memory_space<vmem>> -> memref<128xi32, #tpu.memory_space<vmem>>
      %dma_start3A_278 = arith.constant 0 : i32
      %dma_start3A_279 = arith.constant 0 : i32
      %dma_start3A_280 = tpu.memref_slice %arg13[%dma_start3A_278, %dma_start3A_279] : memref<10240x16xf32, #tpu.memory_space<vmem_shared>> -> memref<10240x16xf32, #tpu.memory_space<vmem_shared>>
      tpu.enqueue_indirect_dma source(%dma_start3A_280 : memref<10240x16xf32, #tpu.memory_space<vmem_shared>>) target(%arg11 : memref<128x16xf32, #tpu.memory_space<vmem>>) offsets(%dma_start3A_277 : memref<128xi32, #tpu.memory_space<vmem>>) semaphore(%arg21 : memref<!tpu.dma_semaphore, #tpu.memory_space<semaphore_mem>>)
      %dma_wait3A_281 = arith.constant 0 : i32
      %dma_wait3A_282 = arith.constant 0 : i32
      %dma_wait3A_283 = tpu.memref_slice %arg8[%dma_wait3A_281, %dma_wait3A_282] : memref<2x128xi32, #tpu.memory_space<vmem>> -> memref<1x128xi32, #tpu.memory_space<vmem>>
      %dma_wait3A_284 = tpu.memref_squeeze %dma_wait3A_283 : memref<1x128xi32, #tpu.memory_space<vmem>> -> memref<128xi32, #tpu.memory_space<vmem>>
      %dma_wait3A_285 = arith.constant 0 : i32
      %dma_wait3A_286 = arith.constant 0 : i32
      %dma_wait3A_287 = tpu.memref_slice %arg13[%dma_wait3A_285, %dma_wait3A_286] : memref<10240x16xf32, #tpu.memory_space<vmem_shared>> -> memref<10240x16xf32, #tpu.memory_space<vmem_shared>>
      tpu.wait_indirect_dma semaphore(%arg22 : memref<!tpu.dma_semaphore, #tpu.memory_space<semaphore_mem>>) src(%dma_wait3A_287 : memref<10240x16xf32, #tpu.memory_space<vmem_shared>>) dst(%arg12 : memref<128x16xf32, #tpu.memory_space<vmem>>)
      %run_scoped3A_288 = arith.constant 1 : i32
      "tpu.region"() ({
        %run_scoped3A_303 = tpu.sem_alloc : memref<!tpu.dma_semaphore, #tpu.memory_space<semaphore_mem>>
        %dma_start3A_304 = arith.constant 0 : i32
        %dma_start3A_305 = tpu.memref_slice %arg8[%run_scoped3A_288, %dma_start3A_304] : memref<2x128xi32, #tpu.memory_space<vmem>> -> memref<1x128xi32, #tpu.memory_space<vmem>>
        %dma_start3A_306 = tpu.memref_squeeze %dma_start3A_305 : memref<1x128xi32, #tpu.memory_space<vmem>> -> memref<128xi32, #tpu.memory_space<vmem>>
        %dma_start3A_307 = arith.constant 0 : i32
        %dma_start3A_308 = arith.constant 0 : i32
        %dma_start3A_309 = tpu.memref_slice %arg14[%dma_start3A_307, %dma_start3A_308] : memref<10240x16xf32, #tpu.memory_space<vmem_shared>> -> memref<10240x16xf32, #tpu.memory_space<vmem_shared>>
        tpu.enqueue_indirect_dma source(%arg12 : memref<128x16xf32, #tpu.memory_space<vmem>>) target(%dma_start3A_309 : memref<10240x16xf32, #tpu.memory_space<vmem_shared>>) offsets(%dma_start3A_306 : memref<128xi32, #tpu.memory_space<vmem>>) semaphore(%run_scoped3A_303 : memref<!tpu.dma_semaphore, #tpu.memory_space<semaphore_mem>>) {add = true}
        %dma_wait3A_310 = arith.constant 0 : i32
        %dma_wait3A_311 = tpu.memref_slice %arg8[%run_scoped3A_288, %dma_wait3A_310] : memref<2x128xi32, #tpu.memory_space<vmem>> -> memref<1x128xi32, #tpu.memory_space<vmem>>
        %dma_wait3A_312 = tpu.memref_squeeze %dma_wait3A_311 : memref<1x128xi32, #tpu.memory_space<vmem>> -> memref<128xi32, #tpu.memory_space<vmem>>
        %dma_wait3A_313 = arith.constant 0 : i32
        %dma_wait3A_314 = arith.constant 0 : i32
        %dma_wait3A_315 = tpu.memref_slice %arg14[%dma_wait3A_313, %dma_wait3A_314] : memref<10240x16xf32, #tpu.memory_space<vmem_shared>> -> memref<10240x16xf32, #tpu.memory_space<vmem_shared>>
        tpu.wait_indirect_dma semaphore(%run_scoped3A_303 : memref<!tpu.dma_semaphore, #tpu.memory_space<semaphore_mem>>) src(%arg12 : memref<128x16xf32, #tpu.memory_space<vmem>>) dst(%dma_wait3A_315 : memref<10240x16xf32, #tpu.memory_space<vmem_shared>>)
        tpu.yield
      }) : () -> ()
      %add3A_289 = arith.constant 4 : i32
      %add3A_290 = arith.addi %add3A_265, %add3A_289 : i32
      %sub3A_291 = arith.constant 1 : i32
      %sub3A_292 = arith.subi %select_n3A, %sub3A_291 : i32
      %min3A_293 = arith.minsi %add3A_290, %sub3A_292 : i32
      %add3A_294 = arith.addi %select_n3A_10, %min3A_293 : i32
      %dma_start3A_295 = arith.constant 0 : i32
      %dma_start3A_296 = arith.constant 0 : i32
      %dma_start3A_297 = tpu.memref_slice %arg3[%add3A_294, %dma_start3A_295, %dma_start3A_296] : memref<2560x2x128xi32, #tpu.memory_space<hbm>> -> memref<1x2x128xi32, #tpu.memory_space<hbm>>
      %dma_start3A_298 = tpu.memref_squeeze %dma_start3A_297 : memref<1x2x128xi32, #tpu.memory_space<hbm>> -> memref<2x128xi32, #tpu.memory_space<hbm>>
      %dma_start3A_299 = arith.constant 0 : i32
      %dma_start3A_300 = arith.constant 0 : i32
      %dma_start3A_301 = tpu.memref_slice %arg3[%add3A_294, %dma_start3A_299, %dma_start3A_300] : memref<2560x2x128xi32, #tpu.memory_space<hbm>> -> memref<1x2x128xi32, #tpu.memory_space<hbm>>
      %dma_start3A_302 = tpu.memref_squeeze %dma_start3A_301 : memref<1x2x128xi32, #tpu.memory_space<hbm>> -> memref<2x128xi32, #tpu.memory_space<hbm>>
      tpu.enqueue_dma source(%dma_start3A_302 : memref<2x128xi32, #tpu.memory_space<hbm>>) target(%arg8 : memref<2x128xi32, #tpu.memory_space<vmem>>) target_semaphore(%arg18 : memref<!tpu.dma_semaphore, #tpu.memory_space<semaphore_mem>>)
    }
    %dma_wait3A_109 = arith.constant 0 : i32
    %dma_wait3A_110 = arith.constant 0 : i32
    %dma_wait3A_111 = tpu.memref_slice %arg3[%select_n3A_10, %dma_wait3A_109, %dma_wait3A_110] : memref<2560x2x128xi32, #tpu.memory_space<hbm>> -> memref<1x2x128xi32, #tpu.memory_space<hbm>>
    %dma_wait3A_112 = tpu.memref_squeeze %dma_wait3A_111 : memref<1x2x128xi32, #tpu.memory_space<hbm>> -> memref<2x128xi32, #tpu.memory_space<hbm>>
    %dma_wait3A_113 = arith.constant 0 : i32
    %dma_wait3A_114 = arith.constant 0 : i32
    %dma_wait3A_115 = tpu.memref_slice %arg3[%select_n3A_10, %dma_wait3A_113, %dma_wait3A_114] : memref<2560x2x128xi32, #tpu.memory_space<hbm>> -> memref<1x2x128xi32, #tpu.memory_space<hbm>>
    %dma_wait3A_116 = tpu.memref_squeeze %dma_wait3A_115 : memref<1x2x128xi32, #tpu.memory_space<hbm>> -> memref<2x128xi32, #tpu.memory_space<hbm>>
    tpu.wait_dma2 semaphore(%arg18 : memref<!tpu.dma_semaphore, #tpu.memory_space<semaphore_mem>>) src(%dma_wait3A_116 : memref<2x128xi32, #tpu.memory_space<hbm>>) dst(%arg8 : memref<2x128xi32, #tpu.memory_space<vmem>>)
    %dma_wait3A_117 = arith.constant 0 : i32
    %dma_wait3A_118 = arith.constant 0 : i32
    %dma_wait3A_119 = tpu.memref_slice %arg5[%dma_wait3A_117, %dma_wait3A_118] : memref<2x128xi32, #tpu.memory_space<vmem>> -> memref<1x128xi32, #tpu.memory_space<vmem>>
    %dma_wait3A_120 = tpu.memref_squeeze %dma_wait3A_119 : memref<1x128xi32, #tpu.memory_space<vmem>> -> memref<128xi32, #tpu.memory_space<vmem>>
    %dma_wait3A_121 = arith.constant 0 : i32
    %dma_wait3A_122 = arith.constant 0 : i32
    %dma_wait3A_123 = tpu.memref_slice %arg13[%dma_wait3A_121, %dma_wait3A_122] : memref<10240x16xf32, #tpu.memory_space<vmem_shared>> -> memref<10240x16xf32, #tpu.memory_space<vmem_shared>>
    tpu.wait_indirect_dma semaphore(%arg19 : memref<!tpu.dma_semaphore, #tpu.memory_space<semaphore_mem>>) src(%dma_wait3A_123 : memref<10240x16xf32, #tpu.memory_space<vmem_shared>>) dst(%arg9 : memref<128x16xf32, #tpu.memory_space<vmem>>)
    %dma_wait3A_124 = arith.constant 0 : i32
    %dma_wait3A_125 = arith.constant 0 : i32
    %dma_wait3A_126 = tpu.memref_slice %arg6[%dma_wait3A_124, %dma_wait3A_125] : memref<2x128xi32, #tpu.memory_space<vmem>> -> memref<1x128xi32, #tpu.memory_space<vmem>>
    %dma_wait3A_127 = tpu.memref_squeeze %dma_wait3A_126 : memref<1x128xi32, #tpu.memory_space<vmem>> -> memref<128xi32, #tpu.memory_space<vmem>>
    %dma_wait3A_128 = arith.constant 0 : i32
    %dma_wait3A_129 = arith.constant 0 : i32
    %dma_wait3A_130 = tpu.memref_slice %arg13[%dma_wait3A_128, %dma_wait3A_129] : memref<10240x16xf32, #tpu.memory_space<vmem_shared>> -> memref<10240x16xf32, #tpu.memory_space<vmem_shared>>
    tpu.wait_indirect_dma semaphore(%arg20 : memref<!tpu.dma_semaphore, #tpu.memory_space<semaphore_mem>>) src(%dma_wait3A_130 : memref<10240x16xf32, #tpu.memory_space<vmem_shared>>) dst(%arg10 : memref<128x16xf32, #tpu.memory_space<vmem>>)
    %dma_wait3A_131 = arith.constant 0 : i32
    %dma_wait3A_132 = arith.constant 0 : i32
    %dma_wait3A_133 = tpu.memref_slice %arg7[%dma_wait3A_131, %dma_wait3A_132] : memref<2x128xi32, #tpu.memory_space<vmem>> -> memref<1x128xi32, #tpu.memory_space<vmem>>
    %dma_wait3A_134 = tpu.memref_squeeze %dma_wait3A_133 : memref<1x128xi32, #tpu.memory_space<vmem>> -> memref<128xi32, #tpu.memory_space<vmem>>
    %dma_wait3A_135 = arith.constant 0 : i32
    %dma_wait3A_136 = arith.constant 0 : i32
    %dma_wait3A_137 = tpu.memref_slice %arg13[%dma_wait3A_135, %dma_wait3A_136] : memref<10240x16xf32, #tpu.memory_space<vmem_shared>> -> memref<10240x16xf32, #tpu.memory_space<vmem_shared>>
    tpu.wait_indirect_dma semaphore(%arg21 : memref<!tpu.dma_semaphore, #tpu.memory_space<semaphore_mem>>) src(%dma_wait3A_137 : memref<10240x16xf32, #tpu.memory_space<vmem_shared>>) dst(%arg11 : memref<128x16xf32, #tpu.memory_space<vmem>>)
    %barrier3A_138 = arith.constant 0 : index
    tpu.barrier barrier_id(%barrier3A_138)
    %run_scoped3A_139 = arith.constant 0 : i32
    "tpu.region"() ({
      %run_scoped3A_140 = tpu.sem_alloc : memref<!tpu.dma_semaphore, #tpu.memory_space<semaphore_mem>>
      %dma_start3A_141 = arith.constant 0 : i32
      %dma_start3A_142 = tpu.memref_slice %arg4[%arg0, %run_scoped3A_139, %mul3A_0, %dma_start3A_141] : memref<2x1x10240x16xf32, #tpu.memory_space<hbm>> -> memref<1x1x640x16xf32, #tpu.memory_space<hbm>>
      %dma_start3A_143 = tpu.memref_squeeze %dma_start3A_142 : memref<1x1x640x16xf32, #tpu.memory_space<hbm>> -> memref<640x16xf32, #tpu.memory_space<hbm>>
      %dma_start3A_144 = arith.constant 0 : i32
      %dma_start3A_145 = tpu.memref_slice %arg14[%mul3A_0, %dma_start3A_144] : memref<10240x16xf32, #tpu.memory_space<vmem_shared>> -> memref<640x16xf32, #tpu.memory_space<vmem_shared>>
      tpu.enqueue_dma source(%dma_start3A_145 : memref<640x16xf32, #tpu.memory_space<vmem_shared>>) target(%dma_start3A_143 : memref<640x16xf32, #tpu.memory_space<hbm>>) target_semaphore(%run_scoped3A_140 : memref<!tpu.dma_semaphore, #tpu.memory_space<semaphore_mem>>)
      %dma_wait3A_146 = arith.constant 0 : i32
      %dma_wait3A_147 = tpu.memref_slice %arg4[%arg0, %run_scoped3A_139, %mul3A_0, %dma_wait3A_146] : memref<2x1x10240x16xf32, #tpu.memory_space<hbm>> -> memref<1x1x640x16xf32, #tpu.memory_space<hbm>>
      %dma_wait3A_148 = tpu.memref_squeeze %dma_wait3A_147 : memref<1x1x640x16xf32, #tpu.memory_space<hbm>> -> memref<640x16xf32, #tpu.memory_space<hbm>>
      %dma_wait3A_149 = arith.constant 0 : i32
      %dma_wait3A_150 = tpu.memref_slice %arg14[%mul3A_0, %dma_wait3A_149] : memref<10240x16xf32, #tpu.memory_space<vmem_shared>> -> memref<640x16xf32, #tpu.memory_space<vmem_shared>>
      tpu.wait_dma2 semaphore(%run_scoped3A_140 : memref<!tpu.dma_semaphore, #tpu.memory_space<semaphore_mem>>) src(%dma_wait3A_150 : memref<640x16xf32, #tpu.memory_space<vmem_shared>>) dst(%dma_wait3A_148 : memref<640x16xf32, #tpu.memory_space<hbm>>)
      tpu.yield
    }) : () -> ()
    return
  }
}

module attributes {stable_mosaic.version = 14 : i64} {
  func.func @_front_body(%arg0: i32, %arg1: memref<2048x128xf32, #tpu.memory_space<vmem>>, %arg2: memref<128x128xf32, #tpu.memory_space<vmem>>, %arg3: memref<2x2048x1xf32, #tpu.memory_space<vmem>>, %arg4: memref<2048x1xf32, #tpu.memory_space<vmem>>, %arg5: memref<2x2048x64xf32, #tpu.memory_space<vmem>>) attributes {dimension_semantics = [#tpu.dimension_semantics<arbitrary>], iteration_bounds = array<i64: 5>, scalar_prefetch = 0 : i64, scratch_operands = 0 : i64, tpu.core_type = #tpu.core_type<tc>, window_params = [{transform_indices = @transform_0, window_bounds = array<i64: 2048, 128>}, {pipeline_mode = #tpu.pipeline_mode<synchronous>, transform_indices = @transform_1, window_bounds = array<i64: 128, 128>}, {transform_indices = @transform_2, window_bounds = array<i64: 2, 2048, 1>}, {transform_indices = @transform_3, window_bounds = array<i64: 2048, 1>}, {transform_indices = @transform_4, window_bounds = array<i64: 2, 2048, 64>}]} {
    %get3A = arith.constant 0 : index
    %get3A_0 = arith.constant 0 : index
    %get3A_1 = arith.constant 0 : index
    %get3A_2 = vector.load %arg3[%get3A, %get3A_0, %get3A_1] : memref<2x2048x1xf32, #tpu.memory_space<vmem>>, vector<1x2048x1xf32>
    %get3A_3 = vector.shape_cast %get3A_2 : vector<1x2048x1xf32> to vector<2048x1xf32>
    %get3A_4 = arith.constant 1 : index
    %get3A_5 = arith.constant 0 : index
    %get3A_6 = arith.constant 0 : index
    %get3A_7 = vector.load %arg3[%get3A_4, %get3A_5, %get3A_6] : memref<2x2048x1xf32, #tpu.memory_space<vmem>>, vector<1x2048x1xf32>
    %get3A_8 = vector.shape_cast %get3A_7 : vector<1x2048x1xf32> to vector<2048x1xf32>
    %add3A = arith.addf %get3A_3, %get3A_8 : vector<2048x1xf32>
    %sub3A = arith.constant 1.000000e+00 : f32
    %sub3A_9 = vector.broadcast %sub3A : f32 to vector<2048x1xf32>
    %sub3A_10 = arith.subf %add3A, %sub3A_9 : vector<2048x1xf32>
    %rsqrt3A = math.rsqrt %sub3A_10 : vector<2048x1xf32>
    %swap3A = arith.constant 0 : index
    %swap3A_11 = arith.constant 0 : index
    %swap3A_12 = vector.load %arg4[%swap3A, %swap3A_11] : memref<2048x1xf32, #tpu.memory_space<vmem>>, vector<2048x1xf32>
    tpu.vector_store %arg4[%swap3A, %swap3A_11], %rsqrt3A {strides = array<i32>} : memref<2048x1xf32, #tpu.memory_space<vmem>>, vector<2048x1xf32>,
    %get3A_13 = arith.constant 0 : index
    %get3A_14 = arith.constant 0 : index
    %get3A_15 = vector.load %arg1[%get3A_13, %get3A_14] : memref<2048x128xf32, #tpu.memory_space<vmem>>, vector<2048x128xf32>
    %get3A_16 = arith.constant 0 : index
    %get3A_17 = arith.constant 0 : index
    %get3A_18 = vector.load %arg2[%get3A_16, %get3A_17] : memref<128x128xf32, #tpu.memory_space<vmem>>, vector<128x128xf32>
    %dot_general3A = arith.constant dense<0.000000e+00> : vector<2048x128xf32>
    %dot_general3A_19 = tpu.matmul %get3A_15, %get3A_18, %dot_general3A {dimension_numbers = #tpu.dot_dimension_numbers<[1], [0], [0], [1], [0, 0, 1, 1], [], []>, transpose_lhs_hint = false} : vector<2048x128xf32>, vector<128x128xf32>, vector<2048x128xf32> -> vector<2048x128xf32>
    %mul3A = vector.broadcast %rsqrt3A : vector<2048x1xf32> to vector<2048x128xf32>
    %mul3A_20 = arith.mulf %dot_general3A_19, %mul3A : vector<2048x128xf32>
    %slice3A = vector.extract_strided_slice %mul3A_20 {offsets = [0, 0], sizes = [2048, 64], strides = [1, 1]} : vector<2048x128xf32> to vector<2048x64xf32>
    %swap3A_21 = arith.constant 0 : index
    %swap3A_22 = arith.constant 0 : index
    %swap3A_23 = arith.constant 0 : index
    %swap3A_24 = vector.load %arg5[%swap3A_21, %swap3A_22, %swap3A_23] : memref<2x2048x64xf32, #tpu.memory_space<vmem>>, vector<1x2048x64xf32>
    %swap3A_25 = vector.shape_cast %swap3A_24 : vector<1x2048x64xf32> to vector<2048x64xf32>
    %swap3A_26 = vector.shape_cast %slice3A : vector<2048x64xf32> to vector<1x2048x64xf32>
    tpu.vector_store %arg5[%swap3A_21, %swap3A_22, %swap3A_23], %swap3A_26 {strides = array<i32>} : memref<2x2048x64xf32, #tpu.memory_space<vmem>>, vector<1x2048x64xf32>,
    %slice3A_27 = vector.extract_strided_slice %mul3A_20 {offsets = [0, 64], sizes = [2048, 64], strides = [1, 1]} : vector<2048x128xf32> to vector<2048x64xf32>
    %swap3A_28 = arith.constant 1 : index
    %swap3A_29 = arith.constant 0 : index
    %swap3A_30 = arith.constant 0 : index
    %swap3A_31 = vector.load %arg5[%swap3A_28, %swap3A_29, %swap3A_30] : memref<2x2048x64xf32, #tpu.memory_space<vmem>>, vector<1x2048x64xf32>
    %swap3A_32 = vector.shape_cast %swap3A_31 : vector<1x2048x64xf32> to vector<2048x64xf32>
    %swap3A_33 = vector.shape_cast %slice3A_27 : vector<2048x64xf32> to vector<1x2048x64xf32>
    tpu.vector_store %arg5[%swap3A_28, %swap3A_29, %swap3A_30], %swap3A_33 {strides = array<i32>} : memref<2x2048x64xf32, #tpu.memory_space<vmem>>, vector<1x2048x64xf32>,
    return
  }
  func.func @transform_0(%arg0: i32) -> (i32, i32) {
    %c0_i32 = arith.constant 0 : i32
    %c0_i32_0 = arith.constant 0 : i32
    return %arg0, %c0_i32 : i32, i32
  }
  func.func @transform_1(%arg0: i32) -> (i32, i32) {
    %c0_i32 = arith.constant 0 : i32
    %c0_i32_0 = arith.constant 0 : i32
    %c0_i32_1 = arith.constant 0 : i32
    return %c0_i32, %c0_i32_0 : i32, i32
  }
  func.func @transform_2(%arg0: i32) -> (i32, i32, i32) {
    %c0_i32 = arith.constant 0 : i32
    %c0_i32_0 = arith.constant 0 : i32
    %c0_i32_1 = arith.constant 0 : i32
    return %c0_i32, %arg0, %c0_i32_0 : i32, i32, i32
  }
  func.func @transform_3(%arg0: i32) -> (i32, i32) {
    %c0_i32 = arith.constant 0 : i32
    %c0_i32_0 = arith.constant 0 : i32
    return %arg0, %c0_i32 : i32, i32
  }
  func.func @transform_4(%arg0: i32) -> (i32, i32, i32) {
    %c0_i32 = arith.constant 0 : i32
    %c0_i32_0 = arith.constant 0 : i32
    %c0_i32_1 = arith.constant 0 : i32
    return %c0_i32, %arg0, %c0_i32_0 : i32, i32, i32
  }
}

module attributes {stable_mosaic.version = 14 : i64} {
  func.func @_mid_body(%arg0: i32, %arg1: memref<2x2x2048x64xf32, #tpu.memory_space<vmem>>, %arg2: memref<2x2048x64xf32, #tpu.memory_space<vmem>>, %arg3: memref<2048x1xf32, #tpu.memory_space<vmem>>, %arg4: memref<1x128xf32, #tpu.memory_space<vmem>>, %arg5: memref<128x16xf32, #tpu.memory_space<vmem>>, %arg6: memref<2048x16xf32, #tpu.memory_space<vmem>>) attributes {dimension_semantics = [#tpu.dimension_semantics<arbitrary>], iteration_bounds = array<i64: 5>, scalar_prefetch = 0 : i64, scratch_operands = 0 : i64, tpu.core_type = #tpu.core_type<tc>, window_params = [{transform_indices = @transform_0, window_bounds = array<i64: 2, 2, 2048, 64>}, {transform_indices = @transform_1, window_bounds = array<i64: 2, 2048, 64>}, {transform_indices = @transform_2, window_bounds = array<i64: 2048, 1>}, {pipeline_mode = #tpu.pipeline_mode<synchronous>, transform_indices = @transform_3, window_bounds = array<i64: 1, 128>}, {pipeline_mode = #tpu.pipeline_mode<synchronous>, transform_indices = @transform_4, window_bounds = array<i64: 128, 16>}, {transform_indices = @transform_5, window_bounds = array<i64: 2048, 16>}]} {
    %get3A = arith.constant 0 : index
    %get3A_0 = arith.constant 0 : index
    %get3A_1 = vector.load %arg3[%get3A, %get3A_0] : memref<2048x1xf32, #tpu.memory_space<vmem>>, vector<2048x1xf32>
    %get3A_2 = arith.constant 0 : index
    %get3A_3 = arith.constant 0 : index
    %get3A_4 = arith.constant 0 : index
    %get3A_5 = arith.constant 0 : index
    %get3A_6 = vector.load %arg1[%get3A_2, %get3A_3, %get3A_4, %get3A_5] : memref<2x2x2048x64xf32, #tpu.memory_space<vmem>>, vector<1x1x2048x64xf32>
    %get3A_7 = vector.shape_cast %get3A_6 : vector<1x1x2048x64xf32> to vector<2048x64xf32>
    %get3A_8 = arith.constant 1 : index
    %get3A_9 = arith.constant 0 : index
    %get3A_10 = arith.constant 0 : index
    %get3A_11 = arith.constant 0 : index
    %get3A_12 = vector.load %arg1[%get3A_8, %get3A_9, %get3A_10, %get3A_11] : memref<2x2x2048x64xf32, #tpu.memory_space<vmem>>, vector<1x1x2048x64xf32>
    %get3A_13 = vector.shape_cast %get3A_12 : vector<1x1x2048x64xf32> to vector<2048x64xf32>
    %add3A = arith.addf %get3A_7, %get3A_13 : vector<2048x64xf32>
    %get3A_14 = arith.constant 0 : index
    %get3A_15 = arith.constant 0 : index
    %get3A_16 = arith.constant 0 : index
    %get3A_17 = vector.load %arg2[%get3A_14, %get3A_15, %get3A_16] : memref<2x2048x64xf32, #tpu.memory_space<vmem>>, vector<1x2048x64xf32>
    %get3A_18 = vector.shape_cast %get3A_17 : vector<1x2048x64xf32> to vector<2048x64xf32>
    %sub3A = arith.subf %add3A, %get3A_18 : vector<2048x64xf32>
    %mul3A = vector.broadcast %get3A_1 : vector<2048x1xf32> to vector<2048x64xf32>
    %mul3A_19 = arith.mulf %sub3A, %mul3A : vector<2048x64xf32>
    %get3A_20 = arith.constant 0 : index
    %get3A_21 = arith.constant 0 : index
    %get3A_22 = vector.load %arg4[%get3A_20, %get3A_21] : memref<1x128xf32, #tpu.memory_space<vmem>>, vector<1x64xf32>
    %add3A_23 = vector.broadcast %get3A_22 : vector<1x64xf32> to vector<2048x64xf32>
    %add3A_24 = arith.addf %mul3A_19, %add3A_23 : vector<2048x64xf32>
    %get3A_25 = arith.constant 0 : index
    %get3A_26 = arith.constant 1 : index
    %get3A_27 = arith.constant 0 : index
    %get3A_28 = arith.constant 0 : index
    %get3A_29 = vector.load %arg1[%get3A_25, %get3A_26, %get3A_27, %get3A_28] : memref<2x2x2048x64xf32, #tpu.memory_space<vmem>>, vector<1x1x2048x64xf32>
    %get3A_30 = vector.shape_cast %get3A_29 : vector<1x1x2048x64xf32> to vector<2048x64xf32>
    %get3A_31 = arith.constant 1 : index
    %get3A_32 = arith.constant 1 : index
    %get3A_33 = arith.constant 0 : index
    %get3A_34 = arith.constant 0 : index
    %get3A_35 = vector.load %arg1[%get3A_31, %get3A_32, %get3A_33, %get3A_34] : memref<2x2x2048x64xf32, #tpu.memory_space<vmem>>, vector<1x1x2048x64xf32>
    %get3A_36 = vector.shape_cast %get3A_35 : vector<1x1x2048x64xf32> to vector<2048x64xf32>
    %add3A_37 = arith.addf %get3A_30, %get3A_36 : vector<2048x64xf32>
    %get3A_38 = arith.constant 1 : index
    %get3A_39 = arith.constant 0 : index
    %get3A_40 = arith.constant 0 : index
    %get3A_41 = vector.load %arg2[%get3A_38, %get3A_39, %get3A_40] : memref<2x2048x64xf32, #tpu.memory_space<vmem>>, vector<1x2048x64xf32>
    %get3A_42 = vector.shape_cast %get3A_41 : vector<1x2048x64xf32> to vector<2048x64xf32>
    %sub3A_43 = arith.subf %add3A_37, %get3A_42 : vector<2048x64xf32>
    %mul3A_44 = vector.broadcast %get3A_1 : vector<2048x1xf32> to vector<2048x64xf32>
    %mul3A_45 = arith.mulf %sub3A_43, %mul3A_44 : vector<2048x64xf32>
    %get3A_46 = arith.constant 0 : index
    %get3A_47 = arith.constant 64 : index
    %get3A_48 = vector.load %arg4[%get3A_46, %get3A_47] : memref<1x128xf32, #tpu.memory_space<vmem>>, vector<1x64xf32>
    %add3A_49 = vector.broadcast %get3A_48 : vector<1x64xf32> to vector<2048x64xf32>
    %add3A_50 = arith.addf %mul3A_45, %add3A_49 : vector<2048x64xf32>
    %max3A = arith.constant 0.000000e+00 : f32
    %max3A_51 = vector.broadcast %max3A : f32 to vector<2048x64xf32>
    %max3A_52 = arith.maximumf %add3A_24, %max3A_51 : vector<2048x64xf32>
    %max3A_53 = arith.constant 0.000000e+00 : f32
    %max3A_54 = vector.broadcast %max3A_53 : f32 to vector<2048x64xf32>
    %max3A_55 = arith.maximumf %add3A_50, %max3A_54 : vector<2048x64xf32>
    %get3A_56 = arith.constant 0 : index
    %get3A_57 = arith.constant 0 : index
    %get3A_58 = vector.load %arg5[%get3A_56, %get3A_57] : memref<128x16xf32, #tpu.memory_space<vmem>>, vector<64x16xf32>
    %dot_general3A = arith.constant dense<0.000000e+00> : vector<2048x16xf32>
    %dot_general3A_59 = tpu.matmul %max3A_52, %get3A_58, %dot_general3A {dimension_numbers = #tpu.dot_dimension_numbers<[1], [0], [0], [1], [0, 0, 1, 1], [], []>, transpose_lhs_hint = false} : vector<2048x64xf32>, vector<64x16xf32>, vector<2048x16xf32> -> vector<2048x16xf32>
    %get3A_60 = arith.constant 64 : index
    %get3A_61 = arith.constant 0 : index
    %get3A_62 = vector.load %arg5[%get3A_60, %get3A_61] : memref<128x16xf32, #tpu.memory_space<vmem>>, vector<64x16xf32>
    %dot_general3A_63 = arith.constant dense<0.000000e+00> : vector<2048x16xf32>
    %dot_general3A_64 = tpu.matmul %max3A_55, %get3A_62, %dot_general3A_63 {dimension_numbers = #tpu.dot_dimension_numbers<[1], [0], [0], [1], [0, 0, 1, 1], [], []>, transpose_lhs_hint = false} : vector<2048x64xf32>, vector<64x16xf32>, vector<2048x16xf32> -> vector<2048x16xf32>
    %add3A_65 = arith.addf %dot_general3A_59, %dot_general3A_64 : vector<2048x16xf32>
    %mul3A_66 = vector.broadcast %get3A_1 : vector<2048x1xf32> to vector<2048x16xf32>
    %mul3A_67 = arith.mulf %add3A_65, %mul3A_66 : vector<2048x16xf32>
    %swap3A = arith.constant 0 : index
    %swap3A_68 = arith.constant 0 : index
    %swap3A_69 = vector.load %arg6[%swap3A, %swap3A_68] : memref<2048x16xf32, #tpu.memory_space<vmem>>, vector<2048x16xf32>
    tpu.vector_store %arg6[%swap3A, %swap3A_68], %mul3A_67 {strides = array<i32>} : memref<2048x16xf32, #tpu.memory_space<vmem>>, vector<2048x16xf32>,
    return
  }
  func.func @transform_0(%arg0: i32) -> (i32, i32, i32, i32) {
    %c0_i32 = arith.constant 0 : i32
    %c0_i32_0 = arith.constant 0 : i32
    %c0_i32_1 = arith.constant 0 : i32
    %c0_i32_2 = arith.constant 0 : i32
    return %c0_i32, %c0_i32_0, %arg0, %c0_i32_1 : i32, i32, i32, i32
  }
  func.func @transform_1(%arg0: i32) -> (i32, i32, i32) {
    %c0_i32 = arith.constant 0 : i32
    %c0_i32_0 = arith.constant 0 : i32
    %c0_i32_1 = arith.constant 0 : i32
    return %c0_i32, %arg0, %c0_i32_0 : i32, i32, i32
  }
  func.func @transform_2(%arg0: i32) -> (i32, i32) {
    %c0_i32 = arith.constant 0 : i32
    %c0_i32_0 = arith.constant 0 : i32
    return %arg0, %c0_i32 : i32, i32
  }
  func.func @transform_3(%arg0: i32) -> (i32, i32) {
    %c0_i32 = arith.constant 0 : i32
    %c0_i32_0 = arith.constant 0 : i32
    %c0_i32_1 = arith.constant 0 : i32
    return %c0_i32, %c0_i32_0 : i32, i32
  }
  func.func @transform_4(%arg0: i32) -> (i32, i32) {
    %c0_i32 = arith.constant 0 : i32
    %c0_i32_0 = arith.constant 0 : i32
    %c0_i32_1 = arith.constant 0 : i32
    return %c0_i32, %c0_i32_0 : i32, i32
  }
  func.func @transform_5(%arg0: i32) -> (i32, i32) {
    %c0_i32 = arith.constant 0 : i32
    %c0_i32_0 = arith.constant 0 : i32
    return %arg0, %c0_i32 : i32, i32
  }
}

module attributes {stable_mosaic.version = 14 : i64} {
  func.func @_final_body(%arg0: i32, %arg1: memref<2x1x2000x16xf32, #tpu.memory_space<vmem>>, %arg2: memref<2000x16xf32, #tpu.memory_space<vmem>>, %arg3: memref<2000x1xf32, #tpu.memory_space<vmem>>, %arg4: memref<1x16xf32, #tpu.memory_space<vmem>>, %arg5: memref<2000x16xf32, #tpu.memory_space<vmem>>) attributes {dimension_semantics = [#tpu.dimension_semantics<arbitrary>], iteration_bounds = array<i64: 5>, scalar_prefetch = 0 : i64, scratch_operands = 0 : i64, tpu.core_type = #tpu.core_type<tc>, window_params = [{transform_indices = @transform_0, window_bounds = array<i64: 2, 1, 2000, 16>}, {transform_indices = @transform_1, window_bounds = array<i64: 2000, 16>}, {transform_indices = @transform_2, window_bounds = array<i64: 2000, 1>}, {pipeline_mode = #tpu.pipeline_mode<synchronous>, transform_indices = @transform_3, window_bounds = array<i64: 1, 16>}, {transform_indices = @transform_4, window_bounds = array<i64: 2000, 16>}]} {
    %get3A = arith.constant 0 : index
    %get3A_0 = arith.constant 0 : index
    %get3A_1 = arith.constant 0 : index
    %get3A_2 = arith.constant 0 : index
    %get3A_3 = vector.load %arg1[%get3A, %get3A_0, %get3A_1, %get3A_2] : memref<2x1x2000x16xf32, #tpu.memory_space<vmem>>, vector<1x1x2000x16xf32>
    %get3A_4 = vector.shape_cast %get3A_3 : vector<1x1x2000x16xf32> to vector<2000x16xf32>
    %get3A_5 = arith.constant 1 : index
    %get3A_6 = arith.constant 0 : index
    %get3A_7 = arith.constant 0 : index
    %get3A_8 = arith.constant 0 : index
    %get3A_9 = vector.load %arg1[%get3A_5, %get3A_6, %get3A_7, %get3A_8] : memref<2x1x2000x16xf32, #tpu.memory_space<vmem>>, vector<1x1x2000x16xf32>
    %get3A_10 = vector.shape_cast %get3A_9 : vector<1x1x2000x16xf32> to vector<2000x16xf32>
    %add3A = arith.addf %get3A_4, %get3A_10 : vector<2000x16xf32>
    %get3A_11 = arith.constant 0 : index
    %get3A_12 = arith.constant 0 : index
    %get3A_13 = vector.load %arg2[%get3A_11, %get3A_12] : memref<2000x16xf32, #tpu.memory_space<vmem>>, vector<2000x16xf32>
    %sub3A = arith.subf %add3A, %get3A_13 : vector<2000x16xf32>
    %get3A_14 = arith.constant 0 : index
    %get3A_15 = arith.constant 0 : index
    %get3A_16 = vector.load %arg3[%get3A_14, %get3A_15] : memref<2000x1xf32, #tpu.memory_space<vmem>>, vector<2000x1xf32>
    %mul3A = vector.broadcast %get3A_16 : vector<2000x1xf32> to vector<2000x16xf32>
    %mul3A_17 = arith.mulf %sub3A, %mul3A : vector<2000x16xf32>
    %get3A_18 = arith.constant 0 : index
    %get3A_19 = arith.constant 0 : index
    %get3A_20 = vector.load %arg4[%get3A_18, %get3A_19] : memref<1x16xf32, #tpu.memory_space<vmem>>, vector<1x16xf32>
    %add3A_21 = vector.broadcast %get3A_20 : vector<1x16xf32> to vector<2000x16xf32>
    %add3A_22 = arith.addf %mul3A_17, %add3A_21 : vector<2000x16xf32>
    %logistic3A = arith.negf %add3A_22 : vector<2000x16xf32>
    %logistic3A_23 = math.exp %logistic3A : vector<2000x16xf32>
    %logistic3A_24 = arith.constant 1.000000e+00 : f32
    %logistic3A_25 = vector.broadcast %logistic3A_24 : f32 to vector<2000x16xf32>
    %logistic3A_26 = arith.addf %logistic3A_25, %logistic3A_23 : vector<2000x16xf32>
    %logistic3A_27 = arith.divf %logistic3A_25, %logistic3A_26 : vector<2000x16xf32>
    %swap3A = arith.constant 0 : index
    %swap3A_28 = arith.constant 0 : index
    %swap3A_29 = vector.load %arg5[%swap3A, %swap3A_28] : memref<2000x16xf32, #tpu.memory_space<vmem>>, vector<2000x16xf32>
    tpu.vector_store %arg5[%swap3A, %swap3A_28], %logistic3A_27 {strides = array<i32>} : memref<2000x16xf32, #tpu.memory_space<vmem>>, vector<2000x16xf32>,
    return
  }
  func.func @transform_0(%arg0: i32) -> (i32, i32, i32, i32) {
    %c0_i32 = arith.constant 0 : i32
    %c0_i32_0 = arith.constant 0 : i32
    %c0_i32_1 = arith.constant 0 : i32
    %c0_i32_2 = arith.constant 0 : i32
    return %c0_i32, %c0_i32_0, %arg0, %c0_i32_1 : i32, i32, i32, i32
  }
  func.func @transform_1(%arg0: i32) -> (i32, i32) {
    %c0_i32 = arith.constant 0 : i32
    %c0_i32_0 = arith.constant 0 : i32
    return %arg0, %c0_i32 : i32, i32
  }
  func.func @transform_2(%arg0: i32) -> (i32, i32) {
    %c0_i32 = arith.constant 0 : i32
    %c0_i32_0 = arith.constant 0 : i32
    return %arg0, %c0_i32 : i32, i32
  }
  func.func @transform_3(%arg0: i32) -> (i32, i32) {
    %c0_i32 = arith.constant 0 : i32
    %c0_i32_0 = arith.constant 0 : i32
    %c0_i32_1 = arith.constant 0 : i32
    return %c0_i32, %c0_i32_0 : i32, i32
  }
  func.func @transform_4(%arg0: i32) -> (i32, i32) {
    %c0_i32 = arith.constant 0 : i32
    %c0_i32_0 = arith.constant 0 : i32
    return %arg0, %c0_i32 : i32, i32
  }
}

</mosaic_0001>

<sc_bundles>
// kernel: kernel.11.cloned.1.call-start
scs
__scs_entry_jumppad:
0x0: {  	(pc) =	sbr.rel $0x88, $3  }
0x1: {  	(tag) =	ssettag $0x0;
	lr =	simm.s32 $0x1  }
0x2: {  	[smem:$0x3F9B] =	sst lr;
	_ =	strace $0xD0000000  }
0x3: {  	_ = 	snop  }
0x4: {  	_ = 	snop  }
0x5: {  	_ = 	snop  }
0x6: {  	_ = 	snop  }
0x7: {  	_ = 	snop  }
__scs_overlays_trampoline_lowered:
0x8: {  	[smem:$0x3FAA] =	sst s0  }
0x9: {  	[smem:$0x3FAB] =	sst s1  }
0xa: {  	[smem:$0x3FAC] =	sst s2  }
0xb: {  	[smem:$0x3FAD] =	sst s3  }
0xc: {  	[smem:$0x3FAE] =	sst s4  }
0xd: {  	[smem:$0x3FAF] =	sst s5  }
0xe: {  	[smem:$0x3FB0] =	sst s6  }
0xf: {  	[smem:$0x3FB1] =	sst s7  }
0x10: {  	[smem:$0x3FB2] =	sst s8  }
0x11: {  	[smem:$0x3FB3] =	sst s9;
	s0 =	simm.s32 @!p0 $0x0  }
0x12: {  	s1 =	sld [smem:$0x3F99];
	s0 =	simm.s32 @p0 $0x1  }
0x13: {  	[smem:$0x3FB4] =	sst s0;
	s0 =	simm.s32 @!p1 $0x0  }
0x14: {  	s2 =	sld [smem:$0x3F98];
	s0 =	simm.s32 @p1 $0x1  }
0x15: {  	[smem:$0x3FB5] =	sst s0;
	s0 =	simm.s32 @!p2 $0x0  }
0x16: {  	s3 =	sld [smem:$0x3FDB];
	s0 =	simm.s32 @p2 $0x1  }
0x17: {  	s4 =	simm.s32 $0x1BF5;
	[smem:$0x3FB7] =	sst s0  }
0x18: {  	s0 =	sld [smem:$0x3F9A];
	_ =	swait.ge [sflag:s4], $0x0  }
0x19: {  	s7 =	sld [smem:$0x3F9B]  }
0x1a: {  	s8 =	sadd.s32 $0xFFFFE003, lr  }
0x1b: {  	s9 =	sadd.s32 $0xFFFFFEF7, lr;
	s5 =	simm.s32 $0xFFFFFFFF;
	p2 =	slt.u32 s8, $0xFFFFF086  }
0x1c: {  	p1 =	slt.u32 s9, $0xF7A;
	s5 =	simm.s32 @!p2 $0x0  }
0x1d: {  	s5 =	simm.s32 @p1 $0x1;
	p0 =	seq.s32 s7, s2  }
0x1e: {  	s7 =	smul.u32 @!p0 $0xF7A, s2;
	p2 =	seq.s32 @!p0 s5, $0x0  }
0x1f: {  	s9 =	smul.u32 $0xF7A, s1;
	s8 =	simm.s32 @!p0 $0x1BF5;
	p2 =	por !p2, p0  }
0x20: {  	[sflag:s8] =	ssyncset.s32 @!p0 $0xFFFFF086;
	s6 =	sadd.s32 @!p0 s3, s7;
	s7 =	simm.s32 @!p0 $0x108  }
0x21: {  	s3 =	sadd.s32 s3, s9;
	s6 =	sadd.s32 @!p0 $0x88, s6;
	s7 =	simm.s32 @p2 $0x1082  }
0x22: {  	[simem:s7], [sflag:s8] =	dma.local @!p0 [hbm:s6], $0xF7A  }
0x23: {  	s9 =	sor.u32 $0xD0000000, s2;
	s6 =	simm.s32 $0x108;
	_ =	swait.ge @!p0 [sflag:s8], $0x0  }
0x24: {  	s3 =	sadd.s32 $0x88, s3;
	s6 =	simm.s32 @!p1 $0x1082;
	[sflag:s4] =	ssyncset.s32 $0xFFFFF086  }
0x25: {  	[simem:s6], [sflag:s4] =	dma.local [hbm:s3], $0xF7A  }
0x26: {  	[smem:$0x3F9B] =	sst s1;
	(tag) =	ssettag s2;
	_ =	strace s9  }
0x27: {  	s1 =	sld [smem:$0x3FAB]  }
0x28: {  	s2 =	sld [smem:$0x3FAC]  }
0x29: {  	s4 =	sld [smem:$0x3FAE]  }
0x2a: {  	p0 =	seq.s32 s5, $0x0;
	s5 =	sld [smem:$0x3FAF]  }
0x2b: {  	s6 =	sld [smem:$0x3FB0]  }
0x2c: {  	s7 =	sld [smem:$0x3FB1]  }
0x2d: {  	s3 =	simm.s32 $0x108;
	s8 =	sld [smem:$0x3FB2]  }
0x2e: {  	s3 =	simm.s32 @!p0 $0x1082;
	s9 =	sld [smem:$0x3FB3]  }
0x2f: {  	lr =	sadd.s32 s0, s3;
	s0 =	sld [smem:$0x3FAA]  }
0x30: {  	s3 =	sld [smem:$0x3FAD]  }
0x31: {  	[smem:$0x3FB6] =	sst s10  }
0x32: {  	s10 =	sld [smem:$0x3FB4];
	_ =	sdelay $0x3  }
0x33: {  	p0 =	seq.s32 s10, $0x1;
	s10 =	sld [smem:$0x3FB6];
	_ =	sdelay $0x3  }
0x34: {  	[smem:$0x3FB6] =	sst s10  }
0x35: {  	s10 =	sld [smem:$0x3FB5];
	_ =	sdelay $0x3  }
0x36: {  	p1 =	seq.s32 s10, $0x1;
	s10 =	sld [smem:$0x3FB6];
	_ =	sdelay $0x3  }
0x37: {  	[smem:$0x3FB6] =	sst s10  }
0x38: {  	s10 =	sld [smem:$0x3FB7]  }
0x39: {  	_ = 	snop;
	(pc) =	sbr.ind lr, $3  }
0x3a: {  	_ = 	snop  }
0x3b: {  	_ = 	snop  }
0x3c: {  	p2 =	seq.s32 s10, $0x1;
	s10 =	sld [smem:$0x3FB6]  }
0x3d: {  	_ =	shalt  }
0x3e: {  	_ =	shalt  }
0x3f: {  	_ =	shalt  }
0x40: {  	_ =	shalt  }
0x41: {  	_ =	shalt  }
0x42: {  	_ =	shalt  }
0x43: {  	_ =	shalt  }
0x44: {  	_ =	shalt  }
0x45: {  	_ =	shalt  }
0x46: {  	_ =	shalt  }
0x47: {  	_ =	shalt  }
0x48: {  	_ =	shalt  }
0x49: {  	_ =	shalt  }
0x4a: {  	_ =	shalt  }
0x4b: {  	_ =	shalt  }
0x4c: {  	_ =	shalt  }
0x4d: {  	_ =	shalt  }
0x4e: {  	_ =	shalt  }
0x4f: {  	_ =	shalt  }
0x50: {  	_ =	shalt  }
0x51: {  	_ =	shalt  }
0x52: {  	_ =	shalt  }
0x53: {  	_ =	shalt  }
0x54: {  	_ =	shalt  }
0x55: {  	_ =	shalt  }
0x56: {  	_ =	shalt  }
0x57: {  	_ =	shalt  }
0x58: {  	_ =	shalt  }
0x59: {  	_ =	shalt  }
0x5a: {  	_ =	shalt  }
0x5b: {  	_ =	shalt  }
0x5c: {  	_ =	shalt  }
0x5d: {  	_ =	shalt  }
0x5e: {  	_ =	shalt  }
0x5f: {  	_ =	shalt  }
0x60: {  	_ =	shalt  }
0x61: {  	_ =	shalt  }
0x62: {  	_ =	shalt  }
0x63: {  	_ =	shalt  }
0x64: {  	_ =	shalt  }
0x65: {  	_ =	shalt  }
0x66: {  	_ =	shalt  }
0x67: {  	_ =	shalt  }
0x68: {  	_ =	shalt  }
0x69: {  	_ =	shalt  }
0x6a: {  	_ =	shalt  }
0x6b: {  	_ =	shalt  }
0x6c: {  	_ =	shalt  }
0x6d: {  	_ =	shalt  }
0x6e: {  	_ =	shalt  }
0x6f: {  	_ =	shalt  }
0x70: {  	_ =	shalt  }
0x71: {  	_ =	shalt  }
0x72: {  	_ =	shalt  }
0x73: {  	_ =	shalt  }
0x74: {  	_ =	shalt  }
0x75: {  	_ =	shalt  }
0x76: {  	_ =	shalt  }
0x77: {  	_ =	shalt  }
0x78: {  	_ =	shalt  }
0x79: {  	_ =	shalt  }
0x7a: {  	_ =	shalt  }
0x7b: {  	_ =	shalt  }
0x7c: {  	_ =	shalt  }
0x7d: {  	_ =	shalt  }
0x7e: {  	_ =	shalt  }
0x7f: {  	_ =	shalt  }
0x80: {  	_ =	shalt  }
0x81: {  	_ =	shalt  }
0x82: {  	_ =	shalt  }
0x83: {  	_ =	shalt  }
0x84: {  	_ =	shalt  }
0x85: {  	_ =	shalt  }
0x86: {  	_ =	shalt  }
0x87: {  	_ =	shalt  }
.Lfunc_end0:
.L_simem_size_0:
called_computation.1_lowered:
.L_overlay_start_0:
0x88: {  	s2 =	sld [smem:$0x3FD9]  }
0x89: {  	s3 =	sld [smem:$0x3FFE];
	_ =	sdelay $0x1  }
0x8a: {  	s1 =	srdreg.scid  }
0x8b: {  	s0 =	sand.u32 $0x1, s1  }
0x8c: {  	s16 =	sshll.u32 s0, $0xA;
	s2 =	sadd.s32 s3, s2  }
0x8d: {  	s2 =	sadd.s32 s2, s16  }
0x8e: {  	[smem:$0x3FC2] =	sst s2  }
0x8f: {  	_ = 	snop  }
0x90: {  	(tm) =	ssettm $0x1  }
0x91: {  	s17 =	sld [smem:$0x3FFB];
	_ =	sdelay $0x3  }
0x92: {  	_ =	strace s17  }
0x93: {  	s2 =	sld [smem:$0x3FFC];
	_ =	sdelay $0x3  }
0x94: {  	_ =	strace s2  }
0x95: {  	s2 =	sld [smem:$0x3FFD];
	_ =	sdelay $0x3  }
0x96: {  	_ =	strace s2  }
0x97: {  	_ =	strace $0x8FFFFFFF  }
0x98: {  	s18 =	sld [smem:$0x3FDB];
	_ =	sdelay $0x1  }
0x99: {  	s19 =	simm.s32 $_scs_section_size  }
0x9a: {  	s4 =	simm.s32 $_size__tile_overlayer_lowered;
	s5 =	simm.s32 $_tile_overlayer_lowered  }
0x9b: {  	s22 =	simm.s32 $0x1BFF;
	s21 =	sshll.u32 s5, $0x1;
	s2 =	sadd.s32 s19, s18  }
0x9c: {  	s6 =	simm.s32 $0x0;
	s20 =	sshll.u32 s4, $0x1;
	s4 =	sadd.s32 s21, s2  }
0x9d: {  	[timem:s6], [sflag:s22] =	dma.local [hbm:s4], s20  }
0x9e: {  	_ =	swait.ge [sflag:s22], s20  }
0x9f: {  	s3 =	ssub.s32 $0x0, s20;
	[sflag:s22] =	ssyncset.done $0x0  }
0xa0: {  	[sflag:s22] =	ssyncadd.s32 s3;
	_ =	sdelay $0x1  }
0xa1: {  	s23 =	simm.s32 $0x1B8B  }
0xa2: {  	_ =	swait.ge [sflag:s23], $0x1  }
0xa3: {  	[sflag:s23] =	ssyncset.done $0x0  }
0xa4: {  	s25 =	simm.s32 $0x1B8E;
	s24 =	sld [smem:$0x3FFE];
	[sflag:s23] =	ssyncadd.s32 $0xFFFFFFFF  }
0xa5: {  	s26 =	simm.s32 $execute0_lowered;
	[smem:$0x3FD2] =	sst s25  }
0xa6: {  	s4 =	sshll.u32 s26, $0x1;
	_ =	strace $0x80000049;
	[dreg:$0x1] =	wrdreg $0xFFFFFFFF  }
0xa7: {  	s28 =	simm.s32 $_size_execute0_lowered;
	s2 =	sadd.s32 s2, s4;
	[dreg:$0x0] =	wrdreg $0x0  }
0xa8: {  	s4 =	sshll.u32 s28, $0x1;
	[dreg:$0x2] =	wrdreg s2  }
0xa9: {  	[dreg:$0x3] =	wrdreg s4  }
0xaa: {  	[dreg:$0x4] =	wrdreg $0xC0  }
0xab: {  	_ =	task [dreg:s6], $0x5FFFF  }
0xac: {  	[dreg:$0x1] =	wrdreg $0xFFFFFFFF  }
0xad: {  	[dreg:$0x0] =	wrdreg $0x60  }
0xae: {  	[dreg:$0x2] =	wrdreg s24  }
0xaf: {  	[dreg:$0x3] =	wrdreg $0x84000  }
0xb0: {  	[dreg:$0x4] =	wrdreg $0x124000  }
0xb1: {  	[dreg:$0x5] =	wrdreg $0x9  }
0xb2: {  	_ =	task.clear_ibuf [dreg:s6], $0x6FFFF;
	_ =	strace $0x90000049  }
0xb3: {  	s29 =	simm.s32 $0x9;
	_ =	strace $0x8000004B  }
0xb4: {  	_ =	swait.ge [sflag:s29], $0x1  }
0xb5: {  	[sflag:s29] =	ssyncadd.s32 $0xFFFFFFFF  }
0xb6: {  	_ =	strace $0x9000004B  }
0xb7: {  	_ =	sfence  }
0xb8: {  	s30 =	sld [smem:$0x0];
	_ =	sdelay $0x2  }
0xb9: {  	s31 =	sshll.u32 s1, $0xD;
	s1 =	sshrl.u32 s1, $0x2  }
0xba: {  	s3 =	sand.u32 $0x4000, s31;
	s1 =	sadd.s32 s1, s30  }
0xbb: {  	s0 =	sor.u32 s3, s0;
	s1 =	sshll.u32 s1, $0x11  }
0xbc: {  	s0 =	sor.u32 s1, s0  }
0xbd: {  	s0 =	sadd.s32 $0x8F2B, s0  }
0xbe: {  	[sflag:s0] =	ssyncadd.remote.s32 $0x1  }
0xbf: {  	_ =	sfence.sel $0xFFFF  }
0xc0: {  	[dreg:$0x0] =	wrdreg $0xFFFFFFFF;
	(pc) =	sbr.abs _section_cstart, $3  }
0xc1: {  	[dreg:$0x1] =	wrdreg $0xFFFFFFFF  }
0xc2: {  	_ =	task.clear_ibuf [dreg:s6], $0x2FFFF;
	_ =	strace $0x9FFFFFFF  }
0xc3: {  	(tm) =	ssettm $0x7FFFFFFF  }
tec
execute0_lowered:
.L_overlay_start_1:
0x0: {  	(tag) =	ssettag $0x1  }
0x1: {  	s0 =	rddreg [dreg:$0x0]  }
0x2: {  	s2 =	rddreg [dreg:$0x1]  }
0x3: {  	s11 =	stileid.u32;
	s1 =	srdreg.scid  }
0x4: {  	s3 =	rddreg [dreg:$0x2];
	s4 =	simm.s32 $0x0;
	s28 =	simm.s32 $0x80  }
0x5: {  	s29 =	simm.s32 $0x400;
	s30 =	simm.s32 $0x2;
	s31 =	simm.s32 $0x2400  }
0x6: {  	s6 =	smul.u32 $0xA000, s11;
	s1 =	sand.u32 $0x1, s1;
	[smem:$0x7FF] =	sst s4  }
0x7: {  	s9 =	smul.u32 $0x50, s11;
	s17 =	sshll.u32 s11, $0x6;
	s11 =	simm.s32 $0x280  }
0x8: {  	s5 =	smul.u32 $0x140000, s1;
	_ =	strace $0x8000004A;
	s26 =	ssub.s32 $0x2, s1  }
0x9: {  	p0 =	seq.s32 s1, $0x0;
	s21 =	sor.u32 $0x1C09, s17;
	s17 =	simm.s32 $0x6400  }
0xa: {  	s7 =	sshrl.u32 s6, $0x3;
	s10 =	sshrl.u32 s26, $0x1;
	s1 =	sadd.s32 $0x500, s9  }
0xb: {  	s12 =	sadd.s32 s6, s2;
	[dreg:$0x5] =	wrdreg s21;
	s5 =	sadd.s32 s6, s5  }
0xc: {  	s7 =	sadd.s32 s7, s0;
	s1 =	smov.u32 @p0 s9;
	s6 =	sadd.s32 s6, s3  }
0xd: {  	s9 =	simm.s32 $0x0;
	s8 =	sshrl.u32 s5, $0x3;
	s5 =	sadd.s32 $0x11200, s0  }
0xe: {  	s16 =	sadd.s32 $0x4D200, s7;
	s18 =	sshll.u32 s1, $0x5;
	[dreg:$0x6] =	wrdreg s6  }
0xf: {  	s13 =	sor.u32 $0x4, s1;
	s14 =	sor.u32 $0x5, s1;
	s15 =	sor.u32 $0x6, s1  }
0x10: {  	s24 =	sadd.s32 $0x61200, s7;
	s0 =	sadd.s32 s8, s0;
	[dreg:$0x4] =	wrdreg s16  }
0x11: {  	s8 =	ssub.s32 s26, s10;
	s19 =	sadd.s32 s5, s18;
	[dreg:$0xc] =	wrdreg s24  }
0x12: {  	s16 =	sor.u32 $0x7, s1;
	s26 =	sshrl.u32 s12, $0x3;
	[dreg:$0x7] =	wrdreg s19  }
0x13: {  	s24 =	simm.s32 $0x200;
	s20 =	sadd.s32 $0x20, s19;
	[dreg:$0xf] =	wrdreg s26  }
0x14: {  	s1 =	simm.s32 $0x3;
	s22 =	sadd.s32 $0x40, s19;
	[dreg:$0x8] =	wrdreg s20  }
0x15: {  	s10 =	simm.s32 $0x7;
	s6 =	sadd.s32 $0x60, s19;
	[dreg:$0x9] =	wrdreg s22  }
0x16: {  	s12 =	simm.s32 $0x8;
	s23 =	sadd.s32 $0x75200, s0;
	[dreg:$0xa] =	wrdreg s6  }
0x17: {  	s18 =	simm.s32 $0x380;
	s0 =	sadd.s32 $0x89200, s0;
	[dreg:$0xb] =	wrdreg s23  }
0x18: {  	s25 =	smax.u32 s8, $0x1;
	s26 =	simm.s32 $0x1;
	[dreg:$0xd] =	wrdreg s0  }
0x19: {  	s8 =	simm.s32 $0x4;
	s19 =	simm.s32 $0x5;
	[dreg:$0xe] =	wrdreg s25  }
0x1a: {  	s22 =	simm.s32 $0x9;
	s23 =	simm.s32 $0x100;
	s25 =	simm.s32 $0x300  }
0x1b: {  	s0 =	simm.s32 $0x4400;
	s20 =	simm.s32 $0x6;
	s6 =	simm.s32 $0x180  }
.LBB2_1:
0x1c: {  	[dreg:$0x10] =	wrdreg s9  }
0x1d: {  	s7 =	rddreg [dreg:$0x4]  }
0x1e: {  	s9 =	rddreg [dreg:$0xf]  }
0x1f: {  	[spmem:s9], [sflag:s21] =	dma.local [hbm:s7], $0x1400  }
0x20: {  	_ =	swait.ge [sflag:s22], $0x1400  }
0x21: {  	s9 =	rddreg [dreg:$0x6]  }
0x22: {  	[sflag:s22] =	ssyncset.done $0x0;
	s9 =	sshrl.u32 s9, $0x3  }
0x23: {  	[sflag:s22] =	ssyncadd.s32 $0xFFFFEC00;
	[dreg:$0x11] =	wrdreg s9  }
0x24: {  	[spmem:s9], [sflag:s21] =	dma.local [hbm:s7], $0x1400  }
0x25: {  	_ =	swait.ge [sflag:s22], $0x1400  }
0x26: {  	[sflag:s22] =	ssyncset.done $0x0  }
0x27: {  	s9 =	rddreg [dreg:$0x7];
	[sflag:s22] =	ssyncadd.s32 $0xFFFFEC00  }
0x28: {  	[tilespmem:s4], [sflag:$0x1] =	stream.linear.gather [hbm4b:s9+s4], $0x100, $0x38;
	[tilespmem:$0x1C400] =	vst v63  }
0x29: {  	s21 =	rddreg [dreg:$0x8]  }
0x2a: {  	[tilespmem:s23], [sflag:$0x2] =	stream.linear.gather [hbm4b:s21+s4], $0x100, $0x38;
	[tilespmem:$0x1C400] =	vst v63  }
0x2b: {  	s9 =	rddreg [dreg:$0x9]  }
0x2c: {  	[tilespmem:s24], [sflag:$0x3] =	stream.linear.gather [hbm4b:s9+s4], $0x100, $0x38;
	[tilespmem:$0x1C400] =	vst v63  }
0x2d: {  	s21 =	rddreg [dreg:$0xa]  }
0x2e: {  	[tilespmem:s25], [sflag:$0x4] =	stream.linear.gather [hbm4b:s21+s4], $0x100, $0x38;
	[tilespmem:$0x1C400] =	vst v63  }
0x2f: {  	[bflag:$0x0] =	sbarrier.arrive $0xFFFF  }
0x30: {  	_ =	swait.ge [sflag:s26], $0x100  }
0x31: {  	[sflag:s26] =	ssyncset.done $0x0  }
0x32: {  	[sflag:s26] =	ssyncadd.s32 $0xFFFFFF00  }
0x33: {  	[tilespmem:s29], [sflag:$0x5] =	stream.indirect.gather [spmem:s2], $0x40, s4, s28, $0xb8;
	[tilespmem:$0x1C400] =	vst v63  }
0x34: {  	_ =	swait.ge [sflag:s30], $0x100  }
0x35: {  	[sflag:s30] =	ssyncset.done $0x0  }
0x36: {  	[sflag:s30] =	ssyncadd.s32 $0xFFFFFF00  }
0x37: {  	[tilespmem:s31], [sflag:$0x6] =	stream.indirect.gather [spmem:s2], $0x40, s23, s28, $0xb8;
	[tilespmem:$0x1C400] =	vst v63  }
0x38: {  	_ =	swait.ge [sflag:s1], $0x100  }
0x39: {  	[sflag:s1] =	ssyncset.done $0x0  }
0x3a: {  	[sflag:s1] =	ssyncadd.s32 $0xFFFFFF00  }
0x3b: {  	[tilespmem:s0], [sflag:$0x7] =	stream.indirect.gather [spmem:s2], $0x40, s24, s28, $0xb8;
	[tilespmem:$0x1C400] =	vst v63  }
0x3c: {  	_ =	swait.ge [sflag:s8], $0x100  }
0x3d: {  	[sflag:s8] =	ssyncset.done $0x0  }
0x3e: {  	[sflag:s8] =	ssyncadd.s32 $0xFFFFFF00  }
0x3f: {  	[tilespmem:s17], [sflag:$0x8] =	stream.indirect.gather [spmem:s2], $0x40, s25, s28, $0xb8;
	[tilespmem:$0x1C400] =	vst v63  }
0x40: {  	_ =	swait.ge [sflag:s19], $0x2000  }
0x41: {  	[sflag:s19] =	ssyncset.done $0x0  }
0x42: {  	s9 =	smin.u32 s4, $0x4B;
	[sflag:s19] =	ssyncadd.s32 $0xFFFFE000  }
0x43: {  	[spmem:s3] =	stream.indirect.scatter.add.f32 [tilespmem:s29], [sflag:$0x9], $0x40, s28, s28, $0xb8;
	[tilespmem:$0x1C400] =	vst v63  }
0x44: {  	s7 =	sadd.s32 s9, s13;
	_ =	swait.ge [sflag:s22], $0x2000  }
0x45: {  	s7 =	sshll.u32 s7, $0x5;
	[sflag:s22] =	ssyncset.done $0x0  }
0x46: {  	s7 =	sadd.s32 s5, s7;
	[sflag:s22] =	ssyncadd.s32 $0xFFFFE000  }
0x47: {  	[tilespmem:s4], [sflag:$0x1] =	stream.linear.gather [hbm4b:s7+s4], $0x100, $0x38;
	[tilespmem:$0x1C400] =	vst v63  }
0x48: {  	_ =	swait.ge [sflag:s26], $0x100  }
0x49: {  	[sflag:s26] =	ssyncset.done $0x0  }
0x4a: {  	[sflag:s26] =	ssyncadd.s32 $0xFFFFFF00  }
0x4b: {  	[tilespmem:s29], [sflag:$0x5] =	stream.indirect.gather [spmem:s2], $0x40, s4, s28, $0xb8;
	[tilespmem:$0x1C400] =	vst v63  }
0x4c: {  	_ =	swait.ge [sflag:s20], $0x2000  }
0x4d: {  	[sflag:s20] =	ssyncset.done $0x0  }
0x4e: {  	s21 =	smin.u32 s4, $0x4A;
	[sflag:s20] =	ssyncadd.s32 $0xFFFFE000  }
0x4f: {  	[spmem:s3] =	stream.indirect.scatter.add.f32 [tilespmem:s31], [sflag:$0x9], $0x40, s6, s28, $0xb8;
	[tilespmem:$0x1C400] =	vst v63  }
0x50: {  	s7 =	sadd.s32 s21, s14;
	_ =	swait.ge [sflag:s22], $0x2000  }
0x51: {  	s7 =	sshll.u32 s7, $0x5;
	[sflag:s22] =	ssyncset.done $0x0  }
0x52: {  	s7 =	sadd.s32 s5, s7;
	[sflag:s22] =	ssyncadd.s32 $0xFFFFE000  }
0x53: {  	[tilespmem:s23], [sflag:$0x2] =	stream.linear.gather [hbm4b:s7+s4], $0x100, $0x38;
	[tilespmem:$0x1C400] =	vst v63  }
0x54: {  	_ =	swait.ge [sflag:s30], $0x100  }
0x55: {  	[sflag:s30] =	ssyncset.done $0x0  }
0x56: {  	[sflag:s30] =	ssyncadd.s32 $0xFFFFFF00  }
0x57: {  	[tilespmem:s31], [sflag:$0x6] =	stream.indirect.gather [spmem:s2], $0x40, s23, s28, $0xb8;
	[tilespmem:$0x1C400] =	vst v63  }
0x58: {  	_ =	swait.ge [sflag:s10], $0x2000  }
0x59: {  	[sflag:s10] =	ssyncset.done $0x0  }
0x5a: {  	s9 =	smin.u32 s4, $0x49;
	[sflag:s10] =	ssyncadd.s32 $0xFFFFE000  }
0x5b: {  	[spmem:s3] =	stream.indirect.scatter.add.f32 [tilespmem:s0], [sflag:$0x9], $0x40, s11, s28, $0xb8;
	[tilespmem:$0x1C400] =	vst v63  }
0x5c: {  	s7 =	sadd.s32 s9, s15;
	_ =	swait.ge [sflag:s22], $0x2000  }
0x5d: {  	s7 =	sshll.u32 s7, $0x5;
	[sflag:s22] =	ssyncset.done $0x0  }
0x5e: {  	s7 =	sadd.s32 s5, s7;
	[sflag:s22] =	ssyncadd.s32 $0xFFFFE000  }
0x5f: {  	[tilespmem:s24], [sflag:$0x3] =	stream.linear.gather [hbm4b:s7+s4], $0x100, $0x38;
	[tilespmem:$0x1C400] =	vst v63  }
0x60: {  	_ =	swait.ge [sflag:s1], $0x100  }
0x61: {  	[sflag:s1] =	ssyncset.done $0x0  }
0x62: {  	[sflag:s1] =	ssyncadd.s32 $0xFFFFFF00  }
0x63: {  	[tilespmem:s0], [sflag:$0x7] =	stream.indirect.gather [spmem:s2], $0x40, s24, s28, $0xb8;
	[tilespmem:$0x1C400] =	vst v63  }
0x64: {  	_ =	swait.ge [sflag:s12], $0x2000  }
0x65: {  	[sflag:s12] =	ssyncset.done $0x0  }
0x66: {  	s21 =	smin.u32 s4, $0x48;
	[sflag:s12] =	ssyncadd.s32 $0xFFFFE000  }
0x67: {  	[spmem:s3] =	stream.indirect.scatter.add.f32 [tilespmem:s17], [sflag:$0x9], $0x40, s18, s28, $0xb8;
	[tilespmem:$0x1C400] =	vst v63  }
0x68: {  	s7 =	sadd.s32 s21, s16;
	_ =	swait.ge [sflag:s22], $0x2000  }
0x69: {  	s7 =	sshll.u32 s7, $0x5;
	[sflag:s22] =	ssyncset.done $0x0  }
0x6a: {  	s9 =	simm.s32 $0x4;
	s7 =	sadd.s32 s5, s7;
	[sflag:s22] =	ssyncadd.s32 $0xFFFFE000  }
.LBB2_2:
0x6b: {  	[tilespmem:s25], [sflag:$0x4] =	stream.linear.gather [hbm4b:s7+s4], $0x100, $0x38;
	[tilespmem:$0x1C400] =	vst v63  }
0x6c: {  	s7 =	smov.u32 s9  }
0x6d: {  	p0 =	sne.s32 s9, $0x4C;
	s9 =	sadd.s32 $0x4, s9;
	_ =	swait.ge [sflag:s8], $0x100  }
0x6e: {  	[sflag:s8] =	ssyncset.done $0x0  }
0x6f: {  	[sflag:s8] =	ssyncadd.s32 $0xFFFFFF00  }
0x70: {  	[tilespmem:s17], [sflag:$0x8] =	stream.indirect.gather [spmem:s2], $0x40, s25, s28, $0xb8;
	[tilespmem:$0x1C400] =	vst v63  }
0x71: {  	_ =	swait.ge [sflag:s19], $0x2000  }
0x72: {  	[sflag:s19] =	ssyncset.done $0x0  }
0x73: {  	s21 =	smin.u32 s7, $0x4B;
	[sflag:s19] =	ssyncadd.s32 $0xFFFFE000  }
0x74: {  	[spmem:s3] =	stream.indirect.scatter.add.f32 [tilespmem:s29], [sflag:$0x9], $0x40, s28, s28, $0xb8;
	[tilespmem:$0x1C400] =	vst v63  }
0x75: {  	s21 =	sadd.s32 s21, s13;
	_ =	swait.ge [sflag:s22], $0x2000  }
0x76: {  	s21 =	sshll.u32 s21, $0x5;
	[sflag:s22] =	ssyncset.done $0x0  }
0x77: {  	s21 =	sadd.s32 s5, s21;
	[sflag:s22] =	ssyncadd.s32 $0xFFFFE000  }
0x78: {  	[tilespmem:s4], [sflag:$0x1] =	stream.linear.gather [hbm4b:s21+s4], $0x100, $0x38;
	[tilespmem:$0x1C400] =	vst v63  }
0x79: {  	_ =	swait.ge [sflag:s26], $0x100  }
0x7a: {  	[sflag:s26] =	ssyncset.done $0x0  }
0x7b: {  	[sflag:s26] =	ssyncadd.s32 $0xFFFFFF00  }
0x7c: {  	[tilespmem:s29], [sflag:$0x5] =	stream.indirect.gather [spmem:s2], $0x40, s4, s28, $0xb8;
	[tilespmem:$0x1C400] =	vst v63  }
0x7d: {  	_ =	swait.ge [sflag:s20], $0x2000  }
0x7e: {  	[sflag:s20] =	ssyncset.done $0x0  }
0x7f: {  	s21 =	smin.u32 s7, $0x4A;
	[sflag:s20] =	ssyncadd.s32 $0xFFFFE000  }
0x80: {  	[spmem:s3] =	stream.indirect.scatter.add.f32 [tilespmem:s31], [sflag:$0x9], $0x40, s6, s28, $0xb8;
	[tilespmem:$0x1C400] =	vst v63  }
0x81: {  	s21 =	sadd.s32 s21, s14;
	_ =	swait.ge [sflag:s22], $0x2000  }
0x82: {  	s21 =	sshll.u32 s21, $0x5;
	[sflag:s22] =	ssyncset.done $0x0  }
0x83: {  	s21 =	sadd.s32 s5, s21;
	[sflag:s22] =	ssyncadd.s32 $0xFFFFE000  }
0x84: {  	[tilespmem:s23], [sflag:$0x2] =	stream.linear.gather [hbm4b:s21+s4], $0x100, $0x38;
	[tilespmem:$0x1C400] =	vst v63  }
0x85: {  	_ =	swait.ge [sflag:s30], $0x100  }
0x86: {  	[sflag:s30] =	ssyncset.done $0x0  }
0x87: {  	[sflag:s30] =	ssyncadd.s32 $0xFFFFFF00  }
0x88: {  	[tilespmem:s31], [sflag:$0x6] =	stream.indirect.gather [spmem:s2], $0x40, s23, s28, $0xb8;
	[tilespmem:$0x1C400] =	vst v63  }
0x89: {  	_ =	swait.ge [sflag:s10], $0x2000  }
0x8a: {  	[sflag:s10] =	ssyncset.done $0x0  }
0x8b: {  	s21 =	smin.u32 s7, $0x49;
	[sflag:s10] =	ssyncadd.s32 $0xFFFFE000  }
0x8c: {  	[spmem:s3] =	stream.indirect.scatter.add.f32 [tilespmem:s0], [sflag:$0x9], $0x40, s11, s28, $0xb8;
	[tilespmem:$0x1C400] =	vst v63  }
0x8d: {  	s21 =	sadd.s32 s21, s15;
	_ =	swait.ge [sflag:s22], $0x2000  }
0x8e: {  	s21 =	sshll.u32 s21, $0x5;
	[sflag:s22] =	ssyncset.done $0x0  }
0x8f: {  	s21 =	sadd.s32 s5, s21;
	[sflag:s22] =	ssyncadd.s32 $0xFFFFE000  }
0x90: {  	[tilespmem:s24], [sflag:$0x3] =	stream.linear.gather [hbm4b:s21+s4], $0x100, $0x38;
	[tilespmem:$0x1C400] =	vst v63  }
0x91: {  	_ =	swait.ge [sflag:s1], $0x100  }
0x92: {  	[sflag:s1] =	ssyncset.done $0x0  }
0x93: {  	[sflag:s1] =	ssyncadd.s32 $0xFFFFFF00  }
0x94: {  	[tilespmem:s0], [sflag:$0x7] =	stream.indirect.gather [spmem:s2], $0x40, s24, s28, $0xb8;
	[tilespmem:$0x1C400] =	vst v63  }
0x95: {  	_ =	swait.ge [sflag:s12], $0x2000  }
0x96: {  	[sflag:s12] =	ssyncset.done $0x0  }
.Ltmp0:
0x97: {  	s7 =	smin.u32 s7, $0x48;
	[sflag:s12] =	ssyncadd.s32 $0xFFFFE000;
	(pc) =	sbr.rel @p0 .LBB2_2-.Ltmp0, $4  }
0x98: {  	[spmem:s3] =	stream.indirect.scatter.add.f32 [tilespmem:s17], [sflag:$0x9], $0x40, s18, s28, $0xb8;
	[tilespmem:$0x1C400] =	vst v63  }
0x99: {  	s7 =	sadd.s32 s7, s16;
	_ =	swait.ge [sflag:s22], $0x2000  }
0x9a: {  	s7 =	sshll.u32 s7, $0x5;
	[sflag:s22] =	ssyncset.done $0x0  }
0x9b: {  	s7 =	sadd.s32 s5, s7;
	[sflag:s22] =	ssyncadd.s32 $0xFFFFE000  }
0x9c: {  	[tilespmem:s25], [sflag:$0x4] =	stream.linear.gather [hbm4b:s7+s4], $0x100, $0x38;
	[tilespmem:$0x1C400] =	vst v63  }
0x9d: {  	_ =	swait.ge [sflag:s8], $0x100  }
0x9e: {  	[sflag:s8] =	ssyncset.done $0x0  }
0x9f: {  	[sflag:s8] =	ssyncadd.s32 $0xFFFFFF00  }
0xa0: {  	_ =	swait.ge [sflag:s19], $0x2000  }
0xa1: {  	[sflag:s19] =	ssyncset.done $0x0  }
0xa2: {  	[sflag:s19] =	ssyncadd.s32 $0xFFFFE000  }
0xa3: {  	_ =	swait.ge [sflag:s20], $0x2000  }
0xa4: {  	[sflag:s20] =	ssyncset.done $0x0  }
0xa5: {  	[sflag:s20] =	ssyncadd.s32 $0xFFFFE000  }
0xa6: {  	_ =	swait.ge [sflag:s10], $0x2000  }
0xa7: {  	[sflag:s10] =	ssyncset.done $0x0  }
0xa8: {  	[sflag:s10] =	ssyncadd.s32 $0xFFFFE000  }
0xa9: {  	[bflag:$0x0] =	sbarrier.arrive $0xFFFF  }
0xaa: {  	s7 =	rddreg [dreg:$0x5]  }
0xab: {  	s9 =	rddreg [dreg:$0xb]  }
0xac: {  	s21 =	rddreg [dreg:$0x11]  }
0xad: {  	[hbm:s9], [sflag:s7] =	dma.local [spmem:s21], $0x1400  }
0xae: {  	_ =	swait.ge [sflag:s22], $0x1400  }
0xaf: {  	[sflag:s22] =	ssyncset.done $0x0;
	s9 =	rddreg [dreg:$0xc]  }
0xb0: {  	s21 =	rddreg [dreg:$0xf];
	[sflag:s22] =	ssyncadd.s32 $0xFFFFEC00  }
0xb1: {  	[spmem:s21], [sflag:s7] =	dma.local [hbm:s9], $0x1400  }
0xb2: {  	_ =	swait.ge [sflag:s22], $0x1400  }
0xb3: {  	[sflag:s22] =	ssyncset.done $0x0  }
0xb4: {  	s21 =	rddreg [dreg:$0x11];
	[sflag:s22] =	ssyncadd.s32 $0xFFFFEC00  }
0xb5: {  	[spmem:s21], [sflag:s7] =	dma.local [hbm:s9], $0x1400  }
0xb6: {  	_ =	swait.ge [sflag:s22], $0x1400  }
0xb7: {  	[sflag:s22] =	ssyncset.done $0x0  }
0xb8: {  	s7 =	simm.s32 $0x0;
	s21 =	rddreg [dreg:$0x7];
	[sflag:s22] =	ssyncadd.s32 $0xFFFFEC00  }
0xb9: {  	[tilespmem:s7], [sflag:$0x1] =	stream.linear.gather [hbm4b:s21+s7], $0x100, $0x38;
	[tilespmem:$0x1C400] =	vst v63  }
0xba: {  	s21 =	rddreg [dreg:$0x8]  }
0xbb: {  	[tilespmem:s23], [sflag:$0x2] =	stream.linear.gather [hbm4b:s21+s7], $0x100, $0x38;
	[tilespmem:$0x1C400] =	vst v63  }
0xbc: {  	s21 =	rddreg [dreg:$0x9]  }
0xbd: {  	[tilespmem:s24], [sflag:$0x3] =	stream.linear.gather [hbm4b:s21+s7], $0x100, $0x38;
	[tilespmem:$0x1C400] =	vst v63  }
0xbe: {  	s21 =	rddreg [dreg:$0xa]  }
0xbf: {  	[tilespmem:s25], [sflag:$0x4] =	stream.linear.gather [hbm4b:s21+s7], $0x100, $0x38;
	[tilespmem:$0x1C400] =	vst v63  }
0xc0: {  	[bflag:$0x0] =	sbarrier.arrive $0xFFFF  }
0xc1: {  	_ =	swait.ge [sflag:s26], $0x100  }
0xc2: {  	[sflag:s26] =	ssyncset.done $0x0  }
0xc3: {  	[sflag:s26] =	ssyncadd.s32 $0xFFFFFF00  }
0xc4: {  	[tilespmem:s29], [sflag:$0x5] =	stream.indirect.gather [spmem:s2], $0x40, s7, s28, $0xb8;
	[tilespmem:$0x1C400] =	vst v63  }
0xc5: {  	_ =	swait.ge [sflag:s30], $0x100  }
0xc6: {  	[sflag:s30] =	ssyncset.done $0x0  }
0xc7: {  	[sflag:s30] =	ssyncadd.s32 $0xFFFFFF00  }
0xc8: {  	[tilespmem:s31], [sflag:$0x6] =	stream.indirect.gather [spmem:s2], $0x40, s23, s28, $0xb8;
	[tilespmem:$0x1C400] =	vst v63  }
0xc9: {  	_ =	swait.ge [sflag:s1], $0x100  }
0xca: {  	[sflag:s1] =	ssyncset.done $0x0  }
0xcb: {  	[sflag:s1] =	ssyncadd.s32 $0xFFFFFF00  }
0xcc: {  	[tilespmem:s0], [sflag:$0x7] =	stream.indirect.gather [spmem:s2], $0x40, s24, s28, $0xb8;
	[tilespmem:$0x1C400] =	vst v63  }
0xcd: {  	_ =	swait.ge [sflag:s8], $0x100  }
0xce: {  	[sflag:s8] =	ssyncset.done $0x0  }
0xcf: {  	[sflag:s8] =	ssyncadd.s32 $0xFFFFFF00  }
0xd0: {  	[tilespmem:s17], [sflag:$0x8] =	stream.indirect.gather [spmem:s2], $0x40, s25, s28, $0xb8;
	[tilespmem:$0x1C400] =	vst v63  }
0xd1: {  	_ =	swait.ge [sflag:s19], $0x2000  }
0xd2: {  	[sflag:s19] =	ssyncset.done $0x0  }
0xd3: {  	s21 =	smin.u32 s7, $0x4B;
	[sflag:s19] =	ssyncadd.s32 $0xFFFFE000  }
0xd4: {  	[spmem:s3] =	stream.indirect.scatter.add.f32 [tilespmem:s29], [sflag:$0x9], $0x40, s28, s28, $0xb8;
	[tilespmem:$0x1C400] =	vst v63  }
0xd5: {  	s9 =	sadd.s32 s21, s13;
	_ =	swait.ge [sflag:s22], $0x2000  }
0xd6: {  	s9 =	sshll.u32 s9, $0x5;
	[sflag:s22] =	ssyncset.done $0x0  }
0xd7: {  	s9 =	sadd.s32 s5, s9;
	[sflag:s22] =	ssyncadd.s32 $0xFFFFE000  }
0xd8: {  	[tilespmem:s4], [sflag:$0x1] =	stream.linear.gather [hbm4b:s9+s4], $0x100, $0x38;
	[tilespmem:$0x1C400] =	vst v63  }
0xd9: {  	_ =	swait.ge [sflag:s26], $0x100  }
0xda: {  	[sflag:s26] =	ssyncset.done $0x0  }
0xdb: {  	[sflag:s26] =	ssyncadd.s32 $0xFFFFFF00  }
0xdc: {  	[tilespmem:s29], [sflag:$0x5] =	stream.indirect.gather [spmem:s2], $0x40, s4, s28, $0xb8;
	[tilespmem:$0x1C400] =	vst v63  }
0xdd: {  	_ =	swait.ge [sflag:s20], $0x2000  }
0xde: {  	[sflag:s20] =	ssyncset.done $0x0  }
0xdf: {  	s21 =	smin.u32 s7, $0x4A;
	[sflag:s20] =	ssyncadd.s32 $0xFFFFE000  }
0xe0: {  	[spmem:s3] =	stream.indirect.scatter.add.f32 [tilespmem:s31], [sflag:$0x9], $0x40, s6, s28, $0xb8;
	[tilespmem:$0x1C400] =	vst v63  }
0xe1: {  	s9 =	sadd.s32 s21, s14;
	_ =	swait.ge [sflag:s22], $0x2000  }
0xe2: {  	s9 =	sshll.u32 s9, $0x5;
	[sflag:s22] =	ssyncset.done $0x0  }
0xe3: {  	s9 =	sadd.s32 s5, s9;
	[sflag:s22] =	ssyncadd.s32 $0xFFFFE000  }
0xe4: {  	[tilespmem:s23], [sflag:$0x2] =	stream.linear.gather [hbm4b:s9+s4], $0x100, $0x38;
	[tilespmem:$0x1C400] =	vst v63  }
0xe5: {  	_ =	swait.ge [sflag:s30], $0x100  }
0xe6: {  	[sflag:s30] =	ssyncset.done $0x0  }
0xe7: {  	[sflag:s30] =	ssyncadd.s32 $0xFFFFFF00  }
0xe8: {  	[tilespmem:s31], [sflag:$0x6] =	stream.indirect.gather [spmem:s2], $0x40, s23, s28, $0xb8;
	[tilespmem:$0x1C400] =	vst v63  }
0xe9: {  	_ =	swait.ge [sflag:s10], $0x2000  }
0xea: {  	[sflag:s10] =	ssyncset.done $0x0  }
0xeb: {  	s21 =	smin.u32 s7, $0x49;
	[sflag:s10] =	ssyncadd.s32 $0xFFFFE000  }
0xec: {  	[spmem:s3] =	stream.indirect.scatter.add.f32 [tilespmem:s0], [sflag:$0x9], $0x40, s11, s28, $0xb8;
	[tilespmem:$0x1C400] =	vst v63  }
0xed: {  	s9 =	sadd.s32 s21, s15;
	_ =	swait.ge [sflag:s22], $0x2000  }
0xee: {  	s9 =	sshll.u32 s9, $0x5;
	[sflag:s22] =	ssyncset.done $0x0  }
0xef: {  	s9 =	sadd.s32 s5, s9;
	[sflag:s22] =	ssyncadd.s32 $0xFFFFE000  }
0xf0: {  	[tilespmem:s24], [sflag:$0x3] =	stream.linear.gather [hbm4b:s9+s4], $0x100, $0x38;
	[tilespmem:$0x1C400] =	vst v63  }
0xf1: {  	_ =	swait.ge [sflag:s1], $0x100  }
0xf2: {  	[sflag:s1] =	ssyncset.done $0x0  }
0xf3: {  	[sflag:s1] =	ssyncadd.s32 $0xFFFFFF00  }
0xf4: {  	[tilespmem:s0], [sflag:$0x7] =	stream.indirect.gather [spmem:s2], $0x40, s24, s28, $0xb8;
	[tilespmem:$0x1C400] =	vst v63  }
0xf5: {  	_ =	swait.ge [sflag:s12], $0x2000  }
0xf6: {  	[sflag:s12] =	ssyncset.done $0x0  }
0xf7: {  	s7 =	smin.u32 s7, $0x48;
	[sflag:s12] =	ssyncadd.s32 $0xFFFFE000  }
0xf8: {  	[spmem:s3] =	stream.indirect.scatter.add.f32 [tilespmem:s17], [sflag:$0x9], $0x40, s18, s28, $0xb8;
	[tilespmem:$0x1C400] =	vst v63  }
0xf9: {  	s7 =	sadd.s32 s7, s16;
	_ =	swait.ge [sflag:s22], $0x2000  }
0xfa: {  	s7 =	sshll.u32 s7, $0x5;
	[sflag:s22] =	ssyncset.done $0x0  }
0xfb: {  	s7 =	sadd.s32 s5, s7;
	s9 =	simm.s32 $0x4;
	[sflag:s22] =	ssyncadd.s32 $0xFFFFE000  }
.LBB2_4:
0xfc: {  	[tilespmem:s25], [sflag:$0x4] =	stream.linear.gather [hbm4b:s7+s4], $0x100, $0x38;
	[tilespmem:$0x1C400] =	vst v63  }
0xfd: {  	s7 =	smov.u32 s9  }
0xfe: {  	p0 =	sne.s32 s9, $0x4C;
	s9 =	sadd.s32 $0x4, s9;
	_ =	swait.ge [sflag:s8], $0x100  }
0xff: {  	[sflag:s8] =	ssyncset.done $0x0  }
0x100: {  	[sflag:s8] =	ssyncadd.s32 $0xFFFFFF00  }
0x101: {  	[tilespmem:s17], [sflag:$0x8] =	stream.indirect.gather [spmem:s2], $0x40, s25, s28, $0xb8;
	[tilespmem:$0x1C400] =	vst v63  }
0x102: {  	_ =	swait.ge [sflag:s19], $0x2000  }
0x103: {  	[sflag:s19] =	ssyncset.done $0x0  }
0x104: {  	s21 =	smin.u32 s7, $0x4B;
	[sflag:s19] =	ssyncadd.s32 $0xFFFFE000  }
0x105: {  	[spmem:s3] =	stream.indirect.scatter.add.f32 [tilespmem:s29], [sflag:$0x9], $0x40, s28, s28, $0xb8;
	[tilespmem:$0x1C400] =	vst v63  }
0x106: {  	s21 =	sadd.s32 s21, s13;
	_ =	swait.ge [sflag:s22], $0x2000  }
0x107: {  	s21 =	sshll.u32 s21, $0x5;
	[sflag:s22] =	ssyncset.done $0x0  }
0x108: {  	s21 =	sadd.s32 s5, s21;
	[sflag:s22] =	ssyncadd.s32 $0xFFFFE000  }
0x109: {  	[tilespmem:s4], [sflag:$0x1] =	stream.linear.gather [hbm4b:s21+s4], $0x100, $0x38;
	[tilespmem:$0x1C400] =	vst v63  }
0x10a: {  	_ =	swait.ge [sflag:s26], $0x100  }
0x10b: {  	[sflag:s26] =	ssyncset.done $0x0  }
0x10c: {  	[sflag:s26] =	ssyncadd.s32 $0xFFFFFF00  }
0x10d: {  	[tilespmem:s29], [sflag:$0x5] =	stream.indirect.gather [spmem:s2], $0x40, s4, s28, $0xb8;
	[tilespmem:$0x1C400] =	vst v63  }
0x10e: {  	_ =	swait.ge [sflag:s20], $0x2000  }
0x10f: {  	[sflag:s20] =	ssyncset.done $0x0  }
0x110: {  	s21 =	smin.u32 s7, $0x4A;
	[sflag:s20] =	ssyncadd.s32 $0xFFFFE000  }
0x111: {  	[spmem:s3] =	stream.indirect.scatter.add.f32 [tilespmem:s31], [sflag:$0x9], $0x40, s6, s28, $0xb8;
	[tilespmem:$0x1C400] =	vst v63  }
0x112: {  	s21 =	sadd.s32 s21, s14;
	_ =	swait.ge [sflag:s22], $0x2000  }
0x113: {  	s21 =	sshll.u32 s21, $0x5;
	[sflag:s22] =	ssyncset.done $0x0  }
0x114: {  	s21 =	sadd.s32 s5, s21;
	[sflag:s22] =	ssyncadd.s32 $0xFFFFE000  }
0x115: {  	[tilespmem:s23], [sflag:$0x2] =	stream.linear.gather [hbm4b:s21+s4], $0x100, $0x38;
	[tilespmem:$0x1C400] =	vst v63  }
0x116: {  	_ =	swait.ge [sflag:s30], $0x100  }
0x117: {  	[sflag:s30] =	ssyncset.done $0x0  }
0x118: {  	[sflag:s30] =	ssyncadd.s32 $0xFFFFFF00  }
0x119: {  	[tilespmem:s31], [sflag:$0x6] =	stream.indirect.gather [spmem:s2], $0x40, s23, s28, $0xb8;
	[tilespmem:$0x1C400] =	vst v63  }
0x11a: {  	_ =	swait.ge [sflag:s10], $0x2000  }
0x11b: {  	[sflag:s10] =	ssyncset.done $0x0  }
0x11c: {  	s21 =	smin.u32 s7, $0x49;
	[sflag:s10] =	ssyncadd.s32 $0xFFFFE000  }
0x11d: {  	[spmem:s3] =	stream.indirect.scatter.add.f32 [tilespmem:s0], [sflag:$0x9], $0x40, s11, s28, $0xb8;
	[tilespmem:$0x1C400] =	vst v63  }
0x11e: {  	s21 =	sadd.s32 s21, s15;
	_ =	swait.ge [sflag:s22], $0x2000  }
0x11f: {  	s21 =	sshll.u32 s21, $0x5;
	[sflag:s22] =	ssyncset.done $0x0  }
0x120: {  	s21 =	sadd.s32 s5, s21;
	[sflag:s22] =	ssyncadd.s32 $0xFFFFE000  }
0x121: {  	[tilespmem:s24], [sflag:$0x3] =	stream.linear.gather [hbm4b:s21+s4], $0x100, $0x38;
	[tilespmem:$0x1C400] =	vst v63  }
0x122: {  	_ =	swait.ge [sflag:s1], $0x100  }
0x123: {  	[sflag:s1] =	ssyncset.done $0x0  }
0x124: {  	[sflag:s1] =	ssyncadd.s32 $0xFFFFFF00  }
0x125: {  	[tilespmem:s0], [sflag:$0x7] =	stream.indirect.gather [spmem:s2], $0x40, s24, s28, $0xb8;
	[tilespmem:$0x1C400] =	vst v63  }
0x126: {  	_ =	swait.ge [sflag:s12], $0x2000  }
0x127: {  	[sflag:s12] =	ssyncset.done $0x0  }
.Ltmp1:
0x128: {  	s7 =	smin.u32 s7, $0x48;
	[sflag:s12] =	ssyncadd.s32 $0xFFFFE000;
	(pc) =	sbr.rel @p0 .LBB2_4-.Ltmp1, $4  }
0x129: {  	[spmem:s3] =	stream.indirect.scatter.add.f32 [tilespmem:s17], [sflag:$0x9], $0x40, s18, s28, $0xb8;
	[tilespmem:$0x1C400] =	vst v63  }
0x12a: {  	s7 =	sadd.s32 s7, s16;
	_ =	swait.ge [sflag:s22], $0x2000  }
0x12b: {  	s7 =	sshll.u32 s7, $0x5;
	[sflag:s22] =	ssyncset.done $0x0  }
0x12c: {  	s7 =	sadd.s32 s5, s7;
	[sflag:s22] =	ssyncadd.s32 $0xFFFFE000  }
0x12d: {  	[tilespmem:s25], [sflag:$0x4] =	stream.linear.gather [hbm4b:s7+s4], $0x100, $0x38;
	[tilespmem:$0x1C400] =	vst v63  }
0x12e: {  	_ =	swait.ge [sflag:s8], $0x100  }
0x12f: {  	[sflag:s8] =	ssyncset.done $0x0  }
0x130: {  	[sflag:s8] =	ssyncadd.s32 $0xFFFFFF00  }
0x131: {  	_ =	swait.ge [sflag:s19], $0x2000  }
0x132: {  	[sflag:s19] =	ssyncset.done $0x0  }
0x133: {  	[sflag:s19] =	ssyncadd.s32 $0xFFFFE000  }
0x134: {  	_ =	swait.ge [sflag:s20], $0x2000  }
0x135: {  	[sflag:s20] =	ssyncset.done $0x0  }
0x136: {  	[sflag:s20] =	ssyncadd.s32 $0xFFFFE000  }
0x137: {  	_ =	swait.ge [sflag:s10], $0x2000  }
0x138: {  	[sflag:s10] =	ssyncset.done $0x0  }
0x139: {  	[sflag:s10] =	ssyncadd.s32 $0xFFFFE000  }
0x13a: {  	[bflag:$0x0] =	sbarrier.arrive $0xFFFF  }
0x13b: {  	s21 =	rddreg [dreg:$0x5]  }
0x13c: {  	s7 =	rddreg [dreg:$0xd]  }
0x13d: {  	s9 =	rddreg [dreg:$0x11]  }
0x13e: {  	[hbm:s7], [sflag:s21] =	dma.local [spmem:s9], $0x1400  }
0x13f: {  	_ =	swait.ge [sflag:s22], $0x1400  }
0x140: {  	s7 =	rddreg [dreg:$0x10]  }
0x141: {  	s9 =	sadd.s32 $0x1, s7;
	s7 =	rddreg [dreg:$0xe]  }
0x142: {  	p0 =	sne.s32 s9, s7  }
.Ltmp2:
0x143: {  	_ = 	snop;
	(pc) =	sbr.rel @p0 .LBB2_1-.Ltmp2, $3  }
0x144: {  	_ =	sdelay $0x1  }
0x145: {  	[sflag:s22] =	ssyncset.done $0x0  }
0x146: {  	[sflag:s22] =	ssyncadd.s32 $0xFFFFEC00  }
0x147: {  	_ =	sfence.sel $0x180000  }
0x148: {  	[bflag:$0x0] =	sbarrier.arrive $0xFFFF  }
0x149: {  	_ =	strace $0x9000004A  }
0x14a: {  	s0 =	stileid.u32;
	[bflag:$0x2] =	sbarrier.arrive $0xFFFF  }
0x14b: {  	p0 =	sne.s32 s0, $0x0;
	s0 =	rddreg [dreg:$0x3]  }
0x14c: {  	s0 =	sadd.s32 @!p0 $0x100000, s0  }
0x14d: {  	[sflag:s0] =	ssyncadd.tile.s32 @!p0 $0x1;
	_ =	shalt  }
.Lfunc_end2:
_tile_overlayer_lowered:
.L_overlay_start_2:
0x14e: {  	(tag) =	ssettag $0x2  }
0x14f: {  	s0 =	rddreg [dreg:$0x0];
	s2 =	stileid.u32  }
0x150: {  	s1 =	rddreg [dreg:$0x1];
	p0 =	sne.s32 s2, $0x0  }
0x151: {  	s3 =	rddreg [dreg:$0x2];
	[bflag:$0x3] =	sbarrier.arrive $0xFFFF;
	s2 =	simm.s32 @!p0 $0x1C09  }
0x152: {  	[timem:s3], [sflag:s2] =	dma.local @!p0 [hbm:s0], s1  }
0x153: {  	s0 =	simm.s32 @!p0 $0x9  }
0x154: {  	_ =	swait.ge @!p0 [sflag:s0], s1  }
0x155: {  	s1 =	ssub.s32 @!p0 $0x0, s1;
	[sflag:s0] =	ssyncset.done @!p0 $0x0  }
0x156: {  	[sflag:s0] =	ssyncadd.s32 @!p0 s1  }
0x157: {  	[bflag:$0x3] =	sbarrier.arrive $0xFFFF  }
0x158: {  	_ =	shalt  }

// kernel: kernel.14.cloned.1.call-start
scs
__scs_entry_jumppad:
0x0: {  	(pc) =	sbr.rel $0x88, $3  }
0x1: {  	(tag) =	ssettag $0x0;
	lr =	simm.s32 $0x1  }
0x2: {  	[smem:$0x3F9B] =	sst lr;
	_ =	strace $0xD0000000  }
0x3: {  	_ = 	snop  }
0x4: {  	_ = 	snop  }
0x5: {  	_ = 	snop  }
0x6: {  	_ = 	snop  }
0x7: {  	_ = 	snop  }
__scs_overlays_trampoline_lowered:
0x8: {  	[smem:$0x3FAA] =	sst s0  }
0x9: {  	[smem:$0x3FAB] =	sst s1  }
0xa: {  	[smem:$0x3FAC] =	sst s2  }
0xb: {  	[smem:$0x3FAD] =	sst s3  }
0xc: {  	[smem:$0x3FAE] =	sst s4  }
0xd: {  	[smem:$0x3FAF] =	sst s5  }
0xe: {  	[smem:$0x3FB0] =	sst s6  }
0xf: {  	[smem:$0x3FB1] =	sst s7  }
0x10: {  	[smem:$0x3FB2] =	sst s8  }
0x11: {  	[smem:$0x3FB3] =	sst s9;
	s0 =	simm.s32 @!p0 $0x0  }
0x12: {  	s1 =	sld [smem:$0x3F99];
	s0 =	simm.s32 @p0 $0x1  }
0x13: {  	[smem:$0x3FB4] =	sst s0;
	s0 =	simm.s32 @!p1 $0x0  }
0x14: {  	s2 =	sld [smem:$0x3F98];
	s0 =	simm.s32 @p1 $0x1  }
0x15: {  	[smem:$0x3FB5] =	sst s0;
	s0 =	simm.s32 @!p2 $0x0  }
0x16: {  	s3 =	sld [smem:$0x3FDB];
	s0 =	simm.s32 @p2 $0x1  }
0x17: {  	s4 =	simm.s32 $0x1BF5;
	[smem:$0x3FB7] =	sst s0  }
0x18: {  	s0 =	sld [smem:$0x3F9A];
	_ =	swait.ge [sflag:s4], $0x0  }
0x19: {  	s7 =	sld [smem:$0x3F9B]  }
0x1a: {  	s8 =	sadd.s32 $0xFFFFE003, lr  }
0x1b: {  	s9 =	sadd.s32 $0xFFFFFEF7, lr;
	s5 =	simm.s32 $0xFFFFFFFF;
	p2 =	slt.u32 s8, $0xFFFFF086  }
0x1c: {  	p1 =	slt.u32 s9, $0xF7A;
	s5 =	simm.s32 @!p2 $0x0  }
0x1d: {  	s5 =	simm.s32 @p1 $0x1;
	p0 =	seq.s32 s7, s2  }
0x1e: {  	s7 =	smul.u32 @!p0 $0xF7A, s2;
	p2 =	seq.s32 @!p0 s5, $0x0  }
0x1f: {  	s9 =	smul.u32 $0xF7A, s1;
	s8 =	simm.s32 @!p0 $0x1BF5;
	p2 =	por !p2, p0  }
0x20: {  	[sflag:s8] =	ssyncset.s32 @!p0 $0xFFFFF086;
	s6 =	sadd.s32 @!p0 s3, s7;
	s7 =	simm.s32 @!p0 $0x108  }
0x21: {  	s3 =	sadd.s32 s3, s9;
	s6 =	sadd.s32 @!p0 $0x88, s6;
	s7 =	simm.s32 @p2 $0x1082  }
0x22: {  	[simem:s7], [sflag:s8] =	dma.local @!p0 [hbm:s6], $0xF7A  }
0x23: {  	s9 =	sor.u32 $0xD0000000, s2;
	s6 =	simm.s32 $0x108;
	_ =	swait.ge @!p0 [sflag:s8], $0x0  }
0x24: {  	s3 =	sadd.s32 $0x88, s3;
	s6 =	simm.s32 @!p1 $0x1082;
	[sflag:s4] =	ssyncset.s32 $0xFFFFF086  }
0x25: {  	[simem:s6], [sflag:s4] =	dma.local [hbm:s3], $0xF7A  }
0x26: {  	[smem:$0x3F9B] =	sst s1;
	(tag) =	ssettag s2;
	_ =	strace s9  }
0x27: {  	s1 =	sld [smem:$0x3FAB]  }
0x28: {  	s2 =	sld [smem:$0x3FAC]  }
0x29: {  	s4 =	sld [smem:$0x3FAE]  }
0x2a: {  	p0 =	seq.s32 s5, $0x0;
	s5 =	sld [smem:$0x3FAF]  }
0x2b: {  	s6 =	sld [smem:$0x3FB0]  }
0x2c: {  	s7 =	sld [smem:$0x3FB1]  }
0x2d: {  	s3 =	simm.s32 $0x108;
	s8 =	sld [smem:$0x3FB2]  }
0x2e: {  	s3 =	simm.s32 @!p0 $0x1082;
	s9 =	sld [smem:$0x3FB3]  }
0x2f: {  	lr =	sadd.s32 s0, s3;
	s0 =	sld [smem:$0x3FAA]  }
0x30: {  	s3 =	sld [smem:$0x3FAD]  }
0x31: {  	[smem:$0x3FB6] =	sst s10  }
0x32: {  	s10 =	sld [smem:$0x3FB4];
	_ =	sdelay $0x3  }
0x33: {  	p0 =	seq.s32 s10, $0x1;
	s10 =	sld [smem:$0x3FB6];
	_ =	sdelay $0x3  }
0x34: {  	[smem:$0x3FB6] =	sst s10  }
0x35: {  	s10 =	sld [smem:$0x3FB5];
	_ =	sdelay $0x3  }
0x36: {  	p1 =	seq.s32 s10, $0x1;
	s10 =	sld [smem:$0x3FB6];
	_ =	sdelay $0x3  }
0x37: {  	[smem:$0x3FB6] =	sst s10  }
0x38: {  	s10 =	sld [smem:$0x3FB7]  }
0x39: {  	_ = 	snop;
	(pc) =	sbr.ind lr, $3  }
0x3a: {  	_ = 	snop  }
0x3b: {  	_ = 	snop  }
0x3c: {  	p2 =	seq.s32 s10, $0x1;
	s10 =	sld [smem:$0x3FB6]  }
0x3d: {  	_ =	shalt  }
0x3e: {  	_ =	shalt  }
0x3f: {  	_ =	shalt  }
0x40: {  	_ =	shalt  }
0x41: {  	_ =	shalt  }
0x42: {  	_ =	shalt  }
0x43: {  	_ =	shalt  }
0x44: {  	_ =	shalt  }
0x45: {  	_ =	shalt  }
0x46: {  	_ =	shalt  }
0x47: {  	_ =	shalt  }
0x48: {  	_ =	shalt  }
0x49: {  	_ =	shalt  }
0x4a: {  	_ =	shalt  }
0x4b: {  	_ =	shalt  }
0x4c: {  	_ =	shalt  }
0x4d: {  	_ =	shalt  }
0x4e: {  	_ =	shalt  }
0x4f: {  	_ =	shalt  }
0x50: {  	_ =	shalt  }
0x51: {  	_ =	shalt  }
0x52: {  	_ =	shalt  }
0x53: {  	_ =	shalt  }
0x54: {  	_ =	shalt  }
0x55: {  	_ =	shalt  }
0x56: {  	_ =	shalt  }
0x57: {  	_ =	shalt  }
0x58: {  	_ =	shalt  }
0x59: {  	_ =	shalt  }
0x5a: {  	_ =	shalt  }
0x5b: {  	_ =	shalt  }
0x5c: {  	_ =	shalt  }
0x5d: {  	_ =	shalt  }
0x5e: {  	_ =	shalt  }
0x5f: {  	_ =	shalt  }
0x60: {  	_ =	shalt  }
0x61: {  	_ =	shalt  }
0x62: {  	_ =	shalt  }
0x63: {  	_ =	shalt  }
0x64: {  	_ =	shalt  }
0x65: {  	_ =	shalt  }
0x66: {  	_ =	shalt  }
0x67: {  	_ =	shalt  }
0x68: {  	_ =	shalt  }
0x69: {  	_ =	shalt  }
0x6a: {  	_ =	shalt  }
0x6b: {  	_ =	shalt  }
0x6c: {  	_ =	shalt  }
0x6d: {  	_ =	shalt  }
0x6e: {  	_ =	shalt  }
0x6f: {  	_ =	shalt  }
0x70: {  	_ =	shalt  }
0x71: {  	_ =	shalt  }
0x72: {  	_ =	shalt  }
0x73: {  	_ =	shalt  }
0x74: {  	_ =	shalt  }
0x75: {  	_ =	shalt  }
0x76: {  	_ =	shalt  }
0x77: {  	_ =	shalt  }
0x78: {  	_ =	shalt  }
0x79: {  	_ =	shalt  }
0x7a: {  	_ =	shalt  }
0x7b: {  	_ =	shalt  }
0x7c: {  	_ =	shalt  }
0x7d: {  	_ =	shalt  }
0x7e: {  	_ =	shalt  }
0x7f: {  	_ =	shalt  }
0x80: {  	_ =	shalt  }
0x81: {  	_ =	shalt  }
0x82: {  	_ =	shalt  }
0x83: {  	_ =	shalt  }
0x84: {  	_ =	shalt  }
0x85: {  	_ =	shalt  }
0x86: {  	_ =	shalt  }
0x87: {  	_ =	shalt  }
.Lfunc_end0:
.L_simem_size_0:
called_computation.2_lowered:
.L_overlay_start_0:
0x88: {  	s2 =	sld [smem:$0x3FD9]  }
0x89: {  	s3 =	sld [smem:$0x3FFE];
	_ =	sdelay $0x1  }
0x8a: {  	s1 =	srdreg.scid  }
0x8b: {  	s0 =	sand.u32 $0x1, s1  }
0x8c: {  	s16 =	sshll.u32 s0, $0xA;
	s2 =	sadd.s32 s3, s2  }
0x8d: {  	s2 =	sadd.s32 s2, s16  }
0x8e: {  	[smem:$0x3FC2] =	sst s2  }
0x8f: {  	_ = 	snop  }
0x90: {  	(tm) =	ssettm $0x1  }
0x91: {  	s17 =	sld [smem:$0x3FFB];
	_ =	sdelay $0x3  }
0x92: {  	_ =	strace s17  }
0x93: {  	s2 =	sld [smem:$0x3FFC];
	_ =	sdelay $0x3  }
0x94: {  	_ =	strace s2  }
0x95: {  	s2 =	sld [smem:$0x3FFD];
	_ =	sdelay $0x3  }
0x96: {  	_ =	strace s2  }
0x97: {  	_ =	strace $0x8FFFFFFF  }
0x98: {  	s18 =	sld [smem:$0x3FDB];
	_ =	sdelay $0x1  }
0x99: {  	s19 =	simm.s32 $_scs_section_size  }
0x9a: {  	s4 =	simm.s32 $_size__tile_overlayer_lowered;
	s5 =	simm.s32 $_tile_overlayer_lowered  }
0x9b: {  	s22 =	simm.s32 $0x1BFF;
	s21 =	sshll.u32 s5, $0x1;
	s2 =	sadd.s32 s19, s18  }
0x9c: {  	s6 =	simm.s32 $0x0;
	s20 =	sshll.u32 s4, $0x1;
	s4 =	sadd.s32 s21, s2  }
0x9d: {  	[timem:s6], [sflag:s22] =	dma.local [hbm:s4], s20  }
0x9e: {  	_ =	swait.ge [sflag:s22], s20  }
0x9f: {  	s3 =	ssub.s32 $0x0, s20;
	[sflag:s22] =	ssyncset.done $0x0  }
0xa0: {  	[sflag:s22] =	ssyncadd.s32 s3;
	_ =	sdelay $0x1  }
0xa1: {  	s23 =	simm.s32 $0x1B8B  }
0xa2: {  	_ =	swait.ge [sflag:s23], $0x1  }
0xa3: {  	[sflag:s23] =	ssyncset.done $0x0  }
0xa4: {  	s25 =	simm.s32 $0x1B8E;
	s24 =	sld [smem:$0x3FFE];
	[sflag:s23] =	ssyncadd.s32 $0xFFFFFFFF  }
0xa5: {  	s26 =	simm.s32 $execute0_lowered;
	[smem:$0x3FD2] =	sst s25  }
0xa6: {  	s4 =	sshll.u32 s26, $0x1;
	_ =	strace $0x8000004C;
	[dreg:$0x1] =	wrdreg $0xFFFFFFFF  }
0xa7: {  	s28 =	simm.s32 $_size_execute0_lowered;
	s2 =	sadd.s32 s2, s4;
	[dreg:$0x0] =	wrdreg $0x0  }
0xa8: {  	s4 =	sshll.u32 s28, $0x1;
	[dreg:$0x2] =	wrdreg s2  }
0xa9: {  	[dreg:$0x3] =	wrdreg s4  }
0xaa: {  	[dreg:$0x4] =	wrdreg $0xC0  }
0xab: {  	_ =	task [dreg:s6], $0x5FFFF  }
0xac: {  	[dreg:$0x1] =	wrdreg $0xFFFFFFFF  }
0xad: {  	[dreg:$0x0] =	wrdreg $0x60  }
0xae: {  	[dreg:$0x2] =	wrdreg s24  }
0xaf: {  	[dreg:$0x3] =	wrdreg $0x24000  }
0xb0: {  	[dreg:$0x4] =	wrdreg $0x4C000  }
0xb1: {  	[dreg:$0x5] =	wrdreg $0x9  }
0xb2: {  	_ =	task.clear_ibuf [dreg:s6], $0x6FFFF;
	_ =	strace $0x9000004C  }
0xb3: {  	s29 =	simm.s32 $0x9;
	_ =	strace $0x8000004E  }
0xb4: {  	_ =	swait.ge [sflag:s29], $0x1  }
0xb5: {  	[sflag:s29] =	ssyncadd.s32 $0xFFFFFFFF  }
0xb6: {  	_ =	strace $0x9000004E  }
0xb7: {  	_ =	sfence  }
0xb8: {  	s30 =	sld [smem:$0x0];
	_ =	sdelay $0x2  }
0xb9: {  	s31 =	sshll.u32 s1, $0xD;
	s1 =	sshrl.u32 s1, $0x2  }
0xba: {  	s3 =	sand.u32 $0x4000, s31;
	s1 =	sadd.s32 s1, s30  }
0xbb: {  	s0 =	sor.u32 s3, s0;
	s1 =	sshll.u32 s1, $0x11  }
0xbc: {  	s0 =	sor.u32 s1, s0  }
0xbd: {  	s0 =	sadd.s32 $0x8F2B, s0  }
0xbe: {  	[sflag:s0] =	ssyncadd.remote.s32 $0x1  }
0xbf: {  	_ =	sfence.sel $0xFFFF  }
0xc0: {  	[dreg:$0x0] =	wrdreg $0xFFFFFFFF;
	(pc) =	sbr.abs _section_cstart, $3  }
0xc1: {  	[dreg:$0x1] =	wrdreg $0xFFFFFFFF  }
0xc2: {  	_ =	task.clear_ibuf [dreg:s6], $0x2FFFF;
	_ =	strace $0x9FFFFFFF  }
0xc3: {  	(tm) =	ssettm $0x7FFFFFFF  }
tec
execute0_lowered:
.L_overlay_start_1:
0x0: {  	(tag) =	ssettag $0x1  }
0x1: {  	s0 =	rddreg [dreg:$0x0]  }
0x2: {  	s2 =	rddreg [dreg:$0x1];
	s11 =	stileid.u32  }
0x3: {  	s1 =	srdreg.scid;
	s3 =	rddreg [dreg:$0x2];
	s4 =	simm.s32 $0x0  }
0x4: {  	s24 =	simm.s32 $0x180;
	s25 =	simm.s32 $0x280;
	s26 =	simm.s32 $0x380  }
0x5: {  	s28 =	simm.s32 $0x4;
	s29 =	simm.s32 $0x1C00;
	s30 =	simm.s32 $0x5  }
0x6: {  	s31 =	simm.s32 $0x6;
	s8 =	smul.u32 $0x2800, s11;
	s1 =	sand.u32 $0x1, s1  }
0x7: {  	[smem:$0x7FF] =	sst s4;
	s9 =	smul.u32 $0x50, s11;
	s15 =	sshll.u32 s11, $0x6  }
0x8: {  	s5 =	smul.u32 $0x28000, s1;
	_ =	strace $0x8000004D;
	[dreg:$0x8] =	wrdreg s24  }
0x9: {  	s14 =	ssub.s32 $0x2, s1;
	p0 =	seq.s32 s1, $0x0;
	[dreg:$0x9] =	wrdreg s25  }
0xa: {  	s24 =	simm.s32 $0xC00;
	[dreg:$0xa] =	wrdreg s26;
	s25 =	simm.s32 $0x3  }
0xb: {  	s26 =	simm.s32 $0x1400;
	s6 =	sshrl.u32 s8, $0x3;
	s10 =	sshrl.u32 s14, $0x1  }
0xc: {  	s1 =	sadd.s32 $0x500, s9;
	s16 =	sadd.s32 s8, s2;
	s17 =	sadd.s32 s8, s3  }
0xd: {  	s5 =	sadd.s32 s8, s5;
	s6 =	sadd.s32 s6, s0;
	s10 =	ssub.s32 s14, s10  }
0xe: {  	s1 =	smov.u32 @p0 s9;
	s14 =	sshrl.u32 s16, $0x3;
	s16 =	sshrl.u32 s17, $0x3  }
0xf: {  	s17 =	simm.s32 $0x100;
	s9 =	simm.s32 $0x0;
	s7 =	sshrl.u32 s5, $0x3  }
0x10: {  	s5 =	sadd.s32 $0x11200, s0;
	s6 =	sadd.s32 $0x2200, s6;
	s12 =	sor.u32 $0x4, s1  }
0x11: {  	s18 =	sshll.u32 s1, $0x5;
	s19 =	sor.u32 $0x5, s1;
	[dreg:$0x4] =	wrdreg s12  }
0x12: {  	s20 =	sor.u32 $0x6, s1;
	s1 =	sor.u32 $0x7, s1;
	[dreg:$0x5] =	wrdreg s19  }
0x13: {  	s23 =	smax.u32 s10, $0x1;
	s0 =	sadd.s32 s7, s0;
	[dreg:$0x6] =	wrdreg s20  }
0x14: {  	s7 =	sor.u32 $0x1C09, s15;
	s8 =	sadd.s32 s5, s18;
	[dreg:$0x7] =	wrdreg s1  }
0x15: {  	[dreg:$0xf] =	wrdreg s23;
	s15 =	simm.s32 $0x9;
	s13 =	sadd.s32 $0x20, s8  }
0x16: {  	s18 =	simm.s32 $0x200;
	s21 =	sadd.s32 $0x40, s8;
	[dreg:$0xb] =	wrdreg s13  }
0x17: {  	s19 =	simm.s32 $0x300;
	s22 =	sadd.s32 $0x60, s8;
	[dreg:$0xc] =	wrdreg s21  }
0x18: {  	s20 =	simm.s32 $0x1;
	s0 =	sadd.s32 $0x7200, s0;
	[dreg:$0xd] =	wrdreg s22  }
0x19: {  	s23 =	simm.s32 $0x2;
	s1 =	simm.s32 $0x7;
	[dreg:$0xe] =	wrdreg s0  }
0x1a: {  	s21 =	simm.s32 $0x80;
	s22 =	simm.s32 $0x400;
	s0 =	simm.s32 $0x8  }
.LBB2_1:
0x1b: {  	[spmem:s14], [sflag:s7] =	dma.local [hbm:s6], $0x500  }
0x1c: {  	_ =	swait.ge [sflag:s15], $0x500  }
0x1d: {  	[sflag:s15] =	ssyncset.done $0x0  }
0x1e: {  	[sflag:s15] =	ssyncadd.s32 $0xFFFFFB00  }
0x1f: {  	[spmem:s16], [sflag:s7] =	dma.local [hbm:s6], $0x500  }
0x20: {  	_ =	swait.ge [sflag:s15], $0x500  }
0x21: {  	[sflag:s15] =	ssyncset.done $0x0  }
0x22: {  	[sflag:s15] =	ssyncadd.s32 $0xFFFFFB00  }
0x23: {  	[tilespmem:s4], [sflag:$0x1] =	stream.linear.gather [hbm4b:s8+s4], $0x100, $0x38;
	[tilespmem:$0x7400] =	vst v63  }
0x24: {  	s10 =	rddreg [dreg:$0xb]  }
0x25: {  	[tilespmem:s17], [sflag:$0x2] =	stream.linear.gather [hbm4b:s10+s4], $0x100, $0x38;
	[tilespmem:$0x7400] =	vst v63  }
0x26: {  	s11 =	rddreg [dreg:$0xc]  }
0x27: {  	[tilespmem:s18], [sflag:$0x3] =	stream.linear.gather [hbm4b:s11+s4], $0x100, $0x38;
	[tilespmem:$0x7400] =	vst v63  }
0x28: {  	s12 =	rddreg [dreg:$0xd]  }
0x29: {  	[tilespmem:s19], [sflag:$0x4] =	stream.linear.gather [hbm4b:s12+s4], $0x100, $0x38;
	[tilespmem:$0x7400] =	vst v63  }
0x2a: {  	[bflag:$0x0] =	sbarrier.arrive $0xFFFF  }
0x2b: {  	_ =	swait.ge [sflag:s20], $0x100  }
0x2c: {  	[sflag:s20] =	ssyncset.done $0x0  }
0x2d: {  	[sflag:s20] =	ssyncadd.s32 $0xFFFFFF00  }
0x2e: {  	[tilespmem:s22], [sflag:$0x5] =	stream.indirect.gather [spmem:s2], $0x10, s4, s21, $0xb8;
	[tilespmem:$0x7400] =	vst v63  }
0x2f: {  	_ =	swait.ge [sflag:s23], $0x100  }
0x30: {  	[sflag:s23] =	ssyncset.done $0x0  }
0x31: {  	[sflag:s23] =	ssyncadd.s32 $0xFFFFFF00  }
0x32: {  	[tilespmem:s24], [sflag:$0x6] =	stream.indirect.gather [spmem:s2], $0x10, s17, s21, $0xb8;
	[tilespmem:$0x7400] =	vst v63  }
0x33: {  	_ =	swait.ge [sflag:s25], $0x100  }
0x34: {  	[sflag:s25] =	ssyncset.done $0x0  }
0x35: {  	[sflag:s25] =	ssyncadd.s32 $0xFFFFFF00  }
0x36: {  	[tilespmem:s26], [sflag:$0x7] =	stream.indirect.gather [spmem:s2], $0x10, s18, s21, $0xb8;
	[tilespmem:$0x7400] =	vst v63  }
0x37: {  	_ =	swait.ge [sflag:s28], $0x100  }
0x38: {  	[sflag:s28] =	ssyncset.done $0x0  }
0x39: {  	[sflag:s28] =	ssyncadd.s32 $0xFFFFFF00  }
0x3a: {  	[tilespmem:s29], [sflag:$0x8] =	stream.indirect.gather [spmem:s2], $0x10, s19, s21, $0xb8;
	[tilespmem:$0x7400] =	vst v63  }
0x3b: {  	_ =	swait.ge [sflag:s30], $0x800  }
0x3c: {  	[sflag:s30] =	ssyncset.done $0x0  }
0x3d: {  	[sflag:s30] =	ssyncadd.s32 $0xFFFFF800  }
0x3e: {  	[spmem:s3] =	stream.indirect.scatter.add.f32 [tilespmem:s22], [sflag:$0x9], $0x10, s21, s21, $0xb8;
	[tilespmem:$0x7400] =	vst v63  }
0x3f: {  	_ =	swait.ge [sflag:s15], $0x800  }
0x40: {  	s11 =	smin.u32 s4, $0x4B;
	s13 =	rddreg [dreg:$0x4]  }
0x41: {  	s10 =	sadd.s32 s11, s13  }
0x42: {  	[sflag:s15] =	ssyncset.done $0x0;
	s10 =	sshll.u32 s10, $0x5  }
0x43: {  	[sflag:s15] =	ssyncadd.s32 $0xFFFFF800;
	s10 =	sadd.s32 s5, s10  }
0x44: {  	[tilespmem:s4], [sflag:$0x1] =	stream.linear.gather [hbm4b:s10+s4], $0x100, $0x38;
	[tilespmem:$0x7400] =	vst v63  }
0x45: {  	_ =	swait.ge [sflag:s20], $0x100  }
0x46: {  	[sflag:s20] =	ssyncset.done $0x0  }
0x47: {  	[sflag:s20] =	ssyncadd.s32 $0xFFFFFF00  }
0x48: {  	[tilespmem:s22], [sflag:$0x5] =	stream.indirect.gather [spmem:s2], $0x10, s4, s21, $0xb8;
	[tilespmem:$0x7400] =	vst v63  }
0x49: {  	_ =	swait.ge [sflag:s31], $0x800  }
0x4a: {  	[sflag:s31] =	ssyncset.done $0x0  }
0x4b: {  	s11 =	rddreg [dreg:$0x8];
	[sflag:s31] =	ssyncadd.s32 $0xFFFFF800  }
0x4c: {  	[spmem:s3] =	stream.indirect.scatter.add.f32 [tilespmem:s24], [sflag:$0x9], $0x10, s11, s21, $0xb8;
	[tilespmem:$0x7400] =	vst v63  }
0x4d: {  	_ =	swait.ge [sflag:s15], $0x800  }
0x4e: {  	s13 =	smin.u32 s4, $0x4A;
	s12 =	rddreg [dreg:$0x5]  }
0x4f: {  	s10 =	sadd.s32 s13, s12  }
0x50: {  	[sflag:s15] =	ssyncset.done $0x0;
	s10 =	sshll.u32 s10, $0x5  }
0x51: {  	[sflag:s15] =	ssyncadd.s32 $0xFFFFF800;
	s10 =	sadd.s32 s5, s10  }
0x52: {  	[tilespmem:s17], [sflag:$0x2] =	stream.linear.gather [hbm4b:s10+s4], $0x100, $0x38;
	[tilespmem:$0x7400] =	vst v63  }
0x53: {  	_ =	swait.ge [sflag:s23], $0x100  }
0x54: {  	[sflag:s23] =	ssyncset.done $0x0  }
0x55: {  	[sflag:s23] =	ssyncadd.s32 $0xFFFFFF00  }
0x56: {  	[tilespmem:s24], [sflag:$0x6] =	stream.indirect.gather [spmem:s2], $0x10, s17, s21, $0xb8;
	[tilespmem:$0x7400] =	vst v63  }
0x57: {  	_ =	swait.ge [sflag:s1], $0x800  }
0x58: {  	[sflag:s1] =	ssyncset.done $0x0  }
0x59: {  	s11 =	rddreg [dreg:$0x9];
	[sflag:s1] =	ssyncadd.s32 $0xFFFFF800  }
0x5a: {  	[spmem:s3] =	stream.indirect.scatter.add.f32 [tilespmem:s26], [sflag:$0x9], $0x10, s11, s21, $0xb8;
	[tilespmem:$0x7400] =	vst v63  }
0x5b: {  	_ =	swait.ge [sflag:s15], $0x800  }
0x5c: {  	s13 =	smin.u32 s4, $0x49;
	s12 =	rddreg [dreg:$0x6]  }
0x5d: {  	s10 =	sadd.s32 s13, s12  }
0x5e: {  	[sflag:s15] =	ssyncset.done $0x0;
	s10 =	sshll.u32 s10, $0x5  }
0x5f: {  	[sflag:s15] =	ssyncadd.s32 $0xFFFFF800;
	s10 =	sadd.s32 s5, s10  }
0x60: {  	[tilespmem:s18], [sflag:$0x3] =	stream.linear.gather [hbm4b:s10+s4], $0x100, $0x38;
	[tilespmem:$0x7400] =	vst v63  }
0x61: {  	_ =	swait.ge [sflag:s25], $0x100  }
0x62: {  	[sflag:s25] =	ssyncset.done $0x0  }
0x63: {  	[sflag:s25] =	ssyncadd.s32 $0xFFFFFF00  }
0x64: {  	[tilespmem:s26], [sflag:$0x7] =	stream.indirect.gather [spmem:s2], $0x10, s18, s21, $0xb8;
	[tilespmem:$0x7400] =	vst v63  }
0x65: {  	_ =	swait.ge [sflag:s0], $0x800  }
0x66: {  	[sflag:s0] =	ssyncset.done $0x0  }
0x67: {  	s11 =	rddreg [dreg:$0xa];
	[sflag:s0] =	ssyncadd.s32 $0xFFFFF800  }
0x68: {  	[spmem:s3] =	stream.indirect.scatter.add.f32 [tilespmem:s29], [sflag:$0x9], $0x10, s11, s21, $0xb8;
	[tilespmem:$0x7400] =	vst v63  }
0x69: {  	_ =	swait.ge [sflag:s15], $0x800  }
0x6a: {  	s13 =	smin.u32 s4, $0x48;
	s12 =	rddreg [dreg:$0x7]  }
0x6b: {  	s10 =	sadd.s32 s13, s12  }
0x6c: {  	[sflag:s15] =	ssyncset.done $0x0;
	s11 =	sshll.u32 s10, $0x5  }
0x6d: {  	[sflag:s15] =	ssyncadd.s32 $0xFFFFF800;
	s10 =	simm.s32 $0x4;
	s11 =	sadd.s32 s5, s11  }
.LBB2_2:
0x6e: {  	[tilespmem:s19], [sflag:$0x4] =	stream.linear.gather [hbm4b:s11+s4], $0x100, $0x38;
	[tilespmem:$0x7400] =	vst v63  }
0x6f: {  	_ =	swait.ge [sflag:s28], $0x100  }
0x70: {  	[sflag:s28] =	ssyncset.done $0x0  }
0x71: {  	[sflag:s28] =	ssyncadd.s32 $0xFFFFFF00  }
0x72: {  	[tilespmem:s29], [sflag:$0x8] =	stream.indirect.gather [spmem:s2], $0x10, s19, s21, $0xb8;
	[tilespmem:$0x7400] =	vst v63  }
0x73: {  	_ =	swait.ge [sflag:s30], $0x800  }
0x74: {  	[sflag:s30] =	ssyncset.done $0x0  }
0x75: {  	[sflag:s30] =	ssyncadd.s32 $0xFFFFF800  }
0x76: {  	[spmem:s3] =	stream.indirect.scatter.add.f32 [tilespmem:s22], [sflag:$0x9], $0x10, s21, s21, $0xb8;
	[tilespmem:$0x7400] =	vst v63  }
0x77: {  	s11 =	smov.u32 s10;
	_ =	swait.ge [sflag:s15], $0x800  }
0x78: {  	s13 =	smin.u32 s11, $0x4B;
	s12 =	rddreg [dreg:$0x4]  }
0x79: {  	s12 =	sadd.s32 s13, s12  }
0x7a: {  	[sflag:s15] =	ssyncset.done $0x0;
	s12 =	sshll.u32 s12, $0x5  }
0x7b: {  	[sflag:s15] =	ssyncadd.s32 $0xFFFFF800;
	s12 =	sadd.s32 s5, s12  }
0x7c: {  	[tilespmem:s4], [sflag:$0x1] =	stream.linear.gather [hbm4b:s12+s4], $0x100, $0x38;
	[tilespmem:$0x7400] =	vst v63  }
0x7d: {  	_ =	swait.ge [sflag:s20], $0x100  }
0x7e: {  	[sflag:s20] =	ssyncset.done $0x0  }
0x7f: {  	[sflag:s20] =	ssyncadd.s32 $0xFFFFFF00  }
0x80: {  	[tilespmem:s22], [sflag:$0x5] =	stream.indirect.gather [spmem:s2], $0x10, s4, s21, $0xb8;
	[tilespmem:$0x7400] =	vst v63  }
0x81: {  	_ =	swait.ge [sflag:s31], $0x800  }
0x82: {  	[sflag:s31] =	ssyncset.done $0x0  }
0x83: {  	s13 =	rddreg [dreg:$0x8];
	[sflag:s31] =	ssyncadd.s32 $0xFFFFF800  }
0x84: {  	[spmem:s3] =	stream.indirect.scatter.add.f32 [tilespmem:s24], [sflag:$0x9], $0x10, s13, s21, $0xb8;
	[tilespmem:$0x7400] =	vst v63  }
0x85: {  	_ =	swait.ge [sflag:s15], $0x800  }
0x86: {  	s13 =	smin.u32 s11, $0x4A;
	s12 =	rddreg [dreg:$0x5]  }
0x87: {  	s12 =	sadd.s32 s13, s12  }
0x88: {  	[sflag:s15] =	ssyncset.done $0x0;
	s12 =	sshll.u32 s12, $0x5  }
0x89: {  	[sflag:s15] =	ssyncadd.s32 $0xFFFFF800;
	s12 =	sadd.s32 s5, s12  }
0x8a: {  	[tilespmem:s17], [sflag:$0x2] =	stream.linear.gather [hbm4b:s12+s4], $0x100, $0x38;
	[tilespmem:$0x7400] =	vst v63  }
0x8b: {  	_ =	swait.ge [sflag:s23], $0x100  }
0x8c: {  	[sflag:s23] =	ssyncset.done $0x0  }
0x8d: {  	[sflag:s23] =	ssyncadd.s32 $0xFFFFFF00  }
0x8e: {  	[tilespmem:s24], [sflag:$0x6] =	stream.indirect.gather [spmem:s2], $0x10, s17, s21, $0xb8;
	[tilespmem:$0x7400] =	vst v63  }
0x8f: {  	_ =	swait.ge [sflag:s1], $0x800  }
0x90: {  	[sflag:s1] =	ssyncset.done $0x0  }
0x91: {  	s13 =	rddreg [dreg:$0x9];
	[sflag:s1] =	ssyncadd.s32 $0xFFFFF800  }
0x92: {  	[spmem:s3] =	stream.indirect.scatter.add.f32 [tilespmem:s26], [sflag:$0x9], $0x10, s13, s21, $0xb8;
	[tilespmem:$0x7400] =	vst v63  }
0x93: {  	_ =	swait.ge [sflag:s15], $0x800  }
0x94: {  	s13 =	smin.u32 s11, $0x49;
	s12 =	rddreg [dreg:$0x6]  }
0x95: {  	s12 =	sadd.s32 s13, s12  }
0x96: {  	[sflag:s15] =	ssyncset.done $0x0;
	s12 =	sshll.u32 s12, $0x5  }
0x97: {  	[sflag:s15] =	ssyncadd.s32 $0xFFFFF800;
	s12 =	sadd.s32 s5, s12  }
0x98: {  	[tilespmem:s18], [sflag:$0x3] =	stream.linear.gather [hbm4b:s12+s4], $0x100, $0x38;
	[tilespmem:$0x7400] =	vst v63  }
0x99: {  	_ =	swait.ge [sflag:s25], $0x100  }
0x9a: {  	[sflag:s25] =	ssyncset.done $0x0  }
0x9b: {  	[sflag:s25] =	ssyncadd.s32 $0xFFFFFF00  }
0x9c: {  	[tilespmem:s26], [sflag:$0x7] =	stream.indirect.gather [spmem:s2], $0x10, s18, s21, $0xb8;
	[tilespmem:$0x7400] =	vst v63  }
0x9d: {  	_ =	swait.ge [sflag:s0], $0x800  }
0x9e: {  	[sflag:s0] =	ssyncset.done $0x0  }
0x9f: {  	p0 =	sne.s32 s10, $0x4C;
	s13 =	rddreg [dreg:$0xa];
	[sflag:s0] =	ssyncadd.s32 $0xFFFFF800  }
0xa0: {  	[spmem:s3] =	stream.indirect.scatter.add.f32 [tilespmem:s29], [sflag:$0x9], $0x10, s13, s21, $0xb8;
	[tilespmem:$0x7400] =	vst v63  }
.Ltmp0:
0xa1: {  	_ =	swait.ge [sflag:s15], $0x800;
	(pc) =	sbr.rel @p0 .LBB2_2-.Ltmp0, $4  }
0xa2: {  	s11 =	smin.u32 s11, $0x48;
	s13 =	rddreg [dreg:$0x7]  }
0xa3: {  	s11 =	sadd.s32 s11, s13  }
0xa4: {  	[sflag:s15] =	ssyncset.done $0x0;
	s11 =	sshll.u32 s11, $0x5  }
0xa5: {  	s10 =	sadd.s32 $0x4, s10;
	[sflag:s15] =	ssyncadd.s32 $0xFFFFF800;
	s11 =	sadd.s32 s5, s11  }
0xa6: {  	[tilespmem:s19], [sflag:$0x4] =	stream.linear.gather [hbm4b:s11+s4], $0x100, $0x38;
	[tilespmem:$0x7400] =	vst v63  }
0xa7: {  	_ =	swait.ge [sflag:s28], $0x100  }
0xa8: {  	[sflag:s28] =	ssyncset.done $0x0  }
0xa9: {  	[sflag:s28] =	ssyncadd.s32 $0xFFFFFF00  }
0xaa: {  	_ =	swait.ge [sflag:s30], $0x800  }
0xab: {  	[sflag:s30] =	ssyncset.done $0x0  }
0xac: {  	[sflag:s30] =	ssyncadd.s32 $0xFFFFF800  }
0xad: {  	_ =	swait.ge [sflag:s31], $0x800  }
0xae: {  	[sflag:s31] =	ssyncset.done $0x0  }
0xaf: {  	[sflag:s31] =	ssyncadd.s32 $0xFFFFF800  }
0xb0: {  	_ =	swait.ge [sflag:s1], $0x800  }
0xb1: {  	[sflag:s1] =	ssyncset.done $0x0  }
0xb2: {  	[sflag:s1] =	ssyncadd.s32 $0xFFFFF800  }
0xb3: {  	[bflag:$0x0] =	sbarrier.arrive $0xFFFF  }
0xb4: {  	s10 =	rddreg [dreg:$0xe]  }
0xb5: {  	[hbm:s10], [sflag:s7] =	dma.local [spmem:s16], $0x500  }
0xb6: {  	_ =	swait.ge [sflag:s15], $0x500  }
0xb7: {  	s9 =	sadd.s32 $0x1, s9;
	s13 =	rddreg [dreg:$0xf]  }
0xb8: {  	p0 =	sne.s32 s9, s13  }
.Ltmp1:
0xb9: {  	_ = 	snop;
	(pc) =	sbr.rel @p0 .LBB2_1-.Ltmp1, $3  }
0xba: {  	_ =	sdelay $0x1  }
0xbb: {  	[sflag:s15] =	ssyncset.done $0x0  }
0xbc: {  	[sflag:s15] =	ssyncadd.s32 $0xFFFFFB00  }
0xbd: {  	_ =	sfence.sel $0x180000  }
0xbe: {  	[bflag:$0x0] =	sbarrier.arrive $0xFFFF  }
0xbf: {  	_ =	strace $0x9000004D  }
0xc0: {  	s0 =	stileid.u32;
	[bflag:$0x2] =	sbarrier.arrive $0xFFFF  }
0xc1: {  	p0 =	sne.s32 s0, $0x0;
	s0 =	rddreg [dreg:$0x3]  }
0xc2: {  	s0 =	sadd.s32 @!p0 $0x100000, s0  }
0xc3: {  	[sflag:s0] =	ssyncadd.tile.s32 @!p0 $0x1;
	_ =	shalt  }
.Lfunc_end2:
_tile_overlayer_lowered:
.L_overlay_start_2:
0xc4: {  	(tag) =	ssettag $0x2  }
0xc5: {  	s0 =	rddreg [dreg:$0x0];
	s2 =	stileid.u32  }
0xc6: {  	s1 =	rddreg [dreg:$0x1];
	p0 =	sne.s32 s2, $0x0  }
0xc7: {  	s3 =	rddreg [dreg:$0x2];
	[bflag:$0x3] =	sbarrier.arrive $0xFFFF;
	s2 =	simm.s32 @!p0 $0x1C09  }
0xc8: {  	[timem:s3], [sflag:s2] =	dma.local @!p0 [hbm:s0], s1  }
0xc9: {  	s0 =	simm.s32 @!p0 $0x9  }
0xca: {  	_ =	swait.ge @!p0 [sflag:s0], s1  }
0xcb: {  	s1 =	ssub.s32 @!p0 $0x0, s1;
	[sflag:s0] =	ssyncset.done @!p0 $0x0  }
0xcc: {  	[sflag:s0] =	ssyncadd.s32 @!p0 s1  }
0xcd: {  	[bflag:$0x3] =	sbarrier.arrive $0xFFFF  }
0xce: {  	_ =	shalt  }

// kernel: kernel.8.cloned.1.call-start
scs
__scs_entry_jumppad:
0x0: {  	(pc) =	sbr.rel $0x88, $3  }
0x1: {  	(tag) =	ssettag $0x0;
	lr =	simm.s32 $0x1  }
0x2: {  	[smem:$0x3F9B] =	sst lr;
	_ =	strace $0xD0000000  }
0x3: {  	_ = 	snop  }
0x4: {  	_ = 	snop  }
0x5: {  	_ = 	snop  }
0x6: {  	_ = 	snop  }
0x7: {  	_ = 	snop  }
__scs_overlays_trampoline_lowered:
0x8: {  	[smem:$0x3FAA] =	sst s0  }
0x9: {  	[smem:$0x3FAB] =	sst s1  }
0xa: {  	[smem:$0x3FAC] =	sst s2  }
0xb: {  	[smem:$0x3FAD] =	sst s3  }
0xc: {  	[smem:$0x3FAE] =	sst s4  }
0xd: {  	[smem:$0x3FAF] =	sst s5  }
0xe: {  	[smem:$0x3FB0] =	sst s6  }
0xf: {  	[smem:$0x3FB1] =	sst s7  }
0x10: {  	[smem:$0x3FB2] =	sst s8  }
0x11: {  	[smem:$0x3FB3] =	sst s9;
	s0 =	simm.s32 @!p0 $0x0  }
0x12: {  	s1 =	sld [smem:$0x3F99];
	s0 =	simm.s32 @p0 $0x1  }
0x13: {  	[smem:$0x3FB4] =	sst s0;
	s0 =	simm.s32 @!p1 $0x0  }
0x14: {  	s2 =	sld [smem:$0x3F98];
	s0 =	simm.s32 @p1 $0x1  }
0x15: {  	[smem:$0x3FB5] =	sst s0;
	s0 =	simm.s32 @!p2 $0x0  }
0x16: {  	s3 =	sld [smem:$0x3FDB];
	s0 =	simm.s32 @p2 $0x1  }
0x17: {  	s4 =	simm.s32 $0x1BF5;
	[smem:$0x3FB7] =	sst s0  }
0x18: {  	s0 =	sld [smem:$0x3F9A];
	_ =	swait.ge [sflag:s4], $0x0  }
0x19: {  	s7 =	sld [smem:$0x3F9B]  }
0x1a: {  	s8 =	sadd.s32 $0xFFFFE003, lr  }
0x1b: {  	s9 =	sadd.s32 $0xFFFFFEF7, lr;
	s5 =	simm.s32 $0xFFFFFFFF;
	p2 =	slt.u32 s8, $0xFFFFF086  }
0x1c: {  	p1 =	slt.u32 s9, $0xF7A;
	s5 =	simm.s32 @!p2 $0x0  }
0x1d: {  	s5 =	simm.s32 @p1 $0x1;
	p0 =	seq.s32 s7, s2  }
0x1e: {  	s7 =	smul.u32 @!p0 $0xF7A, s2;
	p2 =	seq.s32 @!p0 s5, $0x0  }
0x1f: {  	s9 =	smul.u32 $0xF7A, s1;
	s8 =	simm.s32 @!p0 $0x1BF5;
	p2 =	por !p2, p0  }
0x20: {  	[sflag:s8] =	ssyncset.s32 @!p0 $0xFFFFF086;
	s6 =	sadd.s32 @!p0 s3, s7;
	s7 =	simm.s32 @!p0 $0x108  }
0x21: {  	s3 =	sadd.s32 s3, s9;
	s6 =	sadd.s32 @!p0 $0x88, s6;
	s7 =	simm.s32 @p2 $0x1082  }
0x22: {  	[simem:s7], [sflag:s8] =	dma.local @!p0 [hbm:s6], $0xF7A  }
0x23: {  	s9 =	sor.u32 $0xD0000000, s2;
	s6 =	simm.s32 $0x108;
	_ =	swait.ge @!p0 [sflag:s8], $0x0  }
0x24: {  	s3 =	sadd.s32 $0x88, s3;
	s6 =	simm.s32 @!p1 $0x1082;
	[sflag:s4] =	ssyncset.s32 $0xFFFFF086  }
0x25: {  	[simem:s6], [sflag:s4] =	dma.local [hbm:s3], $0xF7A  }
0x26: {  	[smem:$0x3F9B] =	sst s1;
	(tag) =	ssettag s2;
	_ =	strace s9  }
0x27: {  	s1 =	sld [smem:$0x3FAB]  }
0x28: {  	s2 =	sld [smem:$0x3FAC]  }
0x29: {  	s4 =	sld [smem:$0x3FAE]  }
0x2a: {  	p0 =	seq.s32 s5, $0x0;
	s5 =	sld [smem:$0x3FAF]  }
0x2b: {  	s6 =	sld [smem:$0x3FB0]  }
0x2c: {  	s7 =	sld [smem:$0x3FB1]  }
0x2d: {  	s3 =	simm.s32 $0x108;
	s8 =	sld [smem:$0x3FB2]  }
0x2e: {  	s3 =	simm.s32 @!p0 $0x1082;
	s9 =	sld [smem:$0x3FB3]  }
0x2f: {  	lr =	sadd.s32 s0, s3;
	s0 =	sld [smem:$0x3FAA]  }
0x30: {  	s3 =	sld [smem:$0x3FAD]  }
0x31: {  	[smem:$0x3FB6] =	sst s10  }
0x32: {  	s10 =	sld [smem:$0x3FB4];
	_ =	sdelay $0x3  }
0x33: {  	p0 =	seq.s32 s10, $0x1;
	s10 =	sld [smem:$0x3FB6];
	_ =	sdelay $0x3  }
0x34: {  	[smem:$0x3FB6] =	sst s10  }
0x35: {  	s10 =	sld [smem:$0x3FB5];
	_ =	sdelay $0x3  }
0x36: {  	p1 =	seq.s32 s10, $0x1;
	s10 =	sld [smem:$0x3FB6];
	_ =	sdelay $0x3  }
0x37: {  	[smem:$0x3FB6] =	sst s10  }
0x38: {  	s10 =	sld [smem:$0x3FB7]  }
0x39: {  	_ = 	snop;
	(pc) =	sbr.ind lr, $3  }
0x3a: {  	_ = 	snop  }
0x3b: {  	_ = 	snop  }
0x3c: {  	p2 =	seq.s32 s10, $0x1;
	s10 =	sld [smem:$0x3FB6]  }
0x3d: {  	_ =	shalt  }
0x3e: {  	_ =	shalt  }
0x3f: {  	_ =	shalt  }
0x40: {  	_ =	shalt  }
0x41: {  	_ =	shalt  }
0x42: {  	_ =	shalt  }
0x43: {  	_ =	shalt  }
0x44: {  	_ =	shalt  }
0x45: {  	_ =	shalt  }
0x46: {  	_ =	shalt  }
0x47: {  	_ =	shalt  }
0x48: {  	_ =	shalt  }
0x49: {  	_ =	shalt  }
0x4a: {  	_ =	shalt  }
0x4b: {  	_ =	shalt  }
0x4c: {  	_ =	shalt  }
0x4d: {  	_ =	shalt  }
0x4e: {  	_ =	shalt  }
0x4f: {  	_ =	shalt  }
0x50: {  	_ =	shalt  }
0x51: {  	_ =	shalt  }
0x52: {  	_ =	shalt  }
0x53: {  	_ =	shalt  }
0x54: {  	_ =	shalt  }
0x55: {  	_ =	shalt  }
0x56: {  	_ =	shalt  }
0x57: {  	_ =	shalt  }
0x58: {  	_ =	shalt  }
0x59: {  	_ =	shalt  }
0x5a: {  	_ =	shalt  }
0x5b: {  	_ =	shalt  }
0x5c: {  	_ =	shalt  }
0x5d: {  	_ =	shalt  }
0x5e: {  	_ =	shalt  }
0x5f: {  	_ =	shalt  }
0x60: {  	_ =	shalt  }
0x61: {  	_ =	shalt  }
0x62: {  	_ =	shalt  }
0x63: {  	_ =	shalt  }
0x64: {  	_ =	shalt  }
0x65: {  	_ =	shalt  }
0x66: {  	_ =	shalt  }
0x67: {  	_ =	shalt  }
0x68: {  	_ =	shalt  }
0x69: {  	_ =	shalt  }
0x6a: {  	_ =	shalt  }
0x6b: {  	_ =	shalt  }
0x6c: {  	_ =	shalt  }
0x6d: {  	_ =	shalt  }
0x6e: {  	_ =	shalt  }
0x6f: {  	_ =	shalt  }
0x70: {  	_ =	shalt  }
0x71: {  	_ =	shalt  }
0x72: {  	_ =	shalt  }
0x73: {  	_ =	shalt  }
0x74: {  	_ =	shalt  }
0x75: {  	_ =	shalt  }
0x76: {  	_ =	shalt  }
0x77: {  	_ =	shalt  }
0x78: {  	_ =	shalt  }
0x79: {  	_ =	shalt  }
0x7a: {  	_ =	shalt  }
0x7b: {  	_ =	shalt  }
0x7c: {  	_ =	shalt  }
0x7d: {  	_ =	shalt  }
0x7e: {  	_ =	shalt  }
0x7f: {  	_ =	shalt  }
0x80: {  	_ =	shalt  }
0x81: {  	_ =	shalt  }
0x82: {  	_ =	shalt  }
0x83: {  	_ =	shalt  }
0x84: {  	_ =	shalt  }
0x85: {  	_ =	shalt  }
0x86: {  	_ =	shalt  }
0x87: {  	_ =	shalt  }
.Lfunc_end0:
.L_simem_size_0:
called_computation_lowered:
.L_overlay_start_0:
0x88: {  	s2 =	sld [smem:$0x3FD9]  }
0x89: {  	s3 =	sld [smem:$0x3FFE];
	_ =	sdelay $0x1  }
0x8a: {  	s1 =	srdreg.scid  }
0x8b: {  	s0 =	sand.u32 $0x1, s1  }
0x8c: {  	s17 =	sshll.u32 s0, $0xA;
	s2 =	sadd.s32 s3, s2  }
0x8d: {  	s2 =	sadd.s32 s2, s17  }
0x8e: {  	[smem:$0x3FC2] =	sst s2  }
0x8f: {  	_ = 	snop  }
0x90: {  	s2 =	sld [smem:$0x3FD0];
	(tm) =	ssettm $0x1  }
0x91: {  	s18 =	sld [smem:$0x3FFB];
	_ =	sdelay $0x3  }
0x92: {  	_ =	strace s18  }
0x93: {  	s3 =	sld [smem:$0x3FFC];
	_ =	sdelay $0x3  }
0x94: {  	_ =	strace s3  }
0x95: {  	s3 =	sld [smem:$0x3FFD];
	_ =	sdelay $0x3  }
0x96: {  	_ =	strace s3  }
0x97: {  	_ =	strace $0x8FFFFFFF  }
0x98: {  	s19 =	sld [smem:$0x3FDB];
	_ =	sdelay $0x1  }
0x99: {  	s4 =	simm.s32 $_scs_section_size  }
0x9a: {  	s5 =	simm.s32 $_size__tile_overlayer_lowered;
	s6 =	simm.s32 $_tile_overlayer_lowered  }
0x9b: {  	s22 =	simm.s32 $0x1BFF;
	s21 =	sshll.u32 s6, $0x1;
	s3 =	sadd.s32 s4, s19  }
0x9c: {  	s7 =	simm.s32 $0x0;
	s20 =	sshll.u32 s5, $0x1;
	s5 =	sadd.s32 s21, s3  }
0x9d: {  	[timem:s7], [sflag:s22] =	dma.local [hbm:s5], s20  }
0x9e: {  	_ =	swait.ge [sflag:s22], s20  }
0x9f: {  	s4 =	ssub.s32 $0x0, s20;
	[sflag:s22] =	ssyncset.done $0x0  }
0xa0: {  	[sflag:s22] =	ssyncadd.s32 s4;
	_ =	sdelay $0x1  }
0xa1: {  	s23 =	simm.s32 $0x1B8B  }
0xa2: {  	_ =	swait.ge [sflag:s23], $0x1  }
0xa3: {  	[sflag:s23] =	ssyncset.done $0x0  }
0xa4: {  	s25 =	simm.s32 $0x1B8E;
	s24 =	sld [smem:$0x3FFE];
	[sflag:s23] =	ssyncadd.s32 $0xFFFFFFFF  }
0xa5: {  	s26 =	simm.s32 $execute0_lowered;
	[smem:$0x3FD2] =	sst s25  }
0xa6: {  	s5 =	sshll.u32 s26, $0x1;
	_ =	strace $0x80000046;
	[dreg:$0x1] =	wrdreg $0xFFFFFFFF  }
0xa7: {  	s28 =	simm.s32 $_size_execute0_lowered;
	s3 =	sadd.s32 s3, s5;
	[dreg:$0x0] =	wrdreg $0x0  }
0xa8: {  	s5 =	sshll.u32 s28, $0x1;
	[dreg:$0x2] =	wrdreg s3  }
0xa9: {  	[dreg:$0x3] =	wrdreg s5  }
0xaa: {  	[dreg:$0x4] =	wrdreg $0xC0  }
0xab: {  	_ =	task [dreg:s7], $0x5FFFF  }
0xac: {  	[dreg:$0x1] =	wrdreg $0xFFFFFFFF  }
0xad: {  	[dreg:$0x0] =	wrdreg $0x60  }
0xae: {  	[dreg:$0x2] =	wrdreg s24  }
0xaf: {  	[dreg:$0x3] =	wrdreg s2  }
0xb0: {  	[dreg:$0x4] =	wrdreg $0x2C000  }
0xb1: {  	[dreg:$0x5] =	wrdreg $0x9  }
0xb2: {  	_ =	task.clear_ibuf [dreg:s7], $0x6FFFF;
	_ =	strace $0x90000046  }
0xb3: {  	s29 =	simm.s32 $0x9;
	_ =	strace $0x80000048  }
0xb4: {  	_ =	swait.ge [sflag:s29], $0x1  }
0xb5: {  	[sflag:s29] =	ssyncadd.s32 $0xFFFFFFFF  }
0xb6: {  	_ =	strace $0x90000048  }
0xb7: {  	_ =	sfence  }
0xb8: {  	s30 =	sld [smem:$0x0];
	_ =	sdelay $0x2  }
0xb9: {  	s31 =	sshll.u32 s1, $0xD;
	s1 =	sshrl.u32 s1, $0x2  }
0xba: {  	s3 =	sand.u32 $0x4000, s31;
	s1 =	sadd.s32 s1, s30  }
0xbb: {  	s0 =	sor.u32 s3, s0;
	s1 =	sshll.u32 s1, $0x11  }
0xbc: {  	s0 =	sor.u32 s1, s0  }
0xbd: {  	s0 =	sadd.s32 $0x8F2B, s0  }
0xbe: {  	[sflag:s0] =	ssyncadd.remote.s32 $0x1  }
0xbf: {  	_ =	sfence.sel $0xFFFF  }
0xc0: {  	[dreg:$0x0] =	wrdreg $0xFFFFFFFF;
	(pc) =	sbr.abs _section_cstart, $3  }
0xc1: {  	[dreg:$0x1] =	wrdreg $0xFFFFFFFF  }
0xc2: {  	_ =	task.clear_ibuf [dreg:s7], $0x2FFFF;
	_ =	strace $0x9FFFFFFF  }
0xc3: {  	(tm) =	ssettm $0x7FFFFFFF  }
tec
execute0_lowered:
.L_overlay_start_1:
0x0: {  	(tag) =	ssettag $0x1  }
0x1: {  	s5 =	rddreg [dreg:$0x0]  }
0x2: {  	s1 =	srdreg.scid;
	s2 =	rddreg [dreg:$0x1]  }
0x3: {  	s0 =	stileid.u32;
	s3 =	rddreg [dreg:$0x2];
	s4 =	simm.s32 $0x0  }
0x4: {  	s12 =	simm.s32 $0x2800;
	s13 =	simm.s32 $0x80;
	s14 =	simm.s32 $0x1  }
0x5: {  	s15 =	simm.s32 $0x0;
	s6 =	sand.u32 $0x1, s1;
	s1 =	rddreg [dreg:$0x3]  }
0x6: {  	s7 =	smul.u32 $0x1400, s0;
	[smem:$0x7FF] =	sst s4;
	s31 =	sshll.u32 s0, $0x6  }
0x7: {  	s8 =	sshll.u32 s6, $0x4;
	s9 =	smul.u32 $0x14000, s6;
	s6 =	ssub.s32 $0x2, s6  }
0x8: {  	_ =	strace $0x80000047;
	s8 =	sor.u32 s0, s8;
	s29 =	sshrl.u32 s6, $0x1  }
0x9: {  	s30 =	sshrl.u32 s7, $0x3;
	s8 =	smul.u32 $0x500, s8;
	s9 =	sadd.s32 s7, s9  }
0xa: {  	s11 =	sadd.s32 s7, s3;
	s10 =	ssub.s32 s6, s29;
	s9 =	sshrl.u32 s9, $0x3  }
0xb: {  	s6 =	sor.u32 $0x1C02, s31;
	s8 =	sadd.s32 s8, s5;
	s9 =	sadd.s32 s9, s5  }
0xc: {  	s5 =	sadd.s32 s2, s30;
	s7 =	sadd.s32 $0x2200, s8;
	s8 =	sadd.s32 $0xC200, s9  }
0xd: {  	s9 =	smax.u32 s10, $0x1;
	s10 =	sshrl.u32 s11, $0x3;
	s11 =	simm.s32 $0x2  }
.LBB2_1:
0xe: {  	[spmem:s10], [sflag:s6] =	dma.local [hbm:s5], $0x280  }
0xf: {  	_ =	swait.ge [sflag:s11], $0x280  }
0x10: {  	[sflag:s11] =	ssyncset.done $0x0  }
0x11: {  	[sflag:s11] =	ssyncadd.s32 $0xFFFFFD80  }
0x12: {  	[tilespmem:s12], [sflag:$0x2] =	stream.linear.gather [hbm4b:s2+s4], $0x400, $0x38;
	[tilespmem:$0x2E80] =	vst v63  }
0x13: {  	_ =	swait.ge [sflag:s11], $0x400  }
0x14: {  	[sflag:s11] =	ssyncset.done $0x0  }
0x15: {  	[sflag:s11] =	ssyncadd.s32 $0xFFFFFC00  }
0x16: {  	[tilespmem:s4], [sflag:$0x2] =	stream.linear.gather [hbm4b:s7+s4], $0x2800, $0x38;
	[tilespmem:$0x2E80] =	vst v63  }
0x17: {  	_ =	swait.ge [sflag:s11], $0x2800  }
0x18: {  	[sflag:s11] =	ssyncset.done $0x0  }
0x19: {  	[sflag:s11] =	ssyncadd.s32 $0xFFFFD800  }
0x1a: {  	s16 =	simm.s32 $0x0;
	[bflag:$0x0] =	sbarrier.arrive $0xFFFF  }
0x1b: {  	[spmem:s3] =	stream.indirect.scatter.add.f32 [tilespmem:s12], [sflag:$0x1], $0x1, s16, s13, $0xb8;
	[tilespmem:$0x2E80] =	vst v63  }
0x1c: {  	s24 =	simm.s32 $0x80  }
0x1d: {  	[spmem:s3] =	stream.indirect.scatter.add.f32 [tilespmem:s12], [sflag:$0x1], $0x1, s24, s13, $0xb8;
	[tilespmem:$0x2E80] =	vst v63  }
0x1e: {  	s25 =	simm.s32 $0x100  }
0x1f: {  	[spmem:s3] =	stream.indirect.scatter.add.f32 [tilespmem:s12], [sflag:$0x1], $0x1, s25, s13, $0xb8;
	[tilespmem:$0x2E80] =	vst v63  }
0x20: {  	s26 =	simm.s32 $0x180  }
0x21: {  	[spmem:s3] =	stream.indirect.scatter.add.f32 [tilespmem:s12], [sflag:$0x1], $0x1, s26, s13, $0xb8;
	[tilespmem:$0x2E80] =	vst v63  }
0x22: {  	s28 =	simm.s32 $0x200  }
0x23: {  	[spmem:s3] =	stream.indirect.scatter.add.f32 [tilespmem:s12], [sflag:$0x1], $0x1, s28, s13, $0xb8;
	[tilespmem:$0x2E80] =	vst v63  }
0x24: {  	s29 =	simm.s32 $0x280  }
0x25: {  	[spmem:s3] =	stream.indirect.scatter.add.f32 [tilespmem:s12], [sflag:$0x1], $0x1, s29, s13, $0xb8;
	[tilespmem:$0x2E80] =	vst v63  }
0x26: {  	s30 =	simm.s32 $0x300  }
0x27: {  	[spmem:s3] =	stream.indirect.scatter.add.f32 [tilespmem:s12], [sflag:$0x1], $0x1, s30, s13, $0xb8;
	[tilespmem:$0x2E80] =	vst v63  }
0x28: {  	s31 =	simm.s32 $0x380  }
0x29: {  	[spmem:s3] =	stream.indirect.scatter.add.f32 [tilespmem:s12], [sflag:$0x1], $0x1, s31, s13, $0xb8;
	[tilespmem:$0x2E80] =	vst v63  }
0x2a: {  	_ =	swait.ge [sflag:s14], $0x80  }
0x2b: {  	[sflag:s14] =	ssyncset.done $0x0  }
0x2c: {  	[sflag:s14] =	ssyncadd.s32 $0xFFFFFF80  }
0x2d: {  	_ =	swait.ge [sflag:s14], $0x80  }
0x2e: {  	[sflag:s14] =	ssyncset.done $0x0  }
0x2f: {  	[sflag:s14] =	ssyncadd.s32 $0xFFFFFF80  }
0x30: {  	_ =	swait.ge [sflag:s14], $0x80  }
0x31: {  	[sflag:s14] =	ssyncset.done $0x0  }
0x32: {  	[sflag:s14] =	ssyncadd.s32 $0xFFFFFF80  }
0x33: {  	_ =	swait.ge [sflag:s14], $0x80  }
0x34: {  	[sflag:s14] =	ssyncset.done $0x0  }
0x35: {  	[sflag:s14] =	ssyncadd.s32 $0xFFFFFF80  }
0x36: {  	_ =	swait.ge [sflag:s14], $0x80  }
0x37: {  	[sflag:s14] =	ssyncset.done $0x0  }
0x38: {  	[sflag:s14] =	ssyncadd.s32 $0xFFFFFF80  }
0x39: {  	_ =	swait.ge [sflag:s14], $0x80  }
0x3a: {  	[sflag:s14] =	ssyncset.done $0x0  }
0x3b: {  	[sflag:s14] =	ssyncadd.s32 $0xFFFFFF80  }
0x3c: {  	_ =	swait.ge [sflag:s14], $0x80  }
0x3d: {  	[sflag:s14] =	ssyncset.done $0x0  }
0x3e: {  	[sflag:s14] =	ssyncadd.s32 $0xFFFFFF80  }
0x3f: {  	_ =	swait.ge [sflag:s14], $0x80  }
0x40: {  	s18 =	simm.s32 $0x2000;
	s16 =	simm.s32 $0x1000;
	[sflag:s14] =	ssyncset.done $0x0  }
.LBB2_2:
0x41: {  	s19 =	sshra.s32 s16, $0x2  }
0x42: {  	[sflag:s14] =	ssyncadd.s32 $0xFFFFFF80;
	s16 =	smov.u32 s18;
	s17 =	sadd.s32 $0x1000, s18  }
0x43: {  	[spmem:s3] =	stream.indirect.scatter.add.f32 [tilespmem:s12], [sflag:$0x1], $0x1, s19, s13, $0xb8;
	[tilespmem:$0x2E80] =	vst v63  }
0x44: {  	p0 =	sne.s32 s18, $0x9000;
	s18 =	sadd.s32 $0x80, s19  }
0x45: {  	[spmem:s3] =	stream.indirect.scatter.add.f32 [tilespmem:s12], [sflag:$0x1], $0x1, s18, s13, $0xb8;
	[tilespmem:$0x2E80] =	vst v63  }
0x46: {  	s18 =	sadd.s32 $0x100, s19  }
0x47: {  	[spmem:s3] =	stream.indirect.scatter.add.f32 [tilespmem:s12], [sflag:$0x1], $0x1, s18, s13, $0xb8;
	[tilespmem:$0x2E80] =	vst v63  }
0x48: {  	s18 =	sadd.s32 $0x180, s19  }
0x49: {  	[spmem:s3] =	stream.indirect.scatter.add.f32 [tilespmem:s12], [sflag:$0x1], $0x1, s18, s13, $0xb8;
	[tilespmem:$0x2E80] =	vst v63  }
0x4a: {  	s18 =	sadd.s32 $0x200, s19  }
0x4b: {  	[spmem:s3] =	stream.indirect.scatter.add.f32 [tilespmem:s12], [sflag:$0x1], $0x1, s18, s13, $0xb8;
	[tilespmem:$0x2E80] =	vst v63  }
0x4c: {  	s18 =	sadd.s32 $0x280, s19  }
0x4d: {  	[spmem:s3] =	stream.indirect.scatter.add.f32 [tilespmem:s12], [sflag:$0x1], $0x1, s18, s13, $0xb8;
	[tilespmem:$0x2E80] =	vst v63  }
0x4e: {  	s18 =	sadd.s32 $0x300, s19  }
0x4f: {  	[spmem:s3] =	stream.indirect.scatter.add.f32 [tilespmem:s12], [sflag:$0x1], $0x1, s18, s13, $0xb8;
	[tilespmem:$0x2E80] =	vst v63  }
0x50: {  	s18 =	sadd.s32 $0x380, s19  }
0x51: {  	[spmem:s3] =	stream.indirect.scatter.add.f32 [tilespmem:s12], [sflag:$0x1], $0x1, s18, s13, $0xb8;
	[tilespmem:$0x2E80] =	vst v63  }
0x52: {  	_ =	swait.ge [sflag:s14], $0x80  }
0x53: {  	[sflag:s14] =	ssyncset.done $0x0  }
0x54: {  	[sflag:s14] =	ssyncadd.s32 $0xFFFFFF80  }
0x55: {  	_ =	swait.ge [sflag:s14], $0x80  }
0x56: {  	[sflag:s14] =	ssyncset.done $0x0  }
0x57: {  	[sflag:s14] =	ssyncadd.s32 $0xFFFFFF80  }
0x58: {  	_ =	swait.ge [sflag:s14], $0x80  }
0x59: {  	[sflag:s14] =	ssyncset.done $0x0  }
0x5a: {  	[sflag:s14] =	ssyncadd.s32 $0xFFFFFF80  }
0x5b: {  	_ =	swait.ge [sflag:s14], $0x80  }
0x5c: {  	[sflag:s14] =	ssyncset.done $0x0  }
0x5d: {  	[sflag:s14] =	ssyncadd.s32 $0xFFFFFF80  }
0x5e: {  	_ =	swait.ge [sflag:s14], $0x80  }
0x5f: {  	[sflag:s14] =	ssyncset.done $0x0  }
0x60: {  	[sflag:s14] =	ssyncadd.s32 $0xFFFFFF80  }
0x61: {  	_ =	swait.ge [sflag:s14], $0x80  }
0x62: {  	[sflag:s14] =	ssyncset.done $0x0  }
0x63: {  	[sflag:s14] =	ssyncadd.s32 $0xFFFFFF80  }
.Ltmp0:
0x64: {  	_ =	swait.ge [sflag:s14], $0x80;
	(pc) =	sbr.rel @p0 .LBB2_2-.Ltmp0, $4  }
0x65: {  	[sflag:s14] =	ssyncset.done $0x0  }
0x66: {  	[sflag:s14] =	ssyncadd.s32 $0xFFFFFF80  }
0x67: {  	_ =	swait.ge [sflag:s14], $0x80  }
0x68: {  	s18 =	smov.u32 s17;
	[sflag:s14] =	ssyncset.done $0x0  }
0x69: {  	s16 =	sshra.s32 s16, $0x2;
	[sflag:s14] =	ssyncadd.s32 $0xFFFFFF80  }
0x6a: {  	[spmem:s3] =	stream.indirect.scatter.add.f32 [tilespmem:s12], [sflag:$0x1], $0x1, s16, s13, $0xb8;
	[tilespmem:$0x2E80] =	vst v63  }
0x6b: {  	s17 =	sadd.s32 $0x80, s16  }
0x6c: {  	[spmem:s3] =	stream.indirect.scatter.add.f32 [tilespmem:s12], [sflag:$0x1], $0x1, s17, s13, $0xb8;
	[tilespmem:$0x2E80] =	vst v63  }
0x6d: {  	s26 =	sadd.s32 $0x100, s16  }
0x6e: {  	[spmem:s3] =	stream.indirect.scatter.add.f32 [tilespmem:s12], [sflag:$0x1], $0x1, s26, s13, $0xb8;
	[tilespmem:$0x2E80] =	vst v63  }
0x6f: {  	s28 =	sadd.s32 $0x180, s16  }
0x70: {  	[spmem:s3] =	stream.indirect.scatter.add.f32 [tilespmem:s12], [sflag:$0x1], $0x1, s28, s13, $0xb8;
	[tilespmem:$0x2E80] =	vst v63  }
0x71: {  	s29 =	sadd.s32 $0x200, s16  }
0x72: {  	[spmem:s3] =	stream.indirect.scatter.add.f32 [tilespmem:s12], [sflag:$0x1], $0x1, s29, s13, $0xb8;
	[tilespmem:$0x2E80] =	vst v63  }
0x73: {  	s30 =	sadd.s32 $0x280, s16  }
0x74: {  	[spmem:s3] =	stream.indirect.scatter.add.f32 [tilespmem:s12], [sflag:$0x1], $0x1, s30, s13, $0xb8;
	[tilespmem:$0x2E80] =	vst v63  }
0x75: {  	s31 =	sadd.s32 $0x300, s16  }
0x76: {  	[spmem:s3] =	stream.indirect.scatter.add.f32 [tilespmem:s12], [sflag:$0x1], $0x1, s31, s13, $0xb8;
	[tilespmem:$0x2E80] =	vst v63  }
0x77: {  	s16 =	sadd.s32 $0x380, s16  }
0x78: {  	[spmem:s3] =	stream.indirect.scatter.add.f32 [tilespmem:s12], [sflag:$0x1], $0x1, s16, s13, $0xb8;
	[tilespmem:$0x2E80] =	vst v63  }
0x79: {  	_ =	swait.ge [sflag:s14], $0x80  }
0x7a: {  	[sflag:s14] =	ssyncset.done $0x0  }
0x7b: {  	[sflag:s14] =	ssyncadd.s32 $0xFFFFFF80  }
0x7c: {  	_ =	swait.ge [sflag:s14], $0x80  }
0x7d: {  	[sflag:s14] =	ssyncset.done $0x0  }
0x7e: {  	[sflag:s14] =	ssyncadd.s32 $0xFFFFFF80  }
0x7f: {  	_ =	swait.ge [sflag:s14], $0x80  }
0x80: {  	[sflag:s14] =	ssyncset.done $0x0  }
0x81: {  	[sflag:s14] =	ssyncadd.s32 $0xFFFFFF80  }
0x82: {  	_ =	swait.ge [sflag:s14], $0x80  }
0x83: {  	[sflag:s14] =	ssyncset.done $0x0  }
0x84: {  	[sflag:s14] =	ssyncadd.s32 $0xFFFFFF80  }
0x85: {  	_ =	swait.ge [sflag:s14], $0x80  }
0x86: {  	[sflag:s14] =	ssyncset.done $0x0  }
0x87: {  	[sflag:s14] =	ssyncadd.s32 $0xFFFFFF80  }
0x88: {  	_ =	swait.ge [sflag:s14], $0x80  }
0x89: {  	[sflag:s14] =	ssyncset.done $0x0  }
0x8a: {  	[sflag:s14] =	ssyncadd.s32 $0xFFFFFF80  }
0x8b: {  	_ =	swait.ge [sflag:s14], $0x80  }
0x8c: {  	[sflag:s14] =	ssyncset.done $0x0  }
0x8d: {  	[sflag:s14] =	ssyncadd.s32 $0xFFFFFF80  }
0x8e: {  	_ =	swait.ge [sflag:s14], $0x80  }
0x8f: {  	s15 =	sadd.s32 $0x1, s15;
	[sflag:s14] =	ssyncset.done $0x0  }
0x90: {  	p0 =	sne.s32 s15, s9;
	[sflag:s14] =	ssyncadd.s32 $0xFFFFFF80  }
.Ltmp1:
0x91: {  	[bflag:$0x0] =	sbarrier.arrive $0xFFFF;
	(pc) =	sbr.rel @p0 .LBB2_1-.Ltmp1, $4  }
0x92: {  	[hbm:s8], [sflag:s6] =	dma.local [spmem:s10], $0x280  }
0x93: {  	_ =	swait.ge [sflag:s11], $0x280  }
0x94: {  	[sflag:s11] =	ssyncset.done $0x0  }
0x95: {  	[sflag:s11] =	ssyncadd.s32 $0xFFFFFD80  }
0x96: {  	_ =	sfence.sel $0x180000  }
0x97: {  	[bflag:$0x0] =	sbarrier.arrive $0xFFFF  }
0x98: {  	p0 =	sne.s32 s0, $0x0;
	_ =	strace $0x90000047  }
0x99: {  	s0 =	sadd.s32 @!p0 $0x100000, s1;
	[bflag:$0x2] =	sbarrier.arrive $0xFFFF  }
0x9a: {  	[sflag:s0] =	ssyncadd.tile.s32 @!p0 $0x1;
	_ =	shalt  }
.Lfunc_end2:
_tile_overlayer_lowered:
.L_overlay_start_2:
0x9b: {  	(tag) =	ssettag $0x2  }
0x9c: {  	s0 =	rddreg [dreg:$0x0];
	s2 =	stileid.u32  }
0x9d: {  	s1 =	rddreg [dreg:$0x1];
	p0 =	sne.s32 s2, $0x0  }
0x9e: {  	s3 =	rddreg [dreg:$0x2];
	[bflag:$0x3] =	sbarrier.arrive $0xFFFF;
	s2 =	simm.s32 @!p0 $0x1C02  }
0x9f: {  	[timem:s3], [sflag:s2] =	dma.local @!p0 [hbm:s0], s1  }
0xa0: {  	s0 =	simm.s32 @!p0 $0x2  }
0xa1: {  	_ =	swait.ge @!p0 [sflag:s0], s1  }
0xa2: {  	s1 =	ssub.s32 @!p0 $0x0, s1;
	[sflag:s0] =	ssyncset.done @!p0 $0x0  }
0xa3: {  	[sflag:s0] =	ssyncadd.s32 @!p0 s1  }
0xa4: {  	[bflag:$0x3] =	sbarrier.arrive $0xFFFF  }
0xa5: {  	_ =	shalt  }

</sc_bundles>
